<compile_context>
chip_gen: v7x
topology: tpu7x:2x2x1
jax: 0.10.2.dev20260603
libtpu: 0.0.44.dev20260713+nightly
codegen_flags: <defaults>
</compile_context>

<pallas_src>
import functools

import jax
import jax.numpy as jnp
import numpy as np
from jax import lax
from jax.experimental import pallas as pl
from jax.experimental.pallas import tpu as pltpu
from jax.experimental.pallas import tpu_sc as plsc

D_MODEL = 64
SEQ = 200
BATCH = 1024
CHUNK = 40
NCH = SEQ // CHUNK

_info = plsc.get_sparse_core_info()
NC, NS, LANES = _info.num_cores, _info.num_subcores, _info.num_lanes
NW = NC * NS
SEQ_PER_W = BATCH // NW

NBUF = 8
LOOKAHEAD = 4
NCHW = SEQ_PER_W * NCH


VOCAB = 1000000
TN = 4096


def _untile_body(in_ref, out_ref):
    out_ref[:, 0:D_MODEL] = jnp.transpose(in_ref[...])


def _untile_table(table_t):
    return pl.pallas_call(
        _untile_body,
        grid=(-(-VOCAB // TN),),
        in_specs=[pl.BlockSpec((D_MODEL, TN), lambda i: (0, i))],
        out_specs=pl.BlockSpec((TN, 2 * D_MODEL), lambda i: (i, 0)),
        out_shape=jax.ShapeDtypeStruct((VOCAB, 2 * D_MODEL), jnp.float32),
    )(table_t)


def _pos_encoding(seq_len: int, d_model: int) -> np.ndarray:
    pos = np.arange(seq_len)[:, np.newaxis].astype(np.float32)
    i = np.arange(d_model)[np.newaxis, :].astype(np.float32)
    angle_rates = 1.0 / np.power(
        10000.0, 2.0 * (np.floor(i / 2.0)) / np.float32(d_model))
    angle_rads = pos * angle_rates
    angle_rads[:, 0::2] = np.sin(angle_rads[:, 0::2])
    angle_rads[:, 1::2] = np.cos(angle_rads[:, 1::2])
    return angle_rads.astype(np.float32)


def _sc_body(table_hbm, x_hbm, pe_hbm, out_hbm, idx_v, idx2_v, pe_v, rows_v,
             gsem, ssem):
    wid = lax.axis_index("s") * NC + lax.axis_index("c")
    seq0 = wid * SEQ_PER_W
    rows_per_w = SEQ_PER_W * SEQ
    pltpu.sync_copy(x_hbm.at[pl.ds(wid * rows_per_w, rows_per_w)], idx_v)
    pltpu.sync_copy(pe_hbm, pe_v)

    def remap_body(r, _):
        sl = pl.ds(r * LANES, LANES)
        v = idx_v[sl]
        idx2_v[sl] = v + v
        return 0

    lax.fori_loop(0, rows_per_w // LANES, remap_body, 0, unroll=4)

    def chunk_idx(c):
        t = lax.div(c, NCH)
        k = lax.rem(c, NCH)
        return t, k

    def fire_gather(c, b):
        pltpu.async_copy(
            table_hbm.at[idx2_v.at[pl.ds(c * CHUNK, CHUNK)]],
            rows_v.at[b], gsem)

    def wait_gather(c, b):
        pltpu.make_async_copy(
            table_hbm.at[idx2_v.at[pl.ds(c * CHUNK, CHUNK)]],
            rows_v.at[b], gsem).wait()

    def wait_scatter(b):
        pltpu.make_async_copy(
            rows_v.at[b], out_hbm.at[0, pl.ds(0, CHUNK)], ssem).wait()

    for b in range(LOOKAHEAD):
        fire_gather(b, b)

    def q_body(qi, _):
        q = qi * NBUF
        for b in range(NBUF):
            c = q + b
            ca = c + LOOKAHEAD
            ba = (b + LOOKAHEAD) % NBUF

            @pl.when(jnp.logical_and(ca >= NBUF, ca < NCHW))
            def _():
                wait_scatter(ba)
                fire_gather(ca, ba)

            @pl.when(jnp.logical_and(ca >= LOOKAHEAD, ca < NBUF))
            def _():
                fire_gather(ca, ba)

            wait_gather(c, b)
            t, k = chunk_idx(c)
            m = k * CHUNK

            def row_body(r, _):
                for j in range(D_MODEL // LANES):
                    sl = pl.ds(j * LANES, LANES)
                    rows_v[b, r, sl] = (
                        rows_v[b, r, sl] * 8.0 + pe_v[m + r, sl])
                return 0

            lax.fori_loop(0, CHUNK, row_body, 0, unroll=2)
            pltpu.async_copy(
                rows_v.at[b],
                out_hbm.at[seq0 + t, pl.ds(m, CHUNK)], ssem)
        return 0

    lax.fori_loop(0, NCHW // NBUF, q_body, 0)
    for b in range(NBUF):
        wait_scatter(b)


@jax.jit
def _run(table, x, pe):
    mesh = plsc.VectorSubcoreMesh(core_axis_name="c", subcore_axis_name="s")
    f = functools.partial(
        pl.kernel,
        mesh=mesh,
        out_type=jax.ShapeDtypeStruct((BATCH, SEQ, D_MODEL), jnp.float32),
        scratch_types=[
            pltpu.VMEM((SEQ_PER_W * SEQ,), jnp.int32),
            pltpu.VMEM((SEQ_PER_W * SEQ,), jnp.int32),
            pltpu.VMEM((SEQ, D_MODEL), jnp.float32),
            pltpu.VMEM((NBUF, CHUNK, D_MODEL), jnp.float32),
            pltpu.SemaphoreType.DMA,
            pltpu.SemaphoreType.DMA,
        ],
        compiler_params=pltpu.CompilerParams(use_tc_tiling_on_sc=False),
    )(_sc_body)
    return f(table, x, pe)


def kernel(x, table):
    pe = jnp.asarray(_pos_encoding(SEQ, D_MODEL))
    tbl = _untile_table(table.T).reshape(2 * VOCAB, D_MODEL)
    return _run(tbl, x.astype(jnp.int32).reshape(-1), pe)

# --- scband reference (transcript-rebuilt; emitter-appended) ---
"""Pipeline reference for scband-positional-embedding-44624710205885 (READ-ONLY COPY).

The authoritative reference and input builder live on the scoring server;
editing this copy changes nothing except your own understanding.
"""

import jax, jax.numpy as jnp
import numpy as np

D_MODEL = 64
VOCAB = 1000000
MAX_POS = 512

def _positional_encoding(position, d_model):
    pos = np.arange(position)[:, np.newaxis].astype(np.float32)
    i = np.arange(d_model)[np.newaxis, :].astype(np.float32)
    angle_rates = 1.0 / np.power(10000.0, 2.0 * (np.floor(i / 2.0)) / np.float32(d_model))
    angle_rads = pos * angle_rates
    angle_rads[:, 0::2] = np.sin(angle_rads[:, 0::2])
    angle_rads[:, 1::2] = np.cos(angle_rads[:, 1::2])
    return jnp.asarray(angle_rads[np.newaxis, ...], dtype=jnp.float32)

def setup_inputs(seed: int = 0) -> dict:
    key = jax.random.key(seed)
    k1, k2 = jax.random.split(key)
    x = jax.random.randint(k1, (1024, 200), 0, VOCAB, dtype=jnp.int64 if jax.config.jax_enable_x64 else jnp.int32)
    # Keras Embedding default init: uniform(-0.05, 0.05)
    table = jax.random.uniform(k2, (VOCAB, D_MODEL), dtype=jnp.float32, minval=-0.05, maxval=0.05)
    return {"x": x, "table": table}

def reference(x, table):
    seq_len = x.shape[1]
    pos_encoding = _positional_encoding(MAX_POS, D_MODEL)
    emb = jnp.take(table, x, axis=0)
    emb = emb * jnp.sqrt(jnp.asarray(D_MODEL, dtype=jnp.float32))
    emb = emb + pos_encoding[:, :seq_len, :]
    return emb

if __name__ == "__main__":
    import jax
    _d = setup_inputs()
    print(jax.jit(kernel)(*tuple(_d.values())))

</pallas_src>

<mosaic_0001>
#map = affine_map<(d0, d1) -> (0, 0)>
#map1 = affine_map<(d0, d1) -> (0)>
#map2 = affine_map<(d0, d1) -> (0, 0, 0)>
module attributes {stable_mosaic.version = 14 : i64} {
  func.func @_sc_body(%arg0: i32, %arg1: i32, %arg2: memref<2000000x64xf32, #tpu.memory_space<hbm>>, %arg3: memref<204800xi32, #tpu.memory_space<hbm>>, %arg4: memref<200x64xf32, #tpu.memory_space<hbm>>, %arg5: memref<1024x200x64xf32, #tpu.memory_space<hbm>>, %arg6: memref<6400xi32, #tpu.memory_space<vmem>>, %arg7: memref<6400xi32, #tpu.memory_space<vmem>>, %arg8: memref<200x64xf32, #tpu.memory_space<vmem>>, %arg9: memref<8x40x64xf32, #tpu.memory_space<vmem>>, %arg10: memref<!tpu.dma_semaphore, #tpu.memory_space<semaphore_mem>>, %arg11: memref<!tpu.dma_semaphore, #tpu.memory_space<semaphore_mem>>) attributes {dimension_semantics = [#tpu.dimension_semantics<core_parallel>, #tpu.dimension_semantics<subcore_parallel>], iteration_bounds = array<i64: 2, 16>, scalar_prefetch = 0 : i64, scratch_operands = 6 : i64, tpu.core_type = #tpu.core_type<sc_vector_subcore>, window_params = [{transform_indices = #map}, {transform_indices = #map1}, {transform_indices = #map}, {transform_indices = #map2}]} {
    %mul3A = arith.constant 2 : i32
    %mul3A_0 = arith.muli %arg1, %mul3A : i32
    %add3A = arith.addi %mul3A_0, %arg0 : i32
    %mul3A_1 = arith.constant 32 : i32
    %mul3A_2 = arith.muli %add3A, %mul3A_1 : i32
    %mul3A_3 = arith.constant 6400 : i32
    %mul3A_4 = arith.muli %add3A, %mul3A_3 : i32
    "tpu.region"() ({
      %run_scoped3A = tpu.sem_alloc : memref<!tpu.dma_semaphore, #tpu.memory_space<semaphore_mem>>
      %dma_start3A_200 = tpu.memref_slice %arg3[%mul3A_4] : memref<204800xi32, #tpu.memory_space<hbm>> -> memref<6400xi32, #tpu.memory_space<hbm>>
      %dma_start3A_201 = tpu.memref_slice %arg3[%mul3A_4] : memref<204800xi32, #tpu.memory_space<hbm>> -> memref<6400xi32, #tpu.memory_space<hbm>>
      tpu.enqueue_dma source(%dma_start3A_201 : memref<6400xi32, #tpu.memory_space<hbm>>) target(%arg6 : memref<6400xi32, #tpu.memory_space<vmem>>) target_semaphore(%run_scoped3A : memref<!tpu.dma_semaphore, #tpu.memory_space<semaphore_mem>>)
      %dma_wait3A_202 = tpu.memref_slice %arg3[%mul3A_4] : memref<204800xi32, #tpu.memory_space<hbm>> -> memref<6400xi32, #tpu.memory_space<hbm>>
      %dma_wait3A_203 = tpu.memref_slice %arg3[%mul3A_4] : memref<204800xi32, #tpu.memory_space<hbm>> -> memref<6400xi32, #tpu.memory_space<hbm>>
      tpu.wait_dma2 semaphore(%run_scoped3A : memref<!tpu.dma_semaphore, #tpu.memory_space<semaphore_mem>>) src(%dma_wait3A_203 : memref<6400xi32, #tpu.memory_space<hbm>>) dst(%arg6 : memref<6400xi32, #tpu.memory_space<vmem>>)
      tpu.yield
    }) : () -> ()
    "tpu.region"() ({
      %run_scoped3A = tpu.sem_alloc : memref<!tpu.dma_semaphore, #tpu.memory_space<semaphore_mem>>
      tpu.enqueue_dma source(%arg4 : memref<200x64xf32, #tpu.memory_space<hbm>>) target(%arg8 : memref<200x64xf32, #tpu.memory_space<vmem>>) target_semaphore(%run_scoped3A : memref<!tpu.dma_semaphore, #tpu.memory_space<semaphore_mem>>)
      tpu.wait_dma2 semaphore(%run_scoped3A : memref<!tpu.dma_semaphore, #tpu.memory_space<semaphore_mem>>) src(%arg4 : memref<200x64xf32, #tpu.memory_space<hbm>>) dst(%arg8 : memref<200x64xf32, #tpu.memory_space<vmem>>)
      tpu.yield
    }) : () -> ()
    %scan3A = arith.constant 0 : i32
    %scan3A_5 = arith.constant 0 : i32
    %scan3A_6 = arith.constant 400 : i32
    %scan3A_7 = arith.addi %scan3A_5, %scan3A_6 : i32
    %scan3A_8 = arith.constant 4 : i32
    %scan3A_9 = scf.for %scan3A_200 = %scan3A_5 to %scan3A_7 step %scan3A_8 iter_args(%scan3A_201 = %scan3A) -> (i32)  : i32 {
      %mul3A_202 = arith.constant 16 : i32
      %mul3A_203 = arith.muli %scan3A_200, %mul3A_202 : i32
      %get3A = arith.index_cast %mul3A_203 : i32 to index
      %get3A_204 = tpu.vector_load %arg6[%get3A] {strides = array<i32>} : memref<6400xi32, #tpu.memory_space<vmem>>, vector<16xi32>,
      %get3A_205 = vector.shape_cast %get3A_204 : vector<16xi32> to vector<16xi32>
      %add3A_206 = arith.addi %get3A_205, %get3A_205 : vector<16xi32>
      %swap3A = arith.index_cast %mul3A_203 : i32 to index
      %swap3A_207 = tpu.vector_load %arg7[%swap3A] {strides = array<i32>} : memref<6400xi32, #tpu.memory_space<vmem>>, vector<16xi32>,
      %swap3A_208 = vector.shape_cast %swap3A_207 : vector<16xi32> to vector<16xi32>
      %swap3A_209 = vector.shape_cast %add3A_206 : vector<16xi32> to vector<16xi32>
      tpu.vector_store %arg7[%swap3A], %swap3A_209 {strides = array<i32>} : memref<6400xi32, #tpu.memory_space<vmem>>, vector<16xi32>,
      %scan3A_210 = arith.constant 0 : i32
      %scan3A_211 = arith.constant 1 : i32
      %scan3A_212 = arith.addi %scan3A_200, %scan3A_211 : i32
      %mul3A_213 = arith.constant 16 : i32
      %mul3A_214 = arith.muli %scan3A_212, %mul3A_213 : i32
      %get3A_215 = arith.index_cast %mul3A_214 : i32 to index
      %get3A_216 = tpu.vector_load %arg6[%get3A_215] {strides = array<i32>} : memref<6400xi32, #tpu.memory_space<vmem>>, vector<16xi32>,
      %get3A_217 = vector.shape_cast %get3A_216 : vector<16xi32> to vector<16xi32>
      %add3A_218 = arith.addi %get3A_217, %get3A_217 : vector<16xi32>
      %swap3A_219 = arith.index_cast %mul3A_214 : i32 to index
      %swap3A_220 = tpu.vector_load %arg7[%swap3A_219] {strides = array<i32>} : memref<6400xi32, #tpu.memory_space<vmem>>, vector<16xi32>,
      %swap3A_221 = vector.shape_cast %swap3A_220 : vector<16xi32> to vector<16xi32>
      %swap3A_222 = vector.shape_cast %add3A_218 : vector<16xi32> to vector<16xi32>
      tpu.vector_store %arg7[%swap3A_219], %swap3A_222 {strides = array<i32>} : memref<6400xi32, #tpu.memory_space<vmem>>, vector<16xi32>,
      %scan3A_223 = arith.constant 0 : i32
      %scan3A_224 = arith.constant 2 : i32
      %scan3A_225 = arith.addi %scan3A_200, %scan3A_224 : i32
      %mul3A_226 = arith.constant 16 : i32
      %mul3A_227 = arith.muli %scan3A_225, %mul3A_226 : i32
      %get3A_228 = arith.index_cast %mul3A_227 : i32 to index
      %get3A_229 = tpu.vector_load %arg6[%get3A_228] {strides = array<i32>} : memref<6400xi32, #tpu.memory_space<vmem>>, vector<16xi32>,
      %get3A_230 = vector.shape_cast %get3A_229 : vector<16xi32> to vector<16xi32>
      %add3A_231 = arith.addi %get3A_230, %get3A_230 : vector<16xi32>
      %swap3A_232 = arith.index_cast %mul3A_227 : i32 to index
      %swap3A_233 = tpu.vector_load %arg7[%swap3A_232] {strides = array<i32>} : memref<6400xi32, #tpu.memory_space<vmem>>, vector<16xi32>,
      %swap3A_234 = vector.shape_cast %swap3A_233 : vector<16xi32> to vector<16xi32>
      %swap3A_235 = vector.shape_cast %add3A_231 : vector<16xi32> to vector<16xi32>
      tpu.vector_store %arg7[%swap3A_232], %swap3A_235 {strides = array<i32>} : memref<6400xi32, #tpu.memory_space<vmem>>, vector<16xi32>,
      %scan3A_236 = arith.constant 0 : i32
      %scan3A_237 = arith.constant 3 : i32
      %scan3A_238 = arith.addi %scan3A_200, %scan3A_237 : i32
      %mul3A_239 = arith.constant 16 : i32
      %mul3A_240 = arith.muli %scan3A_238, %mul3A_239 : i32
      %get3A_241 = arith.index_cast %mul3A_240 : i32 to index
      %get3A_242 = tpu.vector_load %arg6[%get3A_241] {strides = array<i32>} : memref<6400xi32, #tpu.memory_space<vmem>>, vector<16xi32>,
      %get3A_243 = vector.shape_cast %get3A_242 : vector<16xi32> to vector<16xi32>
      %add3A_244 = arith.addi %get3A_243, %get3A_243 : vector<16xi32>
      %swap3A_245 = arith.index_cast %mul3A_240 : i32 to index
      %swap3A_246 = tpu.vector_load %arg7[%swap3A_245] {strides = array<i32>} : memref<6400xi32, #tpu.memory_space<vmem>>, vector<16xi32>,
      %swap3A_247 = vector.shape_cast %swap3A_246 : vector<16xi32> to vector<16xi32>
      %swap3A_248 = vector.shape_cast %add3A_244 : vector<16xi32> to vector<16xi32>
      tpu.vector_store %arg7[%swap3A_245], %swap3A_248 {strides = array<i32>} : memref<6400xi32, #tpu.memory_space<vmem>>, vector<16xi32>,
      %scan3A_249 = arith.constant 0 : i32
      scf.yield %scan3A_249 : i32
    }
    %scan3A_10 = arith.constant 400 : i32
    %dma_start3A = arith.constant 0 : i32
    %dma_start3A_11 = arith.constant 0 : i32
    %dma_start3A_12 = arith.constant 0 : i32
    %dma_start3A_13 = tpu.memref_slice %arg9[%dma_start3A, %dma_start3A_11, %dma_start3A_12] : memref<8x40x64xf32, #tpu.memory_space<vmem>> -> memref<1x40x64xf32, #tpu.memory_space<vmem>>
    %dma_start3A_14 = tpu.memref_squeeze %dma_start3A_13 : memref<1x40x64xf32, #tpu.memory_space<vmem>> -> memref<40x64xf32, #tpu.memory_space<vmem>>
    %dma_start3A_15 = arith.constant 0 : i32
    %dma_start3A_16 = tpu.memref_slice %arg7[%dma_start3A_15] : memref<6400xi32, #tpu.memory_space<vmem>> -> memref<40xi32, #tpu.memory_space<vmem>>
    %dma_start3A_17 = arith.constant 0 : i32
    %dma_start3A_18 = arith.constant 0 : i32
    %dma_start3A_19 = tpu.memref_slice %arg2[%dma_start3A_17, %dma_start3A_18] : memref<2000000x64xf32, #tpu.memory_space<hbm>> -> memref<2000000x64xf32, #tpu.memory_space<hbm>>
    tpu.enqueue_indirect_dma source(%dma_start3A_19 : memref<2000000x64xf32, #tpu.memory_space<hbm>>) target(%dma_start3A_14 : memref<40x64xf32, #tpu.memory_space<vmem>>) offsets(%dma_start3A_16 : memref<40xi32, #tpu.memory_space<vmem>>) semaphore(%arg10 : memref<!tpu.dma_semaphore, #tpu.memory_space<semaphore_mem>>)
    %dma_start3A_20 = arith.constant 1 : i32
    %dma_start3A_21 = arith.constant 0 : i32
    %dma_start3A_22 = arith.constant 0 : i32
    %dma_start3A_23 = tpu.memref_slice %arg9[%dma_start3A_20, %dma_start3A_21, %dma_start3A_22] : memref<8x40x64xf32, #tpu.memory_space<vmem>> -> memref<1x40x64xf32, #tpu.memory_space<vmem>>
    %dma_start3A_24 = tpu.memref_squeeze %dma_start3A_23 : memref<1x40x64xf32, #tpu.memory_space<vmem>> -> memref<40x64xf32, #tpu.memory_space<vmem>>
    %dma_start3A_25 = arith.constant 40 : i32
    %dma_start3A_26 = tpu.memref_slice %arg7[%dma_start3A_25] : memref<6400xi32, #tpu.memory_space<vmem>> -> memref<40xi32, #tpu.memory_space<vmem>>
    %dma_start3A_27 = arith.constant 0 : i32
    %dma_start3A_28 = arith.constant 0 : i32
    %dma_start3A_29 = tpu.memref_slice %arg2[%dma_start3A_27, %dma_start3A_28] : memref<2000000x64xf32, #tpu.memory_space<hbm>> -> memref<2000000x64xf32, #tpu.memory_space<hbm>>
    tpu.enqueue_indirect_dma source(%dma_start3A_29 : memref<2000000x64xf32, #tpu.memory_space<hbm>>) target(%dma_start3A_24 : memref<40x64xf32, #tpu.memory_space<vmem>>) offsets(%dma_start3A_26 : memref<40xi32, #tpu.memory_space<vmem>>) semaphore(%arg10 : memref<!tpu.dma_semaphore, #tpu.memory_space<semaphore_mem>>)
    %dma_start3A_30 = arith.constant 2 : i32
    %dma_start3A_31 = arith.constant 0 : i32
    %dma_start3A_32 = arith.constant 0 : i32
    %dma_start3A_33 = tpu.memref_slice %arg9[%dma_start3A_30, %dma_start3A_31, %dma_start3A_32] : memref<8x40x64xf32, #tpu.memory_space<vmem>> -> memref<1x40x64xf32, #tpu.memory_space<vmem>>
    %dma_start3A_34 = tpu.memref_squeeze %dma_start3A_33 : memref<1x40x64xf32, #tpu.memory_space<vmem>> -> memref<40x64xf32, #tpu.memory_space<vmem>>
    %dma_start3A_35 = arith.constant 80 : i32
    %dma_start3A_36 = tpu.memref_slice %arg7[%dma_start3A_35] : memref<6400xi32, #tpu.memory_space<vmem>> -> memref<40xi32, #tpu.memory_space<vmem>>
    %dma_start3A_37 = arith.constant 0 : i32
    %dma_start3A_38 = arith.constant 0 : i32
    %dma_start3A_39 = tpu.memref_slice %arg2[%dma_start3A_37, %dma_start3A_38] : memref<2000000x64xf32, #tpu.memory_space<hbm>> -> memref<2000000x64xf32, #tpu.memory_space<hbm>>
    tpu.enqueue_indirect_dma source(%dma_start3A_39 : memref<2000000x64xf32, #tpu.memory_space<hbm>>) target(%dma_start3A_34 : memref<40x64xf32, #tpu.memory_space<vmem>>) offsets(%dma_start3A_36 : memref<40xi32, #tpu.memory_space<vmem>>) semaphore(%arg10 : memref<!tpu.dma_semaphore, #tpu.memory_space<semaphore_mem>>)
    %dma_start3A_40 = arith.constant 3 : i32
    %dma_start3A_41 = arith.constant 0 : i32
    %dma_start3A_42 = arith.constant 0 : i32
    %dma_start3A_43 = tpu.memref_slice %arg9[%dma_start3A_40, %dma_start3A_41, %dma_start3A_42] : memref<8x40x64xf32, #tpu.memory_space<vmem>> -> memref<1x40x64xf32, #tpu.memory_space<vmem>>
    %dma_start3A_44 = tpu.memref_squeeze %dma_start3A_43 : memref<1x40x64xf32, #tpu.memory_space<vmem>> -> memref<40x64xf32, #tpu.memory_space<vmem>>
    %dma_start3A_45 = arith.constant 120 : i32
    %dma_start3A_46 = tpu.memref_slice %arg7[%dma_start3A_45] : memref<6400xi32, #tpu.memory_space<vmem>> -> memref<40xi32, #tpu.memory_space<vmem>>
    %dma_start3A_47 = arith.constant 0 : i32
    %dma_start3A_48 = arith.constant 0 : i32
    %dma_start3A_49 = tpu.memref_slice %arg2[%dma_start3A_47, %dma_start3A_48] : memref<2000000x64xf32, #tpu.memory_space<hbm>> -> memref<2000000x64xf32, #tpu.memory_space<hbm>>
    tpu.enqueue_indirect_dma source(%dma_start3A_49 : memref<2000000x64xf32, #tpu.memory_space<hbm>>) target(%dma_start3A_44 : memref<40x64xf32, #tpu.memory_space<vmem>>) offsets(%dma_start3A_46 : memref<40xi32, #tpu.memory_space<vmem>>) semaphore(%arg10 : memref<!tpu.dma_semaphore, #tpu.memory_space<semaphore_mem>>)
    %scan3A_50 = arith.constant 0 : i32
    %scan3A_51 = arith.constant 0 : i32
    %scan3A_52 = arith.constant 20 : i32
    %scan3A_53 = arith.addi %scan3A_51, %scan3A_52 : i32
    %scan3A_54 = arith.constant 1 : i32
    %scan3A_55 = scf.for %scan3A_200 = %scan3A_51 to %scan3A_53 step %scan3A_54 iter_args(%scan3A_201 = %scan3A_50) -> (i32)  : i32 {
      %mul3A_202 = arith.constant 8 : i32
      %mul3A_203 = arith.muli %scan3A_200, %mul3A_202 : i32
      %add3A_204 = arith.constant 0 : i32
      %add3A_205 = arith.addi %mul3A_203, %add3A_204 : i32
      %add3A_206 = arith.constant 4 : i32
      %add3A_207 = arith.addi %add3A_205, %add3A_206 : i32
      %ge3A = arith.constant 8 : i32
      %ge3A_208 = arith.cmpi sge, %add3A_207, %ge3A : i32
      %lt3A = arith.constant 160 : i32
      %lt3A_209 = arith.cmpi slt, %add3A_207, %lt3A : i32
      %and3A = arith.andi %ge3A_208, %lt3A_209 : i1
      %convert_element_type3A = arith.extui %and3A : i1 to i32
      %cond3A = arith.constant 0 : i32
      %cond3A_210 = arith.cmpi ne, %convert_element_type3A, %cond3A : i32
      scf.if %cond3A_210 {
        %dma_wait3A_678 = arith.constant 4 : i32
        %dma_wait3A_679 = arith.constant 0 : i32
        %dma_wait3A_680 = arith.constant 0 : i32
        %dma_wait3A_681 = arith.constant 0 : i32
        %dma_wait3A_682 = tpu.memref_slice %arg9[%dma_wait3A_678, %dma_wait3A_680, %dma_wait3A_681] : memref<8x40x64xf32, #tpu.memory_space<vmem>> -> memref<1x40x64xf32, #tpu.memory_space<vmem>>
        %dma_wait3A_683 = tpu.memref_squeeze %dma_wait3A_682 : memref<1x40x64xf32, #tpu.memory_space<vmem>> -> memref<40x64xf32, #tpu.memory_space<vmem>>
        %dma_wait3A_684 = arith.constant 0 : i32
        %dma_wait3A_685 = arith.constant 0 : i32
        %dma_wait3A_686 = tpu.memref_slice %arg5[%dma_wait3A_679, %dma_wait3A_684, %dma_wait3A_685] : memref<1024x200x64xf32, #tpu.memory_space<hbm>> -> memref<1x40x64xf32, #tpu.memory_space<hbm>>
        %dma_wait3A_687 = tpu.memref_squeeze %dma_wait3A_686 : memref<1x40x64xf32, #tpu.memory_space<hbm>> -> memref<40x64xf32, #tpu.memory_space<hbm>>
        %dma_wait3A_688 = arith.constant 0 : i32
        %dma_wait3A_689 = arith.constant 0 : i32
        %dma_wait3A_690 = tpu.memref_slice %arg5[%dma_wait3A_679, %dma_wait3A_688, %dma_wait3A_689] : memref<1024x200x64xf32, #tpu.memory_space<hbm>> -> memref<1x40x64xf32, #tpu.memory_space<hbm>>
        %dma_wait3A_691 = tpu.memref_squeeze %dma_wait3A_690 : memref<1x40x64xf32, #tpu.memory_space<hbm>> -> memref<40x64xf32, #tpu.memory_space<hbm>>
        %dma_wait3A_692 = arith.constant 0 : i32
        %dma_wait3A_693 = arith.constant 0 : i32
        %dma_wait3A_694 = tpu.memref_slice %arg9[%dma_wait3A_678, %dma_wait3A_692, %dma_wait3A_693] : memref<8x40x64xf32, #tpu.memory_space<vmem>> -> memref<1x40x64xf32, #tpu.memory_space<vmem>>
        %dma_wait3A_695 = tpu.memref_squeeze %dma_wait3A_694 : memref<1x40x64xf32, #tpu.memory_space<vmem>> -> memref<40x64xf32, #tpu.memory_space<vmem>>
        tpu.wait_dma2 semaphore(%arg11 : memref<!tpu.dma_semaphore, #tpu.memory_space<semaphore_mem>>) src(%dma_wait3A_695 : memref<40x64xf32, #tpu.memory_space<vmem>>) dst(%dma_wait3A_691 : memref<40x64xf32, #tpu.memory_space<hbm>>)
        %mul3A_696 = arith.constant 40 : i32
        %mul3A_697 = arith.muli %add3A_207, %mul3A_696 : i32
        %dma_start3A_698 = arith.constant 4 : i32
        %dma_start3A_699 = arith.constant 0 : i32
        %dma_start3A_700 = arith.constant 0 : i32
        %dma_start3A_701 = tpu.memref_slice %arg9[%dma_start3A_698, %dma_start3A_699, %dma_start3A_700] : memref<8x40x64xf32, #tpu.memory_space<vmem>> -> memref<1x40x64xf32, #tpu.memory_space<vmem>>
        %dma_start3A_702 = tpu.memref_squeeze %dma_start3A_701 : memref<1x40x64xf32, #tpu.memory_space<vmem>> -> memref<40x64xf32, #tpu.memory_space<vmem>>
        %dma_start3A_703 = tpu.memref_slice %arg7[%mul3A_697] : memref<6400xi32, #tpu.memory_space<vmem>> -> memref<40xi32, #tpu.memory_space<vmem>>
        %dma_start3A_704 = arith.constant 0 : i32
        %dma_start3A_705 = arith.constant 0 : i32
        %dma_start3A_706 = tpu.memref_slice %arg2[%dma_start3A_704, %dma_start3A_705] : memref<2000000x64xf32, #tpu.memory_space<hbm>> -> memref<2000000x64xf32, #tpu.memory_space<hbm>>
        tpu.enqueue_indirect_dma source(%dma_start3A_706 : memref<2000000x64xf32, #tpu.memory_space<hbm>>) target(%dma_start3A_702 : memref<40x64xf32, #tpu.memory_space<vmem>>) offsets(%dma_start3A_703 : memref<40xi32, #tpu.memory_space<vmem>>) semaphore(%arg10 : memref<!tpu.dma_semaphore, #tpu.memory_space<semaphore_mem>>)
      } else {
      }
      %ge3A_211 = arith.constant 4 : i32
      %ge3A_212 = arith.cmpi sge, %add3A_207, %ge3A_211 : i32
      %lt3A_213 = arith.constant 8 : i32
      %lt3A_214 = arith.cmpi slt, %add3A_207, %lt3A_213 : i32
      %and3A_215 = arith.andi %ge3A_212, %lt3A_214 : i1
      %convert_element_type3A_216 = arith.extui %and3A_215 : i1 to i32
      %cond3A_217 = arith.constant 0 : i32
      %cond3A_218 = arith.cmpi ne, %convert_element_type3A_216, %cond3A_217 : i32
      scf.if %cond3A_218 {
        %mul3A_678 = arith.constant 40 : i32
        %mul3A_679 = arith.muli %add3A_207, %mul3A_678 : i32
        %dma_start3A_680 = arith.constant 4 : i32
        %dma_start3A_681 = arith.constant 0 : i32
        %dma_start3A_682 = arith.constant 0 : i32
        %dma_start3A_683 = tpu.memref_slice %arg9[%dma_start3A_680, %dma_start3A_681, %dma_start3A_682] : memref<8x40x64xf32, #tpu.memory_space<vmem>> -> memref<1x40x64xf32, #tpu.memory_space<vmem>>
        %dma_start3A_684 = tpu.memref_squeeze %dma_start3A_683 : memref<1x40x64xf32, #tpu.memory_space<vmem>> -> memref<40x64xf32, #tpu.memory_space<vmem>>
        %dma_start3A_685 = tpu.memref_slice %arg7[%mul3A_679] : memref<6400xi32, #tpu.memory_space<vmem>> -> memref<40xi32, #tpu.memory_space<vmem>>
        %dma_start3A_686 = arith.constant 0 : i32
        %dma_start3A_687 = arith.constant 0 : i32
        %dma_start3A_688 = tpu.memref_slice %arg2[%dma_start3A_686, %dma_start3A_687] : memref<2000000x64xf32, #tpu.memory_space<hbm>> -> memref<2000000x64xf32, #tpu.memory_space<hbm>>
        tpu.enqueue_indirect_dma source(%dma_start3A_688 : memref<2000000x64xf32, #tpu.memory_space<hbm>>) target(%dma_start3A_684 : memref<40x64xf32, #tpu.memory_space<vmem>>) offsets(%dma_start3A_685 : memref<40xi32, #tpu.memory_space<vmem>>) semaphore(%arg10 : memref<!tpu.dma_semaphore, #tpu.memory_space<semaphore_mem>>)
      } else {
      }
      %mul3A_219 = arith.constant 40 : i32
      %mul3A_220 = arith.muli %add3A_205, %mul3A_219 : i32
      %dma_wait3A_221 = arith.constant 0 : i32
      %dma_wait3A_222 = arith.constant 0 : i32
      %dma_wait3A_223 = arith.constant 0 : i32
      %dma_wait3A_224 = tpu.memref_slice %arg9[%dma_wait3A_221, %dma_wait3A_222, %dma_wait3A_223] : memref<8x40x64xf32, #tpu.memory_space<vmem>> -> memref<1x40x64xf32, #tpu.memory_space<vmem>>
      %dma_wait3A_225 = tpu.memref_squeeze %dma_wait3A_224 : memref<1x40x64xf32, #tpu.memory_space<vmem>> -> memref<40x64xf32, #tpu.memory_space<vmem>>
      %dma_wait3A_226 = tpu.memref_slice %arg7[%mul3A_220] : memref<6400xi32, #tpu.memory_space<vmem>> -> memref<40xi32, #tpu.memory_space<vmem>>
      %dma_wait3A_227 = arith.constant 0 : i32
      %dma_wait3A_228 = arith.constant 0 : i32
      %dma_wait3A_229 = tpu.memref_slice %arg2[%dma_wait3A_227, %dma_wait3A_228] : memref<2000000x64xf32, #tpu.memory_space<hbm>> -> memref<2000000x64xf32, #tpu.memory_space<hbm>>
      tpu.wait_indirect_dma semaphore(%arg10 : memref<!tpu.dma_semaphore, #tpu.memory_space<semaphore_mem>>) src(%dma_wait3A_229 : memref<2000000x64xf32, #tpu.memory_space<hbm>>) dst(%dma_wait3A_225 : memref<40x64xf32, #tpu.memory_space<vmem>>)
      %div3A = arith.constant 5 : i32
      %div3A_230 = arith.divsi %add3A_205, %div3A : i32
      %rem3A = arith.constant 5 : i32
      %rem3A_231 = arith.remsi %add3A_205, %rem3A : i32
      %mul3A_232 = arith.constant 40 : i32
      %mul3A_233 = arith.muli %rem3A_231, %mul3A_232 : i32
      %scan3A_234 = arith.constant 0 : i32
      %scan3A_235 = arith.constant 0 : i32
      %scan3A_236 = arith.constant 40 : i32
      %scan3A_237 = arith.addi %scan3A_235, %scan3A_236 : i32
      %scan3A_238 = arith.constant 2 : i32
      %scan3A_239 = scf.for %scan3A_678 = %scan3A_235 to %scan3A_237 step %scan3A_238 iter_args(%scan3A_679 = %scan3A_234) -> (i32)  : i32 {
        %get3A = arith.constant 0 : i32
        %get3A_680 = arith.index_cast %get3A : i32 to index
        %get3A_681 = arith.index_cast %scan3A_678 : i32 to index
        %get3A_682 = arith.constant 0 : index
        %get3A_683 = tpu.vector_load %arg9[%get3A_680, %get3A_681, %get3A_682] {strides = array<i32>} : memref<8x40x64xf32, #tpu.memory_space<vmem>>, vector<1x1x16xf32>,
        %get3A_684 = vector.shape_cast %get3A_683 : vector<1x1x16xf32> to vector<16xf32>
        %mul3A_685 = arith.constant 8.000000e+00 : f32
        %mul3A_686 = vector.broadcast %mul3A_685 : f32 to vector<16xf32>
        %mul3A_687 = arith.mulf %get3A_684, %mul3A_686 : vector<16xf32>
        %add3A_688 = arith.addi %mul3A_233, %scan3A_678 : i32
        %get3A_689 = arith.index_cast %add3A_688 : i32 to index
        %get3A_690 = arith.constant 0 : index
        %get3A_691 = tpu.vector_load %arg8[%get3A_689, %get3A_690] {strides = array<i32>} : memref<200x64xf32, #tpu.memory_space<vmem>>, vector<1x16xf32>,
        %get3A_692 = vector.shape_cast %get3A_691 : vector<1x16xf32> to vector<16xf32>
        %add3A_693 = arith.addf %mul3A_687, %get3A_692 : vector<16xf32>
        %swap3A = arith.constant 0 : i32
        %swap3A_694 = arith.index_cast %swap3A : i32 to index
        %swap3A_695 = arith.index_cast %scan3A_678 : i32 to index
        %swap3A_696 = arith.constant 0 : index
        %swap3A_697 = tpu.vector_load %arg9[%swap3A_694, %swap3A_695, %swap3A_696] {strides = array<i32>} : memref<8x40x64xf32, #tpu.memory_space<vmem>>, vector<1x1x16xf32>,
        %swap3A_698 = vector.shape_cast %swap3A_697 : vector<1x1x16xf32> to vector<16xf32>
        %swap3A_699 = vector.shape_cast %add3A_693 : vector<16xf32> to vector<1x1x16xf32>
        tpu.vector_store %arg9[%swap3A_694, %swap3A_695, %swap3A_696], %swap3A_699 {strides = array<i32>} : memref<8x40x64xf32, #tpu.memory_space<vmem>>, vector<1x1x16xf32>,
        %get3A_700 = arith.constant 0 : i32
        %get3A_701 = arith.index_cast %get3A_700 : i32 to index
        %get3A_702 = arith.index_cast %scan3A_678 : i32 to index
        %get3A_703 = arith.constant 16 : index
        %get3A_704 = tpu.vector_load %arg9[%get3A_701, %get3A_702, %get3A_703] {strides = array<i32>} : memref<8x40x64xf32, #tpu.memory_space<vmem>>, vector<1x1x16xf32>,
        %get3A_705 = vector.shape_cast %get3A_704 : vector<1x1x16xf32> to vector<16xf32>
        %mul3A_706 = arith.constant 8.000000e+00 : f32
        %mul3A_707 = vector.broadcast %mul3A_706 : f32 to vector<16xf32>
        %mul3A_708 = arith.mulf %get3A_705, %mul3A_707 : vector<16xf32>
        %add3A_709 = arith.addi %mul3A_233, %scan3A_678 : i32
        %get3A_710 = arith.index_cast %add3A_709 : i32 to index
        %get3A_711 = arith.constant 16 : index
        %get3A_712 = tpu.vector_load %arg8[%get3A_710, %get3A_711] {strides = array<i32>} : memref<200x64xf32, #tpu.memory_space<vmem>>, vector<1x16xf32>,
        %get3A_713 = vector.shape_cast %get3A_712 : vector<1x16xf32> to vector<16xf32>
        %add3A_714 = arith.addf %mul3A_708, %get3A_713 : vector<16xf32>
        %swap3A_715 = arith.constant 0 : i32
        %swap3A_716 = arith.index_cast %swap3A_715 : i32 to index
        %swap3A_717 = arith.index_cast %scan3A_678 : i32 to index
        %swap3A_718 = arith.constant 16 : index
        %swap3A_719 = tpu.vector_load %arg9[%swap3A_716, %swap3A_717, %swap3A_718] {strides = array<i32>} : memref<8x40x64xf32, #tpu.memory_space<vmem>>, vector<1x1x16xf32>,
        %swap3A_720 = vector.shape_cast %swap3A_719 : vector<1x1x16xf32> to vector<16xf32>
        %swap3A_721 = vector.shape_cast %add3A_714 : vector<16xf32> to vector<1x1x16xf32>
        tpu.vector_store %arg9[%swap3A_716, %swap3A_717, %swap3A_718], %swap3A_721 {strides = array<i32>} : memref<8x40x64xf32, #tpu.memory_space<vmem>>, vector<1x1x16xf32>,
        %get3A_722 = arith.constant 0 : i32
        %get3A_723 = arith.index_cast %get3A_722 : i32 to index
        %get3A_724 = arith.index_cast %scan3A_678 : i32 to index
        %get3A_725 = arith.constant 32 : index
        %get3A_726 = tpu.vector_load %arg9[%get3A_723, %get3A_724, %get3A_725] {strides = array<i32>} : memref<8x40x64xf32, #tpu.memory_space<vmem>>, vector<1x1x16xf32>,
        %get3A_727 = vector.shape_cast %get3A_726 : vector<1x1x16xf32> to vector<16xf32>
        %mul3A_728 = arith.constant 8.000000e+00 : f32
        %mul3A_729 = vector.broadcast %mul3A_728 : f32 to vector<16xf32>
        %mul3A_730 = arith.mulf %get3A_727, %mul3A_729 : vector<16xf32>
        %add3A_731 = arith.addi %mul3A_233, %scan3A_678 : i32
        %get3A_732 = arith.index_cast %add3A_731 : i32 to index
        %get3A_733 = arith.constant 32 : index
        %get3A_734 = tpu.vector_load %arg8[%get3A_732, %get3A_733] {strides = array<i32>} : memref<200x64xf32, #tpu.memory_space<vmem>>, vector<1x16xf32>,
        %get3A_735 = vector.shape_cast %get3A_734 : vector<1x16xf32> to vector<16xf32>
        %add3A_736 = arith.addf %mul3A_730, %get3A_735 : vector<16xf32>
        %swap3A_737 = arith.constant 0 : i32
        %swap3A_738 = arith.index_cast %swap3A_737 : i32 to index
        %swap3A_739 = arith.index_cast %scan3A_678 : i32 to index
        %swap3A_740 = arith.constant 32 : index
        %swap3A_741 = tpu.vector_load %arg9[%swap3A_738, %swap3A_739, %swap3A_740] {strides = array<i32>} : memref<8x40x64xf32, #tpu.memory_space<vmem>>, vector<1x1x16xf32>,
        %swap3A_742 = vector.shape_cast %swap3A_741 : vector<1x1x16xf32> to vector<16xf32>
        %swap3A_743 = vector.shape_cast %add3A_736 : vector<16xf32> to vector<1x1x16xf32>
        tpu.vector_store %arg9[%swap3A_738, %swap3A_739, %swap3A_740], %swap3A_743 {strides = array<i32>} : memref<8x40x64xf32, #tpu.memory_space<vmem>>, vector<1x1x16xf32>,
        %get3A_744 = arith.constant 0 : i32
        %get3A_745 = arith.index_cast %get3A_744 : i32 to index
        %get3A_746 = arith.index_cast %scan3A_678 : i32 to index
        %get3A_747 = arith.constant 48 : index
        %get3A_748 = tpu.vector_load %arg9[%get3A_745, %get3A_746, %get3A_747] {strides = array<i32>} : memref<8x40x64xf32, #tpu.memory_space<vmem>>, vector<1x1x16xf32>,
        %get3A_749 = vector.shape_cast %get3A_748 : vector<1x1x16xf32> to vector<16xf32>
        %mul3A_750 = arith.constant 8.000000e+00 : f32
        %mul3A_751 = vector.broadcast %mul3A_750 : f32 to vector<16xf32>
        %mul3A_752 = arith.mulf %get3A_749, %mul3A_751 : vector<16xf32>
        %add3A_753 = arith.addi %mul3A_233, %scan3A_678 : i32
        %get3A_754 = arith.index_cast %add3A_753 : i32 to index
        %get3A_755 = arith.constant 48 : index
        %get3A_756 = tpu.vector_load %arg8[%get3A_754, %get3A_755] {strides = array<i32>} : memref<200x64xf32, #tpu.memory_space<vmem>>, vector<1x16xf32>,
        %get3A_757 = vector.shape_cast %get3A_756 : vector<1x16xf32> to vector<16xf32>
        %add3A_758 = arith.addf %mul3A_752, %get3A_757 : vector<16xf32>
        %swap3A_759 = arith.constant 0 : i32
        %swap3A_760 = arith.index_cast %swap3A_759 : i32 to index
        %swap3A_761 = arith.index_cast %scan3A_678 : i32 to index
        %swap3A_762 = arith.constant 48 : index
        %swap3A_763 = tpu.vector_load %arg9[%swap3A_760, %swap3A_761, %swap3A_762] {strides = array<i32>} : memref<8x40x64xf32, #tpu.memory_space<vmem>>, vector<1x1x16xf32>,
        %swap3A_764 = vector.shape_cast %swap3A_763 : vector<1x1x16xf32> to vector<16xf32>
        %swap3A_765 = vector.shape_cast %add3A_758 : vector<16xf32> to vector<1x1x16xf32>
        tpu.vector_store %arg9[%swap3A_760, %swap3A_761, %swap3A_762], %swap3A_765 {strides = array<i32>} : memref<8x40x64xf32, #tpu.memory_space<vmem>>, vector<1x1x16xf32>,
        %scan3A_766 = arith.constant 0 : i32
        %scan3A_767 = arith.constant 1 : i32
        %scan3A_768 = arith.addi %scan3A_678, %scan3A_767 : i32
        %get3A_769 = arith.constant 0 : i32
        %get3A_770 = arith.index_cast %get3A_769 : i32 to index
        %get3A_771 = arith.index_cast %scan3A_768 : i32 to index
        %get3A_772 = arith.constant 0 : index
        %get3A_773 = tpu.vector_load %arg9[%get3A_770, %get3A_771, %get3A_772] {strides = array<i32>} : memref<8x40x64xf32, #tpu.memory_space<vmem>>, vector<1x1x16xf32>,
        %get3A_774 = vector.shape_cast %get3A_773 : vector<1x1x16xf32> to vector<16xf32>
        %mul3A_775 = arith.constant 8.000000e+00 : f32
        %mul3A_776 = vector.broadcast %mul3A_775 : f32 to vector<16xf32>
        %mul3A_777 = arith.mulf %get3A_774, %mul3A_776 : vector<16xf32>
        %add3A_778 = arith.addi %mul3A_233, %scan3A_768 : i32
        %get3A_779 = arith.index_cast %add3A_778 : i32 to index
        %get3A_780 = arith.constant 0 : index
        %get3A_781 = tpu.vector_load %arg8[%get3A_779, %get3A_780] {strides = array<i32>} : memref<200x64xf32, #tpu.memory_space<vmem>>, vector<1x16xf32>,
        %get3A_782 = vector.shape_cast %get3A_781 : vector<1x16xf32> to vector<16xf32>
        %add3A_783 = arith.addf %mul3A_777, %get3A_782 : vector<16xf32>
        %swap3A_784 = arith.constant 0 : i32
        %swap3A_785 = arith.index_cast %swap3A_784 : i32 to index
        %swap3A_786 = arith.index_cast %scan3A_768 : i32 to index
        %swap3A_787 = arith.constant 0 : index
        %swap3A_788 = tpu.vector_load %arg9[%swap3A_785, %swap3A_786, %swap3A_787] {strides = array<i32>} : memref<8x40x64xf32, #tpu.memory_space<vmem>>, vector<1x1x16xf32>,
        %swap3A_789 = vector.shape_cast %swap3A_788 : vector<1x1x16xf32> to vector<16xf32>
        %swap3A_790 = vector.shape_cast %add3A_783 : vector<16xf32> to vector<1x1x16xf32>
        tpu.vector_store %arg9[%swap3A_785, %swap3A_786, %swap3A_787], %swap3A_790 {strides = array<i32>} : memref<8x40x64xf32, #tpu.memory_space<vmem>>, vector<1x1x16xf32>,
        %get3A_791 = arith.constant 0 : i32
        %get3A_792 = arith.index_cast %get3A_791 : i32 to index
        %get3A_793 = arith.index_cast %scan3A_768 : i32 to index
        %get3A_794 = arith.constant 16 : index
        %get3A_795 = tpu.vector_load %arg9[%get3A_792, %get3A_793, %get3A_794] {strides = array<i32>} : memref<8x40x64xf32, #tpu.memory_space<vmem>>, vector<1x1x16xf32>,
        %get3A_796 = vector.shape_cast %get3A_795 : vector<1x1x16xf32> to vector<16xf32>
        %mul3A_797 = arith.constant 8.000000e+00 : f32
        %mul3A_798 = vector.broadcast %mul3A_797 : f32 to vector<16xf32>
        %mul3A_799 = arith.mulf %get3A_796, %mul3A_798 : vector<16xf32>
        %add3A_800 = arith.addi %mul3A_233, %scan3A_768 : i32
        %get3A_801 = arith.index_cast %add3A_800 : i32 to index
        %get3A_802 = arith.constant 16 : index
        %get3A_803 = tpu.vector_load %arg8[%get3A_801, %get3A_802] {strides = array<i32>} : memref<200x64xf32, #tpu.memory_space<vmem>>, vector<1x16xf32>,
        %get3A_804 = vector.shape_cast %get3A_803 : vector<1x16xf32> to vector<16xf32>
        %add3A_805 = arith.addf %mul3A_799, %get3A_804 : vector<16xf32>
        %swap3A_806 = arith.constant 0 : i32
        %swap3A_807 = arith.index_cast %swap3A_806 : i32 to index
        %swap3A_808 = arith.index_cast %scan3A_768 : i32 to index
        %swap3A_809 = arith.constant 16 : index
        %swap3A_810 = tpu.vector_load %arg9[%swap3A_807, %swap3A_808, %swap3A_809] {strides = array<i32>} : memref<8x40x64xf32, #tpu.memory_space<vmem>>, vector<1x1x16xf32>,
        %swap3A_811 = vector.shape_cast %swap3A_810 : vector<1x1x16xf32> to vector<16xf32>
        %swap3A_812 = vector.shape_cast %add3A_805 : vector<16xf32> to vector<1x1x16xf32>
        tpu.vector_store %arg9[%swap3A_807, %swap3A_808, %swap3A_809], %swap3A_812 {strides = array<i32>} : memref<8x40x64xf32, #tpu.memory_space<vmem>>, vector<1x1x16xf32>,
        %get3A_813 = arith.constant 0 : i32
        %get3A_814 = arith.index_cast %get3A_813 : i32 to index
        %get3A_815 = arith.index_cast %scan3A_768 : i32 to index
        %get3A_816 = arith.constant 32 : index
        %get3A_817 = tpu.vector_load %arg9[%get3A_814, %get3A_815, %get3A_816] {strides = array<i32>} : memref<8x40x64xf32, #tpu.memory_space<vmem>>, vector<1x1x16xf32>,
        %get3A_818 = vector.shape_cast %get3A_817 : vector<1x1x16xf32> to vector<16xf32>
        %mul3A_819 = arith.constant 8.000000e+00 : f32
        %mul3A_820 = vector.broadcast %mul3A_819 : f32 to vector<16xf32>
        %mul3A_821 = arith.mulf %get3A_818, %mul3A_820 : vector<16xf32>
        %add3A_822 = arith.addi %mul3A_233, %scan3A_768 : i32
        %get3A_823 = arith.index_cast %add3A_822 : i32 to index
        %get3A_824 = arith.constant 32 : index
        %get3A_825 = tpu.vector_load %arg8[%get3A_823, %get3A_824] {strides = array<i32>} : memref<200x64xf32, #tpu.memory_space<vmem>>, vector<1x16xf32>,
        %get3A_826 = vector.shape_cast %get3A_825 : vector<1x16xf32> to vector<16xf32>
        %add3A_827 = arith.addf %mul3A_821, %get3A_826 : vector<16xf32>
        %swap3A_828 = arith.constant 0 : i32
        %swap3A_829 = arith.index_cast %swap3A_828 : i32 to index
        %swap3A_830 = arith.index_cast %scan3A_768 : i32 to index
        %swap3A_831 = arith.constant 32 : index
        %swap3A_832 = tpu.vector_load %arg9[%swap3A_829, %swap3A_830, %swap3A_831] {strides = array<i32>} : memref<8x40x64xf32, #tpu.memory_space<vmem>>, vector<1x1x16xf32>,
        %swap3A_833 = vector.shape_cast %swap3A_832 : vector<1x1x16xf32> to vector<16xf32>
        %swap3A_834 = vector.shape_cast %add3A_827 : vector<16xf32> to vector<1x1x16xf32>
        tpu.vector_store %arg9[%swap3A_829, %swap3A_830, %swap3A_831], %swap3A_834 {strides = array<i32>} : memref<8x40x64xf32, #tpu.memory_space<vmem>>, vector<1x1x16xf32>,
        %get3A_835 = arith.constant 0 : i32
        %get3A_836 = arith.index_cast %get3A_835 : i32 to index
        %get3A_837 = arith.index_cast %scan3A_768 : i32 to index
        %get3A_838 = arith.constant 48 : index
        %get3A_839 = tpu.vector_load %arg9[%get3A_836, %get3A_837, %get3A_838] {strides = array<i32>} : memref<8x40x64xf32, #tpu.memory_space<vmem>>, vector<1x1x16xf32>,
        %get3A_840 = vector.shape_cast %get3A_839 : vector<1x1x16xf32> to vector<16xf32>
        %mul3A_841 = arith.constant 8.000000e+00 : f32
        %mul3A_842 = vector.broadcast %mul3A_841 : f32 to vector<16xf32>
        %mul3A_843 = arith.mulf %get3A_840, %mul3A_842 : vector<16xf32>
        %add3A_844 = arith.addi %mul3A_233, %scan3A_768 : i32
        %get3A_845 = arith.index_cast %add3A_844 : i32 to index
        %get3A_846 = arith.constant 48 : index
        %get3A_847 = tpu.vector_load %arg8[%get3A_845, %get3A_846] {strides = array<i32>} : memref<200x64xf32, #tpu.memory_space<vmem>>, vector<1x16xf32>,
        %get3A_848 = vector.shape_cast %get3A_847 : vector<1x16xf32> to vector<16xf32>
        %add3A_849 = arith.addf %mul3A_843, %get3A_848 : vector<16xf32>
        %swap3A_850 = arith.constant 0 : i32
        %swap3A_851 = arith.index_cast %swap3A_850 : i32 to index
        %swap3A_852 = arith.index_cast %scan3A_768 : i32 to index
        %swap3A_853 = arith.constant 48 : index
        %swap3A_854 = tpu.vector_load %arg9[%swap3A_851, %swap3A_852, %swap3A_853] {strides = array<i32>} : memref<8x40x64xf32, #tpu.memory_space<vmem>>, vector<1x1x16xf32>,
        %swap3A_855 = vector.shape_cast %swap3A_854 : vector<1x1x16xf32> to vector<16xf32>
        %swap3A_856 = vector.shape_cast %add3A_849 : vector<16xf32> to vector<1x1x16xf32>
        tpu.vector_store %arg9[%swap3A_851, %swap3A_852, %swap3A_853], %swap3A_856 {strides = array<i32>} : memref<8x40x64xf32, #tpu.memory_space<vmem>>, vector<1x1x16xf32>,
        %scan3A_857 = arith.constant 0 : i32
        scf.yield %scan3A_857 : i32
      }
      %scan3A_240 = arith.constant 40 : i32
      %add3A_241 = arith.addi %mul3A_2, %div3A_230 : i32
      %dma_start3A_242 = arith.constant 0 : i32
      %dma_start3A_243 = arith.constant 0 : i32
      %dma_start3A_244 = arith.constant 0 : i32
      %dma_start3A_245 = tpu.memref_slice %arg9[%dma_start3A_242, %dma_start3A_243, %dma_start3A_244] : memref<8x40x64xf32, #tpu.memory_space<vmem>> -> memref<1x40x64xf32, #tpu.memory_space<vmem>>
      %dma_start3A_246 = tpu.memref_squeeze %dma_start3A_245 : memref<1x40x64xf32, #tpu.memory_space<vmem>> -> memref<40x64xf32, #tpu.memory_space<vmem>>
      %dma_start3A_247 = arith.constant 0 : i32
      %dma_start3A_248 = tpu.memref_slice %arg5[%add3A_241, %mul3A_233, %dma_start3A_247] : memref<1024x200x64xf32, #tpu.memory_space<hbm>> -> memref<1x40x64xf32, #tpu.memory_space<hbm>>
      %dma_start3A_249 = tpu.memref_squeeze %dma_start3A_248 : memref<1x40x64xf32, #tpu.memory_space<hbm>> -> memref<40x64xf32, #tpu.memory_space<hbm>>
      %dma_start3A_250 = arith.constant 0 : i32
      %dma_start3A_251 = tpu.memref_slice %arg5[%add3A_241, %mul3A_233, %dma_start3A_250] : memref<1024x200x64xf32, #tpu.memory_space<hbm>> -> memref<1x40x64xf32, #tpu.memory_space<hbm>>
      %dma_start3A_252 = tpu.memref_squeeze %dma_start3A_251 : memref<1x40x64xf32, #tpu.memory_space<hbm>> -> memref<40x64xf32, #tpu.memory_space<hbm>>
      %dma_start3A_253 = arith.constant 0 : i32
      %dma_start3A_254 = arith.constant 0 : i32
      %dma_start3A_255 = tpu.memref_slice %arg9[%dma_start3A_242, %dma_start3A_253, %dma_start3A_254] : memref<8x40x64xf32, #tpu.memory_space<vmem>> -> memref<1x40x64xf32, #tpu.memory_space<vmem>>
      %dma_start3A_256 = tpu.memref_squeeze %dma_start3A_255 : memref<1x40x64xf32, #tpu.memory_space<vmem>> -> memref<40x64xf32, #tpu.memory_space<vmem>>
      tpu.enqueue_dma source(%dma_start3A_256 : memref<40x64xf32, #tpu.memory_space<vmem>>) target(%dma_start3A_252 : memref<40x64xf32, #tpu.memory_space<hbm>>) target_semaphore(%arg11 : memref<!tpu.dma_semaphore, #tpu.memory_space<semaphore_mem>>)
      %add3A_257 = arith.constant 1 : i32
      %add3A_258 = arith.addi %mul3A_203, %add3A_257 : i32
      %add3A_259 = arith.constant 4 : i32
      %add3A_260 = arith.addi %add3A_258, %add3A_259 : i32
      %ge3A_261 = arith.constant 8 : i32
      %ge3A_262 = arith.cmpi sge, %add3A_260, %ge3A_261 : i32
      %lt3A_263 = arith.constant 160 : i32
      %lt3A_264 = arith.cmpi slt, %add3A_260, %lt3A_263 : i32
      %and3A_265 = arith.andi %ge3A_262, %lt3A_264 : i1
      %convert_element_type3A_266 = arith.extui %and3A_265 : i1 to i32
      %cond3A_267 = arith.constant 0 : i32
      %cond3A_268 = arith.cmpi ne, %convert_element_type3A_266, %cond3A_267 : i32
      scf.if %cond3A_268 {
        %dma_wait3A_678 = arith.constant 5 : i32
        %dma_wait3A_679 = arith.constant 0 : i32
        %dma_wait3A_680 = arith.constant 0 : i32
        %dma_wait3A_681 = arith.constant 0 : i32
        %dma_wait3A_682 = tpu.memref_slice %arg9[%dma_wait3A_678, %dma_wait3A_680, %dma_wait3A_681] : memref<8x40x64xf32, #tpu.memory_space<vmem>> -> memref<1x40x64xf32, #tpu.memory_space<vmem>>
        %dma_wait3A_683 = tpu.memref_squeeze %dma_wait3A_682 : memref<1x40x64xf32, #tpu.memory_space<vmem>> -> memref<40x64xf32, #tpu.memory_space<vmem>>
        %dma_wait3A_684 = arith.constant 0 : i32
        %dma_wait3A_685 = arith.constant 0 : i32
        %dma_wait3A_686 = tpu.memref_slice %arg5[%dma_wait3A_679, %dma_wait3A_684, %dma_wait3A_685] : memref<1024x200x64xf32, #tpu.memory_space<hbm>> -> memref<1x40x64xf32, #tpu.memory_space<hbm>>
        %dma_wait3A_687 = tpu.memref_squeeze %dma_wait3A_686 : memref<1x40x64xf32, #tpu.memory_space<hbm>> -> memref<40x64xf32, #tpu.memory_space<hbm>>
        %dma_wait3A_688 = arith.constant 0 : i32
        %dma_wait3A_689 = arith.constant 0 : i32
        %dma_wait3A_690 = tpu.memref_slice %arg5[%dma_wait3A_679, %dma_wait3A_688, %dma_wait3A_689] : memref<1024x200x64xf32, #tpu.memory_space<hbm>> -> memref<1x40x64xf32, #tpu.memory_space<hbm>>
        %dma_wait3A_691 = tpu.memref_squeeze %dma_wait3A_690 : memref<1x40x64xf32, #tpu.memory_space<hbm>> -> memref<40x64xf32, #tpu.memory_space<hbm>>
        %dma_wait3A_692 = arith.constant 0 : i32
        %dma_wait3A_693 = arith.constant 0 : i32
        %dma_wait3A_694 = tpu.memref_slice %arg9[%dma_wait3A_678, %dma_wait3A_692, %dma_wait3A_693] : memref<8x40x64xf32, #tpu.memory_space<vmem>> -> memref<1x40x64xf32, #tpu.memory_space<vmem>>
        %dma_wait3A_695 = tpu.memref_squeeze %dma_wait3A_694 : memref<1x40x64xf32, #tpu.memory_space<vmem>> -> memref<40x64xf32, #tpu.memory_space<vmem>>
        tpu.wait_dma2 semaphore(%arg11 : memref<!tpu.dma_semaphore, #tpu.memory_space<semaphore_mem>>) src(%dma_wait3A_695 : memref<40x64xf32, #tpu.memory_space<vmem>>) dst(%dma_wait3A_691 : memref<40x64xf32, #tpu.memory_space<hbm>>)
        %mul3A_696 = arith.constant 40 : i32
        %mul3A_697 = arith.muli %add3A_260, %mul3A_696 : i32
        %dma_start3A_698 = arith.constant 5 : i32
        %dma_start3A_699 = arith.constant 0 : i32
        %dma_start3A_700 = arith.constant 0 : i32
        %dma_start3A_701 = tpu.memref_slice %arg9[%dma_start3A_698, %dma_start3A_699, %dma_start3A_700] : memref<8x40x64xf32, #tpu.memory_space<vmem>> -> memref<1x40x64xf32, #tpu.memory_space<vmem>>
        %dma_start3A_702 = tpu.memref_squeeze %dma_start3A_701 : memref<1x40x64xf32, #tpu.memory_space<vmem>> -> memref<40x64xf32, #tpu.memory_space<vmem>>
        %dma_start3A_703 = tpu.memref_slice %arg7[%mul3A_697] : memref<6400xi32, #tpu.memory_space<vmem>> -> memref<40xi32, #tpu.memory_space<vmem>>
        %dma_start3A_704 = arith.constant 0 : i32
        %dma_start3A_705 = arith.constant 0 : i32
        %dma_start3A_706 = tpu.memref_slice %arg2[%dma_start3A_704, %dma_start3A_705] : memref<2000000x64xf32, #tpu.memory_space<hbm>> -> memref<2000000x64xf32, #tpu.memory_space<hbm>>
        tpu.enqueue_indirect_dma source(%dma_start3A_706 : memref<2000000x64xf32, #tpu.memory_space<hbm>>) target(%dma_start3A_702 : memref<40x64xf32, #tpu.memory_space<vmem>>) offsets(%dma_start3A_703 : memref<40xi32, #tpu.memory_space<vmem>>) semaphore(%arg10 : memref<!tpu.dma_semaphore, #tpu.memory_space<semaphore_mem>>)
      } else {
      }
      %ge3A_269 = arith.constant 4 : i32
      %ge3A_270 = arith.cmpi sge, %add3A_260, %ge3A_269 : i32
      %lt3A_271 = arith.constant 8 : i32
      %lt3A_272 = arith.cmpi slt, %add3A_260, %lt3A_271 : i32
      %and3A_273 = arith.andi %ge3A_270, %lt3A_272 : i1
      %convert_element_type3A_274 = arith.extui %and3A_273 : i1 to i32
      %cond3A_275 = arith.constant 0 : i32
      %cond3A_276 = arith.cmpi ne, %convert_element_type3A_274, %cond3A_275 : i32
      scf.if %cond3A_276 {
        %mul3A_678 = arith.constant 40 : i32
        %mul3A_679 = arith.muli %add3A_260, %mul3A_678 : i32
        %dma_start3A_680 = arith.constant 5 : i32
        %dma_start3A_681 = arith.constant 0 : i32
        %dma_start3A_682 = arith.constant 0 : i32
        %dma_start3A_683 = tpu.memref_slice %arg9[%dma_start3A_680, %dma_start3A_681, %dma_start3A_682] : memref<8x40x64xf32, #tpu.memory_space<vmem>> -> memref<1x40x64xf32, #tpu.memory_space<vmem>>
        %dma_start3A_684 = tpu.memref_squeeze %dma_start3A_683 : memref<1x40x64xf32, #tpu.memory_space<vmem>> -> memref<40x64xf32, #tpu.memory_space<vmem>>
        %dma_start3A_685 = tpu.memref_slice %arg7[%mul3A_679] : memref<6400xi32, #tpu.memory_space<vmem>> -> memref<40xi32, #tpu.memory_space<vmem>>
        %dma_start3A_686 = arith.constant 0 : i32
        %dma_start3A_687 = arith.constant 0 : i32
        %dma_start3A_688 = tpu.memref_slice %arg2[%dma_start3A_686, %dma_start3A_687] : memref<2000000x64xf32, #tpu.memory_space<hbm>> -> memref<2000000x64xf32, #tpu.memory_space<hbm>>
        tpu.enqueue_indirect_dma source(%dma_start3A_688 : memref<2000000x64xf32, #tpu.memory_space<hbm>>) target(%dma_start3A_684 : memref<40x64xf32, #tpu.memory_space<vmem>>) offsets(%dma_start3A_685 : memref<40xi32, #tpu.memory_space<vmem>>) semaphore(%arg10 : memref<!tpu.dma_semaphore, #tpu.memory_space<semaphore_mem>>)
      } else {
      }
      %mul3A_277 = arith.constant 40 : i32
      %mul3A_278 = arith.muli %add3A_258, %mul3A_277 : i32
      %dma_wait3A_279 = arith.constant 1 : i32
      %dma_wait3A_280 = arith.constant 0 : i32
      %dma_wait3A_281 = arith.constant 0 : i32
      %dma_wait3A_282 = tpu.memref_slice %arg9[%dma_wait3A_279, %dma_wait3A_280, %dma_wait3A_281] : memref<8x40x64xf32, #tpu.memory_space<vmem>> -> memref<1x40x64xf32, #tpu.memory_space<vmem>>
      %dma_wait3A_283 = tpu.memref_squeeze %dma_wait3A_282 : memref<1x40x64xf32, #tpu.memory_space<vmem>> -> memref<40x64xf32, #tpu.memory_space<vmem>>
      %dma_wait3A_284 = tpu.memref_slice %arg7[%mul3A_278] : memref<6400xi32, #tpu.memory_space<vmem>> -> memref<40xi32, #tpu.memory_space<vmem>>
      %dma_wait3A_285 = arith.constant 0 : i32
      %dma_wait3A_286 = arith.constant 0 : i32
      %dma_wait3A_287 = tpu.memref_slice %arg2[%dma_wait3A_285, %dma_wait3A_286] : memref<2000000x64xf32, #tpu.memory_space<hbm>> -> memref<2000000x64xf32, #tpu.memory_space<hbm>>
      tpu.wait_indirect_dma semaphore(%arg10 : memref<!tpu.dma_semaphore, #tpu.memory_space<semaphore_mem>>) src(%dma_wait3A_287 : memref<2000000x64xf32, #tpu.memory_space<hbm>>) dst(%dma_wait3A_283 : memref<40x64xf32, #tpu.memory_space<vmem>>)
      %div3A_288 = arith.constant 5 : i32
      %div3A_289 = arith.divsi %add3A_258, %div3A_288 : i32
      %rem3A_290 = arith.constant 5 : i32
      %rem3A_291 = arith.remsi %add3A_258, %rem3A_290 : i32
      %mul3A_292 = arith.constant 40 : i32
      %mul3A_293 = arith.muli %rem3A_291, %mul3A_292 : i32
      %scan3A_294 = arith.constant 0 : i32
      %scan3A_295 = arith.constant 0 : i32
      %scan3A_296 = arith.constant 40 : i32
      %scan3A_297 = arith.addi %scan3A_295, %scan3A_296 : i32
      %scan3A_298 = arith.constant 2 : i32
      %scan3A_299 = scf.for %scan3A_678 = %scan3A_295 to %scan3A_297 step %scan3A_298 iter_args(%scan3A_679 = %scan3A_294) -> (i32)  : i32 {
        %get3A = arith.constant 1 : i32
        %get3A_680 = arith.index_cast %get3A : i32 to index
        %get3A_681 = arith.index_cast %scan3A_678 : i32 to index
        %get3A_682 = arith.constant 0 : index
        %get3A_683 = tpu.vector_load %arg9[%get3A_680, %get3A_681, %get3A_682] {strides = array<i32>} : memref<8x40x64xf32, #tpu.memory_space<vmem>>, vector<1x1x16xf32>,
        %get3A_684 = vector.shape_cast %get3A_683 : vector<1x1x16xf32> to vector<16xf32>
        %mul3A_685 = arith.constant 8.000000e+00 : f32
        %mul3A_686 = vector.broadcast %mul3A_685 : f32 to vector<16xf32>
        %mul3A_687 = arith.mulf %get3A_684, %mul3A_686 : vector<16xf32>
        %add3A_688 = arith.addi %mul3A_293, %scan3A_678 : i32
        %get3A_689 = arith.index_cast %add3A_688 : i32 to index
        %get3A_690 = arith.constant 0 : index
        %get3A_691 = tpu.vector_load %arg8[%get3A_689, %get3A_690] {strides = array<i32>} : memref<200x64xf32, #tpu.memory_space<vmem>>, vector<1x16xf32>,
        %get3A_692 = vector.shape_cast %get3A_691 : vector<1x16xf32> to vector<16xf32>
        %add3A_693 = arith.addf %mul3A_687, %get3A_692 : vector<16xf32>
        %swap3A = arith.constant 1 : i32
        %swap3A_694 = arith.index_cast %swap3A : i32 to index
        %swap3A_695 = arith.index_cast %scan3A_678 : i32 to index
        %swap3A_696 = arith.constant 0 : index
        %swap3A_697 = tpu.vector_load %arg9[%swap3A_694, %swap3A_695, %swap3A_696] {strides = array<i32>} : memref<8x40x64xf32, #tpu.memory_space<vmem>>, vector<1x1x16xf32>,
        %swap3A_698 = vector.shape_cast %swap3A_697 : vector<1x1x16xf32> to vector<16xf32>
        %swap3A_699 = vector.shape_cast %add3A_693 : vector<16xf32> to vector<1x1x16xf32>
        tpu.vector_store %arg9[%swap3A_694, %swap3A_695, %swap3A_696], %swap3A_699 {strides = array<i32>} : memref<8x40x64xf32, #tpu.memory_space<vmem>>, vector<1x1x16xf32>,
        %get3A_700 = arith.constant 1 : i32
        %get3A_701 = arith.index_cast %get3A_700 : i32 to index
        %get3A_702 = arith.index_cast %scan3A_678 : i32 to index
        %get3A_703 = arith.constant 16 : index
        %get3A_704 = tpu.vector_load %arg9[%get3A_701, %get3A_702, %get3A_703] {strides = array<i32>} : memref<8x40x64xf32, #tpu.memory_space<vmem>>, vector<1x1x16xf32>,
        %get3A_705 = vector.shape_cast %get3A_704 : vector<1x1x16xf32> to vector<16xf32>
        %mul3A_706 = arith.constant 8.000000e+00 : f32
        %mul3A_707 = vector.broadcast %mul3A_706 : f32 to vector<16xf32>
        %mul3A_708 = arith.mulf %get3A_705, %mul3A_707 : vector<16xf32>
        %add3A_709 = arith.addi %mul3A_293, %scan3A_678 : i32
        %get3A_710 = arith.index_cast %add3A_709 : i32 to index
        %get3A_711 = arith.constant 16 : index
        %get3A_712 = tpu.vector_load %arg8[%get3A_710, %get3A_711] {strides = array<i32>} : memref<200x64xf32, #tpu.memory_space<vmem>>, vector<1x16xf32>,
        %get3A_713 = vector.shape_cast %get3A_712 : vector<1x16xf32> to vector<16xf32>
        %add3A_714 = arith.addf %mul3A_708, %get3A_713 : vector<16xf32>
        %swap3A_715 = arith.constant 1 : i32
        %swap3A_716 = arith.index_cast %swap3A_715 : i32 to index
        %swap3A_717 = arith.index_cast %scan3A_678 : i32 to index
        %swap3A_718 = arith.constant 16 : index
        %swap3A_719 = tpu.vector_load %arg9[%swap3A_716, %swap3A_717, %swap3A_718] {strides = array<i32>} : memref<8x40x64xf32, #tpu.memory_space<vmem>>, vector<1x1x16xf32>,
        %swap3A_720 = vector.shape_cast %swap3A_719 : vector<1x1x16xf32> to vector<16xf32>
        %swap3A_721 = vector.shape_cast %add3A_714 : vector<16xf32> to vector<1x1x16xf32>
        tpu.vector_store %arg9[%swap3A_716, %swap3A_717, %swap3A_718], %swap3A_721 {strides = array<i32>} : memref<8x40x64xf32, #tpu.memory_space<vmem>>, vector<1x1x16xf32>,
        %get3A_722 = arith.constant 1 : i32
        %get3A_723 = arith.index_cast %get3A_722 : i32 to index
        %get3A_724 = arith.index_cast %scan3A_678 : i32 to index
        %get3A_725 = arith.constant 32 : index
        %get3A_726 = tpu.vector_load %arg9[%get3A_723, %get3A_724, %get3A_725] {strides = array<i32>} : memref<8x40x64xf32, #tpu.memory_space<vmem>>, vector<1x1x16xf32>,
        %get3A_727 = vector.shape_cast %get3A_726 : vector<1x1x16xf32> to vector<16xf32>
        %mul3A_728 = arith.constant 8.000000e+00 : f32
        %mul3A_729 = vector.broadcast %mul3A_728 : f32 to vector<16xf32>
        %mul3A_730 = arith.mulf %get3A_727, %mul3A_729 : vector<16xf32>
        %add3A_731 = arith.addi %mul3A_293, %scan3A_678 : i32
        %get3A_732 = arith.index_cast %add3A_731 : i32 to index
        %get3A_733 = arith.constant 32 : index
        %get3A_734 = tpu.vector_load %arg8[%get3A_732, %get3A_733] {strides = array<i32>} : memref<200x64xf32, #tpu.memory_space<vmem>>, vector<1x16xf32>,
        %get3A_735 = vector.shape_cast %get3A_734 : vector<1x16xf32> to vector<16xf32>
        %add3A_736 = arith.addf %mul3A_730, %get3A_735 : vector<16xf32>
        %swap3A_737 = arith.constant 1 : i32
        %swap3A_738 = arith.index_cast %swap3A_737 : i32 to index
        %swap3A_739 = arith.index_cast %scan3A_678 : i32 to index
        %swap3A_740 = arith.constant 32 : index
        %swap3A_741 = tpu.vector_load %arg9[%swap3A_738, %swap3A_739, %swap3A_740] {strides = array<i32>} : memref<8x40x64xf32, #tpu.memory_space<vmem>>, vector<1x1x16xf32>,
        %swap3A_742 = vector.shape_cast %swap3A_741 : vector<1x1x16xf32> to vector<16xf32>
        %swap3A_743 = vector.shape_cast %add3A_736 : vector<16xf32> to vector<1x1x16xf32>
        tpu.vector_store %arg9[%swap3A_738, %swap3A_739, %swap3A_740], %swap3A_743 {strides = array<i32>} : memref<8x40x64xf32, #tpu.memory_space<vmem>>, vector<1x1x16xf32>,
        %get3A_744 = arith.constant 1 : i32
        %get3A_745 = arith.index_cast %get3A_744 : i32 to index
        %get3A_746 = arith.index_cast %scan3A_678 : i32 to index
        %get3A_747 = arith.constant 48 : index
        %get3A_748 = tpu.vector_load %arg9[%get3A_745, %get3A_746, %get3A_747] {strides = array<i32>} : memref<8x40x64xf32, #tpu.memory_space<vmem>>, vector<1x1x16xf32>,
        %get3A_749 = vector.shape_cast %get3A_748 : vector<1x1x16xf32> to vector<16xf32>
        %mul3A_750 = arith.constant 8.000000e+00 : f32
        %mul3A_751 = vector.broadcast %mul3A_750 : f32 to vector<16xf32>
        %mul3A_752 = arith.mulf %get3A_749, %mul3A_751 : vector<16xf32>
        %add3A_753 = arith.addi %mul3A_293, %scan3A_678 : i32
        %get3A_754 = arith.index_cast %add3A_753 : i32 to index
        %get3A_755 = arith.constant 48 : index
        %get3A_756 = tpu.vector_load %arg8[%get3A_754, %get3A_755] {strides = array<i32>} : memref<200x64xf32, #tpu.memory_space<vmem>>, vector<1x16xf32>,
        %get3A_757 = vector.shape_cast %get3A_756 : vector<1x16xf32> to vector<16xf32>
        %add3A_758 = arith.addf %mul3A_752, %get3A_757 : vector<16xf32>
        %swap3A_759 = arith.constant 1 : i32
        %swap3A_760 = arith.index_cast %swap3A_759 : i32 to index
        %swap3A_761 = arith.index_cast %scan3A_678 : i32 to index
        %swap3A_762 = arith.constant 48 : index
        %swap3A_763 = tpu.vector_load %arg9[%swap3A_760, %swap3A_761, %swap3A_762] {strides = array<i32>} : memref<8x40x64xf32, #tpu.memory_space<vmem>>, vector<1x1x16xf32>,
        %swap3A_764 = vector.shape_cast %swap3A_763 : vector<1x1x16xf32> to vector<16xf32>
        %swap3A_765 = vector.shape_cast %add3A_758 : vector<16xf32> to vector<1x1x16xf32>
        tpu.vector_store %arg9[%swap3A_760, %swap3A_761, %swap3A_762], %swap3A_765 {strides = array<i32>} : memref<8x40x64xf32, #tpu.memory_space<vmem>>, vector<1x1x16xf32>,
        %scan3A_766 = arith.constant 0 : i32
        %scan3A_767 = arith.constant 1 : i32
        %scan3A_768 = arith.addi %scan3A_678, %scan3A_767 : i32
        %get3A_769 = arith.constant 1 : i32
        %get3A_770 = arith.index_cast %get3A_769 : i32 to index
        %get3A_771 = arith.index_cast %scan3A_768 : i32 to index
        %get3A_772 = arith.constant 0 : index
        %get3A_773 = tpu.vector_load %arg9[%get3A_770, %get3A_771, %get3A_772] {strides = array<i32>} : memref<8x40x64xf32, #tpu.memory_space<vmem>>, vector<1x1x16xf32>,
        %get3A_774 = vector.shape_cast %get3A_773 : vector<1x1x16xf32> to vector<16xf32>
        %mul3A_775 = arith.constant 8.000000e+00 : f32
        %mul3A_776 = vector.broadcast %mul3A_775 : f32 to vector<16xf32>
        %mul3A_777 = arith.mulf %get3A_774, %mul3A_776 : vector<16xf32>
        %add3A_778 = arith.addi %mul3A_293, %scan3A_768 : i32
        %get3A_779 = arith.index_cast %add3A_778 : i32 to index
        %get3A_780 = arith.constant 0 : index
        %get3A_781 = tpu.vector_load %arg8[%get3A_779, %get3A_780] {strides = array<i32>} : memref<200x64xf32, #tpu.memory_space<vmem>>, vector<1x16xf32>,
        %get3A_782 = vector.shape_cast %get3A_781 : vector<1x16xf32> to vector<16xf32>
        %add3A_783 = arith.addf %mul3A_777, %get3A_782 : vector<16xf32>
        %swap3A_784 = arith.constant 1 : i32
        %swap3A_785 = arith.index_cast %swap3A_784 : i32 to index
        %swap3A_786 = arith.index_cast %scan3A_768 : i32 to index
        %swap3A_787 = arith.constant 0 : index
        %swap3A_788 = tpu.vector_load %arg9[%swap3A_785, %swap3A_786, %swap3A_787] {strides = array<i32>} : memref<8x40x64xf32, #tpu.memory_space<vmem>>, vector<1x1x16xf32>,
        %swap3A_789 = vector.shape_cast %swap3A_788 : vector<1x1x16xf32> to vector<16xf32>
        %swap3A_790 = vector.shape_cast %add3A_783 : vector<16xf32> to vector<1x1x16xf32>
        tpu.vector_store %arg9[%swap3A_785, %swap3A_786, %swap3A_787], %swap3A_790 {strides = array<i32>} : memref<8x40x64xf32, #tpu.memory_space<vmem>>, vector<1x1x16xf32>,
        %get3A_791 = arith.constant 1 : i32
        %get3A_792 = arith.index_cast %get3A_791 : i32 to index
        %get3A_793 = arith.index_cast %scan3A_768 : i32 to index
        %get3A_794 = arith.constant 16 : index
        %get3A_795 = tpu.vector_load %arg9[%get3A_792, %get3A_793, %get3A_794] {strides = array<i32>} : memref<8x40x64xf32, #tpu.memory_space<vmem>>, vector<1x1x16xf32>,
        %get3A_796 = vector.shape_cast %get3A_795 : vector<1x1x16xf32> to vector<16xf32>
        %mul3A_797 = arith.constant 8.000000e+00 : f32
        %mul3A_798 = vector.broadcast %mul3A_797 : f32 to vector<16xf32>
        %mul3A_799 = arith.mulf %get3A_796, %mul3A_798 : vector<16xf32>
        %add3A_800 = arith.addi %mul3A_293, %scan3A_768 : i32
        %get3A_801 = arith.index_cast %add3A_800 : i32 to index
        %get3A_802 = arith.constant 16 : index
        %get3A_803 = tpu.vector_load %arg8[%get3A_801, %get3A_802] {strides = array<i32>} : memref<200x64xf32, #tpu.memory_space<vmem>>, vector<1x16xf32>,
        %get3A_804 = vector.shape_cast %get3A_803 : vector<1x16xf32> to vector<16xf32>
        %add3A_805 = arith.addf %mul3A_799, %get3A_804 : vector<16xf32>
        %swap3A_806 = arith.constant 1 : i32
        %swap3A_807 = arith.index_cast %swap3A_806 : i32 to index
        %swap3A_808 = arith.index_cast %scan3A_768 : i32 to index
        %swap3A_809 = arith.constant 16 : index
        %swap3A_810 = tpu.vector_load %arg9[%swap3A_807, %swap3A_808, %swap3A_809] {strides = array<i32>} : memref<8x40x64xf32, #tpu.memory_space<vmem>>, vector<1x1x16xf32>,
        %swap3A_811 = vector.shape_cast %swap3A_810 : vector<1x1x16xf32> to vector<16xf32>
        %swap3A_812 = vector.shape_cast %add3A_805 : vector<16xf32> to vector<1x1x16xf32>
        tpu.vector_store %arg9[%swap3A_807, %swap3A_808, %swap3A_809], %swap3A_812 {strides = array<i32>} : memref<8x40x64xf32, #tpu.memory_space<vmem>>, vector<1x1x16xf32>,
        %get3A_813 = arith.constant 1 : i32
        %get3A_814 = arith.index_cast %get3A_813 : i32 to index
        %get3A_815 = arith.index_cast %scan3A_768 : i32 to index
        %get3A_816 = arith.constant 32 : index
        %get3A_817 = tpu.vector_load %arg9[%get3A_814, %get3A_815, %get3A_816] {strides = array<i32>} : memref<8x40x64xf32, #tpu.memory_space<vmem>>, vector<1x1x16xf32>,
        %get3A_818 = vector.shape_cast %get3A_817 : vector<1x1x16xf32> to vector<16xf32>
        %mul3A_819 = arith.constant 8.000000e+00 : f32
        %mul3A_820 = vector.broadcast %mul3A_819 : f32 to vector<16xf32>
        %mul3A_821 = arith.mulf %get3A_818, %mul3A_820 : vector<16xf32>
        %add3A_822 = arith.addi %mul3A_293, %scan3A_768 : i32
        %get3A_823 = arith.index_cast %add3A_822 : i32 to index
        %get3A_824 = arith.constant 32 : index
        %get3A_825 = tpu.vector_load %arg8[%get3A_823, %get3A_824] {strides = array<i32>} : memref<200x64xf32, #tpu.memory_space<vmem>>, vector<1x16xf32>,
        %get3A_826 = vector.shape_cast %get3A_825 : vector<1x16xf32> to vector<16xf32>
        %add3A_827 = arith.addf %mul3A_821, %get3A_826 : vector<16xf32>
        %swap3A_828 = arith.constant 1 : i32
        %swap3A_829 = arith.index_cast %swap3A_828 : i32 to index
        %swap3A_830 = arith.index_cast %scan3A_768 : i32 to index
        %swap3A_831 = arith.constant 32 : index
        %swap3A_832 = tpu.vector_load %arg9[%swap3A_829, %swap3A_830, %swap3A_831] {strides = array<i32>} : memref<8x40x64xf32, #tpu.memory_space<vmem>>, vector<1x1x16xf32>,
        %swap3A_833 = vector.shape_cast %swap3A_832 : vector<1x1x16xf32> to vector<16xf32>
        %swap3A_834 = vector.shape_cast %add3A_827 : vector<16xf32> to vector<1x1x16xf32>
        tpu.vector_store %arg9[%swap3A_829, %swap3A_830, %swap3A_831], %swap3A_834 {strides = array<i32>} : memref<8x40x64xf32, #tpu.memory_space<vmem>>, vector<1x1x16xf32>,
        %get3A_835 = arith.constant 1 : i32
        %get3A_836 = arith.index_cast %get3A_835 : i32 to index
        %get3A_837 = arith.index_cast %scan3A_768 : i32 to index
        %get3A_838 = arith.constant 48 : index
        %get3A_839 = tpu.vector_load %arg9[%get3A_836, %get3A_837, %get3A_838] {strides = array<i32>} : memref<8x40x64xf32, #tpu.memory_space<vmem>>, vector<1x1x16xf32>,
        %get3A_840 = vector.shape_cast %get3A_839 : vector<1x1x16xf32> to vector<16xf32>
        %mul3A_841 = arith.constant 8.000000e+00 : f32
        %mul3A_842 = vector.broadcast %mul3A_841 : f32 to vector<16xf32>
        %mul3A_843 = arith.mulf %get3A_840, %mul3A_842 : vector<16xf32>
        %add3A_844 = arith.addi %mul3A_293, %scan3A_768 : i32
        %get3A_845 = arith.index_cast %add3A_844 : i32 to index
        %get3A_846 = arith.constant 48 : index
        %get3A_847 = tpu.vector_load %arg8[%get3A_845, %get3A_846] {strides = array<i32>} : memref<200x64xf32, #tpu.memory_space<vmem>>, vector<1x16xf32>,
        %get3A_848 = vector.shape_cast %get3A_847 : vector<1x16xf32> to vector<16xf32>
        %add3A_849 = arith.addf %mul3A_843, %get3A_848 : vector<16xf32>
        %swap3A_850 = arith.constant 1 : i32
        %swap3A_851 = arith.index_cast %swap3A_850 : i32 to index
        %swap3A_852 = arith.index_cast %scan3A_768 : i32 to index
        %swap3A_853 = arith.constant 48 : index
        %swap3A_854 = tpu.vector_load %arg9[%swap3A_851, %swap3A_852, %swap3A_853] {strides = array<i32>} : memref<8x40x64xf32, #tpu.memory_space<vmem>>, vector<1x1x16xf32>,
        %swap3A_855 = vector.shape_cast %swap3A_854 : vector<1x1x16xf32> to vector<16xf32>
        %swap3A_856 = vector.shape_cast %add3A_849 : vector<16xf32> to vector<1x1x16xf32>
        tpu.vector_store %arg9[%swap3A_851, %swap3A_852, %swap3A_853], %swap3A_856 {strides = array<i32>} : memref<8x40x64xf32, #tpu.memory_space<vmem>>, vector<1x1x16xf32>,
        %scan3A_857 = arith.constant 0 : i32
        scf.yield %scan3A_857 : i32
      }
      %scan3A_300 = arith.constant 40 : i32
      %add3A_301 = arith.addi %mul3A_2, %div3A_289 : i32
      %dma_start3A_302 = arith.constant 1 : i32
      %dma_start3A_303 = arith.constant 0 : i32
      %dma_start3A_304 = arith.constant 0 : i32
      %dma_start3A_305 = tpu.memref_slice %arg9[%dma_start3A_302, %dma_start3A_303, %dma_start3A_304] : memref<8x40x64xf32, #tpu.memory_space<vmem>> -> memref<1x40x64xf32, #tpu.memory_space<vmem>>
      %dma_start3A_306 = tpu.memref_squeeze %dma_start3A_305 : memref<1x40x64xf32, #tpu.memory_space<vmem>> -> memref<40x64xf32, #tpu.memory_space<vmem>>
      %dma_start3A_307 = arith.constant 0 : i32
      %dma_start3A_308 = tpu.memref_slice %arg5[%add3A_301, %mul3A_293, %dma_start3A_307] : memref<1024x200x64xf32, #tpu.memory_space<hbm>> -> memref<1x40x64xf32, #tpu.memory_space<hbm>>
      %dma_start3A_309 = tpu.memref_squeeze %dma_start3A_308 : memref<1x40x64xf32, #tpu.memory_space<hbm>> -> memref<40x64xf32, #tpu.memory_space<hbm>>
      %dma_start3A_310 = arith.constant 0 : i32
      %dma_start3A_311 = tpu.memref_slice %arg5[%add3A_301, %mul3A_293, %dma_start3A_310] : memref<1024x200x64xf32, #tpu.memory_space<hbm>> -> memref<1x40x64xf32, #tpu.memory_space<hbm>>
      %dma_start3A_312 = tpu.memref_squeeze %dma_start3A_311 : memref<1x40x64xf32, #tpu.memory_space<hbm>> -> memref<40x64xf32, #tpu.memory_space<hbm>>
      %dma_start3A_313 = arith.constant 0 : i32
      %dma_start3A_314 = arith.constant 0 : i32
      %dma_start3A_315 = tpu.memref_slice %arg9[%dma_start3A_302, %dma_start3A_313, %dma_start3A_314] : memref<8x40x64xf32, #tpu.memory_space<vmem>> -> memref<1x40x64xf32, #tpu.memory_space<vmem>>
      %dma_start3A_316 = tpu.memref_squeeze %dma_start3A_315 : memref<1x40x64xf32, #tpu.memory_space<vmem>> -> memref<40x64xf32, #tpu.memory_space<vmem>>
      tpu.enqueue_dma source(%dma_start3A_316 : memref<40x64xf32, #tpu.memory_space<vmem>>) target(%dma_start3A_312 : memref<40x64xf32, #tpu.memory_space<hbm>>) target_semaphore(%arg11 : memref<!tpu.dma_semaphore, #tpu.memory_space<semaphore_mem>>)
      %add3A_317 = arith.constant 2 : i32
      %add3A_318 = arith.addi %mul3A_203, %add3A_317 : i32
      %add3A_319 = arith.constant 4 : i32
      %add3A_320 = arith.addi %add3A_318, %add3A_319 : i32
      %ge3A_321 = arith.constant 8 : i32
      %ge3A_322 = arith.cmpi sge, %add3A_320, %ge3A_321 : i32
      %lt3A_323 = arith.constant 160 : i32
      %lt3A_324 = arith.cmpi slt, %add3A_320, %lt3A_323 : i32
      %and3A_325 = arith.andi %ge3A_322, %lt3A_324 : i1
      %convert_element_type3A_326 = arith.extui %and3A_325 : i1 to i32
      %cond3A_327 = arith.constant 0 : i32
      %cond3A_328 = arith.cmpi ne, %convert_element_type3A_326, %cond3A_327 : i32
      scf.if %cond3A_328 {
        %dma_wait3A_678 = arith.constant 6 : i32
        %dma_wait3A_679 = arith.constant 0 : i32
        %dma_wait3A_680 = arith.constant 0 : i32
        %dma_wait3A_681 = arith.constant 0 : i32
        %dma_wait3A_682 = tpu.memref_slice %arg9[%dma_wait3A_678, %dma_wait3A_680, %dma_wait3A_681] : memref<8x40x64xf32, #tpu.memory_space<vmem>> -> memref<1x40x64xf32, #tpu.memory_space<vmem>>
        %dma_wait3A_683 = tpu.memref_squeeze %dma_wait3A_682 : memref<1x40x64xf32, #tpu.memory_space<vmem>> -> memref<40x64xf32, #tpu.memory_space<vmem>>
        %dma_wait3A_684 = arith.constant 0 : i32
        %dma_wait3A_685 = arith.constant 0 : i32
        %dma_wait3A_686 = tpu.memref_slice %arg5[%dma_wait3A_679, %dma_wait3A_684, %dma_wait3A_685] : memref<1024x200x64xf32, #tpu.memory_space<hbm>> -> memref<1x40x64xf32, #tpu.memory_space<hbm>>
        %dma_wait3A_687 = tpu.memref_squeeze %dma_wait3A_686 : memref<1x40x64xf32, #tpu.memory_space<hbm>> -> memref<40x64xf32, #tpu.memory_space<hbm>>
        %dma_wait3A_688 = arith.constant 0 : i32
        %dma_wait3A_689 = arith.constant 0 : i32
        %dma_wait3A_690 = tpu.memref_slice %arg5[%dma_wait3A_679, %dma_wait3A_688, %dma_wait3A_689] : memref<1024x200x64xf32, #tpu.memory_space<hbm>> -> memref<1x40x64xf32, #tpu.memory_space<hbm>>
        %dma_wait3A_691 = tpu.memref_squeeze %dma_wait3A_690 : memref<1x40x64xf32, #tpu.memory_space<hbm>> -> memref<40x64xf32, #tpu.memory_space<hbm>>
        %dma_wait3A_692 = arith.constant 0 : i32
        %dma_wait3A_693 = arith.constant 0 : i32
        %dma_wait3A_694 = tpu.memref_slice %arg9[%dma_wait3A_678, %dma_wait3A_692, %dma_wait3A_693] : memref<8x40x64xf32, #tpu.memory_space<vmem>> -> memref<1x40x64xf32, #tpu.memory_space<vmem>>
        %dma_wait3A_695 = tpu.memref_squeeze %dma_wait3A_694 : memref<1x40x64xf32, #tpu.memory_space<vmem>> -> memref<40x64xf32, #tpu.memory_space<vmem>>
        tpu.wait_dma2 semaphore(%arg11 : memref<!tpu.dma_semaphore, #tpu.memory_space<semaphore_mem>>) src(%dma_wait3A_695 : memref<40x64xf32, #tpu.memory_space<vmem>>) dst(%dma_wait3A_691 : memref<40x64xf32, #tpu.memory_space<hbm>>)
        %mul3A_696 = arith.constant 40 : i32
        %mul3A_697 = arith.muli %add3A_320, %mul3A_696 : i32
        %dma_start3A_698 = arith.constant 6 : i32
        %dma_start3A_699 = arith.constant 0 : i32
        %dma_start3A_700 = arith.constant 0 : i32
        %dma_start3A_701 = tpu.memref_slice %arg9[%dma_start3A_698, %dma_start3A_699, %dma_start3A_700] : memref<8x40x64xf32, #tpu.memory_space<vmem>> -> memref<1x40x64xf32, #tpu.memory_space<vmem>>
        %dma_start3A_702 = tpu.memref_squeeze %dma_start3A_701 : memref<1x40x64xf32, #tpu.memory_space<vmem>> -> memref<40x64xf32, #tpu.memory_space<vmem>>
        %dma_start3A_703 = tpu.memref_slice %arg7[%mul3A_697] : memref<6400xi32, #tpu.memory_space<vmem>> -> memref<40xi32, #tpu.memory_space<vmem>>
        %dma_start3A_704 = arith.constant 0 : i32
        %dma_start3A_705 = arith.constant 0 : i32
        %dma_start3A_706 = tpu.memref_slice %arg2[%dma_start3A_704, %dma_start3A_705] : memref<2000000x64xf32, #tpu.memory_space<hbm>> -> memref<2000000x64xf32, #tpu.memory_space<hbm>>
        tpu.enqueue_indirect_dma source(%dma_start3A_706 : memref<2000000x64xf32, #tpu.memory_space<hbm>>) target(%dma_start3A_702 : memref<40x64xf32, #tpu.memory_space<vmem>>) offsets(%dma_start3A_703 : memref<40xi32, #tpu.memory_space<vmem>>) semaphore(%arg10 : memref<!tpu.dma_semaphore, #tpu.memory_space<semaphore_mem>>)
      } else {
      }
      %ge3A_329 = arith.constant 4 : i32
      %ge3A_330 = arith.cmpi sge, %add3A_320, %ge3A_329 : i32
      %lt3A_331 = arith.constant 8 : i32
      %lt3A_332 = arith.cmpi slt, %add3A_320, %lt3A_331 : i32
      %and3A_333 = arith.andi %ge3A_330, %lt3A_332 : i1
      %convert_element_type3A_334 = arith.extui %and3A_333 : i1 to i32
      %cond3A_335 = arith.constant 0 : i32
      %cond3A_336 = arith.cmpi ne, %convert_element_type3A_334, %cond3A_335 : i32
      scf.if %cond3A_336 {
        %mul3A_678 = arith.constant 40 : i32
        %mul3A_679 = arith.muli %add3A_320, %mul3A_678 : i32
        %dma_start3A_680 = arith.constant 6 : i32
        %dma_start3A_681 = arith.constant 0 : i32
        %dma_start3A_682 = arith.constant 0 : i32
        %dma_start3A_683 = tpu.memref_slice %arg9[%dma_start3A_680, %dma_start3A_681, %dma_start3A_682] : memref<8x40x64xf32, #tpu.memory_space<vmem>> -> memref<1x40x64xf32, #tpu.memory_space<vmem>>
        %dma_start3A_684 = tpu.memref_squeeze %dma_start3A_683 : memref<1x40x64xf32, #tpu.memory_space<vmem>> -> memref<40x64xf32, #tpu.memory_space<vmem>>
        %dma_start3A_685 = tpu.memref_slice %arg7[%mul3A_679] : memref<6400xi32, #tpu.memory_space<vmem>> -> memref<40xi32, #tpu.memory_space<vmem>>
        %dma_start3A_686 = arith.constant 0 : i32
        %dma_start3A_687 = arith.constant 0 : i32
        %dma_start3A_688 = tpu.memref_slice %arg2[%dma_start3A_686, %dma_start3A_687] : memref<2000000x64xf32, #tpu.memory_space<hbm>> -> memref<2000000x64xf32, #tpu.memory_space<hbm>>
        tpu.enqueue_indirect_dma source(%dma_start3A_688 : memref<2000000x64xf32, #tpu.memory_space<hbm>>) target(%dma_start3A_684 : memref<40x64xf32, #tpu.memory_space<vmem>>) offsets(%dma_start3A_685 : memref<40xi32, #tpu.memory_space<vmem>>) semaphore(%arg10 : memref<!tpu.dma_semaphore, #tpu.memory_space<semaphore_mem>>)
      } else {
      }
      %mul3A_337 = arith.constant 40 : i32
      %mul3A_338 = arith.muli %add3A_318, %mul3A_337 : i32
      %dma_wait3A_339 = arith.constant 2 : i32
      %dma_wait3A_340 = arith.constant 0 : i32
      %dma_wait3A_341 = arith.constant 0 : i32
      %dma_wait3A_342 = tpu.memref_slice %arg9[%dma_wait3A_339, %dma_wait3A_340, %dma_wait3A_341] : memref<8x40x64xf32, #tpu.memory_space<vmem>> -> memref<1x40x64xf32, #tpu.memory_space<vmem>>
      %dma_wait3A_343 = tpu.memref_squeeze %dma_wait3A_342 : memref<1x40x64xf32, #tpu.memory_space<vmem>> -> memref<40x64xf32, #tpu.memory_space<vmem>>
      %dma_wait3A_344 = tpu.memref_slice %arg7[%mul3A_338] : memref<6400xi32, #tpu.memory_space<vmem>> -> memref<40xi32, #tpu.memory_space<vmem>>
      %dma_wait3A_345 = arith.constant 0 : i32
      %dma_wait3A_346 = arith.constant 0 : i32
      %dma_wait3A_347 = tpu.memref_slice %arg2[%dma_wait3A_345, %dma_wait3A_346] : memref<2000000x64xf32, #tpu.memory_space<hbm>> -> memref<2000000x64xf32, #tpu.memory_space<hbm>>
      tpu.wait_indirect_dma semaphore(%arg10 : memref<!tpu.dma_semaphore, #tpu.memory_space<semaphore_mem>>) src(%dma_wait3A_347 : memref<2000000x64xf32, #tpu.memory_space<hbm>>) dst(%dma_wait3A_343 : memref<40x64xf32, #tpu.memory_space<vmem>>)
      %div3A_348 = arith.constant 5 : i32
      %div3A_349 = arith.divsi %add3A_318, %div3A_348 : i32
      %rem3A_350 = arith.constant 5 : i32
      %rem3A_351 = arith.remsi %add3A_318, %rem3A_350 : i32
      %mul3A_352 = arith.constant 40 : i32
      %mul3A_353 = arith.muli %rem3A_351, %mul3A_352 : i32
      %scan3A_354 = arith.constant 0 : i32
      %scan3A_355 = arith.constant 0 : i32
      %scan3A_356 = arith.constant 40 : i32
      %scan3A_357 = arith.addi %scan3A_355, %scan3A_356 : i32
      %scan3A_358 = arith.constant 2 : i32
      %scan3A_359 = scf.for %scan3A_678 = %scan3A_355 to %scan3A_357 step %scan3A_358 iter_args(%scan3A_679 = %scan3A_354) -> (i32)  : i32 {
        %get3A = arith.constant 2 : i32
        %get3A_680 = arith.index_cast %get3A : i32 to index
        %get3A_681 = arith.index_cast %scan3A_678 : i32 to index
        %get3A_682 = arith.constant 0 : index
        %get3A_683 = tpu.vector_load %arg9[%get3A_680, %get3A_681, %get3A_682] {strides = array<i32>} : memref<8x40x64xf32, #tpu.memory_space<vmem>>, vector<1x1x16xf32>,
        %get3A_684 = vector.shape_cast %get3A_683 : vector<1x1x16xf32> to vector<16xf32>
        %mul3A_685 = arith.constant 8.000000e+00 : f32
        %mul3A_686 = vector.broadcast %mul3A_685 : f32 to vector<16xf32>
        %mul3A_687 = arith.mulf %get3A_684, %mul3A_686 : vector<16xf32>
        %add3A_688 = arith.addi %mul3A_353, %scan3A_678 : i32
        %get3A_689 = arith.index_cast %add3A_688 : i32 to index
        %get3A_690 = arith.constant 0 : index
        %get3A_691 = tpu.vector_load %arg8[%get3A_689, %get3A_690] {strides = array<i32>} : memref<200x64xf32, #tpu.memory_space<vmem>>, vector<1x16xf32>,
        %get3A_692 = vector.shape_cast %get3A_691 : vector<1x16xf32> to vector<16xf32>
        %add3A_693 = arith.addf %mul3A_687, %get3A_692 : vector<16xf32>
        %swap3A = arith.constant 2 : i32
        %swap3A_694 = arith.index_cast %swap3A : i32 to index
        %swap3A_695 = arith.index_cast %scan3A_678 : i32 to index
        %swap3A_696 = arith.constant 0 : index
        %swap3A_697 = tpu.vector_load %arg9[%swap3A_694, %swap3A_695, %swap3A_696] {strides = array<i32>} : memref<8x40x64xf32, #tpu.memory_space<vmem>>, vector<1x1x16xf32>,
        %swap3A_698 = vector.shape_cast %swap3A_697 : vector<1x1x16xf32> to vector<16xf32>
        %swap3A_699 = vector.shape_cast %add3A_693 : vector<16xf32> to vector<1x1x16xf32>
        tpu.vector_store %arg9[%swap3A_694, %swap3A_695, %swap3A_696], %swap3A_699 {strides = array<i32>} : memref<8x40x64xf32, #tpu.memory_space<vmem>>, vector<1x1x16xf32>,
        %get3A_700 = arith.constant 2 : i32
        %get3A_701 = arith.index_cast %get3A_700 : i32 to index
        %get3A_702 = arith.index_cast %scan3A_678 : i32 to index
        %get3A_703 = arith.constant 16 : index
        %get3A_704 = tpu.vector_load %arg9[%get3A_701, %get3A_702, %get3A_703] {strides = array<i32>} : memref<8x40x64xf32, #tpu.memory_space<vmem>>, vector<1x1x16xf32>,
        %get3A_705 = vector.shape_cast %get3A_704 : vector<1x1x16xf32> to vector<16xf32>
        %mul3A_706 = arith.constant 8.000000e+00 : f32
        %mul3A_707 = vector.broadcast %mul3A_706 : f32 to vector<16xf32>
        %mul3A_708 = arith.mulf %get3A_705, %mul3A_707 : vector<16xf32>
        %add3A_709 = arith.addi %mul3A_353, %scan3A_678 : i32
        %get3A_710 = arith.index_cast %add3A_709 : i32 to index
        %get3A_711 = arith.constant 16 : index
        %get3A_712 = tpu.vector_load %arg8[%get3A_710, %get3A_711] {strides = array<i32>} : memref<200x64xf32, #tpu.memory_space<vmem>>, vector<1x16xf32>,
        %get3A_713 = vector.shape_cast %get3A_712 : vector<1x16xf32> to vector<16xf32>
        %add3A_714 = arith.addf %mul3A_708, %get3A_713 : vector<16xf32>
        %swap3A_715 = arith.constant 2 : i32
        %swap3A_716 = arith.index_cast %swap3A_715 : i32 to index
        %swap3A_717 = arith.index_cast %scan3A_678 : i32 to index
        %swap3A_718 = arith.constant 16 : index
        %swap3A_719 = tpu.vector_load %arg9[%swap3A_716, %swap3A_717, %swap3A_718] {strides = array<i32>} : memref<8x40x64xf32, #tpu.memory_space<vmem>>, vector<1x1x16xf32>,
        %swap3A_720 = vector.shape_cast %swap3A_719 : vector<1x1x16xf32> to vector<16xf32>
        %swap3A_721 = vector.shape_cast %add3A_714 : vector<16xf32> to vector<1x1x16xf32>
        tpu.vector_store %arg9[%swap3A_716, %swap3A_717, %swap3A_718], %swap3A_721 {strides = array<i32>} : memref<8x40x64xf32, #tpu.memory_space<vmem>>, vector<1x1x16xf32>,
        %get3A_722 = arith.constant 2 : i32
        %get3A_723 = arith.index_cast %get3A_722 : i32 to index
        %get3A_724 = arith.index_cast %scan3A_678 : i32 to index
        %get3A_725 = arith.constant 32 : index
        %get3A_726 = tpu.vector_load %arg9[%get3A_723, %get3A_724, %get3A_725] {strides = array<i32>} : memref<8x40x64xf32, #tpu.memory_space<vmem>>, vector<1x1x16xf32>,
        %get3A_727 = vector.shape_cast %get3A_726 : vector<1x1x16xf32> to vector<16xf32>
        %mul3A_728 = arith.constant 8.000000e+00 : f32
        %mul3A_729 = vector.broadcast %mul3A_728 : f32 to vector<16xf32>
        %mul3A_730 = arith.mulf %get3A_727, %mul3A_729 : vector<16xf32>
        %add3A_731 = arith.addi %mul3A_353, %scan3A_678 : i32
        %get3A_732 = arith.index_cast %add3A_731 : i32 to index
        %get3A_733 = arith.constant 32 : index
        %get3A_734 = tpu.vector_load %arg8[%get3A_732, %get3A_733] {strides = array<i32>} : memref<200x64xf32, #tpu.memory_space<vmem>>, vector<1x16xf32>,
        %get3A_735 = vector.shape_cast %get3A_734 : vector<1x16xf32> to vector<16xf32>
        %add3A_736 = arith.addf %mul3A_730, %get3A_735 : vector<16xf32>
        %swap3A_737 = arith.constant 2 : i32
        %swap3A_738 = arith.index_cast %swap3A_737 : i32 to index
        %swap3A_739 = arith.index_cast %scan3A_678 : i32 to index
        %swap3A_740 = arith.constant 32 : index
        %swap3A_741 = tpu.vector_load %arg9[%swap3A_738, %swap3A_739, %swap3A_740] {strides = array<i32>} : memref<8x40x64xf32, #tpu.memory_space<vmem>>, vector<1x1x16xf32>,
        %swap3A_742 = vector.shape_cast %swap3A_741 : vector<1x1x16xf32> to vector<16xf32>
        %swap3A_743 = vector.shape_cast %add3A_736 : vector<16xf32> to vector<1x1x16xf32>
        tpu.vector_store %arg9[%swap3A_738, %swap3A_739, %swap3A_740], %swap3A_743 {strides = array<i32>} : memref<8x40x64xf32, #tpu.memory_space<vmem>>, vector<1x1x16xf32>,
        %get3A_744 = arith.constant 2 : i32
        %get3A_745 = arith.index_cast %get3A_744 : i32 to index
        %get3A_746 = arith.index_cast %scan3A_678 : i32 to index
        %get3A_747 = arith.constant 48 : index
        %get3A_748 = tpu.vector_load %arg9[%get3A_745, %get3A_746, %get3A_747] {strides = array<i32>} : memref<8x40x64xf32, #tpu.memory_space<vmem>>, vector<1x1x16xf32>,
        %get3A_749 = vector.shape_cast %get3A_748 : vector<1x1x16xf32> to vector<16xf32>
        %mul3A_750 = arith.constant 8.000000e+00 : f32
        %mul3A_751 = vector.broadcast %mul3A_750 : f32 to vector<16xf32>
        %mul3A_752 = arith.mulf %get3A_749, %mul3A_751 : vector<16xf32>
        %add3A_753 = arith.addi %mul3A_353, %scan3A_678 : i32
        %get3A_754 = arith.index_cast %add3A_753 : i32 to index
        %get3A_755 = arith.constant 48 : index
        %get3A_756 = tpu.vector_load %arg8[%get3A_754, %get3A_755] {strides = array<i32>} : memref<200x64xf32, #tpu.memory_space<vmem>>, vector<1x16xf32>,
        %get3A_757 = vector.shape_cast %get3A_756 : vector<1x16xf32> to vector<16xf32>
        %add3A_758 = arith.addf %mul3A_752, %get3A_757 : vector<16xf32>
        %swap3A_759 = arith.constant 2 : i32
        %swap3A_760 = arith.index_cast %swap3A_759 : i32 to index
        %swap3A_761 = arith.index_cast %scan3A_678 : i32 to index
        %swap3A_762 = arith.constant 48 : index
        %swap3A_763 = tpu.vector_load %arg9[%swap3A_760, %swap3A_761, %swap3A_762] {strides = array<i32>} : memref<8x40x64xf32, #tpu.memory_space<vmem>>, vector<1x1x16xf32>,
        %swap3A_764 = vector.shape_cast %swap3A_763 : vector<1x1x16xf32> to vector<16xf32>
        %swap3A_765 = vector.shape_cast %add3A_758 : vector<16xf32> to vector<1x1x16xf32>
        tpu.vector_store %arg9[%swap3A_760, %swap3A_761, %swap3A_762], %swap3A_765 {strides = array<i32>} : memref<8x40x64xf32, #tpu.memory_space<vmem>>, vector<1x1x16xf32>,
        %scan3A_766 = arith.constant 0 : i32
        %scan3A_767 = arith.constant 1 : i32
        %scan3A_768 = arith.addi %scan3A_678, %scan3A_767 : i32
        %get3A_769 = arith.constant 2 : i32
        %get3A_770 = arith.index_cast %get3A_769 : i32 to index
        %get3A_771 = arith.index_cast %scan3A_768 : i32 to index
        %get3A_772 = arith.constant 0 : index
        %get3A_773 = tpu.vector_load %arg9[%get3A_770, %get3A_771, %get3A_772] {strides = array<i32>} : memref<8x40x64xf32, #tpu.memory_space<vmem>>, vector<1x1x16xf32>,
        %get3A_774 = vector.shape_cast %get3A_773 : vector<1x1x16xf32> to vector<16xf32>
        %mul3A_775 = arith.constant 8.000000e+00 : f32
        %mul3A_776 = vector.broadcast %mul3A_775 : f32 to vector<16xf32>
        %mul3A_777 = arith.mulf %get3A_774, %mul3A_776 : vector<16xf32>
        %add3A_778 = arith.addi %mul3A_353, %scan3A_768 : i32
        %get3A_779 = arith.index_cast %add3A_778 : i32 to index
        %get3A_780 = arith.constant 0 : index
        %get3A_781 = tpu.vector_load %arg8[%get3A_779, %get3A_780] {strides = array<i32>} : memref<200x64xf32, #tpu.memory_space<vmem>>, vector<1x16xf32>,
        %get3A_782 = vector.shape_cast %get3A_781 : vector<1x16xf32> to vector<16xf32>
        %add3A_783 = arith.addf %mul3A_777, %get3A_782 : vector<16xf32>
        %swap3A_784 = arith.constant 2 : i32
        %swap3A_785 = arith.index_cast %swap3A_784 : i32 to index
        %swap3A_786 = arith.index_cast %scan3A_768 : i32 to index
        %swap3A_787 = arith.constant 0 : index
        %swap3A_788 = tpu.vector_load %arg9[%swap3A_785, %swap3A_786, %swap3A_787] {strides = array<i32>} : memref<8x40x64xf32, #tpu.memory_space<vmem>>, vector<1x1x16xf32>,
        %swap3A_789 = vector.shape_cast %swap3A_788 : vector<1x1x16xf32> to vector<16xf32>
        %swap3A_790 = vector.shape_cast %add3A_783 : vector<16xf32> to vector<1x1x16xf32>
        tpu.vector_store %arg9[%swap3A_785, %swap3A_786, %swap3A_787], %swap3A_790 {strides = array<i32>} : memref<8x40x64xf32, #tpu.memory_space<vmem>>, vector<1x1x16xf32>,
        %get3A_791 = arith.constant 2 : i32
        %get3A_792 = arith.index_cast %get3A_791 : i32 to index
        %get3A_793 = arith.index_cast %scan3A_768 : i32 to index
        %get3A_794 = arith.constant 16 : index
        %get3A_795 = tpu.vector_load %arg9[%get3A_792, %get3A_793, %get3A_794] {strides = array<i32>} : memref<8x40x64xf32, #tpu.memory_space<vmem>>, vector<1x1x16xf32>,
        %get3A_796 = vector.shape_cast %get3A_795 : vector<1x1x16xf32> to vector<16xf32>
        %mul3A_797 = arith.constant 8.000000e+00 : f32
        %mul3A_798 = vector.broadcast %mul3A_797 : f32 to vector<16xf32>
        %mul3A_799 = arith.mulf %get3A_796, %mul3A_798 : vector<16xf32>
        %add3A_800 = arith.addi %mul3A_353, %scan3A_768 : i32
        %get3A_801 = arith.index_cast %add3A_800 : i32 to index
        %get3A_802 = arith.constant 16 : index
        %get3A_803 = tpu.vector_load %arg8[%get3A_801, %get3A_802] {strides = array<i32>} : memref<200x64xf32, #tpu.memory_space<vmem>>, vector<1x16xf32>,
        %get3A_804 = vector.shape_cast %get3A_803 : vector<1x16xf32> to vector<16xf32>
        %add3A_805 = arith.addf %mul3A_799, %get3A_804 : vector<16xf32>
        %swap3A_806 = arith.constant 2 : i32
        %swap3A_807 = arith.index_cast %swap3A_806 : i32 to index
        %swap3A_808 = arith.index_cast %scan3A_768 : i32 to index
        %swap3A_809 = arith.constant 16 : index
        %swap3A_810 = tpu.vector_load %arg9[%swap3A_807, %swap3A_808, %swap3A_809] {strides = array<i32>} : memref<8x40x64xf32, #tpu.memory_space<vmem>>, vector<1x1x16xf32>,
        %swap3A_811 = vector.shape_cast %swap3A_810 : vector<1x1x16xf32> to vector<16xf32>
        %swap3A_812 = vector.shape_cast %add3A_805 : vector<16xf32> to vector<1x1x16xf32>
        tpu.vector_store %arg9[%swap3A_807, %swap3A_808, %swap3A_809], %swap3A_812 {strides = array<i32>} : memref<8x40x64xf32, #tpu.memory_space<vmem>>, vector<1x1x16xf32>,
        %get3A_813 = arith.constant 2 : i32
        %get3A_814 = arith.index_cast %get3A_813 : i32 to index
        %get3A_815 = arith.index_cast %scan3A_768 : i32 to index
        %get3A_816 = arith.constant 32 : index
        %get3A_817 = tpu.vector_load %arg9[%get3A_814, %get3A_815, %get3A_816] {strides = array<i32>} : memref<8x40x64xf32, #tpu.memory_space<vmem>>, vector<1x1x16xf32>,
        %get3A_818 = vector.shape_cast %get3A_817 : vector<1x1x16xf32> to vector<16xf32>
        %mul3A_819 = arith.constant 8.000000e+00 : f32
        %mul3A_820 = vector.broadcast %mul3A_819 : f32 to vector<16xf32>
        %mul3A_821 = arith.mulf %get3A_818, %mul3A_820 : vector<16xf32>
        %add3A_822 = arith.addi %mul3A_353, %scan3A_768 : i32
        %get3A_823 = arith.index_cast %add3A_822 : i32 to index
        %get3A_824 = arith.constant 32 : index
        %get3A_825 = tpu.vector_load %arg8[%get3A_823, %get3A_824] {strides = array<i32>} : memref<200x64xf32, #tpu.memory_space<vmem>>, vector<1x16xf32>,
        %get3A_826 = vector.shape_cast %get3A_825 : vector<1x16xf32> to vector<16xf32>
        %add3A_827 = arith.addf %mul3A_821, %get3A_826 : vector<16xf32>
        %swap3A_828 = arith.constant 2 : i32
        %swap3A_829 = arith.index_cast %swap3A_828 : i32 to index
        %swap3A_830 = arith.index_cast %scan3A_768 : i32 to index
        %swap3A_831 = arith.constant 32 : index
        %swap3A_832 = tpu.vector_load %arg9[%swap3A_829, %swap3A_830, %swap3A_831] {strides = array<i32>} : memref<8x40x64xf32, #tpu.memory_space<vmem>>, vector<1x1x16xf32>,
        %swap3A_833 = vector.shape_cast %swap3A_832 : vector<1x1x16xf32> to vector<16xf32>
        %swap3A_834 = vector.shape_cast %add3A_827 : vector<16xf32> to vector<1x1x16xf32>
        tpu.vector_store %arg9[%swap3A_829, %swap3A_830, %swap3A_831], %swap3A_834 {strides = array<i32>} : memref<8x40x64xf32, #tpu.memory_space<vmem>>, vector<1x1x16xf32>,
        %get3A_835 = arith.constant 2 : i32
        %get3A_836 = arith.index_cast %get3A_835 : i32 to index
        %get3A_837 = arith.index_cast %scan3A_768 : i32 to index
        %get3A_838 = arith.constant 48 : index
        %get3A_839 = tpu.vector_load %arg9[%get3A_836, %get3A_837, %get3A_838] {strides = array<i32>} : memref<8x40x64xf32, #tpu.memory_space<vmem>>, vector<1x1x16xf32>,
        %get3A_840 = vector.shape_cast %get3A_839 : vector<1x1x16xf32> to vector<16xf32>
        %mul3A_841 = arith.constant 8.000000e+00 : f32
        %mul3A_842 = vector.broadcast %mul3A_841 : f32 to vector<16xf32>
        %mul3A_843 = arith.mulf %get3A_840, %mul3A_842 : vector<16xf32>
        %add3A_844 = arith.addi %mul3A_353, %scan3A_768 : i32
        %get3A_845 = arith.index_cast %add3A_844 : i32 to index
        %get3A_846 = arith.constant 48 : index
        %get3A_847 = tpu.vector_load %arg8[%get3A_845, %get3A_846] {strides = array<i32>} : memref<200x64xf32, #tpu.memory_space<vmem>>, vector<1x16xf32>,
        %get3A_848 = vector.shape_cast %get3A_847 : vector<1x16xf32> to vector<16xf32>
        %add3A_849 = arith.addf %mul3A_843, %get3A_848 : vector<16xf32>
        %swap3A_850 = arith.constant 2 : i32
        %swap3A_851 = arith.index_cast %swap3A_850 : i32 to index
        %swap3A_852 = arith.index_cast %scan3A_768 : i32 to index
        %swap3A_853 = arith.constant 48 : index
        %swap3A_854 = tpu.vector_load %arg9[%swap3A_851, %swap3A_852, %swap3A_853] {strides = array<i32>} : memref<8x40x64xf32, #tpu.memory_space<vmem>>, vector<1x1x16xf32>,
        %swap3A_855 = vector.shape_cast %swap3A_854 : vector<1x1x16xf32> to vector<16xf32>
        %swap3A_856 = vector.shape_cast %add3A_849 : vector<16xf32> to vector<1x1x16xf32>
        tpu.vector_store %arg9[%swap3A_851, %swap3A_852, %swap3A_853], %swap3A_856 {strides = array<i32>} : memref<8x40x64xf32, #tpu.memory_space<vmem>>, vector<1x1x16xf32>,
        %scan3A_857 = arith.constant 0 : i32
        scf.yield %scan3A_857 : i32
      }
      %scan3A_360 = arith.constant 40 : i32
      %add3A_361 = arith.addi %mul3A_2, %div3A_349 : i32
      %dma_start3A_362 = arith.constant 2 : i32
      %dma_start3A_363 = arith.constant 0 : i32
      %dma_start3A_364 = arith.constant 0 : i32
      %dma_start3A_365 = tpu.memref_slice %arg9[%dma_start3A_362, %dma_start3A_363, %dma_start3A_364] : memref<8x40x64xf32, #tpu.memory_space<vmem>> -> memref<1x40x64xf32, #tpu.memory_space<vmem>>
      %dma_start3A_366 = tpu.memref_squeeze %dma_start3A_365 : memref<1x40x64xf32, #tpu.memory_space<vmem>> -> memref<40x64xf32, #tpu.memory_space<vmem>>
      %dma_start3A_367 = arith.constant 0 : i32
      %dma_start3A_368 = tpu.memref_slice %arg5[%add3A_361, %mul3A_353, %dma_start3A_367] : memref<1024x200x64xf32, #tpu.memory_space<hbm>> -> memref<1x40x64xf32, #tpu.memory_space<hbm>>
      %dma_start3A_369 = tpu.memref_squeeze %dma_start3A_368 : memref<1x40x64xf32, #tpu.memory_space<hbm>> -> memref<40x64xf32, #tpu.memory_space<hbm>>
      %dma_start3A_370 = arith.constant 0 : i32
      %dma_start3A_371 = tpu.memref_slice %arg5[%add3A_361, %mul3A_353, %dma_start3A_370] : memref<1024x200x64xf32, #tpu.memory_space<hbm>> -> memref<1x40x64xf32, #tpu.memory_space<hbm>>
      %dma_start3A_372 = tpu.memref_squeeze %dma_start3A_371 : memref<1x40x64xf32, #tpu.memory_space<hbm>> -> memref<40x64xf32, #tpu.memory_space<hbm>>
      %dma_start3A_373 = arith.constant 0 : i32
      %dma_start3A_374 = arith.constant 0 : i32
      %dma_start3A_375 = tpu.memref_slice %arg9[%dma_start3A_362, %dma_start3A_373, %dma_start3A_374] : memref<8x40x64xf32, #tpu.memory_space<vmem>> -> memref<1x40x64xf32, #tpu.memory_space<vmem>>
      %dma_start3A_376 = tpu.memref_squeeze %dma_start3A_375 : memref<1x40x64xf32, #tpu.memory_space<vmem>> -> memref<40x64xf32, #tpu.memory_space<vmem>>
      tpu.enqueue_dma source(%dma_start3A_376 : memref<40x64xf32, #tpu.memory_space<vmem>>) target(%dma_start3A_372 : memref<40x64xf32, #tpu.memory_space<hbm>>) target_semaphore(%arg11 : memref<!tpu.dma_semaphore, #tpu.memory_space<semaphore_mem>>)
      %add3A_377 = arith.constant 3 : i32
      %add3A_378 = arith.addi %mul3A_203, %add3A_377 : i32
      %add3A_379 = arith.constant 4 : i32
      %add3A_380 = arith.addi %add3A_378, %add3A_379 : i32
      %ge3A_381 = arith.constant 8 : i32
      %ge3A_382 = arith.cmpi sge, %add3A_380, %ge3A_381 : i32
      %lt3A_383 = arith.constant 160 : i32
      %lt3A_384 = arith.cmpi slt, %add3A_380, %lt3A_383 : i32
      %and3A_385 = arith.andi %ge3A_382, %lt3A_384 : i1
      %convert_element_type3A_386 = arith.extui %and3A_385 : i1 to i32
      %cond3A_387 = arith.constant 0 : i32
      %cond3A_388 = arith.cmpi ne, %convert_element_type3A_386, %cond3A_387 : i32
      scf.if %cond3A_388 {
        %dma_wait3A_678 = arith.constant 7 : i32
        %dma_wait3A_679 = arith.constant 0 : i32
        %dma_wait3A_680 = arith.constant 0 : i32
        %dma_wait3A_681 = arith.constant 0 : i32
        %dma_wait3A_682 = tpu.memref_slice %arg9[%dma_wait3A_678, %dma_wait3A_680, %dma_wait3A_681] : memref<8x40x64xf32, #tpu.memory_space<vmem>> -> memref<1x40x64xf32, #tpu.memory_space<vmem>>
        %dma_wait3A_683 = tpu.memref_squeeze %dma_wait3A_682 : memref<1x40x64xf32, #tpu.memory_space<vmem>> -> memref<40x64xf32, #tpu.memory_space<vmem>>
        %dma_wait3A_684 = arith.constant 0 : i32
        %dma_wait3A_685 = arith.constant 0 : i32
        %dma_wait3A_686 = tpu.memref_slice %arg5[%dma_wait3A_679, %dma_wait3A_684, %dma_wait3A_685] : memref<1024x200x64xf32, #tpu.memory_space<hbm>> -> memref<1x40x64xf32, #tpu.memory_space<hbm>>
        %dma_wait3A_687 = tpu.memref_squeeze %dma_wait3A_686 : memref<1x40x64xf32, #tpu.memory_space<hbm>> -> memref<40x64xf32, #tpu.memory_space<hbm>>
        %dma_wait3A_688 = arith.constant 0 : i32
        %dma_wait3A_689 = arith.constant 0 : i32
        %dma_wait3A_690 = tpu.memref_slice %arg5[%dma_wait3A_679, %dma_wait3A_688, %dma_wait3A_689] : memref<1024x200x64xf32, #tpu.memory_space<hbm>> -> memref<1x40x64xf32, #tpu.memory_space<hbm>>
        %dma_wait3A_691 = tpu.memref_squeeze %dma_wait3A_690 : memref<1x40x64xf32, #tpu.memory_space<hbm>> -> memref<40x64xf32, #tpu.memory_space<hbm>>
        %dma_wait3A_692 = arith.constant 0 : i32
        %dma_wait3A_693 = arith.constant 0 : i32
        %dma_wait3A_694 = tpu.memref_slice %arg9[%dma_wait3A_678, %dma_wait3A_692, %dma_wait3A_693] : memref<8x40x64xf32, #tpu.memory_space<vmem>> -> memref<1x40x64xf32, #tpu.memory_space<vmem>>
        %dma_wait3A_695 = tpu.memref_squeeze %dma_wait3A_694 : memref<1x40x64xf32, #tpu.memory_space<vmem>> -> memref<40x64xf32, #tpu.memory_space<vmem>>
        tpu.wait_dma2 semaphore(%arg11 : memref<!tpu.dma_semaphore, #tpu.memory_space<semaphore_mem>>) src(%dma_wait3A_695 : memref<40x64xf32, #tpu.memory_space<vmem>>) dst(%dma_wait3A_691 : memref<40x64xf32, #tpu.memory_space<hbm>>)
        %mul3A_696 = arith.constant 40 : i32
        %mul3A_697 = arith.muli %add3A_380, %mul3A_696 : i32
        %dma_start3A_698 = arith.constant 7 : i32
        %dma_start3A_699 = arith.constant 0 : i32
        %dma_start3A_700 = arith.constant 0 : i32
        %dma_start3A_701 = tpu.memref_slice %arg9[%dma_start3A_698, %dma_start3A_699, %dma_start3A_700] : memref<8x40x64xf32, #tpu.memory_space<vmem>> -> memref<1x40x64xf32, #tpu.memory_space<vmem>>
        %dma_start3A_702 = tpu.memref_squeeze %dma_start3A_701 : memref<1x40x64xf32, #tpu.memory_space<vmem>> -> memref<40x64xf32, #tpu.memory_space<vmem>>
        %dma_start3A_703 = tpu.memref_slice %arg7[%mul3A_697] : memref<6400xi32, #tpu.memory_space<vmem>> -> memref<40xi32, #tpu.memory_space<vmem>>
        %dma_start3A_704 = arith.constant 0 : i32
        %dma_start3A_705 = arith.constant 0 : i32
        %dma_start3A_706 = tpu.memref_slice %arg2[%dma_start3A_704, %dma_start3A_705] : memref<2000000x64xf32, #tpu.memory_space<hbm>> -> memref<2000000x64xf32, #tpu.memory_space<hbm>>
        tpu.enqueue_indirect_dma source(%dma_start3A_706 : memref<2000000x64xf32, #tpu.memory_space<hbm>>) target(%dma_start3A_702 : memref<40x64xf32, #tpu.memory_space<vmem>>) offsets(%dma_start3A_703 : memref<40xi32, #tpu.memory_space<vmem>>) semaphore(%arg10 : memref<!tpu.dma_semaphore, #tpu.memory_space<semaphore_mem>>)
      } else {
      }
      %ge3A_389 = arith.constant 4 : i32
      %ge3A_390 = arith.cmpi sge, %add3A_380, %ge3A_389 : i32
      %lt3A_391 = arith.constant 8 : i32
      %lt3A_392 = arith.cmpi slt, %add3A_380, %lt3A_391 : i32
      %and3A_393 = arith.andi %ge3A_390, %lt3A_392 : i1
      %convert_element_type3A_394 = arith.extui %and3A_393 : i1 to i32
      %cond3A_395 = arith.constant 0 : i32
      %cond3A_396 = arith.cmpi ne, %convert_element_type3A_394, %cond3A_395 : i32
      scf.if %cond3A_396 {
        %mul3A_678 = arith.constant 40 : i32
        %mul3A_679 = arith.muli %add3A_380, %mul3A_678 : i32
        %dma_start3A_680 = arith.constant 7 : i32
        %dma_start3A_681 = arith.constant 0 : i32
        %dma_start3A_682 = arith.constant 0 : i32
        %dma_start3A_683 = tpu.memref_slice %arg9[%dma_start3A_680, %dma_start3A_681, %dma_start3A_682] : memref<8x40x64xf32, #tpu.memory_space<vmem>> -> memref<1x40x64xf32, #tpu.memory_space<vmem>>
        %dma_start3A_684 = tpu.memref_squeeze %dma_start3A_683 : memref<1x40x64xf32, #tpu.memory_space<vmem>> -> memref<40x64xf32, #tpu.memory_space<vmem>>
        %dma_start3A_685 = tpu.memref_slice %arg7[%mul3A_679] : memref<6400xi32, #tpu.memory_space<vmem>> -> memref<40xi32, #tpu.memory_space<vmem>>
        %dma_start3A_686 = arith.constant 0 : i32
        %dma_start3A_687 = arith.constant 0 : i32
        %dma_start3A_688 = tpu.memref_slice %arg2[%dma_start3A_686, %dma_start3A_687] : memref<2000000x64xf32, #tpu.memory_space<hbm>> -> memref<2000000x64xf32, #tpu.memory_space<hbm>>
        tpu.enqueue_indirect_dma source(%dma_start3A_688 : memref<2000000x64xf32, #tpu.memory_space<hbm>>) target(%dma_start3A_684 : memref<40x64xf32, #tpu.memory_space<vmem>>) offsets(%dma_start3A_685 : memref<40xi32, #tpu.memory_space<vmem>>) semaphore(%arg10 : memref<!tpu.dma_semaphore, #tpu.memory_space<semaphore_mem>>)
      } else {
      }
      %mul3A_397 = arith.constant 40 : i32
      %mul3A_398 = arith.muli %add3A_378, %mul3A_397 : i32
      %dma_wait3A_399 = arith.constant 3 : i32
      %dma_wait3A_400 = arith.constant 0 : i32
      %dma_wait3A_401 = arith.constant 0 : i32
      %dma_wait3A_402 = tpu.memref_slice %arg9[%dma_wait3A_399, %dma_wait3A_400, %dma_wait3A_401] : memref<8x40x64xf32, #tpu.memory_space<vmem>> -> memref<1x40x64xf32, #tpu.memory_space<vmem>>
      %dma_wait3A_403 = tpu.memref_squeeze %dma_wait3A_402 : memref<1x40x64xf32, #tpu.memory_space<vmem>> -> memref<40x64xf32, #tpu.memory_space<vmem>>
      %dma_wait3A_404 = tpu.memref_slice %arg7[%mul3A_398] : memref<6400xi32, #tpu.memory_space<vmem>> -> memref<40xi32, #tpu.memory_space<vmem>>
      %dma_wait3A_405 = arith.constant 0 : i32
      %dma_wait3A_406 = arith.constant 0 : i32
      %dma_wait3A_407 = tpu.memref_slice %arg2[%dma_wait3A_405, %dma_wait3A_406] : memref<2000000x64xf32, #tpu.memory_space<hbm>> -> memref<2000000x64xf32, #tpu.memory_space<hbm>>
      tpu.wait_indirect_dma semaphore(%arg10 : memref<!tpu.dma_semaphore, #tpu.memory_space<semaphore_mem>>) src(%dma_wait3A_407 : memref<2000000x64xf32, #tpu.memory_space<hbm>>) dst(%dma_wait3A_403 : memref<40x64xf32, #tpu.memory_space<vmem>>)
      %div3A_408 = arith.constant 5 : i32
      %div3A_409 = arith.divsi %add3A_378, %div3A_408 : i32
      %rem3A_410 = arith.constant 5 : i32
      %rem3A_411 = arith.remsi %add3A_378, %rem3A_410 : i32
      %mul3A_412 = arith.constant 40 : i32
      %mul3A_413 = arith.muli %rem3A_411, %mul3A_412 : i32
      %scan3A_414 = arith.constant 0 : i32
      %scan3A_415 = arith.constant 0 : i32
      %scan3A_416 = arith.constant 40 : i32
      %scan3A_417 = arith.addi %scan3A_415, %scan3A_416 : i32
      %scan3A_418 = arith.constant 2 : i32
      %scan3A_419 = scf.for %scan3A_678 = %scan3A_415 to %scan3A_417 step %scan3A_418 iter_args(%scan3A_679 = %scan3A_414) -> (i32)  : i32 {
        %get3A = arith.constant 3 : i32
        %get3A_680 = arith.index_cast %get3A : i32 to index
        %get3A_681 = arith.index_cast %scan3A_678 : i32 to index
        %get3A_682 = arith.constant 0 : index
        %get3A_683 = tpu.vector_load %arg9[%get3A_680, %get3A_681, %get3A_682] {strides = array<i32>} : memref<8x40x64xf32, #tpu.memory_space<vmem>>, vector<1x1x16xf32>,
        %get3A_684 = vector.shape_cast %get3A_683 : vector<1x1x16xf32> to vector<16xf32>
        %mul3A_685 = arith.constant 8.000000e+00 : f32
        %mul3A_686 = vector.broadcast %mul3A_685 : f32 to vector<16xf32>
        %mul3A_687 = arith.mulf %get3A_684, %mul3A_686 : vector<16xf32>
        %add3A_688 = arith.addi %mul3A_413, %scan3A_678 : i32
        %get3A_689 = arith.index_cast %add3A_688 : i32 to index
        %get3A_690 = arith.constant 0 : index
        %get3A_691 = tpu.vector_load %arg8[%get3A_689, %get3A_690] {strides = array<i32>} : memref<200x64xf32, #tpu.memory_space<vmem>>, vector<1x16xf32>,
        %get3A_692 = vector.shape_cast %get3A_691 : vector<1x16xf32> to vector<16xf32>
        %add3A_693 = arith.addf %mul3A_687, %get3A_692 : vector<16xf32>
        %swap3A = arith.constant 3 : i32
        %swap3A_694 = arith.index_cast %swap3A : i32 to index
        %swap3A_695 = arith.index_cast %scan3A_678 : i32 to index
        %swap3A_696 = arith.constant 0 : index
        %swap3A_697 = tpu.vector_load %arg9[%swap3A_694, %swap3A_695, %swap3A_696] {strides = array<i32>} : memref<8x40x64xf32, #tpu.memory_space<vmem>>, vector<1x1x16xf32>,
        %swap3A_698 = vector.shape_cast %swap3A_697 : vector<1x1x16xf32> to vector<16xf32>
        %swap3A_699 = vector.shape_cast %add3A_693 : vector<16xf32> to vector<1x1x16xf32>
        tpu.vector_store %arg9[%swap3A_694, %swap3A_695, %swap3A_696], %swap3A_699 {strides = array<i32>} : memref<8x40x64xf32, #tpu.memory_space<vmem>>, vector<1x1x16xf32>,
        %get3A_700 = arith.constant 3 : i32
        %get3A_701 = arith.index_cast %get3A_700 : i32 to index
        %get3A_702 = arith.index_cast %scan3A_678 : i32 to index
        %get3A_703 = arith.constant 16 : index
        %get3A_704 = tpu.vector_load %arg9[%get3A_701, %get3A_702, %get3A_703] {strides = array<i32>} : memref<8x40x64xf32, #tpu.memory_space<vmem>>, vector<1x1x16xf32>,
        %get3A_705 = vector.shape_cast %get3A_704 : vector<1x1x16xf32> to vector<16xf32>
        %mul3A_706 = arith.constant 8.000000e+00 : f32
        %mul3A_707 = vector.broadcast %mul3A_706 : f32 to vector<16xf32>
        %mul3A_708 = arith.mulf %get3A_705, %mul3A_707 : vector<16xf32>
        %add3A_709 = arith.addi %mul3A_413, %scan3A_678 : i32
        %get3A_710 = arith.index_cast %add3A_709 : i32 to index
        %get3A_711 = arith.constant 16 : index
        %get3A_712 = tpu.vector_load %arg8[%get3A_710, %get3A_711] {strides = array<i32>} : memref<200x64xf32, #tpu.memory_space<vmem>>, vector<1x16xf32>,
        %get3A_713 = vector.shape_cast %get3A_712 : vector<1x16xf32> to vector<16xf32>
        %add3A_714 = arith.addf %mul3A_708, %get3A_713 : vector<16xf32>
        %swap3A_715 = arith.constant 3 : i32
        %swap3A_716 = arith.index_cast %swap3A_715 : i32 to index
        %swap3A_717 = arith.index_cast %scan3A_678 : i32 to index
        %swap3A_718 = arith.constant 16 : index
        %swap3A_719 = tpu.vector_load %arg9[%swap3A_716, %swap3A_717, %swap3A_718] {strides = array<i32>} : memref<8x40x64xf32, #tpu.memory_space<vmem>>, vector<1x1x16xf32>,
        %swap3A_720 = vector.shape_cast %swap3A_719 : vector<1x1x16xf32> to vector<16xf32>
        %swap3A_721 = vector.shape_cast %add3A_714 : vector<16xf32> to vector<1x1x16xf32>
        tpu.vector_store %arg9[%swap3A_716, %swap3A_717, %swap3A_718], %swap3A_721 {strides = array<i32>} : memref<8x40x64xf32, #tpu.memory_space<vmem>>, vector<1x1x16xf32>,
        %get3A_722 = arith.constant 3 : i32
        %get3A_723 = arith.index_cast %get3A_722 : i32 to index
        %get3A_724 = arith.index_cast %scan3A_678 : i32 to index
        %get3A_725 = arith.constant 32 : index
        %get3A_726 = tpu.vector_load %arg9[%get3A_723, %get3A_724, %get3A_725] {strides = array<i32>} : memref<8x40x64xf32, #tpu.memory_space<vmem>>, vector<1x1x16xf32>,
        %get3A_727 = vector.shape_cast %get3A_726 : vector<1x1x16xf32> to vector<16xf32>
        %mul3A_728 = arith.constant 8.000000e+00 : f32
        %mul3A_729 = vector.broadcast %mul3A_728 : f32 to vector<16xf32>
        %mul3A_730 = arith.mulf %get3A_727, %mul3A_729 : vector<16xf32>
        %add3A_731 = arith.addi %mul3A_413, %scan3A_678 : i32
        %get3A_732 = arith.index_cast %add3A_731 : i32 to index
        %get3A_733 = arith.constant 32 : index
        %get3A_734 = tpu.vector_load %arg8[%get3A_732, %get3A_733] {strides = array<i32>} : memref<200x64xf32, #tpu.memory_space<vmem>>, vector<1x16xf32>,
        %get3A_735 = vector.shape_cast %get3A_734 : vector<1x16xf32> to vector<16xf32>
        %add3A_736 = arith.addf %mul3A_730, %get3A_735 : vector<16xf32>
        %swap3A_737 = arith.constant 3 : i32
        %swap3A_738 = arith.index_cast %swap3A_737 : i32 to index
        %swap3A_739 = arith.index_cast %scan3A_678 : i32 to index
        %swap3A_740 = arith.constant 32 : index
        %swap3A_741 = tpu.vector_load %arg9[%swap3A_738, %swap3A_739, %swap3A_740] {strides = array<i32>} : memref<8x40x64xf32, #tpu.memory_space<vmem>>, vector<1x1x16xf32>,
        %swap3A_742 = vector.shape_cast %swap3A_741 : vector<1x1x16xf32> to vector<16xf32>
        %swap3A_743 = vector.shape_cast %add3A_736 : vector<16xf32> to vector<1x1x16xf32>
        tpu.vector_store %arg9[%swap3A_738, %swap3A_739, %swap3A_740], %swap3A_743 {strides = array<i32>} : memref<8x40x64xf32, #tpu.memory_space<vmem>>, vector<1x1x16xf32>,
        %get3A_744 = arith.constant 3 : i32
        %get3A_745 = arith.index_cast %get3A_744 : i32 to index
        %get3A_746 = arith.index_cast %scan3A_678 : i32 to index
        %get3A_747 = arith.constant 48 : index
        %get3A_748 = tpu.vector_load %arg9[%get3A_745, %get3A_746, %get3A_747] {strides = array<i32>} : memref<8x40x64xf32, #tpu.memory_space<vmem>>, vector<1x1x16xf32>,
        %get3A_749 = vector.shape_cast %get3A_748 : vector<1x1x16xf32> to vector<16xf32>
        %mul3A_750 = arith.constant 8.000000e+00 : f32
        %mul3A_751 = vector.broadcast %mul3A_750 : f32 to vector<16xf32>
        %mul3A_752 = arith.mulf %get3A_749, %mul3A_751 : vector<16xf32>
        %add3A_753 = arith.addi %mul3A_413, %scan3A_678 : i32
        %get3A_754 = arith.index_cast %add3A_753 : i32 to index
        %get3A_755 = arith.constant 48 : index
        %get3A_756 = tpu.vector_load %arg8[%get3A_754, %get3A_755] {strides = array<i32>} : memref<200x64xf32, #tpu.memory_space<vmem>>, vector<1x16xf32>,
        %get3A_757 = vector.shape_cast %get3A_756 : vector<1x16xf32> to vector<16xf32>
        %add3A_758 = arith.addf %mul3A_752, %get3A_757 : vector<16xf32>
        %swap3A_759 = arith.constant 3 : i32
        %swap3A_760 = arith.index_cast %swap3A_759 : i32 to index
        %swap3A_761 = arith.index_cast %scan3A_678 : i32 to index
        %swap3A_762 = arith.constant 48 : index
        %swap3A_763 = tpu.vector_load %arg9[%swap3A_760, %swap3A_761, %swap3A_762] {strides = array<i32>} : memref<8x40x64xf32, #tpu.memory_space<vmem>>, vector<1x1x16xf32>,
        %swap3A_764 = vector.shape_cast %swap3A_763 : vector<1x1x16xf32> to vector<16xf32>
        %swap3A_765 = vector.shape_cast %add3A_758 : vector<16xf32> to vector<1x1x16xf32>
        tpu.vector_store %arg9[%swap3A_760, %swap3A_761, %swap3A_762], %swap3A_765 {strides = array<i32>} : memref<8x40x64xf32, #tpu.memory_space<vmem>>, vector<1x1x16xf32>,
        %scan3A_766 = arith.constant 0 : i32
        %scan3A_767 = arith.constant 1 : i32
        %scan3A_768 = arith.addi %scan3A_678, %scan3A_767 : i32
        %get3A_769 = arith.constant 3 : i32
        %get3A_770 = arith.index_cast %get3A_769 : i32 to index
        %get3A_771 = arith.index_cast %scan3A_768 : i32 to index
        %get3A_772 = arith.constant 0 : index
        %get3A_773 = tpu.vector_load %arg9[%get3A_770, %get3A_771, %get3A_772] {strides = array<i32>} : memref<8x40x64xf32, #tpu.memory_space<vmem>>, vector<1x1x16xf32>,
        %get3A_774 = vector.shape_cast %get3A_773 : vector<1x1x16xf32> to vector<16xf32>
        %mul3A_775 = arith.constant 8.000000e+00 : f32
        %mul3A_776 = vector.broadcast %mul3A_775 : f32 to vector<16xf32>
        %mul3A_777 = arith.mulf %get3A_774, %mul3A_776 : vector<16xf32>
        %add3A_778 = arith.addi %mul3A_413, %scan3A_768 : i32
        %get3A_779 = arith.index_cast %add3A_778 : i32 to index
        %get3A_780 = arith.constant 0 : index
        %get3A_781 = tpu.vector_load %arg8[%get3A_779, %get3A_780] {strides = array<i32>} : memref<200x64xf32, #tpu.memory_space<vmem>>, vector<1x16xf32>,
        %get3A_782 = vector.shape_cast %get3A_781 : vector<1x16xf32> to vector<16xf32>
        %add3A_783 = arith.addf %mul3A_777, %get3A_782 : vector<16xf32>
        %swap3A_784 = arith.constant 3 : i32
        %swap3A_785 = arith.index_cast %swap3A_784 : i32 to index
        %swap3A_786 = arith.index_cast %scan3A_768 : i32 to index
        %swap3A_787 = arith.constant 0 : index
        %swap3A_788 = tpu.vector_load %arg9[%swap3A_785, %swap3A_786, %swap3A_787] {strides = array<i32>} : memref<8x40x64xf32, #tpu.memory_space<vmem>>, vector<1x1x16xf32>,
        %swap3A_789 = vector.shape_cast %swap3A_788 : vector<1x1x16xf32> to vector<16xf32>
        %swap3A_790 = vector.shape_cast %add3A_783 : vector<16xf32> to vector<1x1x16xf32>
        tpu.vector_store %arg9[%swap3A_785, %swap3A_786, %swap3A_787], %swap3A_790 {strides = array<i32>} : memref<8x40x64xf32, #tpu.memory_space<vmem>>, vector<1x1x16xf32>,
        %get3A_791 = arith.constant 3 : i32
        %get3A_792 = arith.index_cast %get3A_791 : i32 to index
        %get3A_793 = arith.index_cast %scan3A_768 : i32 to index
        %get3A_794 = arith.constant 16 : index
        %get3A_795 = tpu.vector_load %arg9[%get3A_792, %get3A_793, %get3A_794] {strides = array<i32>} : memref<8x40x64xf32, #tpu.memory_space<vmem>>, vector<1x1x16xf32>,
        %get3A_796 = vector.shape_cast %get3A_795 : vector<1x1x16xf32> to vector<16xf32>
        %mul3A_797 = arith.constant 8.000000e+00 : f32
        %mul3A_798 = vector.broadcast %mul3A_797 : f32 to vector<16xf32>
        %mul3A_799 = arith.mulf %get3A_796, %mul3A_798 : vector<16xf32>
        %add3A_800 = arith.addi %mul3A_413, %scan3A_768 : i32
        %get3A_801 = arith.index_cast %add3A_800 : i32 to index
        %get3A_802 = arith.constant 16 : index
        %get3A_803 = tpu.vector_load %arg8[%get3A_801, %get3A_802] {strides = array<i32>} : memref<200x64xf32, #tpu.memory_space<vmem>>, vector<1x16xf32>,
        %get3A_804 = vector.shape_cast %get3A_803 : vector<1x16xf32> to vector<16xf32>
        %add3A_805 = arith.addf %mul3A_799, %get3A_804 : vector<16xf32>
        %swap3A_806 = arith.constant 3 : i32
        %swap3A_807 = arith.index_cast %swap3A_806 : i32 to index
        %swap3A_808 = arith.index_cast %scan3A_768 : i32 to index
        %swap3A_809 = arith.constant 16 : index
        %swap3A_810 = tpu.vector_load %arg9[%swap3A_807, %swap3A_808, %swap3A_809] {strides = array<i32>} : memref<8x40x64xf32, #tpu.memory_space<vmem>>, vector<1x1x16xf32>,
        %swap3A_811 = vector.shape_cast %swap3A_810 : vector<1x1x16xf32> to vector<16xf32>
        %swap3A_812 = vector.shape_cast %add3A_805 : vector<16xf32> to vector<1x1x16xf32>
        tpu.vector_store %arg9[%swap3A_807, %swap3A_808, %swap3A_809], %swap3A_812 {strides = array<i32>} : memref<8x40x64xf32, #tpu.memory_space<vmem>>, vector<1x1x16xf32>,
        %get3A_813 = arith.constant 3 : i32
        %get3A_814 = arith.index_cast %get3A_813 : i32 to index
        %get3A_815 = arith.index_cast %scan3A_768 : i32 to index
        %get3A_816 = arith.constant 32 : index
        %get3A_817 = tpu.vector_load %arg9[%get3A_814, %get3A_815, %get3A_816] {strides = array<i32>} : memref<8x40x64xf32, #tpu.memory_space<vmem>>, vector<1x1x16xf32>,
        %get3A_818 = vector.shape_cast %get3A_817 : vector<1x1x16xf32> to vector<16xf32>
        %mul3A_819 = arith.constant 8.000000e+00 : f32
        %mul3A_820 = vector.broadcast %mul3A_819 : f32 to vector<16xf32>
        %mul3A_821 = arith.mulf %get3A_818, %mul3A_820 : vector<16xf32>
        %add3A_822 = arith.addi %mul3A_413, %scan3A_768 : i32
        %get3A_823 = arith.index_cast %add3A_822 : i32 to index
        %get3A_824 = arith.constant 32 : index
        %get3A_825 = tpu.vector_load %arg8[%get3A_823, %get3A_824] {strides = array<i32>} : memref<200x64xf32, #tpu.memory_space<vmem>>, vector<1x16xf32>,
        %get3A_826 = vector.shape_cast %get3A_825 : vector<1x16xf32> to vector<16xf32>
        %add3A_827 = arith.addf %mul3A_821, %get3A_826 : vector<16xf32>
        %swap3A_828 = arith.constant 3 : i32
        %swap3A_829 = arith.index_cast %swap3A_828 : i32 to index
        %swap3A_830 = arith.index_cast %scan3A_768 : i32 to index
        %swap3A_831 = arith.constant 32 : index
        %swap3A_832 = tpu.vector_load %arg9[%swap3A_829, %swap3A_830, %swap3A_831] {strides = array<i32>} : memref<8x40x64xf32, #tpu.memory_space<vmem>>, vector<1x1x16xf32>,
        %swap3A_833 = vector.shape_cast %swap3A_832 : vector<1x1x16xf32> to vector<16xf32>
        %swap3A_834 = vector.shape_cast %add3A_827 : vector<16xf32> to vector<1x1x16xf32>
        tpu.vector_store %arg9[%swap3A_829, %swap3A_830, %swap3A_831], %swap3A_834 {strides = array<i32>} : memref<8x40x64xf32, #tpu.memory_space<vmem>>, vector<1x1x16xf32>,
        %get3A_835 = arith.constant 3 : i32
        %get3A_836 = arith.index_cast %get3A_835 : i32 to index
        %get3A_837 = arith.index_cast %scan3A_768 : i32 to index
        %get3A_838 = arith.constant 48 : index
        %get3A_839 = tpu.vector_load %arg9[%get3A_836, %get3A_837, %get3A_838] {strides = array<i32>} : memref<8x40x64xf32, #tpu.memory_space<vmem>>, vector<1x1x16xf32>,
        %get3A_840 = vector.shape_cast %get3A_839 : vector<1x1x16xf32> to vector<16xf32>
        %mul3A_841 = arith.constant 8.000000e+00 : f32
        %mul3A_842 = vector.broadcast %mul3A_841 : f32 to vector<16xf32>
        %mul3A_843 = arith.mulf %get3A_840, %mul3A_842 : vector<16xf32>
        %add3A_844 = arith.addi %mul3A_413, %scan3A_768 : i32
        %get3A_845 = arith.index_cast %add3A_844 : i32 to index
        %get3A_846 = arith.constant 48 : index
        %get3A_847 = tpu.vector_load %arg8[%get3A_845, %get3A_846] {strides = array<i32>} : memref<200x64xf32, #tpu.memory_space<vmem>>, vector<1x16xf32>,
        %get3A_848 = vector.shape_cast %get3A_847 : vector<1x16xf32> to vector<16xf32>
        %add3A_849 = arith.addf %mul3A_843, %get3A_848 : vector<16xf32>
        %swap3A_850 = arith.constant 3 : i32
        %swap3A_851 = arith.index_cast %swap3A_850 : i32 to index
        %swap3A_852 = arith.index_cast %scan3A_768 : i32 to index
        %swap3A_853 = arith.constant 48 : index
        %swap3A_854 = tpu.vector_load %arg9[%swap3A_851, %swap3A_852, %swap3A_853] {strides = array<i32>} : memref<8x40x64xf32, #tpu.memory_space<vmem>>, vector<1x1x16xf32>,
        %swap3A_855 = vector.shape_cast %swap3A_854 : vector<1x1x16xf32> to vector<16xf32>
        %swap3A_856 = vector.shape_cast %add3A_849 : vector<16xf32> to vector<1x1x16xf32>
        tpu.vector_store %arg9[%swap3A_851, %swap3A_852, %swap3A_853], %swap3A_856 {strides = array<i32>} : memref<8x40x64xf32, #tpu.memory_space<vmem>>, vector<1x1x16xf32>,
        %scan3A_857 = arith.constant 0 : i32
        scf.yield %scan3A_857 : i32
      }
      %scan3A_420 = arith.constant 40 : i32
      %add3A_421 = arith.addi %mul3A_2, %div3A_409 : i32
      %dma_start3A_422 = arith.constant 3 : i32
      %dma_start3A_423 = arith.constant 0 : i32
      %dma_start3A_424 = arith.constant 0 : i32
      %dma_start3A_425 = tpu.memref_slice %arg9[%dma_start3A_422, %dma_start3A_423, %dma_start3A_424] : memref<8x40x64xf32, #tpu.memory_space<vmem>> -> memref<1x40x64xf32, #tpu.memory_space<vmem>>
      %dma_start3A_426 = tpu.memref_squeeze %dma_start3A_425 : memref<1x40x64xf32, #tpu.memory_space<vmem>> -> memref<40x64xf32, #tpu.memory_space<vmem>>
      %dma_start3A_427 = arith.constant 0 : i32
      %dma_start3A_428 = tpu.memref_slice %arg5[%add3A_421, %mul3A_413, %dma_start3A_427] : memref<1024x200x64xf32, #tpu.memory_space<hbm>> -> memref<1x40x64xf32, #tpu.memory_space<hbm>>
      %dma_start3A_429 = tpu.memref_squeeze %dma_start3A_428 : memref<1x40x64xf32, #tpu.memory_space<hbm>> -> memref<40x64xf32, #tpu.memory_space<hbm>>
      %dma_start3A_430 = arith.constant 0 : i32
      %dma_start3A_431 = tpu.memref_slice %arg5[%add3A_421, %mul3A_413, %dma_start3A_430] : memref<1024x200x64xf32, #tpu.memory_space<hbm>> -> memref<1x40x64xf32, #tpu.memory_space<hbm>>
      %dma_start3A_432 = tpu.memref_squeeze %dma_start3A_431 : memref<1x40x64xf32, #tpu.memory_space<hbm>> -> memref<40x64xf32, #tpu.memory_space<hbm>>
      %dma_start3A_433 = arith.constant 0 : i32
      %dma_start3A_434 = arith.constant 0 : i32
      %dma_start3A_435 = tpu.memref_slice %arg9[%dma_start3A_422, %dma_start3A_433, %dma_start3A_434] : memref<8x40x64xf32, #tpu.memory_space<vmem>> -> memref<1x40x64xf32, #tpu.memory_space<vmem>>
      %dma_start3A_436 = tpu.memref_squeeze %dma_start3A_435 : memref<1x40x64xf32, #tpu.memory_space<vmem>> -> memref<40x64xf32, #tpu.memory_space<vmem>>
      tpu.enqueue_dma source(%dma_start3A_436 : memref<40x64xf32, #tpu.memory_space<vmem>>) target(%dma_start3A_432 : memref<40x64xf32, #tpu.memory_space<hbm>>) target_semaphore(%arg11 : memref<!tpu.dma_semaphore, #tpu.memory_space<semaphore_mem>>)
      %add3A_437 = arith.constant 4 : i32
      %add3A_438 = arith.addi %mul3A_203, %add3A_437 : i32
      %add3A_439 = arith.constant 4 : i32
      %add3A_440 = arith.addi %add3A_438, %add3A_439 : i32
      %ge3A_441 = arith.constant 8 : i32
      %ge3A_442 = arith.cmpi sge, %add3A_440, %ge3A_441 : i32
      %lt3A_443 = arith.constant 160 : i32
      %lt3A_444 = arith.cmpi slt, %add3A_440, %lt3A_443 : i32
      %and3A_445 = arith.andi %ge3A_442, %lt3A_444 : i1
      %convert_element_type3A_446 = arith.extui %and3A_445 : i1 to i32
      %cond3A_447 = arith.constant 0 : i32
      %cond3A_448 = arith.cmpi ne, %convert_element_type3A_446, %cond3A_447 : i32
      scf.if %cond3A_448 {
        %dma_wait3A_678 = arith.constant 0 : i32
        %dma_wait3A_679 = arith.constant 0 : i32
        %dma_wait3A_680 = arith.constant 0 : i32
        %dma_wait3A_681 = arith.constant 0 : i32
        %dma_wait3A_682 = tpu.memref_slice %arg9[%dma_wait3A_678, %dma_wait3A_680, %dma_wait3A_681] : memref<8x40x64xf32, #tpu.memory_space<vmem>> -> memref<1x40x64xf32, #tpu.memory_space<vmem>>
        %dma_wait3A_683 = tpu.memref_squeeze %dma_wait3A_682 : memref<1x40x64xf32, #tpu.memory_space<vmem>> -> memref<40x64xf32, #tpu.memory_space<vmem>>
        %dma_wait3A_684 = arith.constant 0 : i32
        %dma_wait3A_685 = arith.constant 0 : i32
        %dma_wait3A_686 = tpu.memref_slice %arg5[%dma_wait3A_679, %dma_wait3A_684, %dma_wait3A_685] : memref<1024x200x64xf32, #tpu.memory_space<hbm>> -> memref<1x40x64xf32, #tpu.memory_space<hbm>>
        %dma_wait3A_687 = tpu.memref_squeeze %dma_wait3A_686 : memref<1x40x64xf32, #tpu.memory_space<hbm>> -> memref<40x64xf32, #tpu.memory_space<hbm>>
        %dma_wait3A_688 = arith.constant 0 : i32
        %dma_wait3A_689 = arith.constant 0 : i32
        %dma_wait3A_690 = tpu.memref_slice %arg5[%dma_wait3A_679, %dma_wait3A_688, %dma_wait3A_689] : memref<1024x200x64xf32, #tpu.memory_space<hbm>> -> memref<1x40x64xf32, #tpu.memory_space<hbm>>
        %dma_wait3A_691 = tpu.memref_squeeze %dma_wait3A_690 : memref<1x40x64xf32, #tpu.memory_space<hbm>> -> memref<40x64xf32, #tpu.memory_space<hbm>>
        %dma_wait3A_692 = arith.constant 0 : i32
        %dma_wait3A_693 = arith.constant 0 : i32
        %dma_wait3A_694 = tpu.memref_slice %arg9[%dma_wait3A_678, %dma_wait3A_692, %dma_wait3A_693] : memref<8x40x64xf32, #tpu.memory_space<vmem>> -> memref<1x40x64xf32, #tpu.memory_space<vmem>>
        %dma_wait3A_695 = tpu.memref_squeeze %dma_wait3A_694 : memref<1x40x64xf32, #tpu.memory_space<vmem>> -> memref<40x64xf32, #tpu.memory_space<vmem>>
        tpu.wait_dma2 semaphore(%arg11 : memref<!tpu.dma_semaphore, #tpu.memory_space<semaphore_mem>>) src(%dma_wait3A_695 : memref<40x64xf32, #tpu.memory_space<vmem>>) dst(%dma_wait3A_691 : memref<40x64xf32, #tpu.memory_space<hbm>>)
        %mul3A_696 = arith.constant 40 : i32
        %mul3A_697 = arith.muli %add3A_440, %mul3A_696 : i32
        %dma_start3A_698 = arith.constant 0 : i32
        %dma_start3A_699 = arith.constant 0 : i32
        %dma_start3A_700 = arith.constant 0 : i32
        %dma_start3A_701 = tpu.memref_slice %arg9[%dma_start3A_698, %dma_start3A_699, %dma_start3A_700] : memref<8x40x64xf32, #tpu.memory_space<vmem>> -> memref<1x40x64xf32, #tpu.memory_space<vmem>>
        %dma_start3A_702 = tpu.memref_squeeze %dma_start3A_701 : memref<1x40x64xf32, #tpu.memory_space<vmem>> -> memref<40x64xf32, #tpu.memory_space<vmem>>
        %dma_start3A_703 = tpu.memref_slice %arg7[%mul3A_697] : memref<6400xi32, #tpu.memory_space<vmem>> -> memref<40xi32, #tpu.memory_space<vmem>>
        %dma_start3A_704 = arith.constant 0 : i32
        %dma_start3A_705 = arith.constant 0 : i32
        %dma_start3A_706 = tpu.memref_slice %arg2[%dma_start3A_704, %dma_start3A_705] : memref<2000000x64xf32, #tpu.memory_space<hbm>> -> memref<2000000x64xf32, #tpu.memory_space<hbm>>
        tpu.enqueue_indirect_dma source(%dma_start3A_706 : memref<2000000x64xf32, #tpu.memory_space<hbm>>) target(%dma_start3A_702 : memref<40x64xf32, #tpu.memory_space<vmem>>) offsets(%dma_start3A_703 : memref<40xi32, #tpu.memory_space<vmem>>) semaphore(%arg10 : memref<!tpu.dma_semaphore, #tpu.memory_space<semaphore_mem>>)
      } else {
      }
      %ge3A_449 = arith.constant 4 : i32
      %ge3A_450 = arith.cmpi sge, %add3A_440, %ge3A_449 : i32
      %lt3A_451 = arith.constant 8 : i32
      %lt3A_452 = arith.cmpi slt, %add3A_440, %lt3A_451 : i32
      %and3A_453 = arith.andi %ge3A_450, %lt3A_452 : i1
      %convert_element_type3A_454 = arith.extui %and3A_453 : i1 to i32
      %cond3A_455 = arith.constant 0 : i32
      %cond3A_456 = arith.cmpi ne, %convert_element_type3A_454, %cond3A_455 : i32
      scf.if %cond3A_456 {
        %mul3A_678 = arith.constant 40 : i32
        %mul3A_679 = arith.muli %add3A_440, %mul3A_678 : i32
        %dma_start3A_680 = arith.constant 0 : i32
        %dma_start3A_681 = arith.constant 0 : i32
        %dma_start3A_682 = arith.constant 0 : i32
        %dma_start3A_683 = tpu.memref_slice %arg9[%dma_start3A_680, %dma_start3A_681, %dma_start3A_682] : memref<8x40x64xf32, #tpu.memory_space<vmem>> -> memref<1x40x64xf32, #tpu.memory_space<vmem>>
        %dma_start3A_684 = tpu.memref_squeeze %dma_start3A_683 : memref<1x40x64xf32, #tpu.memory_space<vmem>> -> memref<40x64xf32, #tpu.memory_space<vmem>>
        %dma_start3A_685 = tpu.memref_slice %arg7[%mul3A_679] : memref<6400xi32, #tpu.memory_space<vmem>> -> memref<40xi32, #tpu.memory_space<vmem>>
        %dma_start3A_686 = arith.constant 0 : i32
        %dma_start3A_687 = arith.constant 0 : i32
        %dma_start3A_688 = tpu.memref_slice %arg2[%dma_start3A_686, %dma_start3A_687] : memref<2000000x64xf32, #tpu.memory_space<hbm>> -> memref<2000000x64xf32, #tpu.memory_space<hbm>>
        tpu.enqueue_indirect_dma source(%dma_start3A_688 : memref<2000000x64xf32, #tpu.memory_space<hbm>>) target(%dma_start3A_684 : memref<40x64xf32, #tpu.memory_space<vmem>>) offsets(%dma_start3A_685 : memref<40xi32, #tpu.memory_space<vmem>>) semaphore(%arg10 : memref<!tpu.dma_semaphore, #tpu.memory_space<semaphore_mem>>)
      } else {
      }
      %mul3A_457 = arith.constant 40 : i32
      %mul3A_458 = arith.muli %add3A_438, %mul3A_457 : i32
      %dma_wait3A_459 = arith.constant 4 : i32
      %dma_wait3A_460 = arith.constant 0 : i32
      %dma_wait3A_461 = arith.constant 0 : i32
      %dma_wait3A_462 = tpu.memref_slice %arg9[%dma_wait3A_459, %dma_wait3A_460, %dma_wait3A_461] : memref<8x40x64xf32, #tpu.memory_space<vmem>> -> memref<1x40x64xf32, #tpu.memory_space<vmem>>
      %dma_wait3A_463 = tpu.memref_squeeze %dma_wait3A_462 : memref<1x40x64xf32, #tpu.memory_space<vmem>> -> memref<40x64xf32, #tpu.memory_space<vmem>>
      %dma_wait3A_464 = tpu.memref_slice %arg7[%mul3A_458] : memref<6400xi32, #tpu.memory_space<vmem>> -> memref<40xi32, #tpu.memory_space<vmem>>
      %dma_wait3A_465 = arith.constant 0 : i32
      %dma_wait3A_466 = arith.constant 0 : i32
      %dma_wait3A_467 = tpu.memref_slice %arg2[%dma_wait3A_465, %dma_wait3A_466] : memref<2000000x64xf32, #tpu.memory_space<hbm>> -> memref<2000000x64xf32, #tpu.memory_space<hbm>>
      tpu.wait_indirect_dma semaphore(%arg10 : memref<!tpu.dma_semaphore, #tpu.memory_space<semaphore_mem>>) src(%dma_wait3A_467 : memref<2000000x64xf32, #tpu.memory_space<hbm>>) dst(%dma_wait3A_463 : memref<40x64xf32, #tpu.memory_space<vmem>>)
      %div3A_468 = arith.constant 5 : i32
      %div3A_469 = arith.divsi %add3A_438, %div3A_468 : i32
      %rem3A_470 = arith.constant 5 : i32
      %rem3A_471 = arith.remsi %add3A_438, %rem3A_470 : i32
      %mul3A_472 = arith.constant 40 : i32
      %mul3A_473 = arith.muli %rem3A_471, %mul3A_472 : i32
      %scan3A_474 = arith.constant 0 : i32
      %scan3A_475 = arith.constant 0 : i32
      %scan3A_476 = arith.constant 40 : i32
      %scan3A_477 = arith.addi %scan3A_475, %scan3A_476 : i32
      %scan3A_478 = arith.constant 2 : i32
      %scan3A_479 = scf.for %scan3A_678 = %scan3A_475 to %scan3A_477 step %scan3A_478 iter_args(%scan3A_679 = %scan3A_474) -> (i32)  : i32 {
        %get3A = arith.constant 4 : i32
        %get3A_680 = arith.index_cast %get3A : i32 to index
        %get3A_681 = arith.index_cast %scan3A_678 : i32 to index
        %get3A_682 = arith.constant 0 : index
        %get3A_683 = tpu.vector_load %arg9[%get3A_680, %get3A_681, %get3A_682] {strides = array<i32>} : memref<8x40x64xf32, #tpu.memory_space<vmem>>, vector<1x1x16xf32>,
        %get3A_684 = vector.shape_cast %get3A_683 : vector<1x1x16xf32> to vector<16xf32>
        %mul3A_685 = arith.constant 8.000000e+00 : f32
        %mul3A_686 = vector.broadcast %mul3A_685 : f32 to vector<16xf32>
        %mul3A_687 = arith.mulf %get3A_684, %mul3A_686 : vector<16xf32>
        %add3A_688 = arith.addi %mul3A_473, %scan3A_678 : i32
        %get3A_689 = arith.index_cast %add3A_688 : i32 to index
        %get3A_690 = arith.constant 0 : index
        %get3A_691 = tpu.vector_load %arg8[%get3A_689, %get3A_690] {strides = array<i32>} : memref<200x64xf32, #tpu.memory_space<vmem>>, vector<1x16xf32>,
        %get3A_692 = vector.shape_cast %get3A_691 : vector<1x16xf32> to vector<16xf32>
        %add3A_693 = arith.addf %mul3A_687, %get3A_692 : vector<16xf32>
        %swap3A = arith.constant 4 : i32
        %swap3A_694 = arith.index_cast %swap3A : i32 to index
        %swap3A_695 = arith.index_cast %scan3A_678 : i32 to index
        %swap3A_696 = arith.constant 0 : index
        %swap3A_697 = tpu.vector_load %arg9[%swap3A_694, %swap3A_695, %swap3A_696] {strides = array<i32>} : memref<8x40x64xf32, #tpu.memory_space<vmem>>, vector<1x1x16xf32>,
        %swap3A_698 = vector.shape_cast %swap3A_697 : vector<1x1x16xf32> to vector<16xf32>
        %swap3A_699 = vector.shape_cast %add3A_693 : vector<16xf32> to vector<1x1x16xf32>
        tpu.vector_store %arg9[%swap3A_694, %swap3A_695, %swap3A_696], %swap3A_699 {strides = array<i32>} : memref<8x40x64xf32, #tpu.memory_space<vmem>>, vector<1x1x16xf32>,
        %get3A_700 = arith.constant 4 : i32
        %get3A_701 = arith.index_cast %get3A_700 : i32 to index
        %get3A_702 = arith.index_cast %scan3A_678 : i32 to index
        %get3A_703 = arith.constant 16 : index
        %get3A_704 = tpu.vector_load %arg9[%get3A_701, %get3A_702, %get3A_703] {strides = array<i32>} : memref<8x40x64xf32, #tpu.memory_space<vmem>>, vector<1x1x16xf32>,
        %get3A_705 = vector.shape_cast %get3A_704 : vector<1x1x16xf32> to vector<16xf32>
        %mul3A_706 = arith.constant 8.000000e+00 : f32
        %mul3A_707 = vector.broadcast %mul3A_706 : f32 to vector<16xf32>
        %mul3A_708 = arith.mulf %get3A_705, %mul3A_707 : vector<16xf32>
        %add3A_709 = arith.addi %mul3A_473, %scan3A_678 : i32
        %get3A_710 = arith.index_cast %add3A_709 : i32 to index
        %get3A_711 = arith.constant 16 : index
        %get3A_712 = tpu.vector_load %arg8[%get3A_710, %get3A_711] {strides = array<i32>} : memref<200x64xf32, #tpu.memory_space<vmem>>, vector<1x16xf32>,
        %get3A_713 = vector.shape_cast %get3A_712 : vector<1x16xf32> to vector<16xf32>
        %add3A_714 = arith.addf %mul3A_708, %get3A_713 : vector<16xf32>
        %swap3A_715 = arith.constant 4 : i32
        %swap3A_716 = arith.index_cast %swap3A_715 : i32 to index
        %swap3A_717 = arith.index_cast %scan3A_678 : i32 to index
        %swap3A_718 = arith.constant 16 : index
        %swap3A_719 = tpu.vector_load %arg9[%swap3A_716, %swap3A_717, %swap3A_718] {strides = array<i32>} : memref<8x40x64xf32, #tpu.memory_space<vmem>>, vector<1x1x16xf32>,
        %swap3A_720 = vector.shape_cast %swap3A_719 : vector<1x1x16xf32> to vector<16xf32>
        %swap3A_721 = vector.shape_cast %add3A_714 : vector<16xf32> to vector<1x1x16xf32>
        tpu.vector_store %arg9[%swap3A_716, %swap3A_717, %swap3A_718], %swap3A_721 {strides = array<i32>} : memref<8x40x64xf32, #tpu.memory_space<vmem>>, vector<1x1x16xf32>,
        %get3A_722 = arith.constant 4 : i32
        %get3A_723 = arith.index_cast %get3A_722 : i32 to index
        %get3A_724 = arith.index_cast %scan3A_678 : i32 to index
        %get3A_725 = arith.constant 32 : index
        %get3A_726 = tpu.vector_load %arg9[%get3A_723, %get3A_724, %get3A_725] {strides = array<i32>} : memref<8x40x64xf32, #tpu.memory_space<vmem>>, vector<1x1x16xf32>,
        %get3A_727 = vector.shape_cast %get3A_726 : vector<1x1x16xf32> to vector<16xf32>
        %mul3A_728 = arith.constant 8.000000e+00 : f32
        %mul3A_729 = vector.broadcast %mul3A_728 : f32 to vector<16xf32>
        %mul3A_730 = arith.mulf %get3A_727, %mul3A_729 : vector<16xf32>
        %add3A_731 = arith.addi %mul3A_473, %scan3A_678 : i32
        %get3A_732 = arith.index_cast %add3A_731 : i32 to index
        %get3A_733 = arith.constant 32 : index
        %get3A_734 = tpu.vector_load %arg8[%get3A_732, %get3A_733] {strides = array<i32>} : memref<200x64xf32, #tpu.memory_space<vmem>>, vector<1x16xf32>,
        %get3A_735 = vector.shape_cast %get3A_734 : vector<1x16xf32> to vector<16xf32>
        %add3A_736 = arith.addf %mul3A_730, %get3A_735 : vector<16xf32>
        %swap3A_737 = arith.constant 4 : i32
        %swap3A_738 = arith.index_cast %swap3A_737 : i32 to index
        %swap3A_739 = arith.index_cast %scan3A_678 : i32 to index
        %swap3A_740 = arith.constant 32 : index
        %swap3A_741 = tpu.vector_load %arg9[%swap3A_738, %swap3A_739, %swap3A_740] {strides = array<i32>} : memref<8x40x64xf32, #tpu.memory_space<vmem>>, vector<1x1x16xf32>,
        %swap3A_742 = vector.shape_cast %swap3A_741 : vector<1x1x16xf32> to vector<16xf32>
        %swap3A_743 = vector.shape_cast %add3A_736 : vector<16xf32> to vector<1x1x16xf32>
        tpu.vector_store %arg9[%swap3A_738, %swap3A_739, %swap3A_740], %swap3A_743 {strides = array<i32>} : memref<8x40x64xf32, #tpu.memory_space<vmem>>, vector<1x1x16xf32>,
        %get3A_744 = arith.constant 4 : i32
        %get3A_745 = arith.index_cast %get3A_744 : i32 to index
        %get3A_746 = arith.index_cast %scan3A_678 : i32 to index
        %get3A_747 = arith.constant 48 : index
        %get3A_748 = tpu.vector_load %arg9[%get3A_745, %get3A_746, %get3A_747] {strides = array<i32>} : memref<8x40x64xf32, #tpu.memory_space<vmem>>, vector<1x1x16xf32>,
        %get3A_749 = vector.shape_cast %get3A_748 : vector<1x1x16xf32> to vector<16xf32>
        %mul3A_750 = arith.constant 8.000000e+00 : f32
        %mul3A_751 = vector.broadcast %mul3A_750 : f32 to vector<16xf32>
        %mul3A_752 = arith.mulf %get3A_749, %mul3A_751 : vector<16xf32>
        %add3A_753 = arith.addi %mul3A_473, %scan3A_678 : i32
        %get3A_754 = arith.index_cast %add3A_753 : i32 to index
        %get3A_755 = arith.constant 48 : index
        %get3A_756 = tpu.vector_load %arg8[%get3A_754, %get3A_755] {strides = array<i32>} : memref<200x64xf32, #tpu.memory_space<vmem>>, vector<1x16xf32>,
        %get3A_757 = vector.shape_cast %get3A_756 : vector<1x16xf32> to vector<16xf32>
        %add3A_758 = arith.addf %mul3A_752, %get3A_757 : vector<16xf32>
        %swap3A_759 = arith.constant 4 : i32
        %swap3A_760 = arith.index_cast %swap3A_759 : i32 to index
        %swap3A_761 = arith.index_cast %scan3A_678 : i32 to index
        %swap3A_762 = arith.constant 48 : index
        %swap3A_763 = tpu.vector_load %arg9[%swap3A_760, %swap3A_761, %swap3A_762] {strides = array<i32>} : memref<8x40x64xf32, #tpu.memory_space<vmem>>, vector<1x1x16xf32>,
        %swap3A_764 = vector.shape_cast %swap3A_763 : vector<1x1x16xf32> to vector<16xf32>
        %swap3A_765 = vector.shape_cast %add3A_758 : vector<16xf32> to vector<1x1x16xf32>
        tpu.vector_store %arg9[%swap3A_760, %swap3A_761, %swap3A_762], %swap3A_765 {strides = array<i32>} : memref<8x40x64xf32, #tpu.memory_space<vmem>>, vector<1x1x16xf32>,
        %scan3A_766 = arith.constant 0 : i32
        %scan3A_767 = arith.constant 1 : i32
        %scan3A_768 = arith.addi %scan3A_678, %scan3A_767 : i32
        %get3A_769 = arith.constant 4 : i32
        %get3A_770 = arith.index_cast %get3A_769 : i32 to index
        %get3A_771 = arith.index_cast %scan3A_768 : i32 to index
        %get3A_772 = arith.constant 0 : index
        %get3A_773 = tpu.vector_load %arg9[%get3A_770, %get3A_771, %get3A_772] {strides = array<i32>} : memref<8x40x64xf32, #tpu.memory_space<vmem>>, vector<1x1x16xf32>,
        %get3A_774 = vector.shape_cast %get3A_773 : vector<1x1x16xf32> to vector<16xf32>
        %mul3A_775 = arith.constant 8.000000e+00 : f32
        %mul3A_776 = vector.broadcast %mul3A_775 : f32 to vector<16xf32>
        %mul3A_777 = arith.mulf %get3A_774, %mul3A_776 : vector<16xf32>
        %add3A_778 = arith.addi %mul3A_473, %scan3A_768 : i32
        %get3A_779 = arith.index_cast %add3A_778 : i32 to index
        %get3A_780 = arith.constant 0 : index
        %get3A_781 = tpu.vector_load %arg8[%get3A_779, %get3A_780] {strides = array<i32>} : memref<200x64xf32, #tpu.memory_space<vmem>>, vector<1x16xf32>,
        %get3A_782 = vector.shape_cast %get3A_781 : vector<1x16xf32> to vector<16xf32>
        %add3A_783 = arith.addf %mul3A_777, %get3A_782 : vector<16xf32>
        %swap3A_784 = arith.constant 4 : i32
        %swap3A_785 = arith.index_cast %swap3A_784 : i32 to index
        %swap3A_786 = arith.index_cast %scan3A_768 : i32 to index
        %swap3A_787 = arith.constant 0 : index
        %swap3A_788 = tpu.vector_load %arg9[%swap3A_785, %swap3A_786, %swap3A_787] {strides = array<i32>} : memref<8x40x64xf32, #tpu.memory_space<vmem>>, vector<1x1x16xf32>,
        %swap3A_789 = vector.shape_cast %swap3A_788 : vector<1x1x16xf32> to vector<16xf32>
        %swap3A_790 = vector.shape_cast %add3A_783 : vector<16xf32> to vector<1x1x16xf32>
        tpu.vector_store %arg9[%swap3A_785, %swap3A_786, %swap3A_787], %swap3A_790 {strides = array<i32>} : memref<8x40x64xf32, #tpu.memory_space<vmem>>, vector<1x1x16xf32>,
        %get3A_791 = arith.constant 4 : i32
        %get3A_792 = arith.index_cast %get3A_791 : i32 to index
        %get3A_793 = arith.index_cast %scan3A_768 : i32 to index
        %get3A_794 = arith.constant 16 : index
        %get3A_795 = tpu.vector_load %arg9[%get3A_792, %get3A_793, %get3A_794] {strides = array<i32>} : memref<8x40x64xf32, #tpu.memory_space<vmem>>, vector<1x1x16xf32>,
        %get3A_796 = vector.shape_cast %get3A_795 : vector<1x1x16xf32> to vector<16xf32>
        %mul3A_797 = arith.constant 8.000000e+00 : f32
        %mul3A_798 = vector.broadcast %mul3A_797 : f32 to vector<16xf32>
        %mul3A_799 = arith.mulf %get3A_796, %mul3A_798 : vector<16xf32>
        %add3A_800 = arith.addi %mul3A_473, %scan3A_768 : i32
        %get3A_801 = arith.index_cast %add3A_800 : i32 to index
        %get3A_802 = arith.constant 16 : index
        %get3A_803 = tpu.vector_load %arg8[%get3A_801, %get3A_802] {strides = array<i32>} : memref<200x64xf32, #tpu.memory_space<vmem>>, vector<1x16xf32>,
        %get3A_804 = vector.shape_cast %get3A_803 : vector<1x16xf32> to vector<16xf32>
        %add3A_805 = arith.addf %mul3A_799, %get3A_804 : vector<16xf32>
        %swap3A_806 = arith.constant 4 : i32
        %swap3A_807 = arith.index_cast %swap3A_806 : i32 to index
        %swap3A_808 = arith.index_cast %scan3A_768 : i32 to index
        %swap3A_809 = arith.constant 16 : index
        %swap3A_810 = tpu.vector_load %arg9[%swap3A_807, %swap3A_808, %swap3A_809] {strides = array<i32>} : memref<8x40x64xf32, #tpu.memory_space<vmem>>, vector<1x1x16xf32>,
        %swap3A_811 = vector.shape_cast %swap3A_810 : vector<1x1x16xf32> to vector<16xf32>
        %swap3A_812 = vector.shape_cast %add3A_805 : vector<16xf32> to vector<1x1x16xf32>
        tpu.vector_store %arg9[%swap3A_807, %swap3A_808, %swap3A_809], %swap3A_812 {strides = array<i32>} : memref<8x40x64xf32, #tpu.memory_space<vmem>>, vector<1x1x16xf32>,
        %get3A_813 = arith.constant 4 : i32
        %get3A_814 = arith.index_cast %get3A_813 : i32 to index
        %get3A_815 = arith.index_cast %scan3A_768 : i32 to index
        %get3A_816 = arith.constant 32 : index
        %get3A_817 = tpu.vector_load %arg9[%get3A_814, %get3A_815, %get3A_816] {strides = array<i32>} : memref<8x40x64xf32, #tpu.memory_space<vmem>>, vector<1x1x16xf32>,
        %get3A_818 = vector.shape_cast %get3A_817 : vector<1x1x16xf32> to vector<16xf32>
        %mul3A_819 = arith.constant 8.000000e+00 : f32
        %mul3A_820 = vector.broadcast %mul3A_819 : f32 to vector<16xf32>
        %mul3A_821 = arith.mulf %get3A_818, %mul3A_820 : vector<16xf32>
        %add3A_822 = arith.addi %mul3A_473, %scan3A_768 : i32
        %get3A_823 = arith.index_cast %add3A_822 : i32 to index
        %get3A_824 = arith.constant 32 : index
        %get3A_825 = tpu.vector_load %arg8[%get3A_823, %get3A_824] {strides = array<i32>} : memref<200x64xf32, #tpu.memory_space<vmem>>, vector<1x16xf32>,
        %get3A_826 = vector.shape_cast %get3A_825 : vector<1x16xf32> to vector<16xf32>
        %add3A_827 = arith.addf %mul3A_821, %get3A_826 : vector<16xf32>
        %swap3A_828 = arith.constant 4 : i32
        %swap3A_829 = arith.index_cast %swap3A_828 : i32 to index
        %swap3A_830 = arith.index_cast %scan3A_768 : i32 to index
        %swap3A_831 = arith.constant 32 : index
        %swap3A_832 = tpu.vector_load %arg9[%swap3A_829, %swap3A_830, %swap3A_831] {strides = array<i32>} : memref<8x40x64xf32, #tpu.memory_space<vmem>>, vector<1x1x16xf32>,
        %swap3A_833 = vector.shape_cast %swap3A_832 : vector<1x1x16xf32> to vector<16xf32>
        %swap3A_834 = vector.shape_cast %add3A_827 : vector<16xf32> to vector<1x1x16xf32>
        tpu.vector_store %arg9[%swap3A_829, %swap3A_830, %swap3A_831], %swap3A_834 {strides = array<i32>} : memref<8x40x64xf32, #tpu.memory_space<vmem>>, vector<1x1x16xf32>,
        %get3A_835 = arith.constant 4 : i32
        %get3A_836 = arith.index_cast %get3A_835 : i32 to index
        %get3A_837 = arith.index_cast %scan3A_768 : i32 to index
        %get3A_838 = arith.constant 48 : index
        %get3A_839 = tpu.vector_load %arg9[%get3A_836, %get3A_837, %get3A_838] {strides = array<i32>} : memref<8x40x64xf32, #tpu.memory_space<vmem>>, vector<1x1x16xf32>,
        %get3A_840 = vector.shape_cast %get3A_839 : vector<1x1x16xf32> to vector<16xf32>
        %mul3A_841 = arith.constant 8.000000e+00 : f32
        %mul3A_842 = vector.broadcast %mul3A_841 : f32 to vector<16xf32>
        %mul3A_843 = arith.mulf %get3A_840, %mul3A_842 : vector<16xf32>
        %add3A_844 = arith.addi %mul3A_473, %scan3A_768 : i32
        %get3A_845 = arith.index_cast %add3A_844 : i32 to index
        %get3A_846 = arith.constant 48 : index
        %get3A_847 = tpu.vector_load %arg8[%get3A_845, %get3A_846] {strides = array<i32>} : memref<200x64xf32, #tpu.memory_space<vmem>>, vector<1x16xf32>,
        %get3A_848 = vector.shape_cast %get3A_847 : vector<1x16xf32> to vector<16xf32>
        %add3A_849 = arith.addf %mul3A_843, %get3A_848 : vector<16xf32>
        %swap3A_850 = arith.constant 4 : i32
        %swap3A_851 = arith.index_cast %swap3A_850 : i32 to index
        %swap3A_852 = arith.index_cast %scan3A_768 : i32 to index
        %swap3A_853 = arith.constant 48 : index
        %swap3A_854 = tpu.vector_load %arg9[%swap3A_851, %swap3A_852, %swap3A_853] {strides = array<i32>} : memref<8x40x64xf32, #tpu.memory_space<vmem>>, vector<1x1x16xf32>,
        %swap3A_855 = vector.shape_cast %swap3A_854 : vector<1x1x16xf32> to vector<16xf32>
        %swap3A_856 = vector.shape_cast %add3A_849 : vector<16xf32> to vector<1x1x16xf32>
        tpu.vector_store %arg9[%swap3A_851, %swap3A_852, %swap3A_853], %swap3A_856 {strides = array<i32>} : memref<8x40x64xf32, #tpu.memory_space<vmem>>, vector<1x1x16xf32>,
        %scan3A_857 = arith.constant 0 : i32
        scf.yield %scan3A_857 : i32
      }
      %scan3A_480 = arith.constant 40 : i32
      %add3A_481 = arith.addi %mul3A_2, %div3A_469 : i32
      %dma_start3A_482 = arith.constant 4 : i32
      %dma_start3A_483 = arith.constant 0 : i32
      %dma_start3A_484 = arith.constant 0 : i32
      %dma_start3A_485 = tpu.memref_slice %arg9[%dma_start3A_482, %dma_start3A_483, %dma_start3A_484] : memref<8x40x64xf32, #tpu.memory_space<vmem>> -> memref<1x40x64xf32, #tpu.memory_space<vmem>>
      %dma_start3A_486 = tpu.memref_squeeze %dma_start3A_485 : memref<1x40x64xf32, #tpu.memory_space<vmem>> -> memref<40x64xf32, #tpu.memory_space<vmem>>
      %dma_start3A_487 = arith.constant 0 : i32
      %dma_start3A_488 = tpu.memref_slice %arg5[%add3A_481, %mul3A_473, %dma_start3A_487] : memref<1024x200x64xf32, #tpu.memory_space<hbm>> -> memref<1x40x64xf32, #tpu.memory_space<hbm>>
      %dma_start3A_489 = tpu.memref_squeeze %dma_start3A_488 : memref<1x40x64xf32, #tpu.memory_space<hbm>> -> memref<40x64xf32, #tpu.memory_space<hbm>>
      %dma_start3A_490 = arith.constant 0 : i32
      %dma_start3A_491 = tpu.memref_slice %arg5[%add3A_481, %mul3A_473, %dma_start3A_490] : memref<1024x200x64xf32, #tpu.memory_space<hbm>> -> memref<1x40x64xf32, #tpu.memory_space<hbm>>
      %dma_start3A_492 = tpu.memref_squeeze %dma_start3A_491 : memref<1x40x64xf32, #tpu.memory_space<hbm>> -> memref<40x64xf32, #tpu.memory_space<hbm>>
      %dma_start3A_493 = arith.constant 0 : i32
      %dma_start3A_494 = arith.constant 0 : i32
      %dma_start3A_495 = tpu.memref_slice %arg9[%dma_start3A_482, %dma_start3A_493, %dma_start3A_494] : memref<8x40x64xf32, #tpu.memory_space<vmem>> -> memref<1x40x64xf32, #tpu.memory_space<vmem>>
      %dma_start3A_496 = tpu.memref_squeeze %dma_start3A_495 : memref<1x40x64xf32, #tpu.memory_space<vmem>> -> memref<40x64xf32, #tpu.memory_space<vmem>>
      tpu.enqueue_dma source(%dma_start3A_496 : memref<40x64xf32, #tpu.memory_space<vmem>>) target(%dma_start3A_492 : memref<40x64xf32, #tpu.memory_space<hbm>>) target_semaphore(%arg11 : memref<!tpu.dma_semaphore, #tpu.memory_space<semaphore_mem>>)
      %add3A_497 = arith.constant 5 : i32
      %add3A_498 = arith.addi %mul3A_203, %add3A_497 : i32
      %add3A_499 = arith.constant 4 : i32
      %add3A_500 = arith.addi %add3A_498, %add3A_499 : i32
      %ge3A_501 = arith.constant 8 : i32
      %ge3A_502 = arith.cmpi sge, %add3A_500, %ge3A_501 : i32
      %lt3A_503 = arith.constant 160 : i32
      %lt3A_504 = arith.cmpi slt, %add3A_500, %lt3A_503 : i32
      %and3A_505 = arith.andi %ge3A_502, %lt3A_504 : i1
      %convert_element_type3A_506 = arith.extui %and3A_505 : i1 to i32
      %cond3A_507 = arith.constant 0 : i32
      %cond3A_508 = arith.cmpi ne, %convert_element_type3A_506, %cond3A_507 : i32
      scf.if %cond3A_508 {
        %dma_wait3A_678 = arith.constant 1 : i32
        %dma_wait3A_679 = arith.constant 0 : i32
        %dma_wait3A_680 = arith.constant 0 : i32
        %dma_wait3A_681 = arith.constant 0 : i32
        %dma_wait3A_682 = tpu.memref_slice %arg9[%dma_wait3A_678, %dma_wait3A_680, %dma_wait3A_681] : memref<8x40x64xf32, #tpu.memory_space<vmem>> -> memref<1x40x64xf32, #tpu.memory_space<vmem>>
        %dma_wait3A_683 = tpu.memref_squeeze %dma_wait3A_682 : memref<1x40x64xf32, #tpu.memory_space<vmem>> -> memref<40x64xf32, #tpu.memory_space<vmem>>
        %dma_wait3A_684 = arith.constant 0 : i32
        %dma_wait3A_685 = arith.constant 0 : i32
        %dma_wait3A_686 = tpu.memref_slice %arg5[%dma_wait3A_679, %dma_wait3A_684, %dma_wait3A_685] : memref<1024x200x64xf32, #tpu.memory_space<hbm>> -> memref<1x40x64xf32, #tpu.memory_space<hbm>>
        %dma_wait3A_687 = tpu.memref_squeeze %dma_wait3A_686 : memref<1x40x64xf32, #tpu.memory_space<hbm>> -> memref<40x64xf32, #tpu.memory_space<hbm>>
        %dma_wait3A_688 = arith.constant 0 : i32
        %dma_wait3A_689 = arith.constant 0 : i32
        %dma_wait3A_690 = tpu.memref_slice %arg5[%dma_wait3A_679, %dma_wait3A_688, %dma_wait3A_689] : memref<1024x200x64xf32, #tpu.memory_space<hbm>> -> memref<1x40x64xf32, #tpu.memory_space<hbm>>
        %dma_wait3A_691 = tpu.memref_squeeze %dma_wait3A_690 : memref<1x40x64xf32, #tpu.memory_space<hbm>> -> memref<40x64xf32, #tpu.memory_space<hbm>>
        %dma_wait3A_692 = arith.constant 0 : i32
        %dma_wait3A_693 = arith.constant 0 : i32
        %dma_wait3A_694 = tpu.memref_slice %arg9[%dma_wait3A_678, %dma_wait3A_692, %dma_wait3A_693] : memref<8x40x64xf32, #tpu.memory_space<vmem>> -> memref<1x40x64xf32, #tpu.memory_space<vmem>>
        %dma_wait3A_695 = tpu.memref_squeeze %dma_wait3A_694 : memref<1x40x64xf32, #tpu.memory_space<vmem>> -> memref<40x64xf32, #tpu.memory_space<vmem>>
        tpu.wait_dma2 semaphore(%arg11 : memref<!tpu.dma_semaphore, #tpu.memory_space<semaphore_mem>>) src(%dma_wait3A_695 : memref<40x64xf32, #tpu.memory_space<vmem>>) dst(%dma_wait3A_691 : memref<40x64xf32, #tpu.memory_space<hbm>>)
        %mul3A_696 = arith.constant 40 : i32
        %mul3A_697 = arith.muli %add3A_500, %mul3A_696 : i32
        %dma_start3A_698 = arith.constant 1 : i32
        %dma_start3A_699 = arith.constant 0 : i32
        %dma_start3A_700 = arith.constant 0 : i32
        %dma_start3A_701 = tpu.memref_slice %arg9[%dma_start3A_698, %dma_start3A_699, %dma_start3A_700] : memref<8x40x64xf32, #tpu.memory_space<vmem>> -> memref<1x40x64xf32, #tpu.memory_space<vmem>>
        %dma_start3A_702 = tpu.memref_squeeze %dma_start3A_701 : memref<1x40x64xf32, #tpu.memory_space<vmem>> -> memref<40x64xf32, #tpu.memory_space<vmem>>
        %dma_start3A_703 = tpu.memref_slice %arg7[%mul3A_697] : memref<6400xi32, #tpu.memory_space<vmem>> -> memref<40xi32, #tpu.memory_space<vmem>>
        %dma_start3A_704 = arith.constant 0 : i32
        %dma_start3A_705 = arith.constant 0 : i32
        %dma_start3A_706 = tpu.memref_slice %arg2[%dma_start3A_704, %dma_start3A_705] : memref<2000000x64xf32, #tpu.memory_space<hbm>> -> memref<2000000x64xf32, #tpu.memory_space<hbm>>
        tpu.enqueue_indirect_dma source(%dma_start3A_706 : memref<2000000x64xf32, #tpu.memory_space<hbm>>) target(%dma_start3A_702 : memref<40x64xf32, #tpu.memory_space<vmem>>) offsets(%dma_start3A_703 : memref<40xi32, #tpu.memory_space<vmem>>) semaphore(%arg10 : memref<!tpu.dma_semaphore, #tpu.memory_space<semaphore_mem>>)
      } else {
      }
      %ge3A_509 = arith.constant 4 : i32
      %ge3A_510 = arith.cmpi sge, %add3A_500, %ge3A_509 : i32
      %lt3A_511 = arith.constant 8 : i32
      %lt3A_512 = arith.cmpi slt, %add3A_500, %lt3A_511 : i32
      %and3A_513 = arith.andi %ge3A_510, %lt3A_512 : i1
      %convert_element_type3A_514 = arith.extui %and3A_513 : i1 to i32
      %cond3A_515 = arith.constant 0 : i32
      %cond3A_516 = arith.cmpi ne, %convert_element_type3A_514, %cond3A_515 : i32
      scf.if %cond3A_516 {
        %mul3A_678 = arith.constant 40 : i32
        %mul3A_679 = arith.muli %add3A_500, %mul3A_678 : i32
        %dma_start3A_680 = arith.constant 1 : i32
        %dma_start3A_681 = arith.constant 0 : i32
        %dma_start3A_682 = arith.constant 0 : i32
        %dma_start3A_683 = tpu.memref_slice %arg9[%dma_start3A_680, %dma_start3A_681, %dma_start3A_682] : memref<8x40x64xf32, #tpu.memory_space<vmem>> -> memref<1x40x64xf32, #tpu.memory_space<vmem>>
        %dma_start3A_684 = tpu.memref_squeeze %dma_start3A_683 : memref<1x40x64xf32, #tpu.memory_space<vmem>> -> memref<40x64xf32, #tpu.memory_space<vmem>>
        %dma_start3A_685 = tpu.memref_slice %arg7[%mul3A_679] : memref<6400xi32, #tpu.memory_space<vmem>> -> memref<40xi32, #tpu.memory_space<vmem>>
        %dma_start3A_686 = arith.constant 0 : i32
        %dma_start3A_687 = arith.constant 0 : i32
        %dma_start3A_688 = tpu.memref_slice %arg2[%dma_start3A_686, %dma_start3A_687] : memref<2000000x64xf32, #tpu.memory_space<hbm>> -> memref<2000000x64xf32, #tpu.memory_space<hbm>>
        tpu.enqueue_indirect_dma source(%dma_start3A_688 : memref<2000000x64xf32, #tpu.memory_space<hbm>>) target(%dma_start3A_684 : memref<40x64xf32, #tpu.memory_space<vmem>>) offsets(%dma_start3A_685 : memref<40xi32, #tpu.memory_space<vmem>>) semaphore(%arg10 : memref<!tpu.dma_semaphore, #tpu.memory_space<semaphore_mem>>)
      } else {
      }
      %mul3A_517 = arith.constant 40 : i32
      %mul3A_518 = arith.muli %add3A_498, %mul3A_517 : i32
      %dma_wait3A_519 = arith.constant 5 : i32
      %dma_wait3A_520 = arith.constant 0 : i32
      %dma_wait3A_521 = arith.constant 0 : i32
      %dma_wait3A_522 = tpu.memref_slice %arg9[%dma_wait3A_519, %dma_wait3A_520, %dma_wait3A_521] : memref<8x40x64xf32, #tpu.memory_space<vmem>> -> memref<1x40x64xf32, #tpu.memory_space<vmem>>
      %dma_wait3A_523 = tpu.memref_squeeze %dma_wait3A_522 : memref<1x40x64xf32, #tpu.memory_space<vmem>> -> memref<40x64xf32, #tpu.memory_space<vmem>>
      %dma_wait3A_524 = tpu.memref_slice %arg7[%mul3A_518] : memref<6400xi32, #tpu.memory_space<vmem>> -> memref<40xi32, #tpu.memory_space<vmem>>
      %dma_wait3A_525 = arith.constant 0 : i32
      %dma_wait3A_526 = arith.constant 0 : i32
      %dma_wait3A_527 = tpu.memref_slice %arg2[%dma_wait3A_525, %dma_wait3A_526] : memref<2000000x64xf32, #tpu.memory_space<hbm>> -> memref<2000000x64xf32, #tpu.memory_space<hbm>>
      tpu.wait_indirect_dma semaphore(%arg10 : memref<!tpu.dma_semaphore, #tpu.memory_space<semaphore_mem>>) src(%dma_wait3A_527 : memref<2000000x64xf32, #tpu.memory_space<hbm>>) dst(%dma_wait3A_523 : memref<40x64xf32, #tpu.memory_space<vmem>>)
      %div3A_528 = arith.constant 5 : i32
      %div3A_529 = arith.divsi %add3A_498, %div3A_528 : i32
      %rem3A_530 = arith.constant 5 : i32
      %rem3A_531 = arith.remsi %add3A_498, %rem3A_530 : i32
      %mul3A_532 = arith.constant 40 : i32
      %mul3A_533 = arith.muli %rem3A_531, %mul3A_532 : i32
      %scan3A_534 = arith.constant 0 : i32
      %scan3A_535 = arith.constant 0 : i32
      %scan3A_536 = arith.constant 40 : i32
      %scan3A_537 = arith.addi %scan3A_535, %scan3A_536 : i32
      %scan3A_538 = arith.constant 2 : i32
      %scan3A_539 = scf.for %scan3A_678 = %scan3A_535 to %scan3A_537 step %scan3A_538 iter_args(%scan3A_679 = %scan3A_534) -> (i32)  : i32 {
        %get3A = arith.constant 5 : i32
        %get3A_680 = arith.index_cast %get3A : i32 to index
        %get3A_681 = arith.index_cast %scan3A_678 : i32 to index
        %get3A_682 = arith.constant 0 : index
        %get3A_683 = tpu.vector_load %arg9[%get3A_680, %get3A_681, %get3A_682] {strides = array<i32>} : memref<8x40x64xf32, #tpu.memory_space<vmem>>, vector<1x1x16xf32>,
        %get3A_684 = vector.shape_cast %get3A_683 : vector<1x1x16xf32> to vector<16xf32>
        %mul3A_685 = arith.constant 8.000000e+00 : f32
        %mul3A_686 = vector.broadcast %mul3A_685 : f32 to vector<16xf32>
        %mul3A_687 = arith.mulf %get3A_684, %mul3A_686 : vector<16xf32>
        %add3A_688 = arith.addi %mul3A_533, %scan3A_678 : i32
        %get3A_689 = arith.index_cast %add3A_688 : i32 to index
        %get3A_690 = arith.constant 0 : index
        %get3A_691 = tpu.vector_load %arg8[%get3A_689, %get3A_690] {strides = array<i32>} : memref<200x64xf32, #tpu.memory_space<vmem>>, vector<1x16xf32>,
        %get3A_692 = vector.shape_cast %get3A_691 : vector<1x16xf32> to vector<16xf32>
        %add3A_693 = arith.addf %mul3A_687, %get3A_692 : vector<16xf32>
        %swap3A = arith.constant 5 : i32
        %swap3A_694 = arith.index_cast %swap3A : i32 to index
        %swap3A_695 = arith.index_cast %scan3A_678 : i32 to index
        %swap3A_696 = arith.constant 0 : index
        %swap3A_697 = tpu.vector_load %arg9[%swap3A_694, %swap3A_695, %swap3A_696] {strides = array<i32>} : memref<8x40x64xf32, #tpu.memory_space<vmem>>, vector<1x1x16xf32>,
        %swap3A_698 = vector.shape_cast %swap3A_697 : vector<1x1x16xf32> to vector<16xf32>
        %swap3A_699 = vector.shape_cast %add3A_693 : vector<16xf32> to vector<1x1x16xf32>
        tpu.vector_store %arg9[%swap3A_694, %swap3A_695, %swap3A_696], %swap3A_699 {strides = array<i32>} : memref<8x40x64xf32, #tpu.memory_space<vmem>>, vector<1x1x16xf32>,
        %get3A_700 = arith.constant 5 : i32
        %get3A_701 = arith.index_cast %get3A_700 : i32 to index
        %get3A_702 = arith.index_cast %scan3A_678 : i32 to index
        %get3A_703 = arith.constant 16 : index
        %get3A_704 = tpu.vector_load %arg9[%get3A_701, %get3A_702, %get3A_703] {strides = array<i32>} : memref<8x40x64xf32, #tpu.memory_space<vmem>>, vector<1x1x16xf32>,
        %get3A_705 = vector.shape_cast %get3A_704 : vector<1x1x16xf32> to vector<16xf32>
        %mul3A_706 = arith.constant 8.000000e+00 : f32
        %mul3A_707 = vector.broadcast %mul3A_706 : f32 to vector<16xf32>
        %mul3A_708 = arith.mulf %get3A_705, %mul3A_707 : vector<16xf32>
        %add3A_709 = arith.addi %mul3A_533, %scan3A_678 : i32
        %get3A_710 = arith.index_cast %add3A_709 : i32 to index
        %get3A_711 = arith.constant 16 : index
        %get3A_712 = tpu.vector_load %arg8[%get3A_710, %get3A_711] {strides = array<i32>} : memref<200x64xf32, #tpu.memory_space<vmem>>, vector<1x16xf32>,
        %get3A_713 = vector.shape_cast %get3A_712 : vector<1x16xf32> to vector<16xf32>
        %add3A_714 = arith.addf %mul3A_708, %get3A_713 : vector<16xf32>
        %swap3A_715 = arith.constant 5 : i32
        %swap3A_716 = arith.index_cast %swap3A_715 : i32 to index
        %swap3A_717 = arith.index_cast %scan3A_678 : i32 to index
        %swap3A_718 = arith.constant 16 : index
        %swap3A_719 = tpu.vector_load %arg9[%swap3A_716, %swap3A_717, %swap3A_718] {strides = array<i32>} : memref<8x40x64xf32, #tpu.memory_space<vmem>>, vector<1x1x16xf32>,
        %swap3A_720 = vector.shape_cast %swap3A_719 : vector<1x1x16xf32> to vector<16xf32>
        %swap3A_721 = vector.shape_cast %add3A_714 : vector<16xf32> to vector<1x1x16xf32>
        tpu.vector_store %arg9[%swap3A_716, %swap3A_717, %swap3A_718], %swap3A_721 {strides = array<i32>} : memref<8x40x64xf32, #tpu.memory_space<vmem>>, vector<1x1x16xf32>,
        %get3A_722 = arith.constant 5 : i32
        %get3A_723 = arith.index_cast %get3A_722 : i32 to index
        %get3A_724 = arith.index_cast %scan3A_678 : i32 to index
        %get3A_725 = arith.constant 32 : index
        %get3A_726 = tpu.vector_load %arg9[%get3A_723, %get3A_724, %get3A_725] {strides = array<i32>} : memref<8x40x64xf32, #tpu.memory_space<vmem>>, vector<1x1x16xf32>,
        %get3A_727 = vector.shape_cast %get3A_726 : vector<1x1x16xf32> to vector<16xf32>
        %mul3A_728 = arith.constant 8.000000e+00 : f32
        %mul3A_729 = vector.broadcast %mul3A_728 : f32 to vector<16xf32>
        %mul3A_730 = arith.mulf %get3A_727, %mul3A_729 : vector<16xf32>
        %add3A_731 = arith.addi %mul3A_533, %scan3A_678 : i32
        %get3A_732 = arith.index_cast %add3A_731 : i32 to index
        %get3A_733 = arith.constant 32 : index
        %get3A_734 = tpu.vector_load %arg8[%get3A_732, %get3A_733] {strides = array<i32>} : memref<200x64xf32, #tpu.memory_space<vmem>>, vector<1x16xf32>,
        %get3A_735 = vector.shape_cast %get3A_734 : vector<1x16xf32> to vector<16xf32>
        %add3A_736 = arith.addf %mul3A_730, %get3A_735 : vector<16xf32>
        %swap3A_737 = arith.constant 5 : i32
        %swap3A_738 = arith.index_cast %swap3A_737 : i32 to index
        %swap3A_739 = arith.index_cast %scan3A_678 : i32 to index
        %swap3A_740 = arith.constant 32 : index
        %swap3A_741 = tpu.vector_load %arg9[%swap3A_738, %swap3A_739, %swap3A_740] {strides = array<i32>} : memref<8x40x64xf32, #tpu.memory_space<vmem>>, vector<1x1x16xf32>,
        %swap3A_742 = vector.shape_cast %swap3A_741 : vector<1x1x16xf32> to vector<16xf32>
        %swap3A_743 = vector.shape_cast %add3A_736 : vector<16xf32> to vector<1x1x16xf32>
        tpu.vector_store %arg9[%swap3A_738, %swap3A_739, %swap3A_740], %swap3A_743 {strides = array<i32>} : memref<8x40x64xf32, #tpu.memory_space<vmem>>, vector<1x1x16xf32>,
        %get3A_744 = arith.constant 5 : i32
        %get3A_745 = arith.index_cast %get3A_744 : i32 to index
        %get3A_746 = arith.index_cast %scan3A_678 : i32 to index
        %get3A_747 = arith.constant 48 : index
        %get3A_748 = tpu.vector_load %arg9[%get3A_745, %get3A_746, %get3A_747] {strides = array<i32>} : memref<8x40x64xf32, #tpu.memory_space<vmem>>, vector<1x1x16xf32>,
        %get3A_749 = vector.shape_cast %get3A_748 : vector<1x1x16xf32> to vector<16xf32>
        %mul3A_750 = arith.constant 8.000000e+00 : f32
        %mul3A_751 = vector.broadcast %mul3A_750 : f32 to vector<16xf32>
        %mul3A_752 = arith.mulf %get3A_749, %mul3A_751 : vector<16xf32>
        %add3A_753 = arith.addi %mul3A_533, %scan3A_678 : i32
        %get3A_754 = arith.index_cast %add3A_753 : i32 to index
        %get3A_755 = arith.constant 48 : index
        %get3A_756 = tpu.vector_load %arg8[%get3A_754, %get3A_755] {strides = array<i32>} : memref<200x64xf32, #tpu.memory_space<vmem>>, vector<1x16xf32>,
        %get3A_757 = vector.shape_cast %get3A_756 : vector<1x16xf32> to vector<16xf32>
        %add3A_758 = arith.addf %mul3A_752, %get3A_757 : vector<16xf32>
        %swap3A_759 = arith.constant 5 : i32
        %swap3A_760 = arith.index_cast %swap3A_759 : i32 to index
        %swap3A_761 = arith.index_cast %scan3A_678 : i32 to index
        %swap3A_762 = arith.constant 48 : index
        %swap3A_763 = tpu.vector_load %arg9[%swap3A_760, %swap3A_761, %swap3A_762] {strides = array<i32>} : memref<8x40x64xf32, #tpu.memory_space<vmem>>, vector<1x1x16xf32>,
        %swap3A_764 = vector.shape_cast %swap3A_763 : vector<1x1x16xf32> to vector<16xf32>
        %swap3A_765 = vector.shape_cast %add3A_758 : vector<16xf32> to vector<1x1x16xf32>
        tpu.vector_store %arg9[%swap3A_760, %swap3A_761, %swap3A_762], %swap3A_765 {strides = array<i32>} : memref<8x40x64xf32, #tpu.memory_space<vmem>>, vector<1x1x16xf32>,
        %scan3A_766 = arith.constant 0 : i32
        %scan3A_767 = arith.constant 1 : i32
        %scan3A_768 = arith.addi %scan3A_678, %scan3A_767 : i32
        %get3A_769 = arith.constant 5 : i32
        %get3A_770 = arith.index_cast %get3A_769 : i32 to index
        %get3A_771 = arith.index_cast %scan3A_768 : i32 to index
        %get3A_772 = arith.constant 0 : index
        %get3A_773 = tpu.vector_load %arg9[%get3A_770, %get3A_771, %get3A_772] {strides = array<i32>} : memref<8x40x64xf32, #tpu.memory_space<vmem>>, vector<1x1x16xf32>,
        %get3A_774 = vector.shape_cast %get3A_773 : vector<1x1x16xf32> to vector<16xf32>
        %mul3A_775 = arith.constant 8.000000e+00 : f32
        %mul3A_776 = vector.broadcast %mul3A_775 : f32 to vector<16xf32>
        %mul3A_777 = arith.mulf %get3A_774, %mul3A_776 : vector<16xf32>
        %add3A_778 = arith.addi %mul3A_533, %scan3A_768 : i32
        %get3A_779 = arith.index_cast %add3A_778 : i32 to index
        %get3A_780 = arith.constant 0 : index
        %get3A_781 = tpu.vector_load %arg8[%get3A_779, %get3A_780] {strides = array<i32>} : memref<200x64xf32, #tpu.memory_space<vmem>>, vector<1x16xf32>,
        %get3A_782 = vector.shape_cast %get3A_781 : vector<1x16xf32> to vector<16xf32>
        %add3A_783 = arith.addf %mul3A_777, %get3A_782 : vector<16xf32>
        %swap3A_784 = arith.constant 5 : i32
        %swap3A_785 = arith.index_cast %swap3A_784 : i32 to index
        %swap3A_786 = arith.index_cast %scan3A_768 : i32 to index
        %swap3A_787 = arith.constant 0 : index
        %swap3A_788 = tpu.vector_load %arg9[%swap3A_785, %swap3A_786, %swap3A_787] {strides = array<i32>} : memref<8x40x64xf32, #tpu.memory_space<vmem>>, vector<1x1x16xf32>,
        %swap3A_789 = vector.shape_cast %swap3A_788 : vector<1x1x16xf32> to vector<16xf32>
        %swap3A_790 = vector.shape_cast %add3A_783 : vector<16xf32> to vector<1x1x16xf32>
        tpu.vector_store %arg9[%swap3A_785, %swap3A_786, %swap3A_787], %swap3A_790 {strides = array<i32>} : memref<8x40x64xf32, #tpu.memory_space<vmem>>, vector<1x1x16xf32>,
        %get3A_791 = arith.constant 5 : i32
        %get3A_792 = arith.index_cast %get3A_791 : i32 to index
        %get3A_793 = arith.index_cast %scan3A_768 : i32 to index
        %get3A_794 = arith.constant 16 : index
        %get3A_795 = tpu.vector_load %arg9[%get3A_792, %get3A_793, %get3A_794] {strides = array<i32>} : memref<8x40x64xf32, #tpu.memory_space<vmem>>, vector<1x1x16xf32>,
        %get3A_796 = vector.shape_cast %get3A_795 : vector<1x1x16xf32> to vector<16xf32>
        %mul3A_797 = arith.constant 8.000000e+00 : f32
        %mul3A_798 = vector.broadcast %mul3A_797 : f32 to vector<16xf32>
        %mul3A_799 = arith.mulf %get3A_796, %mul3A_798 : vector<16xf32>
        %add3A_800 = arith.addi %mul3A_533, %scan3A_768 : i32
        %get3A_801 = arith.index_cast %add3A_800 : i32 to index
        %get3A_802 = arith.constant 16 : index
        %get3A_803 = tpu.vector_load %arg8[%get3A_801, %get3A_802] {strides = array<i32>} : memref<200x64xf32, #tpu.memory_space<vmem>>, vector<1x16xf32>,
        %get3A_804 = vector.shape_cast %get3A_803 : vector<1x16xf32> to vector<16xf32>
        %add3A_805 = arith.addf %mul3A_799, %get3A_804 : vector<16xf32>
        %swap3A_806 = arith.constant 5 : i32
        %swap3A_807 = arith.index_cast %swap3A_806 : i32 to index
        %swap3A_808 = arith.index_cast %scan3A_768 : i32 to index
        %swap3A_809 = arith.constant 16 : index
        %swap3A_810 = tpu.vector_load %arg9[%swap3A_807, %swap3A_808, %swap3A_809] {strides = array<i32>} : memref<8x40x64xf32, #tpu.memory_space<vmem>>, vector<1x1x16xf32>,
        %swap3A_811 = vector.shape_cast %swap3A_810 : vector<1x1x16xf32> to vector<16xf32>
        %swap3A_812 = vector.shape_cast %add3A_805 : vector<16xf32> to vector<1x1x16xf32>
        tpu.vector_store %arg9[%swap3A_807, %swap3A_808, %swap3A_809], %swap3A_812 {strides = array<i32>} : memref<8x40x64xf32, #tpu.memory_space<vmem>>, vector<1x1x16xf32>,
        %get3A_813 = arith.constant 5 : i32
        %get3A_814 = arith.index_cast %get3A_813 : i32 to index
        %get3A_815 = arith.index_cast %scan3A_768 : i32 to index
        %get3A_816 = arith.constant 32 : index
        %get3A_817 = tpu.vector_load %arg9[%get3A_814, %get3A_815, %get3A_816] {strides = array<i32>} : memref<8x40x64xf32, #tpu.memory_space<vmem>>, vector<1x1x16xf32>,
        %get3A_818 = vector.shape_cast %get3A_817 : vector<1x1x16xf32> to vector<16xf32>
        %mul3A_819 = arith.constant 8.000000e+00 : f32
        %mul3A_820 = vector.broadcast %mul3A_819 : f32 to vector<16xf32>
        %mul3A_821 = arith.mulf %get3A_818, %mul3A_820 : vector<16xf32>
        %add3A_822 = arith.addi %mul3A_533, %scan3A_768 : i32
        %get3A_823 = arith.index_cast %add3A_822 : i32 to index
        %get3A_824 = arith.constant 32 : index
        %get3A_825 = tpu.vector_load %arg8[%get3A_823, %get3A_824] {strides = array<i32>} : memref<200x64xf32, #tpu.memory_space<vmem>>, vector<1x16xf32>,
        %get3A_826 = vector.shape_cast %get3A_825 : vector<1x16xf32> to vector<16xf32>
        %add3A_827 = arith.addf %mul3A_821, %get3A_826 : vector<16xf32>
        %swap3A_828 = arith.constant 5 : i32
        %swap3A_829 = arith.index_cast %swap3A_828 : i32 to index
        %swap3A_830 = arith.index_cast %scan3A_768 : i32 to index
        %swap3A_831 = arith.constant 32 : index
        %swap3A_832 = tpu.vector_load %arg9[%swap3A_829, %swap3A_830, %swap3A_831] {strides = array<i32>} : memref<8x40x64xf32, #tpu.memory_space<vmem>>, vector<1x1x16xf32>,
        %swap3A_833 = vector.shape_cast %swap3A_832 : vector<1x1x16xf32> to vector<16xf32>
        %swap3A_834 = vector.shape_cast %add3A_827 : vector<16xf32> to vector<1x1x16xf32>
        tpu.vector_store %arg9[%swap3A_829, %swap3A_830, %swap3A_831], %swap3A_834 {strides = array<i32>} : memref<8x40x64xf32, #tpu.memory_space<vmem>>, vector<1x1x16xf32>,
        %get3A_835 = arith.constant 5 : i32
        %get3A_836 = arith.index_cast %get3A_835 : i32 to index
        %get3A_837 = arith.index_cast %scan3A_768 : i32 to index
        %get3A_838 = arith.constant 48 : index
        %get3A_839 = tpu.vector_load %arg9[%get3A_836, %get3A_837, %get3A_838] {strides = array<i32>} : memref<8x40x64xf32, #tpu.memory_space<vmem>>, vector<1x1x16xf32>,
        %get3A_840 = vector.shape_cast %get3A_839 : vector<1x1x16xf32> to vector<16xf32>
        %mul3A_841 = arith.constant 8.000000e+00 : f32
        %mul3A_842 = vector.broadcast %mul3A_841 : f32 to vector<16xf32>
        %mul3A_843 = arith.mulf %get3A_840, %mul3A_842 : vector<16xf32>
        %add3A_844 = arith.addi %mul3A_533, %scan3A_768 : i32
        %get3A_845 = arith.index_cast %add3A_844 : i32 to index
        %get3A_846 = arith.constant 48 : index
        %get3A_847 = tpu.vector_load %arg8[%get3A_845, %get3A_846] {strides = array<i32>} : memref<200x64xf32, #tpu.memory_space<vmem>>, vector<1x16xf32>,
        %get3A_848 = vector.shape_cast %get3A_847 : vector<1x16xf32> to vector<16xf32>
        %add3A_849 = arith.addf %mul3A_843, %get3A_848 : vector<16xf32>
        %swap3A_850 = arith.constant 5 : i32
        %swap3A_851 = arith.index_cast %swap3A_850 : i32 to index
        %swap3A_852 = arith.index_cast %scan3A_768 : i32 to index
        %swap3A_853 = arith.constant 48 : index
        %swap3A_854 = tpu.vector_load %arg9[%swap3A_851, %swap3A_852, %swap3A_853] {strides = array<i32>} : memref<8x40x64xf32, #tpu.memory_space<vmem>>, vector<1x1x16xf32>,
        %swap3A_855 = vector.shape_cast %swap3A_854 : vector<1x1x16xf32> to vector<16xf32>
        %swap3A_856 = vector.shape_cast %add3A_849 : vector<16xf32> to vector<1x1x16xf32>
        tpu.vector_store %arg9[%swap3A_851, %swap3A_852, %swap3A_853], %swap3A_856 {strides = array<i32>} : memref<8x40x64xf32, #tpu.memory_space<vmem>>, vector<1x1x16xf32>,
        %scan3A_857 = arith.constant 0 : i32
        scf.yield %scan3A_857 : i32
      }
      %scan3A_540 = arith.constant 40 : i32
      %add3A_541 = arith.addi %mul3A_2, %div3A_529 : i32
      %dma_start3A_542 = arith.constant 5 : i32
      %dma_start3A_543 = arith.constant 0 : i32
      %dma_start3A_544 = arith.constant 0 : i32
      %dma_start3A_545 = tpu.memref_slice %arg9[%dma_start3A_542, %dma_start3A_543, %dma_start3A_544] : memref<8x40x64xf32, #tpu.memory_space<vmem>> -> memref<1x40x64xf32, #tpu.memory_space<vmem>>
      %dma_start3A_546 = tpu.memref_squeeze %dma_start3A_545 : memref<1x40x64xf32, #tpu.memory_space<vmem>> -> memref<40x64xf32, #tpu.memory_space<vmem>>
      %dma_start3A_547 = arith.constant 0 : i32
      %dma_start3A_548 = tpu.memref_slice %arg5[%add3A_541, %mul3A_533, %dma_start3A_547] : memref<1024x200x64xf32, #tpu.memory_space<hbm>> -> memref<1x40x64xf32, #tpu.memory_space<hbm>>
      %dma_start3A_549 = tpu.memref_squeeze %dma_start3A_548 : memref<1x40x64xf32, #tpu.memory_space<hbm>> -> memref<40x64xf32, #tpu.memory_space<hbm>>
      %dma_start3A_550 = arith.constant 0 : i32
      %dma_start3A_551 = tpu.memref_slice %arg5[%add3A_541, %mul3A_533, %dma_start3A_550] : memref<1024x200x64xf32, #tpu.memory_space<hbm>> -> memref<1x40x64xf32, #tpu.memory_space<hbm>>
      %dma_start3A_552 = tpu.memref_squeeze %dma_start3A_551 : memref<1x40x64xf32, #tpu.memory_space<hbm>> -> memref<40x64xf32, #tpu.memory_space<hbm>>
      %dma_start3A_553 = arith.constant 0 : i32
      %dma_start3A_554 = arith.constant 0 : i32
      %dma_start3A_555 = tpu.memref_slice %arg9[%dma_start3A_542, %dma_start3A_553, %dma_start3A_554] : memref<8x40x64xf32, #tpu.memory_space<vmem>> -> memref<1x40x64xf32, #tpu.memory_space<vmem>>
      %dma_start3A_556 = tpu.memref_squeeze %dma_start3A_555 : memref<1x40x64xf32, #tpu.memory_space<vmem>> -> memref<40x64xf32, #tpu.memory_space<vmem>>
      tpu.enqueue_dma source(%dma_start3A_556 : memref<40x64xf32, #tpu.memory_space<vmem>>) target(%dma_start3A_552 : memref<40x64xf32, #tpu.memory_space<hbm>>) target_semaphore(%arg11 : memref<!tpu.dma_semaphore, #tpu.memory_space<semaphore_mem>>)
      %add3A_557 = arith.constant 6 : i32
      %add3A_558 = arith.addi %mul3A_203, %add3A_557 : i32
      %add3A_559 = arith.constant 4 : i32
      %add3A_560 = arith.addi %add3A_558, %add3A_559 : i32
      %ge3A_561 = arith.constant 8 : i32
      %ge3A_562 = arith.cmpi sge, %add3A_560, %ge3A_561 : i32
      %lt3A_563 = arith.constant 160 : i32
      %lt3A_564 = arith.cmpi slt, %add3A_560, %lt3A_563 : i32
      %and3A_565 = arith.andi %ge3A_562, %lt3A_564 : i1
      %convert_element_type3A_566 = arith.extui %and3A_565 : i1 to i32
      %cond3A_567 = arith.constant 0 : i32
      %cond3A_568 = arith.cmpi ne, %convert_element_type3A_566, %cond3A_567 : i32
      scf.if %cond3A_568 {
        %dma_wait3A_678 = arith.constant 2 : i32
        %dma_wait3A_679 = arith.constant 0 : i32
        %dma_wait3A_680 = arith.constant 0 : i32
        %dma_wait3A_681 = arith.constant 0 : i32
        %dma_wait3A_682 = tpu.memref_slice %arg9[%dma_wait3A_678, %dma_wait3A_680, %dma_wait3A_681] : memref<8x40x64xf32, #tpu.memory_space<vmem>> -> memref<1x40x64xf32, #tpu.memory_space<vmem>>
        %dma_wait3A_683 = tpu.memref_squeeze %dma_wait3A_682 : memref<1x40x64xf32, #tpu.memory_space<vmem>> -> memref<40x64xf32, #tpu.memory_space<vmem>>
        %dma_wait3A_684 = arith.constant 0 : i32
        %dma_wait3A_685 = arith.constant 0 : i32
        %dma_wait3A_686 = tpu.memref_slice %arg5[%dma_wait3A_679, %dma_wait3A_684, %dma_wait3A_685] : memref<1024x200x64xf32, #tpu.memory_space<hbm>> -> memref<1x40x64xf32, #tpu.memory_space<hbm>>
        %dma_wait3A_687 = tpu.memref_squeeze %dma_wait3A_686 : memref<1x40x64xf32, #tpu.memory_space<hbm>> -> memref<40x64xf32, #tpu.memory_space<hbm>>
        %dma_wait3A_688 = arith.constant 0 : i32
        %dma_wait3A_689 = arith.constant 0 : i32
        %dma_wait3A_690 = tpu.memref_slice %arg5[%dma_wait3A_679, %dma_wait3A_688, %dma_wait3A_689] : memref<1024x200x64xf32, #tpu.memory_space<hbm>> -> memref<1x40x64xf32, #tpu.memory_space<hbm>>
        %dma_wait3A_691 = tpu.memref_squeeze %dma_wait3A_690 : memref<1x40x64xf32, #tpu.memory_space<hbm>> -> memref<40x64xf32, #tpu.memory_space<hbm>>
        %dma_wait3A_692 = arith.constant 0 : i32
        %dma_wait3A_693 = arith.constant 0 : i32
        %dma_wait3A_694 = tpu.memref_slice %arg9[%dma_wait3A_678, %dma_wait3A_692, %dma_wait3A_693] : memref<8x40x64xf32, #tpu.memory_space<vmem>> -> memref<1x40x64xf32, #tpu.memory_space<vmem>>
        %dma_wait3A_695 = tpu.memref_squeeze %dma_wait3A_694 : memref<1x40x64xf32, #tpu.memory_space<vmem>> -> memref<40x64xf32, #tpu.memory_space<vmem>>
        tpu.wait_dma2 semaphore(%arg11 : memref<!tpu.dma_semaphore, #tpu.memory_space<semaphore_mem>>) src(%dma_wait3A_695 : memref<40x64xf32, #tpu.memory_space<vmem>>) dst(%dma_wait3A_691 : memref<40x64xf32, #tpu.memory_space<hbm>>)
        %mul3A_696 = arith.constant 40 : i32
        %mul3A_697 = arith.muli %add3A_560, %mul3A_696 : i32
        %dma_start3A_698 = arith.constant 2 : i32
        %dma_start3A_699 = arith.constant 0 : i32
        %dma_start3A_700 = arith.constant 0 : i32
        %dma_start3A_701 = tpu.memref_slice %arg9[%dma_start3A_698, %dma_start3A_699, %dma_start3A_700] : memref<8x40x64xf32, #tpu.memory_space<vmem>> -> memref<1x40x64xf32, #tpu.memory_space<vmem>>
        %dma_start3A_702 = tpu.memref_squeeze %dma_start3A_701 : memref<1x40x64xf32, #tpu.memory_space<vmem>> -> memref<40x64xf32, #tpu.memory_space<vmem>>
        %dma_start3A_703 = tpu.memref_slice %arg7[%mul3A_697] : memref<6400xi32, #tpu.memory_space<vmem>> -> memref<40xi32, #tpu.memory_space<vmem>>
        %dma_start3A_704 = arith.constant 0 : i32
        %dma_start3A_705 = arith.constant 0 : i32
        %dma_start3A_706 = tpu.memref_slice %arg2[%dma_start3A_704, %dma_start3A_705] : memref<2000000x64xf32, #tpu.memory_space<hbm>> -> memref<2000000x64xf32, #tpu.memory_space<hbm>>
        tpu.enqueue_indirect_dma source(%dma_start3A_706 : memref<2000000x64xf32, #tpu.memory_space<hbm>>) target(%dma_start3A_702 : memref<40x64xf32, #tpu.memory_space<vmem>>) offsets(%dma_start3A_703 : memref<40xi32, #tpu.memory_space<vmem>>) semaphore(%arg10 : memref<!tpu.dma_semaphore, #tpu.memory_space<semaphore_mem>>)
      } else {
      }
      %ge3A_569 = arith.constant 4 : i32
      %ge3A_570 = arith.cmpi sge, %add3A_560, %ge3A_569 : i32
      %lt3A_571 = arith.constant 8 : i32
      %lt3A_572 = arith.cmpi slt, %add3A_560, %lt3A_571 : i32
      %and3A_573 = arith.andi %ge3A_570, %lt3A_572 : i1
      %convert_element_type3A_574 = arith.extui %and3A_573 : i1 to i32
      %cond3A_575 = arith.constant 0 : i32
      %cond3A_576 = arith.cmpi ne, %convert_element_type3A_574, %cond3A_575 : i32
      scf.if %cond3A_576 {
        %mul3A_678 = arith.constant 40 : i32
        %mul3A_679 = arith.muli %add3A_560, %mul3A_678 : i32
        %dma_start3A_680 = arith.constant 2 : i32
        %dma_start3A_681 = arith.constant 0 : i32
        %dma_start3A_682 = arith.constant 0 : i32
        %dma_start3A_683 = tpu.memref_slice %arg9[%dma_start3A_680, %dma_start3A_681, %dma_start3A_682] : memref<8x40x64xf32, #tpu.memory_space<vmem>> -> memref<1x40x64xf32, #tpu.memory_space<vmem>>
        %dma_start3A_684 = tpu.memref_squeeze %dma_start3A_683 : memref<1x40x64xf32, #tpu.memory_space<vmem>> -> memref<40x64xf32, #tpu.memory_space<vmem>>
        %dma_start3A_685 = tpu.memref_slice %arg7[%mul3A_679] : memref<6400xi32, #tpu.memory_space<vmem>> -> memref<40xi32, #tpu.memory_space<vmem>>
        %dma_start3A_686 = arith.constant 0 : i32
        %dma_start3A_687 = arith.constant 0 : i32
        %dma_start3A_688 = tpu.memref_slice %arg2[%dma_start3A_686, %dma_start3A_687] : memref<2000000x64xf32, #tpu.memory_space<hbm>> -> memref<2000000x64xf32, #tpu.memory_space<hbm>>
        tpu.enqueue_indirect_dma source(%dma_start3A_688 : memref<2000000x64xf32, #tpu.memory_space<hbm>>) target(%dma_start3A_684 : memref<40x64xf32, #tpu.memory_space<vmem>>) offsets(%dma_start3A_685 : memref<40xi32, #tpu.memory_space<vmem>>) semaphore(%arg10 : memref<!tpu.dma_semaphore, #tpu.memory_space<semaphore_mem>>)
      } else {
      }
      %mul3A_577 = arith.constant 40 : i32
      %mul3A_578 = arith.muli %add3A_558, %mul3A_577 : i32
      %dma_wait3A_579 = arith.constant 6 : i32
      %dma_wait3A_580 = arith.constant 0 : i32
      %dma_wait3A_581 = arith.constant 0 : i32
      %dma_wait3A_582 = tpu.memref_slice %arg9[%dma_wait3A_579, %dma_wait3A_580, %dma_wait3A_581] : memref<8x40x64xf32, #tpu.memory_space<vmem>> -> memref<1x40x64xf32, #tpu.memory_space<vmem>>
      %dma_wait3A_583 = tpu.memref_squeeze %dma_wait3A_582 : memref<1x40x64xf32, #tpu.memory_space<vmem>> -> memref<40x64xf32, #tpu.memory_space<vmem>>
      %dma_wait3A_584 = tpu.memref_slice %arg7[%mul3A_578] : memref<6400xi32, #tpu.memory_space<vmem>> -> memref<40xi32, #tpu.memory_space<vmem>>
      %dma_wait3A_585 = arith.constant 0 : i32
      %dma_wait3A_586 = arith.constant 0 : i32
      %dma_wait3A_587 = tpu.memref_slice %arg2[%dma_wait3A_585, %dma_wait3A_586] : memref<2000000x64xf32, #tpu.memory_space<hbm>> -> memref<2000000x64xf32, #tpu.memory_space<hbm>>
      tpu.wait_indirect_dma semaphore(%arg10 : memref<!tpu.dma_semaphore, #tpu.memory_space<semaphore_mem>>) src(%dma_wait3A_587 : memref<2000000x64xf32, #tpu.memory_space<hbm>>) dst(%dma_wait3A_583 : memref<40x64xf32, #tpu.memory_space<vmem>>)
      %div3A_588 = arith.constant 5 : i32
      %div3A_589 = arith.divsi %add3A_558, %div3A_588 : i32
      %rem3A_590 = arith.constant 5 : i32
      %rem3A_591 = arith.remsi %add3A_558, %rem3A_590 : i32
      %mul3A_592 = arith.constant 40 : i32
      %mul3A_593 = arith.muli %rem3A_591, %mul3A_592 : i32
      %scan3A_594 = arith.constant 0 : i32
      %scan3A_595 = arith.constant 0 : i32
      %scan3A_596 = arith.constant 40 : i32
      %scan3A_597 = arith.addi %scan3A_595, %scan3A_596 : i32
      %scan3A_598 = arith.constant 2 : i32
      %scan3A_599 = scf.for %scan3A_678 = %scan3A_595 to %scan3A_597 step %scan3A_598 iter_args(%scan3A_679 = %scan3A_594) -> (i32)  : i32 {
        %get3A = arith.constant 6 : i32
        %get3A_680 = arith.index_cast %get3A : i32 to index
        %get3A_681 = arith.index_cast %scan3A_678 : i32 to index
        %get3A_682 = arith.constant 0 : index
        %get3A_683 = tpu.vector_load %arg9[%get3A_680, %get3A_681, %get3A_682] {strides = array<i32>} : memref<8x40x64xf32, #tpu.memory_space<vmem>>, vector<1x1x16xf32>,
        %get3A_684 = vector.shape_cast %get3A_683 : vector<1x1x16xf32> to vector<16xf32>
        %mul3A_685 = arith.constant 8.000000e+00 : f32
        %mul3A_686 = vector.broadcast %mul3A_685 : f32 to vector<16xf32>
        %mul3A_687 = arith.mulf %get3A_684, %mul3A_686 : vector<16xf32>
        %add3A_688 = arith.addi %mul3A_593, %scan3A_678 : i32
        %get3A_689 = arith.index_cast %add3A_688 : i32 to index
        %get3A_690 = arith.constant 0 : index
        %get3A_691 = tpu.vector_load %arg8[%get3A_689, %get3A_690] {strides = array<i32>} : memref<200x64xf32, #tpu.memory_space<vmem>>, vector<1x16xf32>,
        %get3A_692 = vector.shape_cast %get3A_691 : vector<1x16xf32> to vector<16xf32>
        %add3A_693 = arith.addf %mul3A_687, %get3A_692 : vector<16xf32>
        %swap3A = arith.constant 6 : i32
        %swap3A_694 = arith.index_cast %swap3A : i32 to index
        %swap3A_695 = arith.index_cast %scan3A_678 : i32 to index
        %swap3A_696 = arith.constant 0 : index
        %swap3A_697 = tpu.vector_load %arg9[%swap3A_694, %swap3A_695, %swap3A_696] {strides = array<i32>} : memref<8x40x64xf32, #tpu.memory_space<vmem>>, vector<1x1x16xf32>,
        %swap3A_698 = vector.shape_cast %swap3A_697 : vector<1x1x16xf32> to vector<16xf32>
        %swap3A_699 = vector.shape_cast %add3A_693 : vector<16xf32> to vector<1x1x16xf32>
        tpu.vector_store %arg9[%swap3A_694, %swap3A_695, %swap3A_696], %swap3A_699 {strides = array<i32>} : memref<8x40x64xf32, #tpu.memory_space<vmem>>, vector<1x1x16xf32>,
        %get3A_700 = arith.constant 6 : i32
        %get3A_701 = arith.index_cast %get3A_700 : i32 to index
        %get3A_702 = arith.index_cast %scan3A_678 : i32 to index
        %get3A_703 = arith.constant 16 : index
        %get3A_704 = tpu.vector_load %arg9[%get3A_701, %get3A_702, %get3A_703] {strides = array<i32>} : memref<8x40x64xf32, #tpu.memory_space<vmem>>, vector<1x1x16xf32>,
        %get3A_705 = vector.shape_cast %get3A_704 : vector<1x1x16xf32> to vector<16xf32>
        %mul3A_706 = arith.constant 8.000000e+00 : f32
        %mul3A_707 = vector.broadcast %mul3A_706 : f32 to vector<16xf32>
        %mul3A_708 = arith.mulf %get3A_705, %mul3A_707 : vector<16xf32>
        %add3A_709 = arith.addi %mul3A_593, %scan3A_678 : i32
        %get3A_710 = arith.index_cast %add3A_709 : i32 to index
        %get3A_711 = arith.constant 16 : index
        %get3A_712 = tpu.vector_load %arg8[%get3A_710, %get3A_711] {strides = array<i32>} : memref<200x64xf32, #tpu.memory_space<vmem>>, vector<1x16xf32>,
        %get3A_713 = vector.shape_cast %get3A_712 : vector<1x16xf32> to vector<16xf32>
        %add3A_714 = arith.addf %mul3A_708, %get3A_713 : vector<16xf32>
        %swap3A_715 = arith.constant 6 : i32
        %swap3A_716 = arith.index_cast %swap3A_715 : i32 to index
        %swap3A_717 = arith.index_cast %scan3A_678 : i32 to index
        %swap3A_718 = arith.constant 16 : index
        %swap3A_719 = tpu.vector_load %arg9[%swap3A_716, %swap3A_717, %swap3A_718] {strides = array<i32>} : memref<8x40x64xf32, #tpu.memory_space<vmem>>, vector<1x1x16xf32>,
        %swap3A_720 = vector.shape_cast %swap3A_719 : vector<1x1x16xf32> to vector<16xf32>
        %swap3A_721 = vector.shape_cast %add3A_714 : vector<16xf32> to vector<1x1x16xf32>
        tpu.vector_store %arg9[%swap3A_716, %swap3A_717, %swap3A_718], %swap3A_721 {strides = array<i32>} : memref<8x40x64xf32, #tpu.memory_space<vmem>>, vector<1x1x16xf32>,
        %get3A_722 = arith.constant 6 : i32
        %get3A_723 = arith.index_cast %get3A_722 : i32 to index
        %get3A_724 = arith.index_cast %scan3A_678 : i32 to index
        %get3A_725 = arith.constant 32 : index
        %get3A_726 = tpu.vector_load %arg9[%get3A_723, %get3A_724, %get3A_725] {strides = array<i32>} : memref<8x40x64xf32, #tpu.memory_space<vmem>>, vector<1x1x16xf32>,
        %get3A_727 = vector.shape_cast %get3A_726 : vector<1x1x16xf32> to vector<16xf32>
        %mul3A_728 = arith.constant 8.000000e+00 : f32
        %mul3A_729 = vector.broadcast %mul3A_728 : f32 to vector<16xf32>
        %mul3A_730 = arith.mulf %get3A_727, %mul3A_729 : vector<16xf32>
        %add3A_731 = arith.addi %mul3A_593, %scan3A_678 : i32
        %get3A_732 = arith.index_cast %add3A_731 : i32 to index
        %get3A_733 = arith.constant 32 : index
        %get3A_734 = tpu.vector_load %arg8[%get3A_732, %get3A_733] {strides = array<i32>} : memref<200x64xf32, #tpu.memory_space<vmem>>, vector<1x16xf32>,
        %get3A_735 = vector.shape_cast %get3A_734 : vector<1x16xf32> to vector<16xf32>
        %add3A_736 = arith.addf %mul3A_730, %get3A_735 : vector<16xf32>
        %swap3A_737 = arith.constant 6 : i32
        %swap3A_738 = arith.index_cast %swap3A_737 : i32 to index
        %swap3A_739 = arith.index_cast %scan3A_678 : i32 to index
        %swap3A_740 = arith.constant 32 : index
        %swap3A_741 = tpu.vector_load %arg9[%swap3A_738, %swap3A_739, %swap3A_740] {strides = array<i32>} : memref<8x40x64xf32, #tpu.memory_space<vmem>>, vector<1x1x16xf32>,
        %swap3A_742 = vector.shape_cast %swap3A_741 : vector<1x1x16xf32> to vector<16xf32>
        %swap3A_743 = vector.shape_cast %add3A_736 : vector<16xf32> to vector<1x1x16xf32>
        tpu.vector_store %arg9[%swap3A_738, %swap3A_739, %swap3A_740], %swap3A_743 {strides = array<i32>} : memref<8x40x64xf32, #tpu.memory_space<vmem>>, vector<1x1x16xf32>,
        %get3A_744 = arith.constant 6 : i32
        %get3A_745 = arith.index_cast %get3A_744 : i32 to index
        %get3A_746 = arith.index_cast %scan3A_678 : i32 to index
        %get3A_747 = arith.constant 48 : index
        %get3A_748 = tpu.vector_load %arg9[%get3A_745, %get3A_746, %get3A_747] {strides = array<i32>} : memref<8x40x64xf32, #tpu.memory_space<vmem>>, vector<1x1x16xf32>,
        %get3A_749 = vector.shape_cast %get3A_748 : vector<1x1x16xf32> to vector<16xf32>
        %mul3A_750 = arith.constant 8.000000e+00 : f32
        %mul3A_751 = vector.broadcast %mul3A_750 : f32 to vector<16xf32>
        %mul3A_752 = arith.mulf %get3A_749, %mul3A_751 : vector<16xf32>
        %add3A_753 = arith.addi %mul3A_593, %scan3A_678 : i32
        %get3A_754 = arith.index_cast %add3A_753 : i32 to index
        %get3A_755 = arith.constant 48 : index
        %get3A_756 = tpu.vector_load %arg8[%get3A_754, %get3A_755] {strides = array<i32>} : memref<200x64xf32, #tpu.memory_space<vmem>>, vector<1x16xf32>,
        %get3A_757 = vector.shape_cast %get3A_756 : vector<1x16xf32> to vector<16xf32>
        %add3A_758 = arith.addf %mul3A_752, %get3A_757 : vector<16xf32>
        %swap3A_759 = arith.constant 6 : i32
        %swap3A_760 = arith.index_cast %swap3A_759 : i32 to index
        %swap3A_761 = arith.index_cast %scan3A_678 : i32 to index
        %swap3A_762 = arith.constant 48 : index
        %swap3A_763 = tpu.vector_load %arg9[%swap3A_760, %swap3A_761, %swap3A_762] {strides = array<i32>} : memref<8x40x64xf32, #tpu.memory_space<vmem>>, vector<1x1x16xf32>,
        %swap3A_764 = vector.shape_cast %swap3A_763 : vector<1x1x16xf32> to vector<16xf32>
        %swap3A_765 = vector.shape_cast %add3A_758 : vector<16xf32> to vector<1x1x16xf32>
        tpu.vector_store %arg9[%swap3A_760, %swap3A_761, %swap3A_762], %swap3A_765 {strides = array<i32>} : memref<8x40x64xf32, #tpu.memory_space<vmem>>, vector<1x1x16xf32>,
        %scan3A_766 = arith.constant 0 : i32
        %scan3A_767 = arith.constant 1 : i32
        %scan3A_768 = arith.addi %scan3A_678, %scan3A_767 : i32
        %get3A_769 = arith.constant 6 : i32
        %get3A_770 = arith.index_cast %get3A_769 : i32 to index
        %get3A_771 = arith.index_cast %scan3A_768 : i32 to index
        %get3A_772 = arith.constant 0 : index
        %get3A_773 = tpu.vector_load %arg9[%get3A_770, %get3A_771, %get3A_772] {strides = array<i32>} : memref<8x40x64xf32, #tpu.memory_space<vmem>>, vector<1x1x16xf32>,
        %get3A_774 = vector.shape_cast %get3A_773 : vector<1x1x16xf32> to vector<16xf32>
        %mul3A_775 = arith.constant 8.000000e+00 : f32
        %mul3A_776 = vector.broadcast %mul3A_775 : f32 to vector<16xf32>
        %mul3A_777 = arith.mulf %get3A_774, %mul3A_776 : vector<16xf32>
        %add3A_778 = arith.addi %mul3A_593, %scan3A_768 : i32
        %get3A_779 = arith.index_cast %add3A_778 : i32 to index
        %get3A_780 = arith.constant 0 : index
        %get3A_781 = tpu.vector_load %arg8[%get3A_779, %get3A_780] {strides = array<i32>} : memref<200x64xf32, #tpu.memory_space<vmem>>, vector<1x16xf32>,
        %get3A_782 = vector.shape_cast %get3A_781 : vector<1x16xf32> to vector<16xf32>
        %add3A_783 = arith.addf %mul3A_777, %get3A_782 : vector<16xf32>
        %swap3A_784 = arith.constant 6 : i32
        %swap3A_785 = arith.index_cast %swap3A_784 : i32 to index
        %swap3A_786 = arith.index_cast %scan3A_768 : i32 to index
        %swap3A_787 = arith.constant 0 : index
        %swap3A_788 = tpu.vector_load %arg9[%swap3A_785, %swap3A_786, %swap3A_787] {strides = array<i32>} : memref<8x40x64xf32, #tpu.memory_space<vmem>>, vector<1x1x16xf32>,
        %swap3A_789 = vector.shape_cast %swap3A_788 : vector<1x1x16xf32> to vector<16xf32>
        %swap3A_790 = vector.shape_cast %add3A_783 : vector<16xf32> to vector<1x1x16xf32>
        tpu.vector_store %arg9[%swap3A_785, %swap3A_786, %swap3A_787], %swap3A_790 {strides = array<i32>} : memref<8x40x64xf32, #tpu.memory_space<vmem>>, vector<1x1x16xf32>,
        %get3A_791 = arith.constant 6 : i32
        %get3A_792 = arith.index_cast %get3A_791 : i32 to index
        %get3A_793 = arith.index_cast %scan3A_768 : i32 to index
        %get3A_794 = arith.constant 16 : index
        %get3A_795 = tpu.vector_load %arg9[%get3A_792, %get3A_793, %get3A_794] {strides = array<i32>} : memref<8x40x64xf32, #tpu.memory_space<vmem>>, vector<1x1x16xf32>,
        %get3A_796 = vector.shape_cast %get3A_795 : vector<1x1x16xf32> to vector<16xf32>
        %mul3A_797 = arith.constant 8.000000e+00 : f32
        %mul3A_798 = vector.broadcast %mul3A_797 : f32 to vector<16xf32>
        %mul3A_799 = arith.mulf %get3A_796, %mul3A_798 : vector<16xf32>
        %add3A_800 = arith.addi %mul3A_593, %scan3A_768 : i32
        %get3A_801 = arith.index_cast %add3A_800 : i32 to index
        %get3A_802 = arith.constant 16 : index
        %get3A_803 = tpu.vector_load %arg8[%get3A_801, %get3A_802] {strides = array<i32>} : memref<200x64xf32, #tpu.memory_space<vmem>>, vector<1x16xf32>,
        %get3A_804 = vector.shape_cast %get3A_803 : vector<1x16xf32> to vector<16xf32>
        %add3A_805 = arith.addf %mul3A_799, %get3A_804 : vector<16xf32>
        %swap3A_806 = arith.constant 6 : i32
        %swap3A_807 = arith.index_cast %swap3A_806 : i32 to index
        %swap3A_808 = arith.index_cast %scan3A_768 : i32 to index
        %swap3A_809 = arith.constant 16 : index
        %swap3A_810 = tpu.vector_load %arg9[%swap3A_807, %swap3A_808, %swap3A_809] {strides = array<i32>} : memref<8x40x64xf32, #tpu.memory_space<vmem>>, vector<1x1x16xf32>,
        %swap3A_811 = vector.shape_cast %swap3A_810 : vector<1x1x16xf32> to vector<16xf32>
        %swap3A_812 = vector.shape_cast %add3A_805 : vector<16xf32> to vector<1x1x16xf32>
        tpu.vector_store %arg9[%swap3A_807, %swap3A_808, %swap3A_809], %swap3A_812 {strides = array<i32>} : memref<8x40x64xf32, #tpu.memory_space<vmem>>, vector<1x1x16xf32>,
        %get3A_813 = arith.constant 6 : i32
        %get3A_814 = arith.index_cast %get3A_813 : i32 to index
        %get3A_815 = arith.index_cast %scan3A_768 : i32 to index
        %get3A_816 = arith.constant 32 : index
        %get3A_817 = tpu.vector_load %arg9[%get3A_814, %get3A_815, %get3A_816] {strides = array<i32>} : memref<8x40x64xf32, #tpu.memory_space<vmem>>, vector<1x1x16xf32>,
        %get3A_818 = vector.shape_cast %get3A_817 : vector<1x1x16xf32> to vector<16xf32>
        %mul3A_819 = arith.constant 8.000000e+00 : f32
        %mul3A_820 = vector.broadcast %mul3A_819 : f32 to vector<16xf32>
        %mul3A_821 = arith.mulf %get3A_818, %mul3A_820 : vector<16xf32>
        %add3A_822 = arith.addi %mul3A_593, %scan3A_768 : i32
        %get3A_823 = arith.index_cast %add3A_822 : i32 to index
        %get3A_824 = arith.constant 32 : index
        %get3A_825 = tpu.vector_load %arg8[%get3A_823, %get3A_824] {strides = array<i32>} : memref<200x64xf32, #tpu.memory_space<vmem>>, vector<1x16xf32>,
        %get3A_826 = vector.shape_cast %get3A_825 : vector<1x16xf32> to vector<16xf32>
        %add3A_827 = arith.addf %mul3A_821, %get3A_826 : vector<16xf32>
        %swap3A_828 = arith.constant 6 : i32
        %swap3A_829 = arith.index_cast %swap3A_828 : i32 to index
        %swap3A_830 = arith.index_cast %scan3A_768 : i32 to index
        %swap3A_831 = arith.constant 32 : index
        %swap3A_832 = tpu.vector_load %arg9[%swap3A_829, %swap3A_830, %swap3A_831] {strides = array<i32>} : memref<8x40x64xf32, #tpu.memory_space<vmem>>, vector<1x1x16xf32>,
        %swap3A_833 = vector.shape_cast %swap3A_832 : vector<1x1x16xf32> to vector<16xf32>
        %swap3A_834 = vector.shape_cast %add3A_827 : vector<16xf32> to vector<1x1x16xf32>
        tpu.vector_store %arg9[%swap3A_829, %swap3A_830, %swap3A_831], %swap3A_834 {strides = array<i32>} : memref<8x40x64xf32, #tpu.memory_space<vmem>>, vector<1x1x16xf32>,
        %get3A_835 = arith.constant 6 : i32
        %get3A_836 = arith.index_cast %get3A_835 : i32 to index
        %get3A_837 = arith.index_cast %scan3A_768 : i32 to index
        %get3A_838 = arith.constant 48 : index
        %get3A_839 = tpu.vector_load %arg9[%get3A_836, %get3A_837, %get3A_838] {strides = array<i32>} : memref<8x40x64xf32, #tpu.memory_space<vmem>>, vector<1x1x16xf32>,
        %get3A_840 = vector.shape_cast %get3A_839 : vector<1x1x16xf32> to vector<16xf32>
        %mul3A_841 = arith.constant 8.000000e+00 : f32
        %mul3A_842 = vector.broadcast %mul3A_841 : f32 to vector<16xf32>
        %mul3A_843 = arith.mulf %get3A_840, %mul3A_842 : vector<16xf32>
        %add3A_844 = arith.addi %mul3A_593, %scan3A_768 : i32
        %get3A_845 = arith.index_cast %add3A_844 : i32 to index
        %get3A_846 = arith.constant 48 : index
        %get3A_847 = tpu.vector_load %arg8[%get3A_845, %get3A_846] {strides = array<i32>} : memref<200x64xf32, #tpu.memory_space<vmem>>, vector<1x16xf32>,
        %get3A_848 = vector.shape_cast %get3A_847 : vector<1x16xf32> to vector<16xf32>
        %add3A_849 = arith.addf %mul3A_843, %get3A_848 : vector<16xf32>
        %swap3A_850 = arith.constant 6 : i32
        %swap3A_851 = arith.index_cast %swap3A_850 : i32 to index
        %swap3A_852 = arith.index_cast %scan3A_768 : i32 to index
        %swap3A_853 = arith.constant 48 : index
        %swap3A_854 = tpu.vector_load %arg9[%swap3A_851, %swap3A_852, %swap3A_853] {strides = array<i32>} : memref<8x40x64xf32, #tpu.memory_space<vmem>>, vector<1x1x16xf32>,
        %swap3A_855 = vector.shape_cast %swap3A_854 : vector<1x1x16xf32> to vector<16xf32>
        %swap3A_856 = vector.shape_cast %add3A_849 : vector<16xf32> to vector<1x1x16xf32>
        tpu.vector_store %arg9[%swap3A_851, %swap3A_852, %swap3A_853], %swap3A_856 {strides = array<i32>} : memref<8x40x64xf32, #tpu.memory_space<vmem>>, vector<1x1x16xf32>,
        %scan3A_857 = arith.constant 0 : i32
        scf.yield %scan3A_857 : i32
      }
      %scan3A_600 = arith.constant 40 : i32
      %add3A_601 = arith.addi %mul3A_2, %div3A_589 : i32
      %dma_start3A_602 = arith.constant 6 : i32
      %dma_start3A_603 = arith.constant 0 : i32
      %dma_start3A_604 = arith.constant 0 : i32
      %dma_start3A_605 = tpu.memref_slice %arg9[%dma_start3A_602, %dma_start3A_603, %dma_start3A_604] : memref<8x40x64xf32, #tpu.memory_space<vmem>> -> memref<1x40x64xf32, #tpu.memory_space<vmem>>
      %dma_start3A_606 = tpu.memref_squeeze %dma_start3A_605 : memref<1x40x64xf32, #tpu.memory_space<vmem>> -> memref<40x64xf32, #tpu.memory_space<vmem>>
      %dma_start3A_607 = arith.constant 0 : i32
      %dma_start3A_608 = tpu.memref_slice %arg5[%add3A_601, %mul3A_593, %dma_start3A_607] : memref<1024x200x64xf32, #tpu.memory_space<hbm>> -> memref<1x40x64xf32, #tpu.memory_space<hbm>>
      %dma_start3A_609 = tpu.memref_squeeze %dma_start3A_608 : memref<1x40x64xf32, #tpu.memory_space<hbm>> -> memref<40x64xf32, #tpu.memory_space<hbm>>
      %dma_start3A_610 = arith.constant 0 : i32
      %dma_start3A_611 = tpu.memref_slice %arg5[%add3A_601, %mul3A_593, %dma_start3A_610] : memref<1024x200x64xf32, #tpu.memory_space<hbm>> -> memref<1x40x64xf32, #tpu.memory_space<hbm>>
      %dma_start3A_612 = tpu.memref_squeeze %dma_start3A_611 : memref<1x40x64xf32, #tpu.memory_space<hbm>> -> memref<40x64xf32, #tpu.memory_space<hbm>>
      %dma_start3A_613 = arith.constant 0 : i32
      %dma_start3A_614 = arith.constant 0 : i32
      %dma_start3A_615 = tpu.memref_slice %arg9[%dma_start3A_602, %dma_start3A_613, %dma_start3A_614] : memref<8x40x64xf32, #tpu.memory_space<vmem>> -> memref<1x40x64xf32, #tpu.memory_space<vmem>>
      %dma_start3A_616 = tpu.memref_squeeze %dma_start3A_615 : memref<1x40x64xf32, #tpu.memory_space<vmem>> -> memref<40x64xf32, #tpu.memory_space<vmem>>
      tpu.enqueue_dma source(%dma_start3A_616 : memref<40x64xf32, #tpu.memory_space<vmem>>) target(%dma_start3A_612 : memref<40x64xf32, #tpu.memory_space<hbm>>) target_semaphore(%arg11 : memref<!tpu.dma_semaphore, #tpu.memory_space<semaphore_mem>>)
      %add3A_617 = arith.constant 7 : i32
      %add3A_618 = arith.addi %mul3A_203, %add3A_617 : i32
      %add3A_619 = arith.constant 4 : i32
      %add3A_620 = arith.addi %add3A_618, %add3A_619 : i32
      %ge3A_621 = arith.constant 8 : i32
      %ge3A_622 = arith.cmpi sge, %add3A_620, %ge3A_621 : i32
      %lt3A_623 = arith.constant 160 : i32
      %lt3A_624 = arith.cmpi slt, %add3A_620, %lt3A_623 : i32
      %and3A_625 = arith.andi %ge3A_622, %lt3A_624 : i1
      %convert_element_type3A_626 = arith.extui %and3A_625 : i1 to i32
      %cond3A_627 = arith.constant 0 : i32
      %cond3A_628 = arith.cmpi ne, %convert_element_type3A_626, %cond3A_627 : i32
      scf.if %cond3A_628 {
        %dma_wait3A_678 = arith.constant 3 : i32
        %dma_wait3A_679 = arith.constant 0 : i32
        %dma_wait3A_680 = arith.constant 0 : i32
        %dma_wait3A_681 = arith.constant 0 : i32
        %dma_wait3A_682 = tpu.memref_slice %arg9[%dma_wait3A_678, %dma_wait3A_680, %dma_wait3A_681] : memref<8x40x64xf32, #tpu.memory_space<vmem>> -> memref<1x40x64xf32, #tpu.memory_space<vmem>>
        %dma_wait3A_683 = tpu.memref_squeeze %dma_wait3A_682 : memref<1x40x64xf32, #tpu.memory_space<vmem>> -> memref<40x64xf32, #tpu.memory_space<vmem>>
        %dma_wait3A_684 = arith.constant 0 : i32
        %dma_wait3A_685 = arith.constant 0 : i32
        %dma_wait3A_686 = tpu.memref_slice %arg5[%dma_wait3A_679, %dma_wait3A_684, %dma_wait3A_685] : memref<1024x200x64xf32, #tpu.memory_space<hbm>> -> memref<1x40x64xf32, #tpu.memory_space<hbm>>
        %dma_wait3A_687 = tpu.memref_squeeze %dma_wait3A_686 : memref<1x40x64xf32, #tpu.memory_space<hbm>> -> memref<40x64xf32, #tpu.memory_space<hbm>>
        %dma_wait3A_688 = arith.constant 0 : i32
        %dma_wait3A_689 = arith.constant 0 : i32
        %dma_wait3A_690 = tpu.memref_slice %arg5[%dma_wait3A_679, %dma_wait3A_688, %dma_wait3A_689] : memref<1024x200x64xf32, #tpu.memory_space<hbm>> -> memref<1x40x64xf32, #tpu.memory_space<hbm>>
        %dma_wait3A_691 = tpu.memref_squeeze %dma_wait3A_690 : memref<1x40x64xf32, #tpu.memory_space<hbm>> -> memref<40x64xf32, #tpu.memory_space<hbm>>
        %dma_wait3A_692 = arith.constant 0 : i32
        %dma_wait3A_693 = arith.constant 0 : i32
        %dma_wait3A_694 = tpu.memref_slice %arg9[%dma_wait3A_678, %dma_wait3A_692, %dma_wait3A_693] : memref<8x40x64xf32, #tpu.memory_space<vmem>> -> memref<1x40x64xf32, #tpu.memory_space<vmem>>
        %dma_wait3A_695 = tpu.memref_squeeze %dma_wait3A_694 : memref<1x40x64xf32, #tpu.memory_space<vmem>> -> memref<40x64xf32, #tpu.memory_space<vmem>>
        tpu.wait_dma2 semaphore(%arg11 : memref<!tpu.dma_semaphore, #tpu.memory_space<semaphore_mem>>) src(%dma_wait3A_695 : memref<40x64xf32, #tpu.memory_space<vmem>>) dst(%dma_wait3A_691 : memref<40x64xf32, #tpu.memory_space<hbm>>)
        %mul3A_696 = arith.constant 40 : i32
        %mul3A_697 = arith.muli %add3A_620, %mul3A_696 : i32
        %dma_start3A_698 = arith.constant 3 : i32
        %dma_start3A_699 = arith.constant 0 : i32
        %dma_start3A_700 = arith.constant 0 : i32
        %dma_start3A_701 = tpu.memref_slice %arg9[%dma_start3A_698, %dma_start3A_699, %dma_start3A_700] : memref<8x40x64xf32, #tpu.memory_space<vmem>> -> memref<1x40x64xf32, #tpu.memory_space<vmem>>
        %dma_start3A_702 = tpu.memref_squeeze %dma_start3A_701 : memref<1x40x64xf32, #tpu.memory_space<vmem>> -> memref<40x64xf32, #tpu.memory_space<vmem>>
        %dma_start3A_703 = tpu.memref_slice %arg7[%mul3A_697] : memref<6400xi32, #tpu.memory_space<vmem>> -> memref<40xi32, #tpu.memory_space<vmem>>
        %dma_start3A_704 = arith.constant 0 : i32
        %dma_start3A_705 = arith.constant 0 : i32
        %dma_start3A_706 = tpu.memref_slice %arg2[%dma_start3A_704, %dma_start3A_705] : memref<2000000x64xf32, #tpu.memory_space<hbm>> -> memref<2000000x64xf32, #tpu.memory_space<hbm>>
        tpu.enqueue_indirect_dma source(%dma_start3A_706 : memref<2000000x64xf32, #tpu.memory_space<hbm>>) target(%dma_start3A_702 : memref<40x64xf32, #tpu.memory_space<vmem>>) offsets(%dma_start3A_703 : memref<40xi32, #tpu.memory_space<vmem>>) semaphore(%arg10 : memref<!tpu.dma_semaphore, #tpu.memory_space<semaphore_mem>>)
      } else {
      }
      %ge3A_629 = arith.constant 4 : i32
      %ge3A_630 = arith.cmpi sge, %add3A_620, %ge3A_629 : i32
      %lt3A_631 = arith.constant 8 : i32
      %lt3A_632 = arith.cmpi slt, %add3A_620, %lt3A_631 : i32
      %and3A_633 = arith.andi %ge3A_630, %lt3A_632 : i1
      %convert_element_type3A_634 = arith.extui %and3A_633 : i1 to i32
      %cond3A_635 = arith.constant 0 : i32
      %cond3A_636 = arith.cmpi ne, %convert_element_type3A_634, %cond3A_635 : i32
      scf.if %cond3A_636 {
        %mul3A_678 = arith.constant 40 : i32
        %mul3A_679 = arith.muli %add3A_620, %mul3A_678 : i32
        %dma_start3A_680 = arith.constant 3 : i32
        %dma_start3A_681 = arith.constant 0 : i32
        %dma_start3A_682 = arith.constant 0 : i32
        %dma_start3A_683 = tpu.memref_slice %arg9[%dma_start3A_680, %dma_start3A_681, %dma_start3A_682] : memref<8x40x64xf32, #tpu.memory_space<vmem>> -> memref<1x40x64xf32, #tpu.memory_space<vmem>>
        %dma_start3A_684 = tpu.memref_squeeze %dma_start3A_683 : memref<1x40x64xf32, #tpu.memory_space<vmem>> -> memref<40x64xf32, #tpu.memory_space<vmem>>
        %dma_start3A_685 = tpu.memref_slice %arg7[%mul3A_679] : memref<6400xi32, #tpu.memory_space<vmem>> -> memref<40xi32, #tpu.memory_space<vmem>>
        %dma_start3A_686 = arith.constant 0 : i32
        %dma_start3A_687 = arith.constant 0 : i32
        %dma_start3A_688 = tpu.memref_slice %arg2[%dma_start3A_686, %dma_start3A_687] : memref<2000000x64xf32, #tpu.memory_space<hbm>> -> memref<2000000x64xf32, #tpu.memory_space<hbm>>
        tpu.enqueue_indirect_dma source(%dma_start3A_688 : memref<2000000x64xf32, #tpu.memory_space<hbm>>) target(%dma_start3A_684 : memref<40x64xf32, #tpu.memory_space<vmem>>) offsets(%dma_start3A_685 : memref<40xi32, #tpu.memory_space<vmem>>) semaphore(%arg10 : memref<!tpu.dma_semaphore, #tpu.memory_space<semaphore_mem>>)
      } else {
      }
      %mul3A_637 = arith.constant 40 : i32
      %mul3A_638 = arith.muli %add3A_618, %mul3A_637 : i32
      %dma_wait3A_639 = arith.constant 7 : i32
      %dma_wait3A_640 = arith.constant 0 : i32
      %dma_wait3A_641 = arith.constant 0 : i32
      %dma_wait3A_642 = tpu.memref_slice %arg9[%dma_wait3A_639, %dma_wait3A_640, %dma_wait3A_641] : memref<8x40x64xf32, #tpu.memory_space<vmem>> -> memref<1x40x64xf32, #tpu.memory_space<vmem>>
      %dma_wait3A_643 = tpu.memref_squeeze %dma_wait3A_642 : memref<1x40x64xf32, #tpu.memory_space<vmem>> -> memref<40x64xf32, #tpu.memory_space<vmem>>
      %dma_wait3A_644 = tpu.memref_slice %arg7[%mul3A_638] : memref<6400xi32, #tpu.memory_space<vmem>> -> memref<40xi32, #tpu.memory_space<vmem>>
      %dma_wait3A_645 = arith.constant 0 : i32
      %dma_wait3A_646 = arith.constant 0 : i32
      %dma_wait3A_647 = tpu.memref_slice %arg2[%dma_wait3A_645, %dma_wait3A_646] : memref<2000000x64xf32, #tpu.memory_space<hbm>> -> memref<2000000x64xf32, #tpu.memory_space<hbm>>
      tpu.wait_indirect_dma semaphore(%arg10 : memref<!tpu.dma_semaphore, #tpu.memory_space<semaphore_mem>>) src(%dma_wait3A_647 : memref<2000000x64xf32, #tpu.memory_space<hbm>>) dst(%dma_wait3A_643 : memref<40x64xf32, #tpu.memory_space<vmem>>)
      %div3A_648 = arith.constant 5 : i32
      %div3A_649 = arith.divsi %add3A_618, %div3A_648 : i32
      %rem3A_650 = arith.constant 5 : i32
      %rem3A_651 = arith.remsi %add3A_618, %rem3A_650 : i32
      %mul3A_652 = arith.constant 40 : i32
      %mul3A_653 = arith.muli %rem3A_651, %mul3A_652 : i32
      %scan3A_654 = arith.constant 0 : i32
      %scan3A_655 = arith.constant 0 : i32
      %scan3A_656 = arith.constant 40 : i32
      %scan3A_657 = arith.addi %scan3A_655, %scan3A_656 : i32
      %scan3A_658 = arith.constant 2 : i32
      %scan3A_659 = scf.for %scan3A_678 = %scan3A_655 to %scan3A_657 step %scan3A_658 iter_args(%scan3A_679 = %scan3A_654) -> (i32)  : i32 {
        %get3A = arith.constant 7 : i32
        %get3A_680 = arith.index_cast %get3A : i32 to index
        %get3A_681 = arith.index_cast %scan3A_678 : i32 to index
        %get3A_682 = arith.constant 0 : index
        %get3A_683 = tpu.vector_load %arg9[%get3A_680, %get3A_681, %get3A_682] {strides = array<i32>} : memref<8x40x64xf32, #tpu.memory_space<vmem>>, vector<1x1x16xf32>,
        %get3A_684 = vector.shape_cast %get3A_683 : vector<1x1x16xf32> to vector<16xf32>
        %mul3A_685 = arith.constant 8.000000e+00 : f32
        %mul3A_686 = vector.broadcast %mul3A_685 : f32 to vector<16xf32>
        %mul3A_687 = arith.mulf %get3A_684, %mul3A_686 : vector<16xf32>
        %add3A_688 = arith.addi %mul3A_653, %scan3A_678 : i32
        %get3A_689 = arith.index_cast %add3A_688 : i32 to index
        %get3A_690 = arith.constant 0 : index
        %get3A_691 = tpu.vector_load %arg8[%get3A_689, %get3A_690] {strides = array<i32>} : memref<200x64xf32, #tpu.memory_space<vmem>>, vector<1x16xf32>,
        %get3A_692 = vector.shape_cast %get3A_691 : vector<1x16xf32> to vector<16xf32>
        %add3A_693 = arith.addf %mul3A_687, %get3A_692 : vector<16xf32>
        %swap3A = arith.constant 7 : i32
        %swap3A_694 = arith.index_cast %swap3A : i32 to index
        %swap3A_695 = arith.index_cast %scan3A_678 : i32 to index
        %swap3A_696 = arith.constant 0 : index
        %swap3A_697 = tpu.vector_load %arg9[%swap3A_694, %swap3A_695, %swap3A_696] {strides = array<i32>} : memref<8x40x64xf32, #tpu.memory_space<vmem>>, vector<1x1x16xf32>,
        %swap3A_698 = vector.shape_cast %swap3A_697 : vector<1x1x16xf32> to vector<16xf32>
        %swap3A_699 = vector.shape_cast %add3A_693 : vector<16xf32> to vector<1x1x16xf32>
        tpu.vector_store %arg9[%swap3A_694, %swap3A_695, %swap3A_696], %swap3A_699 {strides = array<i32>} : memref<8x40x64xf32, #tpu.memory_space<vmem>>, vector<1x1x16xf32>,
        %get3A_700 = arith.constant 7 : i32
        %get3A_701 = arith.index_cast %get3A_700 : i32 to index
        %get3A_702 = arith.index_cast %scan3A_678 : i32 to index
        %get3A_703 = arith.constant 16 : index
        %get3A_704 = tpu.vector_load %arg9[%get3A_701, %get3A_702, %get3A_703] {strides = array<i32>} : memref<8x40x64xf32, #tpu.memory_space<vmem>>, vector<1x1x16xf32>,
        %get3A_705 = vector.shape_cast %get3A_704 : vector<1x1x16xf32> to vector<16xf32>
        %mul3A_706 = arith.constant 8.000000e+00 : f32
        %mul3A_707 = vector.broadcast %mul3A_706 : f32 to vector<16xf32>
        %mul3A_708 = arith.mulf %get3A_705, %mul3A_707 : vector<16xf32>
        %add3A_709 = arith.addi %mul3A_653, %scan3A_678 : i32
        %get3A_710 = arith.index_cast %add3A_709 : i32 to index
        %get3A_711 = arith.constant 16 : index
        %get3A_712 = tpu.vector_load %arg8[%get3A_710, %get3A_711] {strides = array<i32>} : memref<200x64xf32, #tpu.memory_space<vmem>>, vector<1x16xf32>,
        %get3A_713 = vector.shape_cast %get3A_712 : vector<1x16xf32> to vector<16xf32>
        %add3A_714 = arith.addf %mul3A_708, %get3A_713 : vector<16xf32>
        %swap3A_715 = arith.constant 7 : i32
        %swap3A_716 = arith.index_cast %swap3A_715 : i32 to index
        %swap3A_717 = arith.index_cast %scan3A_678 : i32 to index
        %swap3A_718 = arith.constant 16 : index
        %swap3A_719 = tpu.vector_load %arg9[%swap3A_716, %swap3A_717, %swap3A_718] {strides = array<i32>} : memref<8x40x64xf32, #tpu.memory_space<vmem>>, vector<1x1x16xf32>,
        %swap3A_720 = vector.shape_cast %swap3A_719 : vector<1x1x16xf32> to vector<16xf32>
        %swap3A_721 = vector.shape_cast %add3A_714 : vector<16xf32> to vector<1x1x16xf32>
        tpu.vector_store %arg9[%swap3A_716, %swap3A_717, %swap3A_718], %swap3A_721 {strides = array<i32>} : memref<8x40x64xf32, #tpu.memory_space<vmem>>, vector<1x1x16xf32>,
        %get3A_722 = arith.constant 7 : i32
        %get3A_723 = arith.index_cast %get3A_722 : i32 to index
        %get3A_724 = arith.index_cast %scan3A_678 : i32 to index
        %get3A_725 = arith.constant 32 : index
        %get3A_726 = tpu.vector_load %arg9[%get3A_723, %get3A_724, %get3A_725] {strides = array<i32>} : memref<8x40x64xf32, #tpu.memory_space<vmem>>, vector<1x1x16xf32>,
        %get3A_727 = vector.shape_cast %get3A_726 : vector<1x1x16xf32> to vector<16xf32>
        %mul3A_728 = arith.constant 8.000000e+00 : f32
        %mul3A_729 = vector.broadcast %mul3A_728 : f32 to vector<16xf32>
        %mul3A_730 = arith.mulf %get3A_727, %mul3A_729 : vector<16xf32>
        %add3A_731 = arith.addi %mul3A_653, %scan3A_678 : i32
        %get3A_732 = arith.index_cast %add3A_731 : i32 to index
        %get3A_733 = arith.constant 32 : index
        %get3A_734 = tpu.vector_load %arg8[%get3A_732, %get3A_733] {strides = array<i32>} : memref<200x64xf32, #tpu.memory_space<vmem>>, vector<1x16xf32>,
        %get3A_735 = vector.shape_cast %get3A_734 : vector<1x16xf32> to vector<16xf32>
        %add3A_736 = arith.addf %mul3A_730, %get3A_735 : vector<16xf32>
        %swap3A_737 = arith.constant 7 : i32
        %swap3A_738 = arith.index_cast %swap3A_737 : i32 to index
        %swap3A_739 = arith.index_cast %scan3A_678 : i32 to index
        %swap3A_740 = arith.constant 32 : index
        %swap3A_741 = tpu.vector_load %arg9[%swap3A_738, %swap3A_739, %swap3A_740] {strides = array<i32>} : memref<8x40x64xf32, #tpu.memory_space<vmem>>, vector<1x1x16xf32>,
        %swap3A_742 = vector.shape_cast %swap3A_741 : vector<1x1x16xf32> to vector<16xf32>
        %swap3A_743 = vector.shape_cast %add3A_736 : vector<16xf32> to vector<1x1x16xf32>
        tpu.vector_store %arg9[%swap3A_738, %swap3A_739, %swap3A_740], %swap3A_743 {strides = array<i32>} : memref<8x40x64xf32, #tpu.memory_space<vmem>>, vector<1x1x16xf32>,
        %get3A_744 = arith.constant 7 : i32
        %get3A_745 = arith.index_cast %get3A_744 : i32 to index
        %get3A_746 = arith.index_cast %scan3A_678 : i32 to index
        %get3A_747 = arith.constant 48 : index
        %get3A_748 = tpu.vector_load %arg9[%get3A_745, %get3A_746, %get3A_747] {strides = array<i32>} : memref<8x40x64xf32, #tpu.memory_space<vmem>>, vector<1x1x16xf32>,
        %get3A_749 = vector.shape_cast %get3A_748 : vector<1x1x16xf32> to vector<16xf32>
        %mul3A_750 = arith.constant 8.000000e+00 : f32
        %mul3A_751 = vector.broadcast %mul3A_750 : f32 to vector<16xf32>
        %mul3A_752 = arith.mulf %get3A_749, %mul3A_751 : vector<16xf32>
        %add3A_753 = arith.addi %mul3A_653, %scan3A_678 : i32
        %get3A_754 = arith.index_cast %add3A_753 : i32 to index
        %get3A_755 = arith.constant 48 : index
        %get3A_756 = tpu.vector_load %arg8[%get3A_754, %get3A_755] {strides = array<i32>} : memref<200x64xf32, #tpu.memory_space<vmem>>, vector<1x16xf32>,
        %get3A_757 = vector.shape_cast %get3A_756 : vector<1x16xf32> to vector<16xf32>
        %add3A_758 = arith.addf %mul3A_752, %get3A_757 : vector<16xf32>
        %swap3A_759 = arith.constant 7 : i32
        %swap3A_760 = arith.index_cast %swap3A_759 : i32 to index
        %swap3A_761 = arith.index_cast %scan3A_678 : i32 to index
        %swap3A_762 = arith.constant 48 : index
        %swap3A_763 = tpu.vector_load %arg9[%swap3A_760, %swap3A_761, %swap3A_762] {strides = array<i32>} : memref<8x40x64xf32, #tpu.memory_space<vmem>>, vector<1x1x16xf32>,
        %swap3A_764 = vector.shape_cast %swap3A_763 : vector<1x1x16xf32> to vector<16xf32>
        %swap3A_765 = vector.shape_cast %add3A_758 : vector<16xf32> to vector<1x1x16xf32>
        tpu.vector_store %arg9[%swap3A_760, %swap3A_761, %swap3A_762], %swap3A_765 {strides = array<i32>} : memref<8x40x64xf32, #tpu.memory_space<vmem>>, vector<1x1x16xf32>,
        %scan3A_766 = arith.constant 0 : i32
        %scan3A_767 = arith.constant 1 : i32
        %scan3A_768 = arith.addi %scan3A_678, %scan3A_767 : i32
        %get3A_769 = arith.constant 7 : i32
        %get3A_770 = arith.index_cast %get3A_769 : i32 to index
        %get3A_771 = arith.index_cast %scan3A_768 : i32 to index
        %get3A_772 = arith.constant 0 : index
        %get3A_773 = tpu.vector_load %arg9[%get3A_770, %get3A_771, %get3A_772] {strides = array<i32>} : memref<8x40x64xf32, #tpu.memory_space<vmem>>, vector<1x1x16xf32>,
        %get3A_774 = vector.shape_cast %get3A_773 : vector<1x1x16xf32> to vector<16xf32>
        %mul3A_775 = arith.constant 8.000000e+00 : f32
        %mul3A_776 = vector.broadcast %mul3A_775 : f32 to vector<16xf32>
        %mul3A_777 = arith.mulf %get3A_774, %mul3A_776 : vector<16xf32>
        %add3A_778 = arith.addi %mul3A_653, %scan3A_768 : i32
        %get3A_779 = arith.index_cast %add3A_778 : i32 to index
        %get3A_780 = arith.constant 0 : index
        %get3A_781 = tpu.vector_load %arg8[%get3A_779, %get3A_780] {strides = array<i32>} : memref<200x64xf32, #tpu.memory_space<vmem>>, vector<1x16xf32>,
        %get3A_782 = vector.shape_cast %get3A_781 : vector<1x16xf32> to vector<16xf32>
        %add3A_783 = arith.addf %mul3A_777, %get3A_782 : vector<16xf32>
        %swap3A_784 = arith.constant 7 : i32
        %swap3A_785 = arith.index_cast %swap3A_784 : i32 to index
        %swap3A_786 = arith.index_cast %scan3A_768 : i32 to index
        %swap3A_787 = arith.constant 0 : index
        %swap3A_788 = tpu.vector_load %arg9[%swap3A_785, %swap3A_786, %swap3A_787] {strides = array<i32>} : memref<8x40x64xf32, #tpu.memory_space<vmem>>, vector<1x1x16xf32>,
        %swap3A_789 = vector.shape_cast %swap3A_788 : vector<1x1x16xf32> to vector<16xf32>
        %swap3A_790 = vector.shape_cast %add3A_783 : vector<16xf32> to vector<1x1x16xf32>
        tpu.vector_store %arg9[%swap3A_785, %swap3A_786, %swap3A_787], %swap3A_790 {strides = array<i32>} : memref<8x40x64xf32, #tpu.memory_space<vmem>>, vector<1x1x16xf32>,
        %get3A_791 = arith.constant 7 : i32
        %get3A_792 = arith.index_cast %get3A_791 : i32 to index
        %get3A_793 = arith.index_cast %scan3A_768 : i32 to index
        %get3A_794 = arith.constant 16 : index
        %get3A_795 = tpu.vector_load %arg9[%get3A_792, %get3A_793, %get3A_794] {strides = array<i32>} : memref<8x40x64xf32, #tpu.memory_space<vmem>>, vector<1x1x16xf32>,
        %get3A_796 = vector.shape_cast %get3A_795 : vector<1x1x16xf32> to vector<16xf32>
        %mul3A_797 = arith.constant 8.000000e+00 : f32
        %mul3A_798 = vector.broadcast %mul3A_797 : f32 to vector<16xf32>
        %mul3A_799 = arith.mulf %get3A_796, %mul3A_798 : vector<16xf32>
        %add3A_800 = arith.addi %mul3A_653, %scan3A_768 : i32
        %get3A_801 = arith.index_cast %add3A_800 : i32 to index
        %get3A_802 = arith.constant 16 : index
        %get3A_803 = tpu.vector_load %arg8[%get3A_801, %get3A_802] {strides = array<i32>} : memref<200x64xf32, #tpu.memory_space<vmem>>, vector<1x16xf32>,
        %get3A_804 = vector.shape_cast %get3A_803 : vector<1x16xf32> to vector<16xf32>
        %add3A_805 = arith.addf %mul3A_799, %get3A_804 : vector<16xf32>
        %swap3A_806 = arith.constant 7 : i32
        %swap3A_807 = arith.index_cast %swap3A_806 : i32 to index
        %swap3A_808 = arith.index_cast %scan3A_768 : i32 to index
        %swap3A_809 = arith.constant 16 : index
        %swap3A_810 = tpu.vector_load %arg9[%swap3A_807, %swap3A_808, %swap3A_809] {strides = array<i32>} : memref<8x40x64xf32, #tpu.memory_space<vmem>>, vector<1x1x16xf32>,
        %swap3A_811 = vector.shape_cast %swap3A_810 : vector<1x1x16xf32> to vector<16xf32>
        %swap3A_812 = vector.shape_cast %add3A_805 : vector<16xf32> to vector<1x1x16xf32>
        tpu.vector_store %arg9[%swap3A_807, %swap3A_808, %swap3A_809], %swap3A_812 {strides = array<i32>} : memref<8x40x64xf32, #tpu.memory_space<vmem>>, vector<1x1x16xf32>,
        %get3A_813 = arith.constant 7 : i32
        %get3A_814 = arith.index_cast %get3A_813 : i32 to index
        %get3A_815 = arith.index_cast %scan3A_768 : i32 to index
        %get3A_816 = arith.constant 32 : index
        %get3A_817 = tpu.vector_load %arg9[%get3A_814, %get3A_815, %get3A_816] {strides = array<i32>} : memref<8x40x64xf32, #tpu.memory_space<vmem>>, vector<1x1x16xf32>,
        %get3A_818 = vector.shape_cast %get3A_817 : vector<1x1x16xf32> to vector<16xf32>
        %mul3A_819 = arith.constant 8.000000e+00 : f32
        %mul3A_820 = vector.broadcast %mul3A_819 : f32 to vector<16xf32>
        %mul3A_821 = arith.mulf %get3A_818, %mul3A_820 : vector<16xf32>
        %add3A_822 = arith.addi %mul3A_653, %scan3A_768 : i32
        %get3A_823 = arith.index_cast %add3A_822 : i32 to index
        %get3A_824 = arith.constant 32 : index
        %get3A_825 = tpu.vector_load %arg8[%get3A_823, %get3A_824] {strides = array<i32>} : memref<200x64xf32, #tpu.memory_space<vmem>>, vector<1x16xf32>,
        %get3A_826 = vector.shape_cast %get3A_825 : vector<1x16xf32> to vector<16xf32>
        %add3A_827 = arith.addf %mul3A_821, %get3A_826 : vector<16xf32>
        %swap3A_828 = arith.constant 7 : i32
        %swap3A_829 = arith.index_cast %swap3A_828 : i32 to index
        %swap3A_830 = arith.index_cast %scan3A_768 : i32 to index
        %swap3A_831 = arith.constant 32 : index
        %swap3A_832 = tpu.vector_load %arg9[%swap3A_829, %swap3A_830, %swap3A_831] {strides = array<i32>} : memref<8x40x64xf32, #tpu.memory_space<vmem>>, vector<1x1x16xf32>,
        %swap3A_833 = vector.shape_cast %swap3A_832 : vector<1x1x16xf32> to vector<16xf32>
        %swap3A_834 = vector.shape_cast %add3A_827 : vector<16xf32> to vector<1x1x16xf32>
        tpu.vector_store %arg9[%swap3A_829, %swap3A_830, %swap3A_831], %swap3A_834 {strides = array<i32>} : memref<8x40x64xf32, #tpu.memory_space<vmem>>, vector<1x1x16xf32>,
        %get3A_835 = arith.constant 7 : i32
        %get3A_836 = arith.index_cast %get3A_835 : i32 to index
        %get3A_837 = arith.index_cast %scan3A_768 : i32 to index
        %get3A_838 = arith.constant 48 : index
        %get3A_839 = tpu.vector_load %arg9[%get3A_836, %get3A_837, %get3A_838] {strides = array<i32>} : memref<8x40x64xf32, #tpu.memory_space<vmem>>, vector<1x1x16xf32>,
        %get3A_840 = vector.shape_cast %get3A_839 : vector<1x1x16xf32> to vector<16xf32>
        %mul3A_841 = arith.constant 8.000000e+00 : f32
        %mul3A_842 = vector.broadcast %mul3A_841 : f32 to vector<16xf32>
        %mul3A_843 = arith.mulf %get3A_840, %mul3A_842 : vector<16xf32>
        %add3A_844 = arith.addi %mul3A_653, %scan3A_768 : i32
        %get3A_845 = arith.index_cast %add3A_844 : i32 to index
        %get3A_846 = arith.constant 48 : index
        %get3A_847 = tpu.vector_load %arg8[%get3A_845, %get3A_846] {strides = array<i32>} : memref<200x64xf32, #tpu.memory_space<vmem>>, vector<1x16xf32>,
        %get3A_848 = vector.shape_cast %get3A_847 : vector<1x16xf32> to vector<16xf32>
        %add3A_849 = arith.addf %mul3A_843, %get3A_848 : vector<16xf32>
        %swap3A_850 = arith.constant 7 : i32
        %swap3A_851 = arith.index_cast %swap3A_850 : i32 to index
        %swap3A_852 = arith.index_cast %scan3A_768 : i32 to index
        %swap3A_853 = arith.constant 48 : index
        %swap3A_854 = tpu.vector_load %arg9[%swap3A_851, %swap3A_852, %swap3A_853] {strides = array<i32>} : memref<8x40x64xf32, #tpu.memory_space<vmem>>, vector<1x1x16xf32>,
        %swap3A_855 = vector.shape_cast %swap3A_854 : vector<1x1x16xf32> to vector<16xf32>
        %swap3A_856 = vector.shape_cast %add3A_849 : vector<16xf32> to vector<1x1x16xf32>
        tpu.vector_store %arg9[%swap3A_851, %swap3A_852, %swap3A_853], %swap3A_856 {strides = array<i32>} : memref<8x40x64xf32, #tpu.memory_space<vmem>>, vector<1x1x16xf32>,
        %scan3A_857 = arith.constant 0 : i32
        scf.yield %scan3A_857 : i32
      }
      %scan3A_660 = arith.constant 40 : i32
      %add3A_661 = arith.addi %mul3A_2, %div3A_649 : i32
      %dma_start3A_662 = arith.constant 7 : i32
      %dma_start3A_663 = arith.constant 0 : i32
      %dma_start3A_664 = arith.constant 0 : i32
      %dma_start3A_665 = tpu.memref_slice %arg9[%dma_start3A_662, %dma_start3A_663, %dma_start3A_664] : memref<8x40x64xf32, #tpu.memory_space<vmem>> -> memref<1x40x64xf32, #tpu.memory_space<vmem>>
      %dma_start3A_666 = tpu.memref_squeeze %dma_start3A_665 : memref<1x40x64xf32, #tpu.memory_space<vmem>> -> memref<40x64xf32, #tpu.memory_space<vmem>>
      %dma_start3A_667 = arith.constant 0 : i32
      %dma_start3A_668 = tpu.memref_slice %arg5[%add3A_661, %mul3A_653, %dma_start3A_667] : memref<1024x200x64xf32, #tpu.memory_space<hbm>> -> memref<1x40x64xf32, #tpu.memory_space<hbm>>
      %dma_start3A_669 = tpu.memref_squeeze %dma_start3A_668 : memref<1x40x64xf32, #tpu.memory_space<hbm>> -> memref<40x64xf32, #tpu.memory_space<hbm>>
      %dma_start3A_670 = arith.constant 0 : i32
      %dma_start3A_671 = tpu.memref_slice %arg5[%add3A_661, %mul3A_653, %dma_start3A_670] : memref<1024x200x64xf32, #tpu.memory_space<hbm>> -> memref<1x40x64xf32, #tpu.memory_space<hbm>>
      %dma_start3A_672 = tpu.memref_squeeze %dma_start3A_671 : memref<1x40x64xf32, #tpu.memory_space<hbm>> -> memref<40x64xf32, #tpu.memory_space<hbm>>
      %dma_start3A_673 = arith.constant 0 : i32
      %dma_start3A_674 = arith.constant 0 : i32
      %dma_start3A_675 = tpu.memref_slice %arg9[%dma_start3A_662, %dma_start3A_673, %dma_start3A_674] : memref<8x40x64xf32, #tpu.memory_space<vmem>> -> memref<1x40x64xf32, #tpu.memory_space<vmem>>
      %dma_start3A_676 = tpu.memref_squeeze %dma_start3A_675 : memref<1x40x64xf32, #tpu.memory_space<vmem>> -> memref<40x64xf32, #tpu.memory_space<vmem>>
      tpu.enqueue_dma source(%dma_start3A_676 : memref<40x64xf32, #tpu.memory_space<vmem>>) target(%dma_start3A_672 : memref<40x64xf32, #tpu.memory_space<hbm>>) target_semaphore(%arg11 : memref<!tpu.dma_semaphore, #tpu.memory_space<semaphore_mem>>)
      %scan3A_677 = arith.constant 0 : i32
      scf.yield %scan3A_677 : i32
    }
    %scan3A_56 = arith.constant 20 : i32
    %dma_wait3A = arith.constant 0 : i32
    %dma_wait3A_57 = arith.constant 0 : i32
    %dma_wait3A_58 = arith.constant 0 : i32
    %dma_wait3A_59 = arith.constant 0 : i32
    %dma_wait3A_60 = tpu.memref_slice %arg9[%dma_wait3A, %dma_wait3A_58, %dma_wait3A_59] : memref<8x40x64xf32, #tpu.memory_space<vmem>> -> memref<1x40x64xf32, #tpu.memory_space<vmem>>
    %dma_wait3A_61 = tpu.memref_squeeze %dma_wait3A_60 : memref<1x40x64xf32, #tpu.memory_space<vmem>> -> memref<40x64xf32, #tpu.memory_space<vmem>>
    %dma_wait3A_62 = arith.constant 0 : i32
    %dma_wait3A_63 = arith.constant 0 : i32
    %dma_wait3A_64 = tpu.memref_slice %arg5[%dma_wait3A_57, %dma_wait3A_62, %dma_wait3A_63] : memref<1024x200x64xf32, #tpu.memory_space<hbm>> -> memref<1x40x64xf32, #tpu.memory_space<hbm>>
    %dma_wait3A_65 = tpu.memref_squeeze %dma_wait3A_64 : memref<1x40x64xf32, #tpu.memory_space<hbm>> -> memref<40x64xf32, #tpu.memory_space<hbm>>
    %dma_wait3A_66 = arith.constant 0 : i32
    %dma_wait3A_67 = arith.constant 0 : i32
    %dma_wait3A_68 = tpu.memref_slice %arg5[%dma_wait3A_57, %dma_wait3A_66, %dma_wait3A_67] : memref<1024x200x64xf32, #tpu.memory_space<hbm>> -> memref<1x40x64xf32, #tpu.memory_space<hbm>>
    %dma_wait3A_69 = tpu.memref_squeeze %dma_wait3A_68 : memref<1x40x64xf32, #tpu.memory_space<hbm>> -> memref<40x64xf32, #tpu.memory_space<hbm>>
    %dma_wait3A_70 = arith.constant 0 : i32
    %dma_wait3A_71 = arith.constant 0 : i32
    %dma_wait3A_72 = tpu.memref_slice %arg9[%dma_wait3A, %dma_wait3A_70, %dma_wait3A_71] : memref<8x40x64xf32, #tpu.memory_space<vmem>> -> memref<1x40x64xf32, #tpu.memory_space<vmem>>
    %dma_wait3A_73 = tpu.memref_squeeze %dma_wait3A_72 : memref<1x40x64xf32, #tpu.memory_space<vmem>> -> memref<40x64xf32, #tpu.memory_space<vmem>>
    tpu.wait_dma2 semaphore(%arg11 : memref<!tpu.dma_semaphore, #tpu.memory_space<semaphore_mem>>) src(%dma_wait3A_73 : memref<40x64xf32, #tpu.memory_space<vmem>>) dst(%dma_wait3A_69 : memref<40x64xf32, #tpu.memory_space<hbm>>)
    %dma_wait3A_74 = arith.constant 1 : i32
    %dma_wait3A_75 = arith.constant 0 : i32
    %dma_wait3A_76 = arith.constant 0 : i32
    %dma_wait3A_77 = arith.constant 0 : i32
    %dma_wait3A_78 = tpu.memref_slice %arg9[%dma_wait3A_74, %dma_wait3A_76, %dma_wait3A_77] : memref<8x40x64xf32, #tpu.memory_space<vmem>> -> memref<1x40x64xf32, #tpu.memory_space<vmem>>
    %dma_wait3A_79 = tpu.memref_squeeze %dma_wait3A_78 : memref<1x40x64xf32, #tpu.memory_space<vmem>> -> memref<40x64xf32, #tpu.memory_space<vmem>>
    %dma_wait3A_80 = arith.constant 0 : i32
    %dma_wait3A_81 = arith.constant 0 : i32
    %dma_wait3A_82 = tpu.memref_slice %arg5[%dma_wait3A_75, %dma_wait3A_80, %dma_wait3A_81] : memref<1024x200x64xf32, #tpu.memory_space<hbm>> -> memref<1x40x64xf32, #tpu.memory_space<hbm>>
    %dma_wait3A_83 = tpu.memref_squeeze %dma_wait3A_82 : memref<1x40x64xf32, #tpu.memory_space<hbm>> -> memref<40x64xf32, #tpu.memory_space<hbm>>
    %dma_wait3A_84 = arith.constant 0 : i32
    %dma_wait3A_85 = arith.constant 0 : i32
    %dma_wait3A_86 = tpu.memref_slice %arg5[%dma_wait3A_75, %dma_wait3A_84, %dma_wait3A_85] : memref<1024x200x64xf32, #tpu.memory_space<hbm>> -> memref<1x40x64xf32, #tpu.memory_space<hbm>>
    %dma_wait3A_87 = tpu.memref_squeeze %dma_wait3A_86 : memref<1x40x64xf32, #tpu.memory_space<hbm>> -> memref<40x64xf32, #tpu.memory_space<hbm>>
    %dma_wait3A_88 = arith.constant 0 : i32
    %dma_wait3A_89 = arith.constant 0 : i32
    %dma_wait3A_90 = tpu.memref_slice %arg9[%dma_wait3A_74, %dma_wait3A_88, %dma_wait3A_89] : memref<8x40x64xf32, #tpu.memory_space<vmem>> -> memref<1x40x64xf32, #tpu.memory_space<vmem>>
    %dma_wait3A_91 = tpu.memref_squeeze %dma_wait3A_90 : memref<1x40x64xf32, #tpu.memory_space<vmem>> -> memref<40x64xf32, #tpu.memory_space<vmem>>
    tpu.wait_dma2 semaphore(%arg11 : memref<!tpu.dma_semaphore, #tpu.memory_space<semaphore_mem>>) src(%dma_wait3A_91 : memref<40x64xf32, #tpu.memory_space<vmem>>) dst(%dma_wait3A_87 : memref<40x64xf32, #tpu.memory_space<hbm>>)
    %dma_wait3A_92 = arith.constant 2 : i32
    %dma_wait3A_93 = arith.constant 0 : i32
    %dma_wait3A_94 = arith.constant 0 : i32
    %dma_wait3A_95 = arith.constant 0 : i32
    %dma_wait3A_96 = tpu.memref_slice %arg9[%dma_wait3A_92, %dma_wait3A_94, %dma_wait3A_95] : memref<8x40x64xf32, #tpu.memory_space<vmem>> -> memref<1x40x64xf32, #tpu.memory_space<vmem>>
    %dma_wait3A_97 = tpu.memref_squeeze %dma_wait3A_96 : memref<1x40x64xf32, #tpu.memory_space<vmem>> -> memref<40x64xf32, #tpu.memory_space<vmem>>
    %dma_wait3A_98 = arith.constant 0 : i32
    %dma_wait3A_99 = arith.constant 0 : i32
    %dma_wait3A_100 = tpu.memref_slice %arg5[%dma_wait3A_93, %dma_wait3A_98, %dma_wait3A_99] : memref<1024x200x64xf32, #tpu.memory_space<hbm>> -> memref<1x40x64xf32, #tpu.memory_space<hbm>>
    %dma_wait3A_101 = tpu.memref_squeeze %dma_wait3A_100 : memref<1x40x64xf32, #tpu.memory_space<hbm>> -> memref<40x64xf32, #tpu.memory_space<hbm>>
    %dma_wait3A_102 = arith.constant 0 : i32
    %dma_wait3A_103 = arith.constant 0 : i32
    %dma_wait3A_104 = tpu.memref_slice %arg5[%dma_wait3A_93, %dma_wait3A_102, %dma_wait3A_103] : memref<1024x200x64xf32, #tpu.memory_space<hbm>> -> memref<1x40x64xf32, #tpu.memory_space<hbm>>
    %dma_wait3A_105 = tpu.memref_squeeze %dma_wait3A_104 : memref<1x40x64xf32, #tpu.memory_space<hbm>> -> memref<40x64xf32, #tpu.memory_space<hbm>>
    %dma_wait3A_106 = arith.constant 0 : i32
    %dma_wait3A_107 = arith.constant 0 : i32
    %dma_wait3A_108 = tpu.memref_slice %arg9[%dma_wait3A_92, %dma_wait3A_106, %dma_wait3A_107] : memref<8x40x64xf32, #tpu.memory_space<vmem>> -> memref<1x40x64xf32, #tpu.memory_space<vmem>>
    %dma_wait3A_109 = tpu.memref_squeeze %dma_wait3A_108 : memref<1x40x64xf32, #tpu.memory_space<vmem>> -> memref<40x64xf32, #tpu.memory_space<vmem>>
    tpu.wait_dma2 semaphore(%arg11 : memref<!tpu.dma_semaphore, #tpu.memory_space<semaphore_mem>>) src(%dma_wait3A_109 : memref<40x64xf32, #tpu.memory_space<vmem>>) dst(%dma_wait3A_105 : memref<40x64xf32, #tpu.memory_space<hbm>>)
    %dma_wait3A_110 = arith.constant 3 : i32
    %dma_wait3A_111 = arith.constant 0 : i32
    %dma_wait3A_112 = arith.constant 0 : i32
    %dma_wait3A_113 = arith.constant 0 : i32
    %dma_wait3A_114 = tpu.memref_slice %arg9[%dma_wait3A_110, %dma_wait3A_112, %dma_wait3A_113] : memref<8x40x64xf32, #tpu.memory_space<vmem>> -> memref<1x40x64xf32, #tpu.memory_space<vmem>>
    %dma_wait3A_115 = tpu.memref_squeeze %dma_wait3A_114 : memref<1x40x64xf32, #tpu.memory_space<vmem>> -> memref<40x64xf32, #tpu.memory_space<vmem>>
    %dma_wait3A_116 = arith.constant 0 : i32
    %dma_wait3A_117 = arith.constant 0 : i32
    %dma_wait3A_118 = tpu.memref_slice %arg5[%dma_wait3A_111, %dma_wait3A_116, %dma_wait3A_117] : memref<1024x200x64xf32, #tpu.memory_space<hbm>> -> memref<1x40x64xf32, #tpu.memory_space<hbm>>
    %dma_wait3A_119 = tpu.memref_squeeze %dma_wait3A_118 : memref<1x40x64xf32, #tpu.memory_space<hbm>> -> memref<40x64xf32, #tpu.memory_space<hbm>>
    %dma_wait3A_120 = arith.constant 0 : i32
    %dma_wait3A_121 = arith.constant 0 : i32
    %dma_wait3A_122 = tpu.memref_slice %arg5[%dma_wait3A_111, %dma_wait3A_120, %dma_wait3A_121] : memref<1024x200x64xf32, #tpu.memory_space<hbm>> -> memref<1x40x64xf32, #tpu.memory_space<hbm>>
    %dma_wait3A_123 = tpu.memref_squeeze %dma_wait3A_122 : memref<1x40x64xf32, #tpu.memory_space<hbm>> -> memref<40x64xf32, #tpu.memory_space<hbm>>
    %dma_wait3A_124 = arith.constant 0 : i32
    %dma_wait3A_125 = arith.constant 0 : i32
    %dma_wait3A_126 = tpu.memref_slice %arg9[%dma_wait3A_110, %dma_wait3A_124, %dma_wait3A_125] : memref<8x40x64xf32, #tpu.memory_space<vmem>> -> memref<1x40x64xf32, #tpu.memory_space<vmem>>
    %dma_wait3A_127 = tpu.memref_squeeze %dma_wait3A_126 : memref<1x40x64xf32, #tpu.memory_space<vmem>> -> memref<40x64xf32, #tpu.memory_space<vmem>>
    tpu.wait_dma2 semaphore(%arg11 : memref<!tpu.dma_semaphore, #tpu.memory_space<semaphore_mem>>) src(%dma_wait3A_127 : memref<40x64xf32, #tpu.memory_space<vmem>>) dst(%dma_wait3A_123 : memref<40x64xf32, #tpu.memory_space<hbm>>)
    %dma_wait3A_128 = arith.constant 4 : i32
    %dma_wait3A_129 = arith.constant 0 : i32
    %dma_wait3A_130 = arith.constant 0 : i32
    %dma_wait3A_131 = arith.constant 0 : i32
    %dma_wait3A_132 = tpu.memref_slice %arg9[%dma_wait3A_128, %dma_wait3A_130, %dma_wait3A_131] : memref<8x40x64xf32, #tpu.memory_space<vmem>> -> memref<1x40x64xf32, #tpu.memory_space<vmem>>
    %dma_wait3A_133 = tpu.memref_squeeze %dma_wait3A_132 : memref<1x40x64xf32, #tpu.memory_space<vmem>> -> memref<40x64xf32, #tpu.memory_space<vmem>>
    %dma_wait3A_134 = arith.constant 0 : i32
    %dma_wait3A_135 = arith.constant 0 : i32
    %dma_wait3A_136 = tpu.memref_slice %arg5[%dma_wait3A_129, %dma_wait3A_134, %dma_wait3A_135] : memref<1024x200x64xf32, #tpu.memory_space<hbm>> -> memref<1x40x64xf32, #tpu.memory_space<hbm>>
    %dma_wait3A_137 = tpu.memref_squeeze %dma_wait3A_136 : memref<1x40x64xf32, #tpu.memory_space<hbm>> -> memref<40x64xf32, #tpu.memory_space<hbm>>
    %dma_wait3A_138 = arith.constant 0 : i32
    %dma_wait3A_139 = arith.constant 0 : i32
    %dma_wait3A_140 = tpu.memref_slice %arg5[%dma_wait3A_129, %dma_wait3A_138, %dma_wait3A_139] : memref<1024x200x64xf32, #tpu.memory_space<hbm>> -> memref<1x40x64xf32, #tpu.memory_space<hbm>>
    %dma_wait3A_141 = tpu.memref_squeeze %dma_wait3A_140 : memref<1x40x64xf32, #tpu.memory_space<hbm>> -> memref<40x64xf32, #tpu.memory_space<hbm>>
    %dma_wait3A_142 = arith.constant 0 : i32
    %dma_wait3A_143 = arith.constant 0 : i32
    %dma_wait3A_144 = tpu.memref_slice %arg9[%dma_wait3A_128, %dma_wait3A_142, %dma_wait3A_143] : memref<8x40x64xf32, #tpu.memory_space<vmem>> -> memref<1x40x64xf32, #tpu.memory_space<vmem>>
    %dma_wait3A_145 = tpu.memref_squeeze %dma_wait3A_144 : memref<1x40x64xf32, #tpu.memory_space<vmem>> -> memref<40x64xf32, #tpu.memory_space<vmem>>
    tpu.wait_dma2 semaphore(%arg11 : memref<!tpu.dma_semaphore, #tpu.memory_space<semaphore_mem>>) src(%dma_wait3A_145 : memref<40x64xf32, #tpu.memory_space<vmem>>) dst(%dma_wait3A_141 : memref<40x64xf32, #tpu.memory_space<hbm>>)
    %dma_wait3A_146 = arith.constant 5 : i32
    %dma_wait3A_147 = arith.constant 0 : i32
    %dma_wait3A_148 = arith.constant 0 : i32
    %dma_wait3A_149 = arith.constant 0 : i32
    %dma_wait3A_150 = tpu.memref_slice %arg9[%dma_wait3A_146, %dma_wait3A_148, %dma_wait3A_149] : memref<8x40x64xf32, #tpu.memory_space<vmem>> -> memref<1x40x64xf32, #tpu.memory_space<vmem>>
    %dma_wait3A_151 = tpu.memref_squeeze %dma_wait3A_150 : memref<1x40x64xf32, #tpu.memory_space<vmem>> -> memref<40x64xf32, #tpu.memory_space<vmem>>
    %dma_wait3A_152 = arith.constant 0 : i32
    %dma_wait3A_153 = arith.constant 0 : i32
    %dma_wait3A_154 = tpu.memref_slice %arg5[%dma_wait3A_147, %dma_wait3A_152, %dma_wait3A_153] : memref<1024x200x64xf32, #tpu.memory_space<hbm>> -> memref<1x40x64xf32, #tpu.memory_space<hbm>>
    %dma_wait3A_155 = tpu.memref_squeeze %dma_wait3A_154 : memref<1x40x64xf32, #tpu.memory_space<hbm>> -> memref<40x64xf32, #tpu.memory_space<hbm>>
    %dma_wait3A_156 = arith.constant 0 : i32
    %dma_wait3A_157 = arith.constant 0 : i32
    %dma_wait3A_158 = tpu.memref_slice %arg5[%dma_wait3A_147, %dma_wait3A_156, %dma_wait3A_157] : memref<1024x200x64xf32, #tpu.memory_space<hbm>> -> memref<1x40x64xf32, #tpu.memory_space<hbm>>
    %dma_wait3A_159 = tpu.memref_squeeze %dma_wait3A_158 : memref<1x40x64xf32, #tpu.memory_space<hbm>> -> memref<40x64xf32, #tpu.memory_space<hbm>>
    %dma_wait3A_160 = arith.constant 0 : i32
    %dma_wait3A_161 = arith.constant 0 : i32
    %dma_wait3A_162 = tpu.memref_slice %arg9[%dma_wait3A_146, %dma_wait3A_160, %dma_wait3A_161] : memref<8x40x64xf32, #tpu.memory_space<vmem>> -> memref<1x40x64xf32, #tpu.memory_space<vmem>>
    %dma_wait3A_163 = tpu.memref_squeeze %dma_wait3A_162 : memref<1x40x64xf32, #tpu.memory_space<vmem>> -> memref<40x64xf32, #tpu.memory_space<vmem>>
    tpu.wait_dma2 semaphore(%arg11 : memref<!tpu.dma_semaphore, #tpu.memory_space<semaphore_mem>>) src(%dma_wait3A_163 : memref<40x64xf32, #tpu.memory_space<vmem>>) dst(%dma_wait3A_159 : memref<40x64xf32, #tpu.memory_space<hbm>>)
    %dma_wait3A_164 = arith.constant 6 : i32
    %dma_wait3A_165 = arith.constant 0 : i32
    %dma_wait3A_166 = arith.constant 0 : i32
    %dma_wait3A_167 = arith.constant 0 : i32
    %dma_wait3A_168 = tpu.memref_slice %arg9[%dma_wait3A_164, %dma_wait3A_166, %dma_wait3A_167] : memref<8x40x64xf32, #tpu.memory_space<vmem>> -> memref<1x40x64xf32, #tpu.memory_space<vmem>>
    %dma_wait3A_169 = tpu.memref_squeeze %dma_wait3A_168 : memref<1x40x64xf32, #tpu.memory_space<vmem>> -> memref<40x64xf32, #tpu.memory_space<vmem>>
    %dma_wait3A_170 = arith.constant 0 : i32
    %dma_wait3A_171 = arith.constant 0 : i32
    %dma_wait3A_172 = tpu.memref_slice %arg5[%dma_wait3A_165, %dma_wait3A_170, %dma_wait3A_171] : memref<1024x200x64xf32, #tpu.memory_space<hbm>> -> memref<1x40x64xf32, #tpu.memory_space<hbm>>
    %dma_wait3A_173 = tpu.memref_squeeze %dma_wait3A_172 : memref<1x40x64xf32, #tpu.memory_space<hbm>> -> memref<40x64xf32, #tpu.memory_space<hbm>>
    %dma_wait3A_174 = arith.constant 0 : i32
    %dma_wait3A_175 = arith.constant 0 : i32
    %dma_wait3A_176 = tpu.memref_slice %arg5[%dma_wait3A_165, %dma_wait3A_174, %dma_wait3A_175] : memref<1024x200x64xf32, #tpu.memory_space<hbm>> -> memref<1x40x64xf32, #tpu.memory_space<hbm>>
    %dma_wait3A_177 = tpu.memref_squeeze %dma_wait3A_176 : memref<1x40x64xf32, #tpu.memory_space<hbm>> -> memref<40x64xf32, #tpu.memory_space<hbm>>
    %dma_wait3A_178 = arith.constant 0 : i32
    %dma_wait3A_179 = arith.constant 0 : i32
    %dma_wait3A_180 = tpu.memref_slice %arg9[%dma_wait3A_164, %dma_wait3A_178, %dma_wait3A_179] : memref<8x40x64xf32, #tpu.memory_space<vmem>> -> memref<1x40x64xf32, #tpu.memory_space<vmem>>
    %dma_wait3A_181 = tpu.memref_squeeze %dma_wait3A_180 : memref<1x40x64xf32, #tpu.memory_space<vmem>> -> memref<40x64xf32, #tpu.memory_space<vmem>>
    tpu.wait_dma2 semaphore(%arg11 : memref<!tpu.dma_semaphore, #tpu.memory_space<semaphore_mem>>) src(%dma_wait3A_181 : memref<40x64xf32, #tpu.memory_space<vmem>>) dst(%dma_wait3A_177 : memref<40x64xf32, #tpu.memory_space<hbm>>)
    %dma_wait3A_182 = arith.constant 7 : i32
    %dma_wait3A_183 = arith.constant 0 : i32
    %dma_wait3A_184 = arith.constant 0 : i32
    %dma_wait3A_185 = arith.constant 0 : i32
    %dma_wait3A_186 = tpu.memref_slice %arg9[%dma_wait3A_182, %dma_wait3A_184, %dma_wait3A_185] : memref<8x40x64xf32, #tpu.memory_space<vmem>> -> memref<1x40x64xf32, #tpu.memory_space<vmem>>
    %dma_wait3A_187 = tpu.memref_squeeze %dma_wait3A_186 : memref<1x40x64xf32, #tpu.memory_space<vmem>> -> memref<40x64xf32, #tpu.memory_space<vmem>>
    %dma_wait3A_188 = arith.constant 0 : i32
    %dma_wait3A_189 = arith.constant 0 : i32
    %dma_wait3A_190 = tpu.memref_slice %arg5[%dma_wait3A_183, %dma_wait3A_188, %dma_wait3A_189] : memref<1024x200x64xf32, #tpu.memory_space<hbm>> -> memref<1x40x64xf32, #tpu.memory_space<hbm>>
    %dma_wait3A_191 = tpu.memref_squeeze %dma_wait3A_190 : memref<1x40x64xf32, #tpu.memory_space<hbm>> -> memref<40x64xf32, #tpu.memory_space<hbm>>
    %dma_wait3A_192 = arith.constant 0 : i32
    %dma_wait3A_193 = arith.constant 0 : i32
    %dma_wait3A_194 = tpu.memref_slice %arg5[%dma_wait3A_183, %dma_wait3A_192, %dma_wait3A_193] : memref<1024x200x64xf32, #tpu.memory_space<hbm>> -> memref<1x40x64xf32, #tpu.memory_space<hbm>>
    %dma_wait3A_195 = tpu.memref_squeeze %dma_wait3A_194 : memref<1x40x64xf32, #tpu.memory_space<hbm>> -> memref<40x64xf32, #tpu.memory_space<hbm>>
    %dma_wait3A_196 = arith.constant 0 : i32
    %dma_wait3A_197 = arith.constant 0 : i32
    %dma_wait3A_198 = tpu.memref_slice %arg9[%dma_wait3A_182, %dma_wait3A_196, %dma_wait3A_197] : memref<8x40x64xf32, #tpu.memory_space<vmem>> -> memref<1x40x64xf32, #tpu.memory_space<vmem>>
    %dma_wait3A_199 = tpu.memref_squeeze %dma_wait3A_198 : memref<1x40x64xf32, #tpu.memory_space<vmem>> -> memref<40x64xf32, #tpu.memory_space<vmem>>
    tpu.wait_dma2 semaphore(%arg11 : memref<!tpu.dma_semaphore, #tpu.memory_space<semaphore_mem>>) src(%dma_wait3A_199 : memref<40x64xf32, #tpu.memory_space<vmem>>) dst(%dma_wait3A_195 : memref<40x64xf32, #tpu.memory_space<hbm>>)
    return
  }
}

</mosaic_0001>

<sc_bundles>
// kernel: _run.3.cloned.1.call-start
scs
__scs_entry_jumppad:
0x0: {  	(pc) =	sbr.rel $0x88, $3  }
0x1: {  	(tag) =	ssettag $0x0;
	lr =	simm.s32 $0x1  }
0x2: {  	[smem:$0x3F9E] =	sst lr;
	_ =	strace $0xD0000000  }
0x3: {  	_ = 	snop  }
0x4: {  	_ = 	snop  }
0x5: {  	_ = 	snop  }
0x6: {  	_ = 	snop  }
0x7: {  	_ = 	snop  }
__scs_overlays_trampoline_lowered:
0x8: {  	[smem:$0x3FAD] =	sst s0  }
0x9: {  	[smem:$0x3FAE] =	sst s1  }
0xa: {  	[smem:$0x3FAF] =	sst s2  }
0xb: {  	[smem:$0x3FB0] =	sst s3  }
0xc: {  	[smem:$0x3FB1] =	sst s4  }
0xd: {  	[smem:$0x3FB2] =	sst s5  }
0xe: {  	[smem:$0x3FB3] =	sst s6  }
0xf: {  	[smem:$0x3FB4] =	sst s7  }
0x10: {  	[smem:$0x3FB5] =	sst s8  }
0x11: {  	[smem:$0x3FB6] =	sst s9;
	s0 =	simm.s32 @!p0 $0x0  }
0x12: {  	s1 =	sld [smem:$0x3F9C];
	s0 =	simm.s32 @p0 $0x1  }
0x13: {  	[smem:$0x3FB7] =	sst s0;
	s0 =	simm.s32 @!p1 $0x0  }
0x14: {  	s2 =	sld [smem:$0x3F9B];
	s0 =	simm.s32 @p1 $0x1  }
0x15: {  	[smem:$0x3FB8] =	sst s0;
	s0 =	simm.s32 @!p2 $0x0  }
0x16: {  	s3 =	sld [smem:$0x3FDB];
	s0 =	simm.s32 @p2 $0x1  }
0x17: {  	s4 =	simm.s32 $0x1BF5;
	[smem:$0x3FBA] =	sst s0  }
0x18: {  	s0 =	sld [smem:$0x3F9D];
	_ =	swait.ge [sflag:s4], $0x0  }
0x19: {  	s7 =	sld [smem:$0x3F9E]  }
0x1a: {  	s8 =	sadd.s32 $0xFFFFE003, lr  }
0x1b: {  	s9 =	sadd.s32 $0xFFFFFEF7, lr;
	s5 =	simm.s32 $0xFFFFFFFF;
	p2 =	slt.u32 s8, $0xFFFFF086  }
0x1c: {  	p1 =	slt.u32 s9, $0xF7A;
	s5 =	simm.s32 @!p2 $0x0  }
0x1d: {  	s5 =	simm.s32 @p1 $0x1;
	p0 =	seq.s32 s7, s2  }
0x1e: {  	s7 =	smul.u32 @!p0 $0xF7A, s2;
	p2 =	seq.s32 @!p0 s5, $0x0  }
0x1f: {  	s9 =	smul.u32 $0xF7A, s1;
	s8 =	simm.s32 @!p0 $0x1BF5;
	p2 =	por !p2, p0  }
0x20: {  	[sflag:s8] =	ssyncset.s32 @!p0 $0xFFFFF086;
	s6 =	sadd.s32 @!p0 s3, s7;
	s7 =	simm.s32 @!p0 $0x108  }
0x21: {  	s3 =	sadd.s32 s3, s9;
	s6 =	sadd.s32 @!p0 $0x88, s6;
	s7 =	simm.s32 @p2 $0x1082  }
0x22: {  	[simem:s7], [sflag:s8] =	dma.local @!p0 [hbm:s6], $0xF7A  }
0x23: {  	s9 =	sor.u32 $0xD0000000, s2;
	s6 =	simm.s32 $0x108;
	_ =	swait.ge @!p0 [sflag:s8], $0x0  }
0x24: {  	s3 =	sadd.s32 $0x88, s3;
	s6 =	simm.s32 @!p1 $0x1082;
	[sflag:s4] =	ssyncset.s32 $0xFFFFF086  }
0x25: {  	[simem:s6], [sflag:s4] =	dma.local [hbm:s3], $0xF7A  }
0x26: {  	[smem:$0x3F9E] =	sst s1;
	(tag) =	ssettag s2;
	_ =	strace s9  }
0x27: {  	s1 =	sld [smem:$0x3FAE]  }
0x28: {  	s2 =	sld [smem:$0x3FAF]  }
0x29: {  	s4 =	sld [smem:$0x3FB1]  }
0x2a: {  	p0 =	seq.s32 s5, $0x0;
	s5 =	sld [smem:$0x3FB2]  }
0x2b: {  	s6 =	sld [smem:$0x3FB3]  }
0x2c: {  	s7 =	sld [smem:$0x3FB4]  }
0x2d: {  	s3 =	simm.s32 $0x108;
	s8 =	sld [smem:$0x3FB5]  }
0x2e: {  	s3 =	simm.s32 @!p0 $0x1082;
	s9 =	sld [smem:$0x3FB6]  }
0x2f: {  	lr =	sadd.s32 s0, s3;
	s0 =	sld [smem:$0x3FAD]  }
0x30: {  	s3 =	sld [smem:$0x3FB0]  }
0x31: {  	[smem:$0x3FB9] =	sst s10  }
0x32: {  	s10 =	sld [smem:$0x3FB7];
	_ =	sdelay $0x3  }
0x33: {  	p0 =	seq.s32 s10, $0x1;
	s10 =	sld [smem:$0x3FB9];
	_ =	sdelay $0x3  }
0x34: {  	[smem:$0x3FB9] =	sst s10  }
0x35: {  	s10 =	sld [smem:$0x3FB8];
	_ =	sdelay $0x3  }
0x36: {  	p1 =	seq.s32 s10, $0x1;
	s10 =	sld [smem:$0x3FB9];
	_ =	sdelay $0x3  }
0x37: {  	[smem:$0x3FB9] =	sst s10  }
0x38: {  	s10 =	sld [smem:$0x3FBA]  }
0x39: {  	_ = 	snop;
	(pc) =	sbr.ind lr, $3  }
0x3a: {  	_ = 	snop  }
0x3b: {  	_ = 	snop  }
0x3c: {  	p2 =	seq.s32 s10, $0x1;
	s10 =	sld [smem:$0x3FB9]  }
0x3d: {  	_ =	shalt  }
0x3e: {  	_ =	shalt  }
0x3f: {  	_ =	shalt  }
0x40: {  	_ =	shalt  }
0x41: {  	_ =	shalt  }
0x42: {  	_ =	shalt  }
0x43: {  	_ =	shalt  }
0x44: {  	_ =	shalt  }
0x45: {  	_ =	shalt  }
0x46: {  	_ =	shalt  }
0x47: {  	_ =	shalt  }
0x48: {  	_ =	shalt  }
0x49: {  	_ =	shalt  }
0x4a: {  	_ =	shalt  }
0x4b: {  	_ =	shalt  }
0x4c: {  	_ =	shalt  }
0x4d: {  	_ =	shalt  }
0x4e: {  	_ =	shalt  }
0x4f: {  	_ =	shalt  }
0x50: {  	_ =	shalt  }
0x51: {  	_ =	shalt  }
0x52: {  	_ =	shalt  }
0x53: {  	_ =	shalt  }
0x54: {  	_ =	shalt  }
0x55: {  	_ =	shalt  }
0x56: {  	_ =	shalt  }
0x57: {  	_ =	shalt  }
0x58: {  	_ =	shalt  }
0x59: {  	_ =	shalt  }
0x5a: {  	_ =	shalt  }
0x5b: {  	_ =	shalt  }
0x5c: {  	_ =	shalt  }
0x5d: {  	_ =	shalt  }
0x5e: {  	_ =	shalt  }
0x5f: {  	_ =	shalt  }
0x60: {  	_ =	shalt  }
0x61: {  	_ =	shalt  }
0x62: {  	_ =	shalt  }
0x63: {  	_ =	shalt  }
0x64: {  	_ =	shalt  }
0x65: {  	_ =	shalt  }
0x66: {  	_ =	shalt  }
0x67: {  	_ =	shalt  }
0x68: {  	_ =	shalt  }
0x69: {  	_ =	shalt  }
0x6a: {  	_ =	shalt  }
0x6b: {  	_ =	shalt  }
0x6c: {  	_ =	shalt  }
0x6d: {  	_ =	shalt  }
0x6e: {  	_ =	shalt  }
0x6f: {  	_ =	shalt  }
0x70: {  	_ =	shalt  }
0x71: {  	_ =	shalt  }
0x72: {  	_ =	shalt  }
0x73: {  	_ =	shalt  }
0x74: {  	_ =	shalt  }
0x75: {  	_ =	shalt  }
0x76: {  	_ =	shalt  }
0x77: {  	_ =	shalt  }
0x78: {  	_ =	shalt  }
0x79: {  	_ =	shalt  }
0x7a: {  	_ =	shalt  }
0x7b: {  	_ =	shalt  }
0x7c: {  	_ =	shalt  }
0x7d: {  	_ =	shalt  }
0x7e: {  	_ =	shalt  }
0x7f: {  	_ =	shalt  }
0x80: {  	_ =	shalt  }
0x81: {  	_ =	shalt  }
0x82: {  	_ =	shalt  }
0x83: {  	_ =	shalt  }
0x84: {  	_ =	shalt  }
0x85: {  	_ =	shalt  }
0x86: {  	_ =	shalt  }
0x87: {  	_ =	shalt  }
.Lfunc_end0:
.L_simem_size_0:
called_computation.1_lowered:
.L_overlay_start_0:
0x88: {  	s2 =	sld [smem:$0x3FD9]  }
0x89: {  	s3 =	sld [smem:$0x3FFE];
	_ =	sdelay $0x1  }
0x8a: {  	s1 =	srdreg.scid  }
0x8b: {  	s0 =	sand.u32 $0x1, s1  }
0x8c: {  	s17 =	sshll.u32 s0, $0xA;
	s2 =	sadd.s32 s3, s2  }
0x8d: {  	s2 =	sadd.s32 s2, s17  }
0x8e: {  	[smem:$0x3FC5] =	sst s2  }
0x8f: {  	_ = 	snop  }
0x90: {  	s2 =	sld [smem:$0x3FC8]  }
0x91: {  	s18 =	sld [smem:$0x3FD0];
	(tm) =	ssettm $0x1  }
0x92: {  	s4 =	sld [smem:$0x3FFB];
	_ =	sdelay $0x3  }
0x93: {  	_ =	strace s4  }
0x94: {  	s4 =	sld [smem:$0x3FFC];
	_ =	sdelay $0x3  }
0x95: {  	_ =	strace s4  }
0x96: {  	s4 =	sld [smem:$0x3FFD];
	_ =	sdelay $0x3  }
0x97: {  	_ =	strace s4  }
0x98: {  	_ =	strace $0x8FFFFFFF  }
0x99: {  	s19 =	sld [smem:$0x3FDB];
	_ =	sdelay $0x1  }
0x9a: {  	s5 =	simm.s32 $_scs_section_size  }
0x9b: {  	s6 =	simm.s32 $_size__tile_overlayer_lowered;
	s7 =	simm.s32 $_tile_overlayer_lowered  }
0x9c: {  	s22 =	simm.s32 $0x1BFF;
	s21 =	sshll.u32 s7, $0x1;
	s4 =	sadd.s32 s5, s19  }
0x9d: {  	s8 =	simm.s32 $0x0;
	s20 =	sshll.u32 s6, $0x1;
	s6 =	sadd.s32 s21, s4  }
0x9e: {  	[timem:s8], [sflag:s22] =	dma.local [hbm:s6], s20  }
0x9f: {  	_ =	swait.ge [sflag:s22], s20  }
0xa0: {  	s5 =	ssub.s32 $0x0, s20;
	[sflag:s22] =	ssyncset.done $0x0  }
0xa1: {  	[sflag:s22] =	ssyncadd.s32 s5;
	_ =	sdelay $0x1  }
0xa2: {  	s23 =	simm.s32 $0x1B8B  }
0xa3: {  	_ =	swait.ge [sflag:s23], $0x1  }
0xa4: {  	[sflag:s23] =	ssyncset.done $0x0  }
0xa5: {  	s25 =	simm.s32 $0x1B8E;
	s24 =	sld [smem:$0x3FFE];
	[sflag:s23] =	ssyncadd.s32 $0xFFFFFFFF  }
0xa6: {  	s26 =	simm.s32 $execute0_lowered;
	[smem:$0x3FD2] =	sst s25  }
0xa7: {  	s6 =	sshll.u32 s26, $0x1;
	_ =	strace $0x80000046;
	[dreg:$0x1] =	wrdreg $0xFFFFFFFF  }
0xa8: {  	s28 =	simm.s32 $_size_execute0_lowered;
	s4 =	sadd.s32 s4, s6;
	[dreg:$0x0] =	wrdreg $0x0  }
0xa9: {  	s6 =	sshll.u32 s28, $0x1;
	[dreg:$0x2] =	wrdreg s4  }
0xaa: {  	[dreg:$0x3] =	wrdreg s6  }
0xab: {  	[dreg:$0x4] =	wrdreg $0xC0  }
0xac: {  	_ =	task [dreg:s8], $0x5FFFF  }
0xad: {  	[dreg:$0x1] =	wrdreg $0xFFFFFFFF  }
0xae: {  	[dreg:$0x0] =	wrdreg $0x60  }
0xaf: {  	[dreg:$0x2] =	wrdreg s24  }
0xb0: {  	[dreg:$0x3] =	wrdreg s2  }
0xb1: {  	[dreg:$0x4] =	wrdreg s18  }
0xb2: {  	[dreg:$0x5] =	wrdreg $0x9  }
0xb3: {  	_ =	task.clear_ibuf [dreg:s8], $0x6FFFF;
	_ =	strace $0x90000046  }
0xb4: {  	s29 =	simm.s32 $0x9;
	_ =	strace $0x80000048  }
0xb5: {  	_ =	swait.ge [sflag:s29], $0x1  }
0xb6: {  	[sflag:s29] =	ssyncadd.s32 $0xFFFFFFFF  }
0xb7: {  	_ =	strace $0x90000048  }
0xb8: {  	_ =	sfence  }
0xb9: {  	s30 =	sld [smem:$0x0];
	_ =	sdelay $0x2  }
0xba: {  	s31 =	sshll.u32 s1, $0xD;
	s1 =	sshrl.u32 s1, $0x2  }
0xbb: {  	s3 =	sand.u32 $0x4000, s31;
	s1 =	sadd.s32 s1, s30  }
0xbc: {  	s0 =	sor.u32 s3, s0;
	s1 =	sshll.u32 s1, $0x11  }
0xbd: {  	s0 =	sor.u32 s1, s0  }
0xbe: {  	s0 =	sadd.s32 $0x8F2B, s0  }
0xbf: {  	[sflag:s0] =	ssyncadd.remote.s32 $0x1  }
0xc0: {  	_ =	sfence.sel $0xFFFF  }
0xc1: {  	[dreg:$0x0] =	wrdreg $0xFFFFFFFF;
	(pc) =	sbr.abs _section_cstart, $3  }
0xc2: {  	[dreg:$0x1] =	wrdreg $0xFFFFFFFF  }
0xc3: {  	_ =	task.clear_ibuf [dreg:s8], $0x2FFFF;
	_ =	strace $0x9FFFFFFF  }
0xc4: {  	(tm) =	ssettm $0x7FFFFFFF  }
0xc5: {  	_ =	shalt  }
tec
execute0_lowered:
.L_overlay_start_1:
0x0: {  	(tag) =	ssettag $0x1  }
0x1: {  	s0 =	rddreg [dreg:$0x0]  }
0x2: {  	s1 =	rddreg [dreg:$0x1]  }
0x3: {  	s31 =	rddreg [dreg:$0x2]  }
0x4: {  	s2 =	srdreg.scid;
	s3 =	stileid.u32  }
0x5: {  	s4 =	simm.s32 $0x0;
	s2 =	sand.u32 $0x1, s2;
	s3 =	sshll.u32 s3, $0x1  }
0x6: {  	s19 =	simm.s32 $0x1;
	s5 =	ssub.s32 $0x2, s2;
	s2 =	sor.u32 s2, s3  }
0x7: {  	[smem:$0x7FF] =	sst s4;
	s4 =	sadd.s32 $0x1E85200, s0;
	s7 =	smul.u32 $0x320, s2  }
0x8: {  	s0 =	sadd.s32 $0xA00, s0;
	_ =	strace $0x80000047;
	s29 =	sshrl.u32 s5, $0x1  }
0x9: {  	[dreg:$0x4] =	wrdreg s0;
	s30 =	ssub.s32 s5, s29;
	s1 =	sadd.s32 s1, s7  }
0xa: {  	s6 =	sshll.u32 s2, $0x5;
	s0 =	smax.u32 s30, $0x1;
	[dreg:$0x5] =	wrdreg s1  }
0xb: {  	s2 =	simm.s32 $0x0;
	[dreg:$0x6] =	wrdreg s0;
	s0 =	simm.s32 $0x0  }
.LBB2_1:
0xc: {  	[dreg:$0x7] =	wrdreg s2  }
0xd: {  	s1 =	rddreg [dreg:$0x5];
	s26 =	simm.s32 $0x3  }
0xe: {  	[tilespmem:s0], [sflag:$0x3] =	stream.linear.gather [hbm4b:s1+s0], $0x1900, $0x38;
	[tilespmem:$0xB400] =	vst v63  }
0xf: {  	_ =	swait.ge [sflag:s26], $0x1900  }
0x10: {  	[sflag:s26] =	ssyncset.done $0x0  }
0x11: {  	s3 =	simm.s32 $0x3200;
	s29 =	rddreg [dreg:$0x4];
	[sflag:s26] =	ssyncadd.s32 $0xFFFFE700  }
0x12: {  	[tilespmem:s3], [sflag:$0x3] =	stream.linear.gather [hbm4b:s29+s0], $0x3200, $0x38;
	[tilespmem:$0xB400] =	vst v63  }
0x13: {  	_ =	swait.ge [sflag:s26], $0x3200  }
0x14: {  	[sflag:s26] =	ssyncset.done $0x0  }
0x15: {  	s30 =	simm.s32 $0x20;
	[sflag:s26] =	ssyncadd.s32 $0xFFFFCE00  }
0x16: {  	v0 =	vld [tilespmem:s30+$0xFFFFFFE0];
	_ =	sdelay $0x4  }
0x17: {  	s0 =	simm.s32 $0x1920;
	v0 =	vshll.u32 v0, $0x1  }
0x18: {  	[tilespmem:s0+$0xFFFFFFE0] =	vst v0  }
0x19: {  	v0 =	vld [tilespmem:s30+$0xFFFFFFF0];
	_ =	sdelay $0x4  }
0x1a: {  	v0 =	vshll.u32 v0, $0x1  }
0x1b: {  	[tilespmem:s0+$0xFFFFFFF0] =	vst v0  }
0x1c: {  	v0 =	vld [tilespmem:s30+$0x0];
	_ =	sdelay $0x4  }
0x1d: {  	v0 =	vshll.u32 v0, $0x1  }
0x1e: {  	[tilespmem:s0+$0x0] =	vst v0  }
0x1f: {  	v0 =	vld [tilespmem:s30+$0x10];
	_ =	sdelay $0x4  }
0x20: {  	v0 =	vshll.u32 v0, $0x1  }
0x21: {  	s28 =	simm.s32 $0x0;
	s2 =	simm.s32 $0x60;
	s1 =	simm.s32 $0x0;
	[tilespmem:s0+$0x10] =	vst v0  }
.LBB2_2:
0x22: {  	v0 =	vld [tilespmem:s2+$0xFFFFFFE0];
	s1 =	sadd.s32 $0x4, s1  }
0x23: {  	p0 =	slt.u32 s1, $0x18C;
	_ =	sdelay $0x3  }
0x24: {  	s0 =	sadd.s32 $0x40, s0;
	v0 =	vshll.u32 v0, $0x1  }
0x25: {  	[tilespmem:s0+$0xFFFFFFE0] =	vst v0  }
0x26: {  	v0 =	vld [tilespmem:s2+$0xFFFFFFF0];
	_ =	sdelay $0x4  }
0x27: {  	v0 =	vshll.u32 v0, $0x1  }
0x28: {  	[tilespmem:s0+$0xFFFFFFF0] =	vst v0  }
0x29: {  	v0 =	vld [tilespmem:s2+$0x0];
	_ =	sdelay $0x4  }
0x2a: {  	v0 =	vshll.u32 v0, $0x1  }
0x2b: {  	[tilespmem:s0+$0x0] =	vst v0  }
0x2c: {  	v0 =	vld [tilespmem:s2+$0x10];
	_ =	sdelay $0x1  }
.Ltmp0:
0x2d: {  	(pc) =	sbr.rel @p0 .LBB2_2-.Ltmp0, $3  }
0x2e: {  	_ =	sdelay $0x1  }
0x2f: {  	v0 =	vshll.u32 v0, $0x1  }
0x30: {  	s2 =	sadd.s32 $0x40, s2;
	[tilespmem:s0+$0x10] =	vst v0  }
0x31: {  	s0 =	simm.s32 $0x28  }
0x32: {  	s1 =	simm.s32 $0x1900;
	s2 =	simm.s32 $0x6400;
	s23 =	simm.s32 $0x1928  }
0x33: {  	s24 =	simm.s32 $0x6E00;
	s22 =	simm.s32 $0x7800;
	s25 =	simm.s32 $0x1950  }
0x34: {  	s26 =	simm.s32 $0x1978;
	s30 =	simm.s32 $0x8200;
	s18 =	simm.s32 $0x3240  }
0x35: {  	s21 =	simm.s32 $0x0;
	s29 =	simm.s32 $0x1;
	s10 =	simm.s32 $0x4670  }
0x36: {  	[tilespmem:s2], [sflag:$0x1] =	stream.indirect.gather [hbm4b:s4+s0], $0x40, s1, s0, $0xb8;
	[tilespmem:$0xB400] =	vst v63  }
0x37: {  	s12 =	simm.s32 $0x5070;
	s14 =	simm.s32 $0x3;
	s16 =	simm.s32 $0x5A70  }
0x38: {  	[tilespmem:s24], [sflag:$0x1] =	stream.indirect.gather [hbm4b:s4+s0], $0x40, s23, s0, $0xb8;
	[tilespmem:$0xB400] =	vst v63  }
0x39: {  	s17 =	simm.s32 $0x4;
	s5 =	simm.s32 $0x6470;
	s7 =	simm.s32 $0x5  }
0x3a: {  	[tilespmem:s22], [sflag:$0x1] =	stream.indirect.gather [hbm4b:s4+s0], $0x40, s25, s0, $0xb8;
	[tilespmem:$0xB400] =	vst v63  }
0x3b: {  	s8 =	simm.s32 $0x6E70;
	s9 =	simm.s32 $0x6;
	s1 =	simm.s32 $0x3C70  }
0x3c: {  	[tilespmem:s30], [sflag:$0x1] =	stream.indirect.gather [hbm4b:s4+s0], $0x40, s26, s0, $0xb8;
	[tilespmem:$0xB400] =	vst v63  }
0x3d: {  	s24 =	simm.s32 $0x2;
	s25 =	simm.s32 $0x0;
	s26 =	simm.s32 $0x7  }
.LBB2_4:
0x3e: {  	s20 =	sshll.u32 s25, $0x3  }
0x3f: {  	s2 =	sadd.s32 $0xFFFFFFF8, s20  }
0x40: {  	s13 =	sor.u32 $0x4, s20;
	p0 =	sgt.u32 s2, $0x97  }
0x41: {  	p1 =	sne.s32 s25, $0x0;
	s2 =	simm.s32 @!p0 $0x2;
	s3 =	smul.u32 @!p0 $0xA0, s13  }
0x42: {  	s15 =	smul.u32 @!p1 $0xA0, s13;
	_ =	swait.ge @!p0 [sflag:s2], $0xA00  }
0x43: {  	s11 =	simm.s32 @!p0 $0x8C00;
	[sflag:s2] =	ssyncset.done @!p0 $0x0;
	s3 =	sshra.s32 @!p0 s3, $0x2  }
0x44: {  	[sflag:s2] =	ssyncadd.s32 @!p0 $0xFFFFF600;
	s2 =	sadd.s32 @!p0 $0x1900, s3;
	s3 =	simm.s32 @!p0 $0x28  }
0x45: {  	[tilespmem:s11], [sflag:$0x1] =	stream.indirect.gather @!p0 [hbm4b:s4+s3], $0x40, s2, s3, $0xb8;
	[tilespmem:$0xB400] =	vst v63  }
0x46: {  	s23 =	smulhi.u32 $0xCCCCCCCD, s21;
	[dreg:$0xa] =	wrdreg s21;
	s3 =	sshra.s32 @!p1 s15, $0x2  }
0x47: {  	s11 =	simm.s32 @!p1 $0x28;
	s15 =	simm.s32 @!p1 $0x8C00;
	s3 =	sadd.s32 @!p1 $0x1900, s3  }
0x48: {  	[tilespmem:s15], [sflag:$0x1] =	stream.indirect.gather @!p1 [hbm4b:s4+s11], $0x40, s3, s11, $0xb8;
	[tilespmem:$0xB400] =	vst v63  }
0x49: {  	s2 =	sshrl.u32 s23, $0x2;
	_ =	swait.ge [sflag:s19], $0xA00  }
0x4a: {  	s2 =	smul.u32 $0xFFFF3800, s2;
	[sflag:s19] =	ssyncset.done $0x0  }
0x4b: {  	s15 =	simm.s32 $0x6440;
	[sflag:s19] =	ssyncadd.s32 $0xFFFFF600  }
0x4c: {  	s2 =	sshra.s32 s2, $0x2;
	v0 =	vld [tilespmem:s15+$0xFFFFFFC0]  }
0x4d: {  	s2 =	sadd.s32 s2, s18  }
0x4e: {  	v1 =	vld [tilespmem:s2+$0xFFFFFFC0];
	_ =	sdelay $0x2  }
0x4f: {  	v0 =	vmul.f32 $8.000000000e+00, v0;
	_ =	sdelay $0x1  }
0x50: {  	v0 =	vadd.f32 v1, v0  }
0x51: {  	v1 =	vld [tilespmem:s15+$0xFFFFFFD0]  }
0x52: {  	[tilespmem:s15+$0xFFFFFFC0] =	vst v0  }
0x53: {  	v0 =	vld [tilespmem:s2+$0xFFFFFFD0];
	_ =	sdelay $0x2  }
0x54: {  	v1 =	vmul.f32 $8.000000000e+00, v1;
	_ =	sdelay $0x1  }
0x55: {  	v0 =	vadd.f32 v0, v1  }
0x56: {  	v1 =	vld [tilespmem:s15+$0xFFFFFFE0]  }
0x57: {  	[tilespmem:s15+$0xFFFFFFD0] =	vst v0  }
0x58: {  	v0 =	vld [tilespmem:s2+$0xFFFFFFE0];
	_ =	sdelay $0x2  }
0x59: {  	v1 =	vmul.f32 $8.000000000e+00, v1;
	_ =	sdelay $0x1  }
0x5a: {  	v0 =	vadd.f32 v0, v1  }
0x5b: {  	v1 =	vld [tilespmem:s15+$0xFFFFFFF0]  }
0x5c: {  	[tilespmem:s15+$0xFFFFFFE0] =	vst v0  }
0x5d: {  	v0 =	vld [tilespmem:s2+$0xFFFFFFF0];
	_ =	sdelay $0x2  }
0x5e: {  	v1 =	vmul.f32 $8.000000000e+00, v1;
	_ =	sdelay $0x1  }
0x5f: {  	v0 =	vadd.f32 v0, v1  }
0x60: {  	v1 =	vld [tilespmem:s15+$0x0]  }
0x61: {  	[tilespmem:s15+$0xFFFFFFF0] =	vst v0  }
0x62: {  	v0 =	vld [tilespmem:s2+$0x0];
	_ =	sdelay $0x2  }
0x63: {  	v1 =	vmul.f32 $8.000000000e+00, v1;
	_ =	sdelay $0x1  }
0x64: {  	v0 =	vadd.f32 v0, v1  }
0x65: {  	v1 =	vld [tilespmem:s15+$0x10]  }
0x66: {  	[tilespmem:s15+$0x0] =	vst v0  }
0x67: {  	v0 =	vld [tilespmem:s2+$0x10];
	_ =	sdelay $0x1  }
0x68: {  	s21 =	smulhi.u32 $0xCCCCCCCD, s7  }
0x69: {  	s23 =	smulhi.u32 $0xCCCCCCCD, s17;
	v1 =	vmul.f32 $8.000000000e+00, v1  }
0x6a: {  	s11 =	smulhi.u32 $0xCCCCCCCD, s26  }
0x6b: {  	[dreg:$0x9] =	wrdreg s18;
	s18 =	smulhi.u32 $0xCCCCCCCD, s9;
	v0 =	vadd.f32 v0, v1  }
0x6c: {  	[dreg:$0xe] =	wrdreg s24;
	s24 =	smulhi.u32 $0xCCCCCCCD, s24;
	s3 =	sshrl.u32 s11, $0x2;
	v1 =	vld [tilespmem:s15+$0x20]  }
0x6d: {  	s3 =	smul.u32 $0xFFFF3800, s3;
	s11 =	sshrl.u32 s18, $0x2;
	[tilespmem:s15+$0x10] =	vst v0  }
0x6e: {  	s18 =	sshrl.u32 s21, $0x2;
	s21 =	sshrl.u32 s23, $0x2;
	s23 =	smulhi.u32 $0xCCCCCCCD, s14;
	v0 =	vld [tilespmem:s2+$0x20]  }
0x6f: {  	s0 =	smov.u32 s31;
	s11 =	smul.u32 $0xFFFF3800, s11  }
0x70: {  	[dreg:$0x8] =	wrdreg s22;
	s18 =	smul.u32 $0xFFFF3800, s18;
	s3 =	sshra.s32 s3, $0x2  }
0x71: {  	[dreg:$0xc] =	wrdreg s29;
	s21 =	smul.u32 $0xFFFF3800, s21;
	s3 =	sadd.s32 s3, s22;
	v1 =	vmul.f32 $8.000000000e+00, v1  }
0x72: {  	s31 =	simm.s32 $0x64C0;
	[dreg:$0xf] =	wrdreg s3;
	s3 =	smulhi.u32 $0xCCCCCCCD, s29  }
0x73: {  	[dreg:$0xd] =	wrdreg s10;
	s11 =	sshra.s32 s11, $0x2;
	s29 =	smul.u32 $0xCD, s20;
	v0 =	vadd.f32 v0, v1  }
0x74: {  	s22 =	sadd.s32 s11, s8;
	s11 =	sshra.s32 s18, $0x2;
	s18 =	sshrl.u32 s23, $0x2;
	v1 =	vld [tilespmem:s15+$0x30]  }
0x75: {  	s24 =	sshrl.u32 s24, $0x2;
	s23 =	sadd.s32 s11, s5;
	s11 =	smul.u32 $0xFFFF3800, s18;
	[tilespmem:s15+$0x20] =	vst v0  }
0x76: {  	s18 =	smul.u32 $0xFFFF3800, s24;
	s3 =	sshrl.u32 s3, $0x2;
	s24 =	sshrl.u32 s29, $0xA;
	v0 =	vld [tilespmem:s2+$0x30]  }
0x77: {  	[dreg:$0xb] =	wrdreg s1;
	s29 =	smul.u32 $0xFFFF3800, s3;
	s3 =	sand.u32 $0x3F, s24  }
0x78: {  	s21 =	sshra.s32 s21, $0x2;
	s11 =	sshra.s32 s11, $0x2;
	s30 =	smul.u32 $0x5, s3  }
0x79: {  	s24 =	sadd.s32 s21, s16;
	s21 =	sadd.s32 s11, s12;
	s11 =	sshra.s32 s18, $0x2;
	v1 =	vmul.f32 $8.000000000e+00, v1  }
0x7a: {  	s18 =	sshra.s32 s29, $0x2;
	s11 =	sadd.s32 s11, s10;
	s29 =	ssub.s32 s20, s30  }
0x7b: {  	s18 =	sadd.s32 s18, s1;
	s30 =	simm.s32 $0x0;
	s29 =	sand.u32 $0xFF, s29;
	v0 =	vadd.f32 v0, v1  }
.LBB2_5:
0x7c: {  	v1 =	vld [tilespmem:s31+$0xFFFFFFC0];
	s30 =	sadd.s32 $0x2, s30  }
0x7d: {  	s2 =	sadd.s32 $0x80, s2;
	p2 =	slt.u32 s30, $0x26;
	[tilespmem:s15+$0x30] =	vst v0;
	s15 =	smov.u32 s31  }
0x7e: {  	v0 =	vld [tilespmem:s2+$0xFFFFFFC0];
	_ =	sdelay $0x2  }
0x7f: {  	v1 =	vmul.f32 $8.000000000e+00, v1;
	_ =	sdelay $0x1  }
0x80: {  	v0 =	vadd.f32 v0, v1  }
0x81: {  	v1 =	vld [tilespmem:s31+$0xFFFFFFD0]  }
0x82: {  	[tilespmem:s31+$0xFFFFFFC0] =	vst v0  }
0x83: {  	v0 =	vld [tilespmem:s2+$0xFFFFFFD0];
	_ =	sdelay $0x2  }
0x84: {  	v1 =	vmul.f32 $8.000000000e+00, v1;
	_ =	sdelay $0x1  }
0x85: {  	v0 =	vadd.f32 v0, v1  }
0x86: {  	v1 =	vld [tilespmem:s31+$0xFFFFFFE0]  }
0x87: {  	[tilespmem:s31+$0xFFFFFFD0] =	vst v0  }
0x88: {  	v0 =	vld [tilespmem:s2+$0xFFFFFFE0];
	_ =	sdelay $0x2  }
0x89: {  	v1 =	vmul.f32 $8.000000000e+00, v1;
	_ =	sdelay $0x1  }
0x8a: {  	v0 =	vadd.f32 v0, v1  }
0x8b: {  	v1 =	vld [tilespmem:s31+$0xFFFFFFF0]  }
0x8c: {  	[tilespmem:s31+$0xFFFFFFE0] =	vst v0  }
0x8d: {  	v0 =	vld [tilespmem:s2+$0xFFFFFFF0];
	_ =	sdelay $0x2  }
0x8e: {  	v1 =	vmul.f32 $8.000000000e+00, v1;
	_ =	sdelay $0x1  }
0x8f: {  	v0 =	vadd.f32 v0, v1  }
0x90: {  	v1 =	vld [tilespmem:s31+$0x0]  }
0x91: {  	[tilespmem:s31+$0xFFFFFFF0] =	vst v0  }
0x92: {  	v0 =	vld [tilespmem:s2+$0x0];
	_ =	sdelay $0x2  }
0x93: {  	v1 =	vmul.f32 $8.000000000e+00, v1;
	_ =	sdelay $0x1  }
0x94: {  	v0 =	vadd.f32 v0, v1  }
0x95: {  	v1 =	vld [tilespmem:s31+$0x10]  }
0x96: {  	[tilespmem:s31+$0x0] =	vst v0  }
0x97: {  	v0 =	vld [tilespmem:s2+$0x10];
	_ =	sdelay $0x2  }
0x98: {  	v1 =	vmul.f32 $8.000000000e+00, v1;
	_ =	sdelay $0x1  }
0x99: {  	v0 =	vadd.f32 v0, v1  }
0x9a: {  	v1 =	vld [tilespmem:s31+$0x20]  }
0x9b: {  	[tilespmem:s31+$0x10] =	vst v0  }
0x9c: {  	v0 =	vld [tilespmem:s2+$0x20];
	_ =	sdelay $0x2  }
0x9d: {  	v1 =	vmul.f32 $8.000000000e+00, v1;
	_ =	sdelay $0x1  }
0x9e: {  	v0 =	vadd.f32 v0, v1  }
0x9f: {  	v1 =	vld [tilespmem:s31+$0x30]  }
0xa0: {  	[tilespmem:s31+$0x20] =	vst v0  }
0xa1: {  	v0 =	vld [tilespmem:s2+$0x30]  }
.Ltmp1:
0xa2: {  	(pc) =	sbr.rel @p2 .LBB2_5-.Ltmp1, $3  }
0xa3: {  	_ = 	snop  }
0xa4: {  	v1 =	vmul.f32 $8.000000000e+00, v1;
	_ =	sdelay $0x1  }
0xa5: {  	s31 =	sadd.s32 $0x80, s31;
	v0 =	vadd.f32 v0, v1  }
0xa6: {  	s2 =	sadd.s32 s3, s6;
	s10 =	smul.u32 $0xA00, s29  }
0xa7: {  	s2 =	smul.u32 $0x3200, s2;
	_ =	sdelay $0x1  }
0xa8: {  	s2 =	sadd.s32 s10, s2  }
0xa9: {  	s2 =	sshrl.u32 s2, $0x3  }
0xaa: {  	s1 =	simm.s32 $0x6400;
	[tilespmem:s15+$0x30] =	vst v0;
	s15 =	sor.u32 $0x5, s20;
	s2 =	sadd.s32 s0, s2  }
0xab: {  	[hbm4b:s2+s28] =	stream.linear.scatter [tilespmem:s1], [sflag:$0x2], $0xA00, $0x38;
	[tilespmem:$0xB400] =	vst v63  }
0xac: {  	s3 =	smul.u32 @!p0 $0xA0, s15;
	s2 =	simm.s32 @!p0 $0x2  }
0xad: {  	s29 =	simm.s32 @!p0 $0x9600;
	_ =	swait.ge @!p0 [sflag:s2], $0xA00  }
0xae: {  	s30 =	smul.u32 @!p1 $0xA0, s15;
	s3 =	sshra.s32 @!p0 s3, $0x2;
	[sflag:s2] =	ssyncset.done @!p0 $0x0  }
0xaf: {  	[sflag:s2] =	ssyncadd.s32 @!p0 $0xFFFFF600;
	s2 =	sadd.s32 @!p0 $0x1900, s3;
	s3 =	simm.s32 @!p0 $0x28  }
0xb0: {  	[tilespmem:s29], [sflag:$0x1] =	stream.indirect.gather @!p0 [hbm4b:s4+s3], $0x40, s2, s3, $0xb8;
	[tilespmem:$0xB400] =	vst v63  }
0xb1: {  	s2 =	sshra.s32 @!p1 s30, $0x2  }
0xb2: {  	s3 =	simm.s32 @!p1 $0x28;
	s29 =	simm.s32 @!p1 $0x9600;
	s2 =	sadd.s32 @!p1 $0x1900, s2  }
0xb3: {  	[tilespmem:s29], [sflag:$0x1] =	stream.indirect.gather @!p1 [hbm4b:s4+s3], $0x40, s2, s3, $0xb8;
	[tilespmem:$0xB400] =	vst v63  }
0xb4: {  	_ =	swait.ge [sflag:s19], $0xA00  }
0xb5: {  	[sflag:s19] =	ssyncset.done $0x0  }
0xb6: {  	s2 =	simm.s32 $0x6E70;
	[sflag:s19] =	ssyncadd.s32 $0xFFFFF600  }
0xb7: {  	v0 =	vld [tilespmem:s2+$0xFFFFFF90];
	_ =	sdelay $0x1  }
0xb8: {  	v1 =	vld [tilespmem:s18+$0xFFFFFF90];
	_ =	sdelay $0x2  }
0xb9: {  	v0 =	vmul.f32 $8.000000000e+00, v0;
	_ =	sdelay $0x1  }
0xba: {  	v0 =	vadd.f32 v1, v0  }
0xbb: {  	v1 =	vld [tilespmem:s2+$0xFFFFFFA0]  }
0xbc: {  	[tilespmem:s2+$0xFFFFFF90] =	vst v0  }
0xbd: {  	v0 =	vld [tilespmem:s18+$0xFFFFFFA0];
	_ =	sdelay $0x2  }
0xbe: {  	v1 =	vmul.f32 $8.000000000e+00, v1;
	_ =	sdelay $0x1  }
0xbf: {  	v0 =	vadd.f32 v0, v1  }
0xc0: {  	v1 =	vld [tilespmem:s2+$0xFFFFFFB0]  }
0xc1: {  	[tilespmem:s2+$0xFFFFFFA0] =	vst v0  }
0xc2: {  	v0 =	vld [tilespmem:s18+$0xFFFFFFB0];
	_ =	sdelay $0x2  }
0xc3: {  	v1 =	vmul.f32 $8.000000000e+00, v1;
	_ =	sdelay $0x1  }
0xc4: {  	v0 =	vadd.f32 v0, v1  }
0xc5: {  	v1 =	vld [tilespmem:s2+$0xFFFFFFC0]  }
0xc6: {  	[tilespmem:s2+$0xFFFFFFB0] =	vst v0  }
0xc7: {  	v0 =	vld [tilespmem:s18+$0xFFFFFFC0];
	_ =	sdelay $0x2  }
0xc8: {  	v1 =	vmul.f32 $8.000000000e+00, v1;
	_ =	sdelay $0x1  }
0xc9: {  	v0 =	vadd.f32 v0, v1  }
0xca: {  	v1 =	vld [tilespmem:s2+$0xFFFFFFD0]  }
0xcb: {  	[tilespmem:s2+$0xFFFFFFC0] =	vst v0  }
0xcc: {  	v0 =	vld [tilespmem:s18+$0xFFFFFFD0];
	_ =	sdelay $0x2  }
0xcd: {  	v1 =	vmul.f32 $8.000000000e+00, v1;
	_ =	sdelay $0x1  }
0xce: {  	v0 =	vadd.f32 v0, v1  }
0xcf: {  	v1 =	vld [tilespmem:s2+$0xFFFFFFE0]  }
0xd0: {  	[tilespmem:s2+$0xFFFFFFD0] =	vst v0  }
0xd1: {  	v0 =	vld [tilespmem:s18+$0xFFFFFFE0];
	_ =	sdelay $0x2  }
0xd2: {  	v1 =	vmul.f32 $8.000000000e+00, v1;
	_ =	sdelay $0x1  }
0xd3: {  	v0 =	vadd.f32 v0, v1  }
0xd4: {  	v1 =	vld [tilespmem:s2+$0xFFFFFFF0]  }
0xd5: {  	[tilespmem:s2+$0xFFFFFFE0] =	vst v0  }
0xd6: {  	v0 =	vld [tilespmem:s18+$0xFFFFFFF0];
	_ =	sdelay $0x2  }
0xd7: {  	v1 =	vmul.f32 $8.000000000e+00, v1;
	_ =	sdelay $0x1  }
0xd8: {  	v0 =	vadd.f32 v0, v1  }
0xd9: {  	v1 =	vld [tilespmem:s2+$0x0]  }
0xda: {  	s29 =	sor.u32 $0x1, s20;
	[tilespmem:s2+$0xFFFFFFF0] =	vst v0  }
0xdb: {  	s10 =	smulhi.u32 $0x66666667, s29;
	v0 =	vld [tilespmem:s18+$0x0];
	_ =	sdelay $0x1  }
0xdc: {  	s3 =	sshrl.u32 s10, $0x1  }
0xdd: {  	s30 =	smul.u32 $0x5, s3;
	v1 =	vmul.f32 $8.000000000e+00, v1;
	_ =	sdelay $0x1  }
0xde: {  	s31 =	simm.s32 $0x6EF0;
	s29 =	ssub.s32 s29, s30;
	s30 =	simm.s32 $0x0;
	v0 =	vadd.f32 v0, v1  }
.LBB2_7:
0xdf: {  	v1 =	vld [tilespmem:s31+$0xFFFFFF90];
	s30 =	sadd.s32 $0x2, s30  }
0xe0: {  	s18 =	sadd.s32 $0x80, s18;
	p2 =	slt.u32 s30, $0x26;
	[tilespmem:s2+$0x0] =	vst v0;
	s2 =	smov.u32 s31  }
0xe1: {  	v0 =	vld [tilespmem:s18+$0xFFFFFF90];
	_ =	sdelay $0x2  }
0xe2: {  	v1 =	vmul.f32 $8.000000000e+00, v1;
	_ =	sdelay $0x1  }
0xe3: {  	v0 =	vadd.f32 v0, v1  }
0xe4: {  	v1 =	vld [tilespmem:s31+$0xFFFFFFA0]  }
0xe5: {  	[tilespmem:s31+$0xFFFFFF90] =	vst v0  }
0xe6: {  	v0 =	vld [tilespmem:s18+$0xFFFFFFA0];
	_ =	sdelay $0x2  }
0xe7: {  	v1 =	vmul.f32 $8.000000000e+00, v1;
	_ =	sdelay $0x1  }
0xe8: {  	v0 =	vadd.f32 v0, v1  }
0xe9: {  	v1 =	vld [tilespmem:s31+$0xFFFFFFB0]  }
0xea: {  	[tilespmem:s31+$0xFFFFFFA0] =	vst v0  }
0xeb: {  	v0 =	vld [tilespmem:s18+$0xFFFFFFB0];
	_ =	sdelay $0x2  }
0xec: {  	v1 =	vmul.f32 $8.000000000e+00, v1;
	_ =	sdelay $0x1  }
0xed: {  	v0 =	vadd.f32 v0, v1  }
0xee: {  	v1 =	vld [tilespmem:s31+$0xFFFFFFC0]  }
0xef: {  	[tilespmem:s31+$0xFFFFFFB0] =	vst v0  }
0xf0: {  	v0 =	vld [tilespmem:s18+$0xFFFFFFC0];
	_ =	sdelay $0x2  }
0xf1: {  	v1 =	vmul.f32 $8.000000000e+00, v1;
	_ =	sdelay $0x1  }
0xf2: {  	v0 =	vadd.f32 v0, v1  }
0xf3: {  	v1 =	vld [tilespmem:s31+$0xFFFFFFD0]  }
0xf4: {  	[tilespmem:s31+$0xFFFFFFC0] =	vst v0  }
0xf5: {  	v0 =	vld [tilespmem:s18+$0xFFFFFFD0];
	_ =	sdelay $0x2  }
0xf6: {  	v1 =	vmul.f32 $8.000000000e+00, v1;
	_ =	sdelay $0x1  }
0xf7: {  	v0 =	vadd.f32 v0, v1  }
0xf8: {  	v1 =	vld [tilespmem:s31+$0xFFFFFFE0]  }
0xf9: {  	[tilespmem:s31+$0xFFFFFFD0] =	vst v0  }
0xfa: {  	v0 =	vld [tilespmem:s18+$0xFFFFFFE0];
	_ =	sdelay $0x2  }
0xfb: {  	v1 =	vmul.f32 $8.000000000e+00, v1;
	_ =	sdelay $0x1  }
0xfc: {  	v0 =	vadd.f32 v0, v1  }
0xfd: {  	v1 =	vld [tilespmem:s31+$0xFFFFFFF0]  }
0xfe: {  	[tilespmem:s31+$0xFFFFFFE0] =	vst v0  }
0xff: {  	v0 =	vld [tilespmem:s18+$0xFFFFFFF0];
	_ =	sdelay $0x2  }
0x100: {  	v1 =	vmul.f32 $8.000000000e+00, v1;
	_ =	sdelay $0x1  }
0x101: {  	v0 =	vadd.f32 v0, v1  }
0x102: {  	v1 =	vld [tilespmem:s31+$0x0]  }
0x103: {  	[tilespmem:s31+$0xFFFFFFF0] =	vst v0  }
0x104: {  	v0 =	vld [tilespmem:s18+$0x0]  }
.Ltmp2:
0x105: {  	(pc) =	sbr.rel @p2 .LBB2_7-.Ltmp2, $3  }
0x106: {  	_ = 	snop  }
0x107: {  	v1 =	vmul.f32 $8.000000000e+00, v1;
	_ =	sdelay $0x1  }
0x108: {  	s31 =	sadd.s32 $0x80, s31;
	v0 =	vadd.f32 v0, v1  }
0x109: {  	s3 =	sadd.s32 s6, s3;
	s18 =	smul.u32 $0xA00, s29  }
0x10a: {  	s3 =	smul.u32 $0x3200, s3;
	_ =	sdelay $0x1  }
0x10b: {  	s3 =	sadd.s32 s18, s3  }
0x10c: {  	s3 =	sshrl.u32 s3, $0x3  }
0x10d: {  	[tilespmem:s2+$0x0] =	vst v0;
	s18 =	simm.s32 $0x6E00;
	s10 =	sadd.s32 s0, s3  }
0x10e: {  	[hbm4b:s10+s28] =	stream.linear.scatter [tilespmem:s18], [sflag:$0x2], $0xA00, $0x38;
	[tilespmem:$0xB400] =	vst v63  }
0x10f: {  	s18 =	sor.u32 $0x6, s20  }
0x110: {  	s2 =	simm.s32 @!p0 $0x2;
	s3 =	smul.u32 @!p0 $0xA0, s18  }
0x111: {  	s29 =	simm.s32 @!p0 $0xA000;
	_ =	swait.ge @!p0 [sflag:s2], $0xA00  }
0x112: {  	s30 =	smul.u32 @!p1 $0xA0, s18;
	[sflag:s2] =	ssyncset.done @!p0 $0x0;
	s3 =	sshra.s32 @!p0 s3, $0x2  }
0x113: {  	[sflag:s2] =	ssyncadd.s32 @!p0 $0xFFFFF600;
	s2 =	sadd.s32 @!p0 $0x1900, s3;
	s3 =	simm.s32 @!p0 $0x28  }
0x114: {  	[tilespmem:s29], [sflag:$0x1] =	stream.indirect.gather @!p0 [hbm4b:s4+s3], $0x40, s2, s3, $0xb8;
	[tilespmem:$0xB400] =	vst v63  }
0x115: {  	s2 =	sshra.s32 @!p1 s30, $0x2  }
0x116: {  	s3 =	simm.s32 @!p1 $0x28;
	s29 =	simm.s32 @!p1 $0xA000;
	s2 =	sadd.s32 @!p1 $0x1900, s2  }
0x117: {  	[tilespmem:s29], [sflag:$0x1] =	stream.indirect.gather @!p1 [hbm4b:s4+s3], $0x40, s2, s3, $0xb8;
	[tilespmem:$0xB400] =	vst v63  }
0x118: {  	_ =	swait.ge [sflag:s19], $0xA00  }
0x119: {  	[sflag:s19] =	ssyncset.done $0x0  }
0x11a: {  	s2 =	simm.s32 $0x7870;
	[sflag:s19] =	ssyncadd.s32 $0xFFFFF600  }
0x11b: {  	v0 =	vld [tilespmem:s2+$0xFFFFFF90];
	_ =	sdelay $0x1  }
0x11c: {  	v1 =	vld [tilespmem:s11+$0xFFFFFF90];
	_ =	sdelay $0x2  }
0x11d: {  	v0 =	vmul.f32 $8.000000000e+00, v0;
	_ =	sdelay $0x1  }
0x11e: {  	v0 =	vadd.f32 v1, v0  }
0x11f: {  	v1 =	vld [tilespmem:s2+$0xFFFFFFA0]  }
0x120: {  	[tilespmem:s2+$0xFFFFFF90] =	vst v0  }
0x121: {  	v0 =	vld [tilespmem:s11+$0xFFFFFFA0];
	_ =	sdelay $0x2  }
0x122: {  	v1 =	vmul.f32 $8.000000000e+00, v1;
	_ =	sdelay $0x1  }
0x123: {  	v0 =	vadd.f32 v0, v1  }
0x124: {  	v1 =	vld [tilespmem:s2+$0xFFFFFFB0]  }
0x125: {  	[tilespmem:s2+$0xFFFFFFA0] =	vst v0  }
0x126: {  	v0 =	vld [tilespmem:s11+$0xFFFFFFB0];
	_ =	sdelay $0x2  }
0x127: {  	v1 =	vmul.f32 $8.000000000e+00, v1;
	_ =	sdelay $0x1  }
0x128: {  	v0 =	vadd.f32 v0, v1  }
0x129: {  	v1 =	vld [tilespmem:s2+$0xFFFFFFC0]  }
0x12a: {  	[tilespmem:s2+$0xFFFFFFB0] =	vst v0  }
0x12b: {  	v0 =	vld [tilespmem:s11+$0xFFFFFFC0];
	_ =	sdelay $0x2  }
0x12c: {  	v1 =	vmul.f32 $8.000000000e+00, v1;
	_ =	sdelay $0x1  }
0x12d: {  	v0 =	vadd.f32 v0, v1  }
0x12e: {  	v1 =	vld [tilespmem:s2+$0xFFFFFFD0]  }
0x12f: {  	[tilespmem:s2+$0xFFFFFFC0] =	vst v0  }
0x130: {  	v0 =	vld [tilespmem:s11+$0xFFFFFFD0];
	_ =	sdelay $0x2  }
0x131: {  	v1 =	vmul.f32 $8.000000000e+00, v1;
	_ =	sdelay $0x1  }
0x132: {  	v0 =	vadd.f32 v0, v1  }
0x133: {  	v1 =	vld [tilespmem:s2+$0xFFFFFFE0]  }
0x134: {  	[tilespmem:s2+$0xFFFFFFD0] =	vst v0  }
0x135: {  	v0 =	vld [tilespmem:s11+$0xFFFFFFE0];
	_ =	sdelay $0x2  }
0x136: {  	v1 =	vmul.f32 $8.000000000e+00, v1;
	_ =	sdelay $0x1  }
0x137: {  	v0 =	vadd.f32 v0, v1  }
0x138: {  	v1 =	vld [tilespmem:s2+$0xFFFFFFF0]  }
0x139: {  	[tilespmem:s2+$0xFFFFFFE0] =	vst v0  }
0x13a: {  	v0 =	vld [tilespmem:s11+$0xFFFFFFF0];
	_ =	sdelay $0x2  }
0x13b: {  	v1 =	vmul.f32 $8.000000000e+00, v1;
	_ =	sdelay $0x1  }
0x13c: {  	v0 =	vadd.f32 v0, v1  }
0x13d: {  	v1 =	vld [tilespmem:s2+$0x0]  }
0x13e: {  	s29 =	sor.u32 $0x2, s20;
	[tilespmem:s2+$0xFFFFFFF0] =	vst v0  }
0x13f: {  	s28 =	smulhi.u32 $0x66666667, s29;
	v0 =	vld [tilespmem:s11+$0x0];
	_ =	sdelay $0x1  }
0x140: {  	s3 =	sshrl.u32 s28, $0x1  }
0x141: {  	s30 =	smul.u32 $0x5, s3;
	v1 =	vmul.f32 $8.000000000e+00, v1;
	_ =	sdelay $0x1  }
0x142: {  	s31 =	simm.s32 $0x78F0;
	s29 =	ssub.s32 s29, s30;
	s30 =	simm.s32 $0x0;
	v0 =	vadd.f32 v0, v1  }
.LBB2_9:
0x143: {  	v1 =	vld [tilespmem:s31+$0xFFFFFF90];
	s30 =	sadd.s32 $0x2, s30  }
0x144: {  	s11 =	sadd.s32 $0x80, s11;
	p0 =	slt.u32 s30, $0x26;
	[tilespmem:s2+$0x0] =	vst v0;
	s2 =	smov.u32 s31  }
0x145: {  	v0 =	vld [tilespmem:s11+$0xFFFFFF90];
	_ =	sdelay $0x2  }
0x146: {  	v1 =	vmul.f32 $8.000000000e+00, v1;
	_ =	sdelay $0x1  }
0x147: {  	v0 =	vadd.f32 v0, v1  }
0x148: {  	v1 =	vld [tilespmem:s31+$0xFFFFFFA0]  }
0x149: {  	[tilespmem:s31+$0xFFFFFF90] =	vst v0  }
0x14a: {  	v0 =	vld [tilespmem:s11+$0xFFFFFFA0];
	_ =	sdelay $0x2  }
0x14b: {  	v1 =	vmul.f32 $8.000000000e+00, v1;
	_ =	sdelay $0x1  }
0x14c: {  	v0 =	vadd.f32 v0, v1  }
0x14d: {  	v1 =	vld [tilespmem:s31+$0xFFFFFFB0]  }
0x14e: {  	[tilespmem:s31+$0xFFFFFFA0] =	vst v0  }
0x14f: {  	v0 =	vld [tilespmem:s11+$0xFFFFFFB0];
	_ =	sdelay $0x2  }
0x150: {  	v1 =	vmul.f32 $8.000000000e+00, v1;
	_ =	sdelay $0x1  }
0x151: {  	v0 =	vadd.f32 v0, v1  }
0x152: {  	v1 =	vld [tilespmem:s31+$0xFFFFFFC0]  }
0x153: {  	[tilespmem:s31+$0xFFFFFFB0] =	vst v0  }
0x154: {  	v0 =	vld [tilespmem:s11+$0xFFFFFFC0];
	_ =	sdelay $0x2  }
0x155: {  	v1 =	vmul.f32 $8.000000000e+00, v1;
	_ =	sdelay $0x1  }
0x156: {  	v0 =	vadd.f32 v0, v1  }
0x157: {  	v1 =	vld [tilespmem:s31+$0xFFFFFFD0]  }
0x158: {  	[tilespmem:s31+$0xFFFFFFC0] =	vst v0  }
0x159: {  	v0 =	vld [tilespmem:s11+$0xFFFFFFD0];
	_ =	sdelay $0x2  }
0x15a: {  	v1 =	vmul.f32 $8.000000000e+00, v1;
	_ =	sdelay $0x1  }
0x15b: {  	v0 =	vadd.f32 v0, v1  }
0x15c: {  	v1 =	vld [tilespmem:s31+$0xFFFFFFE0]  }
0x15d: {  	[tilespmem:s31+$0xFFFFFFD0] =	vst v0  }
0x15e: {  	v0 =	vld [tilespmem:s11+$0xFFFFFFE0];
	_ =	sdelay $0x2  }
0x15f: {  	v1 =	vmul.f32 $8.000000000e+00, v1;
	_ =	sdelay $0x1  }
0x160: {  	v0 =	vadd.f32 v0, v1  }
0x161: {  	v1 =	vld [tilespmem:s31+$0xFFFFFFF0]  }
0x162: {  	[tilespmem:s31+$0xFFFFFFE0] =	vst v0  }
0x163: {  	v0 =	vld [tilespmem:s11+$0xFFFFFFF0];
	_ =	sdelay $0x2  }
0x164: {  	v1 =	vmul.f32 $8.000000000e+00, v1;
	_ =	sdelay $0x1  }
0x165: {  	v0 =	vadd.f32 v0, v1  }
0x166: {  	v1 =	vld [tilespmem:s31+$0x0]  }
0x167: {  	[tilespmem:s31+$0xFFFFFFF0] =	vst v0  }
0x168: {  	v0 =	vld [tilespmem:s11+$0x0]  }
.Ltmp3:
0x169: {  	(pc) =	sbr.rel @p0 .LBB2_9-.Ltmp3, $3  }
0x16a: {  	_ = 	snop  }
0x16b: {  	v1 =	vmul.f32 $8.000000000e+00, v1;
	_ =	sdelay $0x1  }
0x16c: {  	s31 =	sadd.s32 $0x80, s31;
	v0 =	vadd.f32 v0, v1  }
0x16d: {  	s3 =	sadd.s32 s6, s3;
	s11 =	smul.u32 $0xA00, s29  }
0x16e: {  	s3 =	smul.u32 $0x3200, s3;
	_ =	sdelay $0x1  }
0x16f: {  	s3 =	sadd.s32 s11, s3  }
0x170: {  	s31 =	smov.u32 s0;
	s3 =	sshrl.u32 s3, $0x3  }
0x171: {  	s28 =	simm.s32 $0x7800;
	[tilespmem:s2+$0x0] =	vst v0;
	s11 =	sadd.s32 s0, s3;
	s0 =	simm.s32 $0x0  }
0x172: {  	[hbm4b:s11+s0] =	stream.linear.scatter [tilespmem:s28], [sflag:$0x2], $0xA00, $0x38;
	[tilespmem:$0xB400] =	vst v63  }
0x173: {  	p0 =	seq.s32 s25, $0x0;
	s11 =	sor.u32 $0x7, s20  }
0x174: {  	s2 =	simm.s32 @!p0 $0x2;
	s1 =	smul.u32 $0xA0, s11  }
0x175: {  	_ =	swait.ge @!p0 [sflag:s2], $0xA00  }
0x176: {  	s28 =	simm.s32 $0xAA00;
	[sflag:s2] =	ssyncset.done @!p0 $0x0;
	s3 =	sshra.s32 s1, $0x2  }
0x177: {  	[sflag:s2] =	ssyncadd.s32 @!p0 $0xFFFFF600;
	s1 =	simm.s32 $0x28;
	s10 =	sadd.s32 $0x1900, s3  }
0x178: {  	[tilespmem:s28], [sflag:$0x1] =	stream.indirect.gather [hbm4b:s4+s1], $0x40, s10, s1, $0xb8;
	[tilespmem:$0xB400] =	vst v63  }
0x179: {  	_ =	swait.ge [sflag:s19], $0xA00  }
0x17a: {  	[sflag:s19] =	ssyncset.done $0x0  }
0x17b: {  	s2 =	simm.s32 $0x8270;
	[sflag:s19] =	ssyncadd.s32 $0xFFFFF600  }
0x17c: {  	v0 =	vld [tilespmem:s2+$0xFFFFFF90];
	_ =	sdelay $0x1  }
0x17d: {  	v1 =	vld [tilespmem:s21+$0xFFFFFF90];
	_ =	sdelay $0x2  }
0x17e: {  	v0 =	vmul.f32 $8.000000000e+00, v0;
	_ =	sdelay $0x1  }
0x17f: {  	v0 =	vadd.f32 v1, v0  }
0x180: {  	v1 =	vld [tilespmem:s2+$0xFFFFFFA0]  }
0x181: {  	[tilespmem:s2+$0xFFFFFF90] =	vst v0  }
0x182: {  	v0 =	vld [tilespmem:s21+$0xFFFFFFA0];
	_ =	sdelay $0x2  }
0x183: {  	v1 =	vmul.f32 $8.000000000e+00, v1;
	_ =	sdelay $0x1  }
0x184: {  	v0 =	vadd.f32 v0, v1  }
0x185: {  	v1 =	vld [tilespmem:s2+$0xFFFFFFB0]  }
0x186: {  	[tilespmem:s2+$0xFFFFFFA0] =	vst v0  }
0x187: {  	v0 =	vld [tilespmem:s21+$0xFFFFFFB0];
	_ =	sdelay $0x2  }
0x188: {  	v1 =	vmul.f32 $8.000000000e+00, v1;
	_ =	sdelay $0x1  }
0x189: {  	v0 =	vadd.f32 v0, v1  }
0x18a: {  	v1 =	vld [tilespmem:s2+$0xFFFFFFC0]  }
0x18b: {  	[tilespmem:s2+$0xFFFFFFB0] =	vst v0  }
0x18c: {  	v0 =	vld [tilespmem:s21+$0xFFFFFFC0];
	_ =	sdelay $0x2  }
0x18d: {  	v1 =	vmul.f32 $8.000000000e+00, v1;
	_ =	sdelay $0x1  }
0x18e: {  	v0 =	vadd.f32 v0, v1  }
0x18f: {  	v1 =	vld [tilespmem:s2+$0xFFFFFFD0]  }
0x190: {  	[tilespmem:s2+$0xFFFFFFC0] =	vst v0  }
0x191: {  	v0 =	vld [tilespmem:s21+$0xFFFFFFD0];
	_ =	sdelay $0x2  }
0x192: {  	v1 =	vmul.f32 $8.000000000e+00, v1;
	_ =	sdelay $0x1  }
0x193: {  	v0 =	vadd.f32 v0, v1  }
0x194: {  	v1 =	vld [tilespmem:s2+$0xFFFFFFE0]  }
0x195: {  	[tilespmem:s2+$0xFFFFFFD0] =	vst v0  }
0x196: {  	v0 =	vld [tilespmem:s21+$0xFFFFFFE0];
	_ =	sdelay $0x2  }
0x197: {  	v1 =	vmul.f32 $8.000000000e+00, v1;
	_ =	sdelay $0x1  }
0x198: {  	v0 =	vadd.f32 v0, v1  }
0x199: {  	v1 =	vld [tilespmem:s2+$0xFFFFFFF0]  }
0x19a: {  	[tilespmem:s2+$0xFFFFFFE0] =	vst v0  }
0x19b: {  	v0 =	vld [tilespmem:s21+$0xFFFFFFF0];
	_ =	sdelay $0x2  }
0x19c: {  	v1 =	vmul.f32 $8.000000000e+00, v1;
	_ =	sdelay $0x1  }
0x19d: {  	v0 =	vadd.f32 v0, v1  }
0x19e: {  	v1 =	vld [tilespmem:s2+$0x0]  }
0x19f: {  	s10 =	sor.u32 $0x3, s20;
	[tilespmem:s2+$0xFFFFFFF0] =	vst v0  }
0x1a0: {  	s28 =	smulhi.u32 $0x66666667, s10;
	v0 =	vld [tilespmem:s21+$0x0];
	_ =	sdelay $0x1  }
0x1a1: {  	s3 =	sshrl.u32 s28, $0x1  }
0x1a2: {  	s29 =	smul.u32 $0x5, s3;
	v1 =	vmul.f32 $8.000000000e+00, v1;
	_ =	sdelay $0x1  }
0x1a3: {  	s30 =	simm.s32 $0x82F0;
	s20 =	ssub.s32 s10, s29;
	s29 =	simm.s32 $0x0;
	v0 =	vadd.f32 v0, v1  }
.LBB2_11:
0x1a4: {  	v1 =	vld [tilespmem:s30+$0xFFFFFF90];
	s29 =	sadd.s32 $0x2, s29  }
0x1a5: {  	s21 =	sadd.s32 $0x80, s21;
	p0 =	slt.u32 s29, $0x26;
	[tilespmem:s2+$0x0] =	vst v0;
	s2 =	smov.u32 s30  }
0x1a6: {  	v0 =	vld [tilespmem:s21+$0xFFFFFF90];
	_ =	sdelay $0x2  }
0x1a7: {  	v1 =	vmul.f32 $8.000000000e+00, v1;
	_ =	sdelay $0x1  }
0x1a8: {  	v0 =	vadd.f32 v0, v1  }
0x1a9: {  	v1 =	vld [tilespmem:s30+$0xFFFFFFA0]  }
0x1aa: {  	[tilespmem:s30+$0xFFFFFF90] =	vst v0  }
0x1ab: {  	v0 =	vld [tilespmem:s21+$0xFFFFFFA0];
	_ =	sdelay $0x2  }
0x1ac: {  	v1 =	vmul.f32 $8.000000000e+00, v1;
	_ =	sdelay $0x1  }
0x1ad: {  	v0 =	vadd.f32 v0, v1  }
0x1ae: {  	v1 =	vld [tilespmem:s30+$0xFFFFFFB0]  }
0x1af: {  	[tilespmem:s30+$0xFFFFFFA0] =	vst v0  }
0x1b0: {  	v0 =	vld [tilespmem:s21+$0xFFFFFFB0];
	_ =	sdelay $0x2  }
0x1b1: {  	v1 =	vmul.f32 $8.000000000e+00, v1;
	_ =	sdelay $0x1  }
0x1b2: {  	v0 =	vadd.f32 v0, v1  }
0x1b3: {  	v1 =	vld [tilespmem:s30+$0xFFFFFFC0]  }
0x1b4: {  	[tilespmem:s30+$0xFFFFFFB0] =	vst v0  }
0x1b5: {  	v0 =	vld [tilespmem:s21+$0xFFFFFFC0];
	_ =	sdelay $0x2  }
0x1b6: {  	v1 =	vmul.f32 $8.000000000e+00, v1;
	_ =	sdelay $0x1  }
0x1b7: {  	v0 =	vadd.f32 v0, v1  }
0x1b8: {  	v1 =	vld [tilespmem:s30+$0xFFFFFFD0]  }
0x1b9: {  	[tilespmem:s30+$0xFFFFFFC0] =	vst v0  }
0x1ba: {  	v0 =	vld [tilespmem:s21+$0xFFFFFFD0];
	_ =	sdelay $0x2  }
0x1bb: {  	v1 =	vmul.f32 $8.000000000e+00, v1;
	_ =	sdelay $0x1  }
0x1bc: {  	v0 =	vadd.f32 v0, v1  }
0x1bd: {  	v1 =	vld [tilespmem:s30+$0xFFFFFFE0]  }
0x1be: {  	[tilespmem:s30+$0xFFFFFFD0] =	vst v0  }
0x1bf: {  	v0 =	vld [tilespmem:s21+$0xFFFFFFE0];
	_ =	sdelay $0x2  }
0x1c0: {  	v1 =	vmul.f32 $8.000000000e+00, v1;
	_ =	sdelay $0x1  }
0x1c1: {  	v0 =	vadd.f32 v0, v1  }
0x1c2: {  	v1 =	vld [tilespmem:s30+$0xFFFFFFF0]  }
0x1c3: {  	[tilespmem:s30+$0xFFFFFFE0] =	vst v0  }
0x1c4: {  	v0 =	vld [tilespmem:s21+$0xFFFFFFF0];
	_ =	sdelay $0x2  }
0x1c5: {  	v1 =	vmul.f32 $8.000000000e+00, v1;
	_ =	sdelay $0x1  }
0x1c6: {  	v0 =	vadd.f32 v0, v1  }
0x1c7: {  	v1 =	vld [tilespmem:s30+$0x0]  }
0x1c8: {  	[tilespmem:s30+$0xFFFFFFF0] =	vst v0  }
0x1c9: {  	v0 =	vld [tilespmem:s21+$0x0]  }
.Ltmp4:
0x1ca: {  	(pc) =	sbr.rel @p0 .LBB2_11-.Ltmp4, $3  }
0x1cb: {  	_ = 	snop  }
0x1cc: {  	v1 =	vmul.f32 $8.000000000e+00, v1;
	_ =	sdelay $0x1  }
0x1cd: {  	s30 =	sadd.s32 $0x80, s30;
	v0 =	vadd.f32 v0, v1  }
0x1ce: {  	s3 =	sadd.s32 s6, s3;
	s20 =	smul.u32 $0xA00, s20  }
0x1cf: {  	s3 =	smul.u32 $0x3200, s3;
	_ =	sdelay $0x1  }
0x1d0: {  	s3 =	sadd.s32 s20, s3  }
0x1d1: {  	s21 =	simm.s32 $0x8200;
	p0 =	seq.s32 s25, $0x13;
	s3 =	sshrl.u32 s3, $0x3  }
0x1d2: {  	[tilespmem:s2+$0x0] =	vst v0;
	s2 =	simm.s32 @!p0 $0x2;
	s20 =	sadd.s32 s31, s3;
	s3 =	smul.u32 @!p0 $0x500, s25  }
0x1d3: {  	[hbm4b:s20+s0] =	stream.linear.scatter [tilespmem:s21], [sflag:$0x2], $0xA00, $0x38;
	[tilespmem:$0xB400] =	vst v63  }
0x1d4: {  	_ =	swait.ge @!p0 [sflag:s2], $0xA00  }
0x1d5: {  	s21 =	simm.s32 @!p0 $0x6400;
	s20 =	sshra.s32 @!p0 s3, $0x2;
	[sflag:s2] =	ssyncset.done @!p0 $0x0  }
0x1d6: {  	s3 =	simm.s32 @!p0 $0x28;
	[sflag:s2] =	ssyncadd.s32 @!p0 $0xFFFFF600;
	s2 =	sadd.s32 @!p0 $0x1A40, s20  }
0x1d7: {  	[tilespmem:s21], [sflag:$0x1] =	stream.indirect.gather @!p0 [hbm4b:s4+s3], $0x40, s2, s3, $0xb8;
	[tilespmem:$0xB400] =	vst v63  }
0x1d8: {  	_ =	swait.ge [sflag:s19], $0xA00  }
0x1d9: {  	[sflag:s19] =	ssyncset.done $0x0  }
0x1da: {  	s2 =	simm.s32 $0x8C70;
	[sflag:s19] =	ssyncadd.s32 $0xFFFFF600  }
0x1db: {  	v0 =	vld [tilespmem:s2+$0xFFFFFF90];
	_ =	sdelay $0x1  }
0x1dc: {  	v1 =	vld [tilespmem:s24+$0xFFFFFF90];
	_ =	sdelay $0x2  }
0x1dd: {  	v0 =	vmul.f32 $8.000000000e+00, v0;
	_ =	sdelay $0x1  }
0x1de: {  	v0 =	vadd.f32 v1, v0  }
0x1df: {  	v1 =	vld [tilespmem:s2+$0xFFFFFFA0]  }
0x1e0: {  	[tilespmem:s2+$0xFFFFFF90] =	vst v0  }
0x1e1: {  	v0 =	vld [tilespmem:s24+$0xFFFFFFA0];
	_ =	sdelay $0x2  }
0x1e2: {  	v1 =	vmul.f32 $8.000000000e+00, v1;
	_ =	sdelay $0x1  }
0x1e3: {  	v0 =	vadd.f32 v0, v1  }
0x1e4: {  	v1 =	vld [tilespmem:s2+$0xFFFFFFB0]  }
0x1e5: {  	[tilespmem:s2+$0xFFFFFFA0] =	vst v0  }
0x1e6: {  	v0 =	vld [tilespmem:s24+$0xFFFFFFB0];
	_ =	sdelay $0x2  }
0x1e7: {  	v1 =	vmul.f32 $8.000000000e+00, v1;
	_ =	sdelay $0x1  }
0x1e8: {  	v0 =	vadd.f32 v0, v1  }
0x1e9: {  	v1 =	vld [tilespmem:s2+$0xFFFFFFC0]  }
0x1ea: {  	[tilespmem:s2+$0xFFFFFFB0] =	vst v0  }
0x1eb: {  	v0 =	vld [tilespmem:s24+$0xFFFFFFC0];
	_ =	sdelay $0x2  }
0x1ec: {  	v1 =	vmul.f32 $8.000000000e+00, v1;
	_ =	sdelay $0x1  }
0x1ed: {  	v0 =	vadd.f32 v0, v1  }
0x1ee: {  	v1 =	vld [tilespmem:s2+$0xFFFFFFD0]  }
0x1ef: {  	[tilespmem:s2+$0xFFFFFFC0] =	vst v0  }
0x1f0: {  	v0 =	vld [tilespmem:s24+$0xFFFFFFD0];
	_ =	sdelay $0x2  }
0x1f1: {  	v1 =	vmul.f32 $8.000000000e+00, v1;
	_ =	sdelay $0x1  }
0x1f2: {  	v0 =	vadd.f32 v0, v1  }
0x1f3: {  	v1 =	vld [tilespmem:s2+$0xFFFFFFE0]  }
0x1f4: {  	[tilespmem:s2+$0xFFFFFFD0] =	vst v0  }
0x1f5: {  	v0 =	vld [tilespmem:s24+$0xFFFFFFE0];
	_ =	sdelay $0x2  }
0x1f6: {  	v1 =	vmul.f32 $8.000000000e+00, v1;
	_ =	sdelay $0x1  }
0x1f7: {  	v0 =	vadd.f32 v0, v1  }
0x1f8: {  	v1 =	vld [tilespmem:s2+$0xFFFFFFF0]  }
0x1f9: {  	[tilespmem:s2+$0xFFFFFFE0] =	vst v0  }
0x1fa: {  	v0 =	vld [tilespmem:s24+$0xFFFFFFF0];
	_ =	sdelay $0x2  }
0x1fb: {  	v1 =	vmul.f32 $8.000000000e+00, v1;
	_ =	sdelay $0x1  }
0x1fc: {  	v0 =	vadd.f32 v0, v1  }
0x1fd: {  	v1 =	vld [tilespmem:s2+$0x0]  }
0x1fe: {  	[tilespmem:s2+$0xFFFFFFF0] =	vst v0  }
0x1ff: {  	s28 =	smulhi.u32 $0x66666667, s13;
	v0 =	vld [tilespmem:s24+$0x0];
	_ =	sdelay $0x1  }
0x200: {  	s3 =	sshrl.u32 s28, $0x1  }
0x201: {  	s30 =	smul.u32 $0x5, s3;
	v1 =	vmul.f32 $8.000000000e+00, v1;
	_ =	sdelay $0x1  }
0x202: {  	s29 =	simm.s32 $0x8CF0;
	s21 =	simm.s32 $0x0;
	s13 =	ssub.s32 s13, s30;
	v0 =	vadd.f32 v0, v1  }
.LBB2_13:
0x203: {  	v1 =	vld [tilespmem:s29+$0xFFFFFF90];
	s21 =	sadd.s32 $0x2, s21  }
0x204: {  	s24 =	sadd.s32 $0x80, s24;
	p1 =	slt.u32 s21, $0x26;
	[tilespmem:s2+$0x0] =	vst v0;
	s2 =	smov.u32 s29  }
0x205: {  	v0 =	vld [tilespmem:s24+$0xFFFFFF90];
	_ =	sdelay $0x2  }
0x206: {  	v1 =	vmul.f32 $8.000000000e+00, v1;
	_ =	sdelay $0x1  }
0x207: {  	v0 =	vadd.f32 v0, v1  }
0x208: {  	v1 =	vld [tilespmem:s29+$0xFFFFFFA0]  }
0x209: {  	[tilespmem:s29+$0xFFFFFF90] =	vst v0  }
0x20a: {  	v0 =	vld [tilespmem:s24+$0xFFFFFFA0];
	_ =	sdelay $0x2  }
0x20b: {  	v1 =	vmul.f32 $8.000000000e+00, v1;
	_ =	sdelay $0x1  }
0x20c: {  	v0 =	vadd.f32 v0, v1  }
0x20d: {  	v1 =	vld [tilespmem:s29+$0xFFFFFFB0]  }
0x20e: {  	[tilespmem:s29+$0xFFFFFFA0] =	vst v0  }
0x20f: {  	v0 =	vld [tilespmem:s24+$0xFFFFFFB0];
	_ =	sdelay $0x2  }
0x210: {  	v1 =	vmul.f32 $8.000000000e+00, v1;
	_ =	sdelay $0x1  }
0x211: {  	v0 =	vadd.f32 v0, v1  }
0x212: {  	v1 =	vld [tilespmem:s29+$0xFFFFFFC0]  }
0x213: {  	[tilespmem:s29+$0xFFFFFFB0] =	vst v0  }
0x214: {  	v0 =	vld [tilespmem:s24+$0xFFFFFFC0];
	_ =	sdelay $0x2  }
0x215: {  	v1 =	vmul.f32 $8.000000000e+00, v1;
	_ =	sdelay $0x1  }
0x216: {  	v0 =	vadd.f32 v0, v1  }
0x217: {  	v1 =	vld [tilespmem:s29+$0xFFFFFFD0]  }
0x218: {  	[tilespmem:s29+$0xFFFFFFC0] =	vst v0  }
0x219: {  	v0 =	vld [tilespmem:s24+$0xFFFFFFD0];
	_ =	sdelay $0x2  }
0x21a: {  	v1 =	vmul.f32 $8.000000000e+00, v1;
	_ =	sdelay $0x1  }
0x21b: {  	v0 =	vadd.f32 v0, v1  }
0x21c: {  	v1 =	vld [tilespmem:s29+$0xFFFFFFE0]  }
0x21d: {  	[tilespmem:s29+$0xFFFFFFD0] =	vst v0  }
0x21e: {  	v0 =	vld [tilespmem:s24+$0xFFFFFFE0];
	_ =	sdelay $0x2  }
0x21f: {  	v1 =	vmul.f32 $8.000000000e+00, v1;
	_ =	sdelay $0x1  }
0x220: {  	v0 =	vadd.f32 v0, v1  }
0x221: {  	v1 =	vld [tilespmem:s29+$0xFFFFFFF0]  }
0x222: {  	[tilespmem:s29+$0xFFFFFFE0] =	vst v0  }
0x223: {  	v0 =	vld [tilespmem:s24+$0xFFFFFFF0];
	_ =	sdelay $0x2  }
0x224: {  	v1 =	vmul.f32 $8.000000000e+00, v1;
	_ =	sdelay $0x1  }
0x225: {  	v0 =	vadd.f32 v0, v1  }
0x226: {  	v1 =	vld [tilespmem:s29+$0x0]  }
0x227: {  	[tilespmem:s29+$0xFFFFFFF0] =	vst v0  }
0x228: {  	v0 =	vld [tilespmem:s24+$0x0]  }
.Ltmp5:
0x229: {  	(pc) =	sbr.rel @p1 .LBB2_13-.Ltmp5, $3  }
0x22a: {  	_ = 	snop  }
0x22b: {  	v1 =	vmul.f32 $8.000000000e+00, v1;
	_ =	sdelay $0x1  }
0x22c: {  	s29 =	sadd.s32 $0x80, s29;
	v0 =	vadd.f32 v0, v1  }
0x22d: {  	s3 =	sadd.s32 s6, s3;
	s13 =	smul.u32 $0xA00, s13  }
0x22e: {  	s3 =	smul.u32 $0x3200, s3;
	_ =	sdelay $0x1  }
0x22f: {  	s3 =	sadd.s32 s13, s3  }
0x230: {  	s3 =	sshrl.u32 s3, $0x3  }
0x231: {  	s28 =	simm.s32 $0x8C00;
	[tilespmem:s2+$0x0] =	vst v0;
	s2 =	simm.s32 @!p0 $0x2;
	s24 =	sadd.s32 s31, s3  }
0x232: {  	[hbm4b:s24+s0] =	stream.linear.scatter [tilespmem:s28], [sflag:$0x2], $0xA00, $0x38;
	[tilespmem:$0xB400] =	vst v63  }
0x233: {  	_ =	swait.ge @!p0 [sflag:s2], $0xA00  }
0x234: {  	s13 =	simm.s32 @!p0 $0x6E00;
	[sflag:s2] =	ssyncset.done @!p0 $0x0  }
0x235: {  	s3 =	simm.s32 @!p0 $0x28;
	[sflag:s2] =	ssyncadd.s32 @!p0 $0xFFFFF600;
	s2 =	sadd.s32 @!p0 $0x1A68, s20  }
0x236: {  	[tilespmem:s13], [sflag:$0x1] =	stream.indirect.gather @!p0 [hbm4b:s4+s3], $0x40, s2, s3, $0xb8;
	[tilespmem:$0xB400] =	vst v63  }
0x237: {  	_ =	swait.ge [sflag:s19], $0xA00  }
0x238: {  	[sflag:s19] =	ssyncset.done $0x0  }
0x239: {  	s2 =	simm.s32 $0x9670;
	[sflag:s19] =	ssyncadd.s32 $0xFFFFF600  }
0x23a: {  	v0 =	vld [tilespmem:s2+$0xFFFFFF90];
	_ =	sdelay $0x1  }
0x23b: {  	v1 =	vld [tilespmem:s23+$0xFFFFFF90];
	_ =	sdelay $0x2  }
0x23c: {  	v0 =	vmul.f32 $8.000000000e+00, v0;
	_ =	sdelay $0x1  }
0x23d: {  	v0 =	vadd.f32 v1, v0  }
0x23e: {  	v1 =	vld [tilespmem:s2+$0xFFFFFFA0]  }
0x23f: {  	[tilespmem:s2+$0xFFFFFF90] =	vst v0  }
0x240: {  	v0 =	vld [tilespmem:s23+$0xFFFFFFA0];
	_ =	sdelay $0x2  }
0x241: {  	v1 =	vmul.f32 $8.000000000e+00, v1;
	_ =	sdelay $0x1  }
0x242: {  	v0 =	vadd.f32 v0, v1  }
0x243: {  	v1 =	vld [tilespmem:s2+$0xFFFFFFB0]  }
0x244: {  	[tilespmem:s2+$0xFFFFFFA0] =	vst v0  }
0x245: {  	v0 =	vld [tilespmem:s23+$0xFFFFFFB0];
	_ =	sdelay $0x2  }
0x246: {  	v1 =	vmul.f32 $8.000000000e+00, v1;
	_ =	sdelay $0x1  }
0x247: {  	v0 =	vadd.f32 v0, v1  }
0x248: {  	v1 =	vld [tilespmem:s2+$0xFFFFFFC0]  }
0x249: {  	[tilespmem:s2+$0xFFFFFFB0] =	vst v0  }
0x24a: {  	v0 =	vld [tilespmem:s23+$0xFFFFFFC0];
	_ =	sdelay $0x2  }
0x24b: {  	v1 =	vmul.f32 $8.000000000e+00, v1;
	_ =	sdelay $0x1  }
0x24c: {  	v0 =	vadd.f32 v0, v1  }
0x24d: {  	v1 =	vld [tilespmem:s2+$0xFFFFFFD0]  }
0x24e: {  	[tilespmem:s2+$0xFFFFFFC0] =	vst v0  }
0x24f: {  	v0 =	vld [tilespmem:s23+$0xFFFFFFD0];
	_ =	sdelay $0x2  }
0x250: {  	v1 =	vmul.f32 $8.000000000e+00, v1;
	_ =	sdelay $0x1  }
0x251: {  	v0 =	vadd.f32 v0, v1  }
0x252: {  	v1 =	vld [tilespmem:s2+$0xFFFFFFE0]  }
0x253: {  	[tilespmem:s2+$0xFFFFFFD0] =	vst v0  }
0x254: {  	v0 =	vld [tilespmem:s23+$0xFFFFFFE0];
	_ =	sdelay $0x2  }
0x255: {  	v1 =	vmul.f32 $8.000000000e+00, v1;
	_ =	sdelay $0x1  }
0x256: {  	v0 =	vadd.f32 v0, v1  }
0x257: {  	v1 =	vld [tilespmem:s2+$0xFFFFFFF0]  }
0x258: {  	[tilespmem:s2+$0xFFFFFFE0] =	vst v0  }
0x259: {  	v0 =	vld [tilespmem:s23+$0xFFFFFFF0];
	_ =	sdelay $0x2  }
0x25a: {  	v1 =	vmul.f32 $8.000000000e+00, v1;
	_ =	sdelay $0x1  }
0x25b: {  	v0 =	vadd.f32 v0, v1  }
0x25c: {  	v1 =	vld [tilespmem:s2+$0x0]  }
0x25d: {  	[tilespmem:s2+$0xFFFFFFF0] =	vst v0  }
0x25e: {  	s29 =	smulhi.u32 $0x66666667, s15;
	v0 =	vld [tilespmem:s23+$0x0];
	_ =	sdelay $0x1  }
0x25f: {  	s3 =	sshrl.u32 s29, $0x1  }
0x260: {  	s30 =	smul.u32 $0x5, s3;
	v1 =	vmul.f32 $8.000000000e+00, v1;
	_ =	sdelay $0x1  }
0x261: {  	s21 =	simm.s32 $0x96F0;
	s13 =	ssub.s32 s15, s30;
	s15 =	simm.s32 $0x0;
	v0 =	vadd.f32 v0, v1  }
.LBB2_15:
0x262: {  	v1 =	vld [tilespmem:s21+$0xFFFFFF90];
	s15 =	sadd.s32 $0x2, s15  }
0x263: {  	s23 =	sadd.s32 $0x80, s23;
	p1 =	slt.u32 s15, $0x26;
	[tilespmem:s2+$0x0] =	vst v0;
	s2 =	smov.u32 s21  }
0x264: {  	v0 =	vld [tilespmem:s23+$0xFFFFFF90];
	_ =	sdelay $0x2  }
0x265: {  	v1 =	vmul.f32 $8.000000000e+00, v1;
	_ =	sdelay $0x1  }
0x266: {  	v0 =	vadd.f32 v0, v1  }
0x267: {  	v1 =	vld [tilespmem:s21+$0xFFFFFFA0]  }
0x268: {  	[tilespmem:s21+$0xFFFFFF90] =	vst v0  }
0x269: {  	v0 =	vld [tilespmem:s23+$0xFFFFFFA0];
	_ =	sdelay $0x2  }
0x26a: {  	v1 =	vmul.f32 $8.000000000e+00, v1;
	_ =	sdelay $0x1  }
0x26b: {  	v0 =	vadd.f32 v0, v1  }
0x26c: {  	v1 =	vld [tilespmem:s21+$0xFFFFFFB0]  }
0x26d: {  	[tilespmem:s21+$0xFFFFFFA0] =	vst v0  }
0x26e: {  	v0 =	vld [tilespmem:s23+$0xFFFFFFB0];
	_ =	sdelay $0x2  }
0x26f: {  	v1 =	vmul.f32 $8.000000000e+00, v1;
	_ =	sdelay $0x1  }
0x270: {  	v0 =	vadd.f32 v0, v1  }
0x271: {  	v1 =	vld [tilespmem:s21+$0xFFFFFFC0]  }
0x272: {  	[tilespmem:s21+$0xFFFFFFB0] =	vst v0  }
0x273: {  	v0 =	vld [tilespmem:s23+$0xFFFFFFC0];
	_ =	sdelay $0x2  }
0x274: {  	v1 =	vmul.f32 $8.000000000e+00, v1;
	_ =	sdelay $0x1  }
0x275: {  	v0 =	vadd.f32 v0, v1  }
0x276: {  	v1 =	vld [tilespmem:s21+$0xFFFFFFD0]  }
0x277: {  	[tilespmem:s21+$0xFFFFFFC0] =	vst v0  }
0x278: {  	v0 =	vld [tilespmem:s23+$0xFFFFFFD0];
	_ =	sdelay $0x2  }
0x279: {  	v1 =	vmul.f32 $8.000000000e+00, v1;
	_ =	sdelay $0x1  }
0x27a: {  	v0 =	vadd.f32 v0, v1  }
0x27b: {  	v1 =	vld [tilespmem:s21+$0xFFFFFFE0]  }
0x27c: {  	[tilespmem:s21+$0xFFFFFFD0] =	vst v0  }
0x27d: {  	v0 =	vld [tilespmem:s23+$0xFFFFFFE0];
	_ =	sdelay $0x2  }
0x27e: {  	v1 =	vmul.f32 $8.000000000e+00, v1;
	_ =	sdelay $0x1  }
0x27f: {  	v0 =	vadd.f32 v0, v1  }
0x280: {  	v1 =	vld [tilespmem:s21+$0xFFFFFFF0]  }
0x281: {  	[tilespmem:s21+$0xFFFFFFE0] =	vst v0  }
0x282: {  	v0 =	vld [tilespmem:s23+$0xFFFFFFF0];
	_ =	sdelay $0x2  }
0x283: {  	v1 =	vmul.f32 $8.000000000e+00, v1;
	_ =	sdelay $0x1  }
0x284: {  	v0 =	vadd.f32 v0, v1  }
0x285: {  	v1 =	vld [tilespmem:s21+$0x0]  }
0x286: {  	[tilespmem:s21+$0xFFFFFFF0] =	vst v0  }
0x287: {  	v0 =	vld [tilespmem:s23+$0x0]  }
.Ltmp6:
0x288: {  	(pc) =	sbr.rel @p1 .LBB2_15-.Ltmp6, $3  }
0x289: {  	_ = 	snop  }
0x28a: {  	v1 =	vmul.f32 $8.000000000e+00, v1;
	_ =	sdelay $0x1  }
0x28b: {  	s21 =	sadd.s32 $0x80, s21;
	v0 =	vadd.f32 v0, v1  }
0x28c: {  	s3 =	sadd.s32 s6, s3;
	s13 =	smul.u32 $0xA00, s13  }
0x28d: {  	s3 =	smul.u32 $0x3200, s3;
	_ =	sdelay $0x1  }
0x28e: {  	s3 =	sadd.s32 s13, s3  }
0x28f: {  	s3 =	sshrl.u32 s3, $0x3  }
0x290: {  	s24 =	simm.s32 $0x9600;
	[tilespmem:s2+$0x0] =	vst v0;
	s2 =	simm.s32 @!p0 $0x2;
	s23 =	sadd.s32 s31, s3  }
0x291: {  	[hbm4b:s23+s0] =	stream.linear.scatter [tilespmem:s24], [sflag:$0x2], $0xA00, $0x38;
	[tilespmem:$0xB400] =	vst v63  }
0x292: {  	_ =	swait.ge @!p0 [sflag:s2], $0xA00  }
0x293: {  	s13 =	simm.s32 @!p0 $0x7800;
	[sflag:s2] =	ssyncset.done @!p0 $0x0  }
0x294: {  	s3 =	simm.s32 @!p0 $0x28;
	[sflag:s2] =	ssyncadd.s32 @!p0 $0xFFFFF600;
	s2 =	sadd.s32 @!p0 $0x1A90, s20  }
0x295: {  	[tilespmem:s13], [sflag:$0x1] =	stream.indirect.gather @!p0 [hbm4b:s4+s3], $0x40, s2, s3, $0xb8;
	[tilespmem:$0xB400] =	vst v63  }
0x296: {  	_ =	swait.ge [sflag:s19], $0xA00  }
0x297: {  	[sflag:s19] =	ssyncset.done $0x0  }
0x298: {  	s2 =	simm.s32 $0xA070;
	[sflag:s19] =	ssyncadd.s32 $0xFFFFF600  }
0x299: {  	v0 =	vld [tilespmem:s2+$0xFFFFFF90];
	_ =	sdelay $0x1  }
0x29a: {  	v1 =	vld [tilespmem:s22+$0xFFFFFF90];
	_ =	sdelay $0x2  }
0x29b: {  	v0 =	vmul.f32 $8.000000000e+00, v0;
	_ =	sdelay $0x1  }
0x29c: {  	v0 =	vadd.f32 v1, v0  }
0x29d: {  	v1 =	vld [tilespmem:s2+$0xFFFFFFA0]  }
0x29e: {  	[tilespmem:s2+$0xFFFFFF90] =	vst v0  }
0x29f: {  	v0 =	vld [tilespmem:s22+$0xFFFFFFA0];
	_ =	sdelay $0x2  }
0x2a0: {  	v1 =	vmul.f32 $8.000000000e+00, v1;
	_ =	sdelay $0x1  }
0x2a1: {  	v0 =	vadd.f32 v0, v1  }
0x2a2: {  	v1 =	vld [tilespmem:s2+$0xFFFFFFB0]  }
0x2a3: {  	[tilespmem:s2+$0xFFFFFFA0] =	vst v0  }
0x2a4: {  	v0 =	vld [tilespmem:s22+$0xFFFFFFB0];
	_ =	sdelay $0x2  }
0x2a5: {  	v1 =	vmul.f32 $8.000000000e+00, v1;
	_ =	sdelay $0x1  }
0x2a6: {  	v0 =	vadd.f32 v0, v1  }
0x2a7: {  	v1 =	vld [tilespmem:s2+$0xFFFFFFC0]  }
0x2a8: {  	[tilespmem:s2+$0xFFFFFFB0] =	vst v0  }
0x2a9: {  	v0 =	vld [tilespmem:s22+$0xFFFFFFC0];
	_ =	sdelay $0x2  }
0x2aa: {  	v1 =	vmul.f32 $8.000000000e+00, v1;
	_ =	sdelay $0x1  }
0x2ab: {  	v0 =	vadd.f32 v0, v1  }
0x2ac: {  	v1 =	vld [tilespmem:s2+$0xFFFFFFD0]  }
0x2ad: {  	[tilespmem:s2+$0xFFFFFFC0] =	vst v0  }
0x2ae: {  	v0 =	vld [tilespmem:s22+$0xFFFFFFD0];
	_ =	sdelay $0x2  }
0x2af: {  	v1 =	vmul.f32 $8.000000000e+00, v1;
	_ =	sdelay $0x1  }
0x2b0: {  	v0 =	vadd.f32 v0, v1  }
0x2b1: {  	v1 =	vld [tilespmem:s2+$0xFFFFFFE0]  }
0x2b2: {  	[tilespmem:s2+$0xFFFFFFD0] =	vst v0  }
0x2b3: {  	v0 =	vld [tilespmem:s22+$0xFFFFFFE0];
	_ =	sdelay $0x2  }
0x2b4: {  	v1 =	vmul.f32 $8.000000000e+00, v1;
	_ =	sdelay $0x1  }
0x2b5: {  	v0 =	vadd.f32 v0, v1  }
0x2b6: {  	v1 =	vld [tilespmem:s2+$0xFFFFFFF0]  }
0x2b7: {  	[tilespmem:s2+$0xFFFFFFE0] =	vst v0  }
0x2b8: {  	v0 =	vld [tilespmem:s22+$0xFFFFFFF0];
	_ =	sdelay $0x2  }
0x2b9: {  	v1 =	vmul.f32 $8.000000000e+00, v1;
	_ =	sdelay $0x1  }
0x2ba: {  	v0 =	vadd.f32 v0, v1  }
0x2bb: {  	v1 =	vld [tilespmem:s2+$0x0]  }
0x2bc: {  	[tilespmem:s2+$0xFFFFFFF0] =	vst v0  }
0x2bd: {  	s28 =	smulhi.u32 $0x66666667, s18;
	v0 =	vld [tilespmem:s22+$0x0];
	_ =	sdelay $0x1  }
0x2be: {  	s3 =	sshrl.u32 s28, $0x1  }
0x2bf: {  	s30 =	smul.u32 $0x5, s3;
	v1 =	vmul.f32 $8.000000000e+00, v1  }
0x2c0: {  	s15 =	simm.s32 $0x0;
	s29 =	rddreg [dreg:$0xc]  }
0x2c1: {  	s24 =	rddreg [dreg:$0xe];
	s13 =	ssub.s32 s18, s30;
	s18 =	simm.s32 $0xA0F0;
	v0 =	vadd.f32 v0, v1  }
.LBB2_17:
0x2c2: {  	v1 =	vld [tilespmem:s18+$0xFFFFFF90];
	s15 =	sadd.s32 $0x2, s15  }
0x2c3: {  	s22 =	sadd.s32 $0x80, s22;
	p1 =	slt.u32 s15, $0x26;
	[tilespmem:s2+$0x0] =	vst v0;
	s2 =	smov.u32 s18  }
0x2c4: {  	v0 =	vld [tilespmem:s22+$0xFFFFFF90];
	_ =	sdelay $0x2  }
0x2c5: {  	v1 =	vmul.f32 $8.000000000e+00, v1;
	_ =	sdelay $0x1  }
0x2c6: {  	v0 =	vadd.f32 v0, v1  }
0x2c7: {  	v1 =	vld [tilespmem:s18+$0xFFFFFFA0]  }
0x2c8: {  	[tilespmem:s18+$0xFFFFFF90] =	vst v0  }
0x2c9: {  	v0 =	vld [tilespmem:s22+$0xFFFFFFA0];
	_ =	sdelay $0x2  }
0x2ca: {  	v1 =	vmul.f32 $8.000000000e+00, v1;
	_ =	sdelay $0x1  }
0x2cb: {  	v0 =	vadd.f32 v0, v1  }
0x2cc: {  	v1 =	vld [tilespmem:s18+$0xFFFFFFB0]  }
0x2cd: {  	[tilespmem:s18+$0xFFFFFFA0] =	vst v0  }
0x2ce: {  	v0 =	vld [tilespmem:s22+$0xFFFFFFB0];
	_ =	sdelay $0x2  }
0x2cf: {  	v1 =	vmul.f32 $8.000000000e+00, v1;
	_ =	sdelay $0x1  }
0x2d0: {  	v0 =	vadd.f32 v0, v1  }
0x2d1: {  	v1 =	vld [tilespmem:s18+$0xFFFFFFC0]  }
0x2d2: {  	[tilespmem:s18+$0xFFFFFFB0] =	vst v0  }
0x2d3: {  	v0 =	vld [tilespmem:s22+$0xFFFFFFC0];
	_ =	sdelay $0x2  }
0x2d4: {  	v1 =	vmul.f32 $8.000000000e+00, v1;
	_ =	sdelay $0x1  }
0x2d5: {  	v0 =	vadd.f32 v0, v1  }
0x2d6: {  	v1 =	vld [tilespmem:s18+$0xFFFFFFD0]  }
0x2d7: {  	[tilespmem:s18+$0xFFFFFFC0] =	vst v0  }
0x2d8: {  	v0 =	vld [tilespmem:s22+$0xFFFFFFD0];
	_ =	sdelay $0x2  }
0x2d9: {  	v1 =	vmul.f32 $8.000000000e+00, v1;
	_ =	sdelay $0x1  }
0x2da: {  	v0 =	vadd.f32 v0, v1  }
0x2db: {  	v1 =	vld [tilespmem:s18+$0xFFFFFFE0]  }
0x2dc: {  	[tilespmem:s18+$0xFFFFFFD0] =	vst v0  }
0x2dd: {  	v0 =	vld [tilespmem:s22+$0xFFFFFFE0];
	_ =	sdelay $0x2  }
0x2de: {  	v1 =	vmul.f32 $8.000000000e+00, v1;
	_ =	sdelay $0x1  }
0x2df: {  	v0 =	vadd.f32 v0, v1  }
0x2e0: {  	v1 =	vld [tilespmem:s18+$0xFFFFFFF0]  }
0x2e1: {  	[tilespmem:s18+$0xFFFFFFE0] =	vst v0  }
0x2e2: {  	v0 =	vld [tilespmem:s22+$0xFFFFFFF0];
	_ =	sdelay $0x2  }
0x2e3: {  	v1 =	vmul.f32 $8.000000000e+00, v1;
	_ =	sdelay $0x1  }
0x2e4: {  	v0 =	vadd.f32 v0, v1  }
0x2e5: {  	v1 =	vld [tilespmem:s18+$0x0]  }
0x2e6: {  	[tilespmem:s18+$0xFFFFFFF0] =	vst v0  }
0x2e7: {  	v0 =	vld [tilespmem:s22+$0x0]  }
.Ltmp7:
0x2e8: {  	(pc) =	sbr.rel @p1 .LBB2_17-.Ltmp7, $3  }
0x2e9: {  	_ = 	snop  }
0x2ea: {  	v1 =	vmul.f32 $8.000000000e+00, v1;
	_ =	sdelay $0x1  }
0x2eb: {  	s18 =	sadd.s32 $0x80, s18;
	v0 =	vadd.f32 v0, v1  }
0x2ec: {  	s3 =	sadd.s32 s6, s3;
	s13 =	smul.u32 $0xA00, s13  }
0x2ed: {  	s3 =	smul.u32 $0x3200, s3;
	_ =	sdelay $0x1  }
0x2ee: {  	s3 =	sadd.s32 s13, s3  }
0x2ef: {  	s3 =	sshrl.u32 s3, $0x3  }
0x2f0: {  	s23 =	simm.s32 $0xA000;
	[tilespmem:s2+$0x0] =	vst v0;
	s2 =	simm.s32 @!p0 $0x2;
	s22 =	sadd.s32 s31, s3  }
0x2f1: {  	[hbm4b:s22+s0] =	stream.linear.scatter [tilespmem:s23], [sflag:$0x2], $0xA00, $0x38;
	[tilespmem:$0xB400] =	vst v63  }
0x2f2: {  	_ =	swait.ge @!p0 [sflag:s2], $0xA00  }
0x2f3: {  	s13 =	simm.s32 @!p0 $0x8200;
	[sflag:s2] =	ssyncset.done @!p0 $0x0  }
0x2f4: {  	s3 =	simm.s32 @!p0 $0x28;
	[sflag:s2] =	ssyncadd.s32 @!p0 $0xFFFFF600;
	s2 =	sadd.s32 @!p0 $0x1AB8, s20  }
0x2f5: {  	[tilespmem:s13], [sflag:$0x1] =	stream.indirect.gather @!p0 [hbm4b:s4+s3], $0x40, s2, s3, $0xb8;
	[tilespmem:$0xB400] =	vst v63  }
0x2f6: {  	_ =	swait.ge [sflag:s19], $0xA00  }
0x2f7: {  	s1 =	rddreg [dreg:$0xf]  }
0x2f8: {  	v0 =	vmov s1  }
0x2f9: {  	[sflag:s19] =	ssyncset.done $0x0  }
0x2fa: {  	s2 =	simm.s32 $0x0;
	[sflag:s19] =	ssyncadd.s32 $0xFFFFF600  }
0x2fb: {  	v1 =	vld [tilespmem:s2+$0xAA00];
	_ =	sdelay $0x1  }
0x2fc: {  	v2 =	vld.idx.msk [tilespmem:v0+s2+$0x0 ss:$0x1], $0xffff;
	_ =	sdelay $0x2  }
0x2fd: {  	v1 =	vmul.f32 $8.000000000e+00, v1;
	_ =	sdelay $0x1  }
0x2fe: {  	v1 =	vadd.f32 v2, v1;
	_ =	sdelay $0x1  }
0x2ff: {  	[tilespmem:s2+$0xAA00] =	vst v1;
	v1 =	vld [tilespmem:s2+$0xAA10];
	_ =	sdelay $0x1  }
0x300: {  	v2 =	vld.idx.msk [tilespmem:v0+s2+$0x10 ss:$0x1], $0xffff;
	_ =	sdelay $0x2  }
0x301: {  	v1 =	vmul.f32 $8.000000000e+00, v1;
	_ =	sdelay $0x1  }
0x302: {  	v1 =	vadd.f32 v2, v1;
	_ =	sdelay $0x1  }
0x303: {  	[tilespmem:s2+$0xAA10] =	vst v1;
	v1 =	vld [tilespmem:s2+$0xAA20];
	_ =	sdelay $0x1  }
0x304: {  	v2 =	vld.idx.msk [tilespmem:v0+s2+$0x20 ss:$0x1], $0xffff;
	_ =	sdelay $0x2  }
0x305: {  	v1 =	vmul.f32 $8.000000000e+00, v1;
	_ =	sdelay $0x1  }
0x306: {  	v1 =	vadd.f32 v2, v1;
	_ =	sdelay $0x1  }
0x307: {  	[tilespmem:s2+$0xAA20] =	vst v1;
	v1 =	vld [tilespmem:s2+$0xAA30];
	_ =	sdelay $0x1  }
0x308: {  	v2 =	vld.idx.msk [tilespmem:v0+s2+$0x30 ss:$0x1], $0xffff;
	_ =	sdelay $0x2  }
0x309: {  	v1 =	vmul.f32 $8.000000000e+00, v1;
	_ =	sdelay $0x1  }
0x30a: {  	v1 =	vadd.f32 v2, v1;
	_ =	sdelay $0x1  }
0x30b: {  	[tilespmem:s2+$0xAA30] =	vst v1;
	v1 =	vld [tilespmem:s2+$0xAA40];
	_ =	sdelay $0x1  }
0x30c: {  	v2 =	vld.idx.msk [tilespmem:v0+s2+$0x40 ss:$0x1], $0xffff;
	_ =	sdelay $0x2  }
0x30d: {  	v1 =	vmul.f32 $8.000000000e+00, v1;
	_ =	sdelay $0x1  }
0x30e: {  	v1 =	vadd.f32 v2, v1;
	_ =	sdelay $0x1  }
0x30f: {  	[tilespmem:s2+$0xAA40] =	vst v1;
	v1 =	vld [tilespmem:s2+$0xAA50];
	_ =	sdelay $0x1  }
0x310: {  	v2 =	vld.idx.msk [tilespmem:v0+s2+$0x50 ss:$0x1], $0xffff;
	_ =	sdelay $0x2  }
0x311: {  	v1 =	vmul.f32 $8.000000000e+00, v1;
	_ =	sdelay $0x1  }
0x312: {  	v1 =	vadd.f32 v2, v1;
	_ =	sdelay $0x1  }
0x313: {  	[tilespmem:s2+$0xAA50] =	vst v1;
	v1 =	vld [tilespmem:s2+$0xAA60];
	_ =	sdelay $0x1  }
0x314: {  	v2 =	vld.idx.msk [tilespmem:v0+s2+$0x60 ss:$0x1], $0xffff;
	_ =	sdelay $0x2  }
0x315: {  	v1 =	vmul.f32 $8.000000000e+00, v1;
	_ =	sdelay $0x1  }
0x316: {  	v1 =	vadd.f32 v2, v1;
	_ =	sdelay $0x1  }
0x317: {  	[tilespmem:s2+$0xAA60] =	vst v1;
	v1 =	vld [tilespmem:s2+$0xAA70];
	_ =	sdelay $0x1  }
0x318: {  	s28 =	smulhi.u32 $0x66666667, s11;
	v2 =	vld.idx.msk [tilespmem:v0+s2+$0x70 ss:$0x1], $0xffff;
	_ =	sdelay $0x1  }
0x319: {  	s3 =	sshrl.u32 s28, $0x1  }
0x31a: {  	s30 =	smul.u32 $0x5, s3;
	v1 =	vmul.f32 $8.000000000e+00, v1  }
0x31b: {  	s15 =	simm.s32 $0x200  }
0x31c: {  	s13 =	simm.s32 $0x0;
	s21 =	rddreg [dreg:$0xa];
	s11 =	ssub.s32 s11, s30;
	v1 =	vadd.f32 v2, v1  }
.LBB2_19:
0x31d: {  	s18 =	sshra.s32 s15, $0x2;
	s13 =	sadd.s32 $0x2, s13  }
0x31e: {  	v2 =	vld [tilespmem:s18+$0xAA00];
	p0 =	slt.u32 s13, $0x26;
	[tilespmem:s2+$0xAA70] =	vst v1;
	s2 =	smov.u32 s18  }
0x31f: {  	v1 =	vld.idx.msk [tilespmem:v0+s2+$0x0 ss:$0x1], $0xffff;
	_ =	sdelay $0x3  }
0x320: {  	v2 =	vmul.f32 $8.000000000e+00, v2;
	_ =	sdelay $0x1  }
0x321: {  	v1 =	vadd.f32 v1, v2;
	_ =	sdelay $0x1  }
0x322: {  	[tilespmem:s2+$0xAA00] =	vst v1;
	v1 =	vld [tilespmem:s2+$0xAA10]  }
0x323: {  	v2 =	vld.idx.msk [tilespmem:v0+s2+$0x10 ss:$0x1], $0xffff;
	_ =	sdelay $0x3  }
0x324: {  	v1 =	vmul.f32 $8.000000000e+00, v1;
	_ =	sdelay $0x1  }
0x325: {  	v1 =	vadd.f32 v2, v1;
	_ =	sdelay $0x1  }
0x326: {  	[tilespmem:s2+$0xAA10] =	vst v1;
	v1 =	vld [tilespmem:s2+$0xAA20]  }
0x327: {  	v2 =	vld.idx.msk [tilespmem:v0+s2+$0x20 ss:$0x1], $0xffff;
	_ =	sdelay $0x3  }
0x328: {  	v1 =	vmul.f32 $8.000000000e+00, v1;
	_ =	sdelay $0x1  }
0x329: {  	v1 =	vadd.f32 v2, v1;
	_ =	sdelay $0x1  }
0x32a: {  	[tilespmem:s2+$0xAA20] =	vst v1;
	v1 =	vld [tilespmem:s2+$0xAA30]  }
0x32b: {  	v2 =	vld.idx.msk [tilespmem:v0+s2+$0x30 ss:$0x1], $0xffff;
	_ =	sdelay $0x3  }
0x32c: {  	v1 =	vmul.f32 $8.000000000e+00, v1;
	_ =	sdelay $0x1  }
0x32d: {  	v1 =	vadd.f32 v2, v1;
	_ =	sdelay $0x1  }
0x32e: {  	[tilespmem:s2+$0xAA30] =	vst v1;
	v1 =	vld [tilespmem:s2+$0xAA40]  }
0x32f: {  	v2 =	vld.idx.msk [tilespmem:v0+s2+$0x40 ss:$0x1], $0xffff;
	_ =	sdelay $0x3  }
0x330: {  	v1 =	vmul.f32 $8.000000000e+00, v1;
	_ =	sdelay $0x1  }
0x331: {  	v1 =	vadd.f32 v2, v1;
	_ =	sdelay $0x1  }
0x332: {  	[tilespmem:s2+$0xAA40] =	vst v1;
	v1 =	vld [tilespmem:s2+$0xAA50]  }
0x333: {  	v2 =	vld.idx.msk [tilespmem:v0+s2+$0x50 ss:$0x1], $0xffff;
	_ =	sdelay $0x3  }
0x334: {  	v1 =	vmul.f32 $8.000000000e+00, v1;
	_ =	sdelay $0x1  }
0x335: {  	v1 =	vadd.f32 v2, v1;
	_ =	sdelay $0x1  }
0x336: {  	[tilespmem:s2+$0xAA50] =	vst v1;
	v1 =	vld [tilespmem:s2+$0xAA60]  }
0x337: {  	v2 =	vld.idx.msk [tilespmem:v0+s2+$0x60 ss:$0x1], $0xffff;
	_ =	sdelay $0x3  }
0x338: {  	v1 =	vmul.f32 $8.000000000e+00, v1;
	_ =	sdelay $0x1  }
0x339: {  	v1 =	vadd.f32 v2, v1;
	_ =	sdelay $0x1  }
0x33a: {  	[tilespmem:s2+$0xAA60] =	vst v1;
	v1 =	vld [tilespmem:s2+$0xAA70]  }
0x33b: {  	v2 =	vld.idx.msk [tilespmem:v0+s2+$0x70 ss:$0x1], $0xffff;
	_ =	sdelay $0x1  }
.Ltmp8:
0x33c: {  	(pc) =	sbr.rel @p0 .LBB2_19-.Ltmp8, $3  }
0x33d: {  	_ = 	snop  }
0x33e: {  	v1 =	vmul.f32 $8.000000000e+00, v1;
	_ =	sdelay $0x1  }
0x33f: {  	s15 =	sadd.s32 $0x200, s15;
	v1 =	vadd.f32 v2, v1  }
0x340: {  	s3 =	sadd.s32 s6, s3  }
0x341: {  	s11 =	smul.u32 $0xA00, s11;
	s28 =	simm.s32 $0x0;
	s18 =	rddreg [dreg:$0x9]  }
0x342: {  	s30 =	simm.s32 $0xAA00;
	s25 =	sadd.s32 $0x1, s25;
	s1 =	rddreg [dreg:$0xb]  }
0x343: {  	s21 =	sadd.s32 $0x8, s21;
	s29 =	sadd.s32 $0x8, s29;
	s10 =	rddreg [dreg:$0xd]  }
0x344: {  	s24 =	sadd.s32 $0x8, s24;
	s12 =	sadd.s32 $0x5000, s12;
	s14 =	sadd.s32 $0x8, s14  }
0x345: {  	s16 =	sadd.s32 $0x5000, s16;
	s17 =	sadd.s32 $0x8, s17;
	s5 =	sadd.s32 $0x5000, s5  }
0x346: {  	s7 =	sadd.s32 $0x8, s7;
	s3 =	smul.u32 $0x3200, s3;
	p0 =	sne.s32 s25, $0x14  }
.Ltmp9:
0x347: {  	s8 =	sadd.s32 $0x5000, s8;
	s9 =	sadd.s32 $0x8, s9;
	(pc) =	sbr.rel @p0 .LBB2_4-.Ltmp9, $4  }
0x348: {  	s22 =	rddreg [dreg:$0x8];
	s26 =	sadd.s32 $0x8, s26;
	s3 =	sadd.s32 s11, s3  }
0x349: {  	s18 =	sadd.s32 $0x5000, s18;
	s1 =	sadd.s32 $0x5000, s1;
	s3 =	sshrl.u32 s3, $0x3  }
0x34a: {  	[tilespmem:s2+$0xAA70] =	vst v1;
	s10 =	sadd.s32 $0x5000, s10;
	s22 =	sadd.s32 $0x5000, s22;
	s23 =	sadd.s32 s31, s3  }
0x34b: {  	[hbm4b:s23+s0] =	stream.linear.scatter [tilespmem:s30], [sflag:$0x2], $0xA00, $0x38;
	[tilespmem:$0xB400] =	vst v63  }
0x34c: {  	s1 =	simm.s32 $0x2  }
0x34d: {  	_ =	swait.ge [sflag:s1], $0xA00  }
0x34e: {  	[sflag:s1] =	ssyncset.done $0x0  }
0x34f: {  	[sflag:s1] =	ssyncadd.s32 $0xFFFFF600  }
0x350: {  	_ =	swait.ge [sflag:s1], $0xA00  }
0x351: {  	[sflag:s1] =	ssyncset.done $0x0  }
0x352: {  	[sflag:s1] =	ssyncadd.s32 $0xFFFFF600  }
0x353: {  	_ =	swait.ge [sflag:s1], $0xA00  }
0x354: {  	[sflag:s1] =	ssyncset.done $0x0  }
0x355: {  	[sflag:s1] =	ssyncadd.s32 $0xFFFFF600  }
0x356: {  	_ =	swait.ge [sflag:s1], $0xA00  }
0x357: {  	[sflag:s1] =	ssyncset.done $0x0  }
0x358: {  	[sflag:s1] =	ssyncadd.s32 $0xFFFFF600  }
0x359: {  	_ =	swait.ge [sflag:s1], $0xA00  }
0x35a: {  	[sflag:s1] =	ssyncset.done $0x0  }
0x35b: {  	[sflag:s1] =	ssyncadd.s32 $0xFFFFF600  }
0x35c: {  	_ =	swait.ge [sflag:s1], $0xA00  }
0x35d: {  	[sflag:s1] =	ssyncset.done $0x0  }
0x35e: {  	[sflag:s1] =	ssyncadd.s32 $0xFFFFF600  }
0x35f: {  	_ =	swait.ge [sflag:s1], $0xA00  }
0x360: {  	[sflag:s1] =	ssyncset.done $0x0  }
0x361: {  	[sflag:s1] =	ssyncadd.s32 $0xFFFFF600  }
0x362: {  	_ =	swait.ge [sflag:s1], $0xA00  }
0x363: {  	s2 =	rddreg [dreg:$0x7]  }
0x364: {  	s0 =	rddreg [dreg:$0x6];
	s2 =	sadd.s32 $0x1, s2  }
0x365: {  	p0 =	sne.s32 s2, s0  }
.Ltmp10:
0x366: {  	_ = 	snop;
	(pc) =	sbr.rel @p0 .LBB2_1-.Ltmp10, $3  }
0x367: {  	_ =	sdelay $0x1  }
0x368: {  	[sflag:s1] =	ssyncset.done $0x0  }
0x369: {  	[sflag:s1] =	ssyncadd.s32 $0xFFFFF600;
	s0 =	simm.s32 $0x0  }
0x36a: {  	_ =	sfence.sel $0x180000  }
0x36b: {  	[bflag:$0x0] =	sbarrier.arrive $0xFFFF  }
0x36c: {  	_ =	strace $0x90000047  }
0x36d: {  	s0 =	stileid.u32;
	[bflag:$0x2] =	sbarrier.arrive $0xFFFF  }
0x36e: {  	p0 =	sne.s32 s0, $0x0;
	s0 =	rddreg [dreg:$0x3]  }
0x36f: {  	s0 =	sadd.s32 @!p0 $0x100000, s0  }
0x370: {  	[sflag:s0] =	ssyncadd.tile.s32 @!p0 $0x1;
	_ =	shalt  }
.Lfunc_end2:
_tile_overlayer_lowered:
.L_overlay_start_2:
0x371: {  	(tag) =	ssettag $0x2  }
0x372: {  	s0 =	rddreg [dreg:$0x0];
	s2 =	stileid.u32  }
0x373: {  	s1 =	rddreg [dreg:$0x1];
	p0 =	sne.s32 s2, $0x0  }
0x374: {  	s3 =	rddreg [dreg:$0x2];
	[bflag:$0x3] =	sbarrier.arrive $0xFFFF;
	s2 =	simm.s32 @!p0 $0x1C03  }
0x375: {  	[timem:s3], [sflag:s2] =	dma.local @!p0 [hbm:s0], s1  }
0x376: {  	s0 =	simm.s32 @!p0 $0x3  }
0x377: {  	_ =	swait.ge @!p0 [sflag:s0], s1  }
0x378: {  	s1 =	ssub.s32 @!p0 $0x0, s1;
	[sflag:s0] =	ssyncset.done @!p0 $0x0  }
0x379: {  	[sflag:s0] =	ssyncadd.s32 @!p0 s1  }
0x37a: {  	[bflag:$0x3] =	sbarrier.arrive $0xFFFF  }
0x37b: {  	_ =	shalt  }

// kernel: sparse-core-data-format-call.cloned.1.call-start
scs
called_computation_lowered:
.L_overlay_start_0:
0x0: {  	s2 =	sld [smem:$0x3FD9]  }
0x1: {  	s3 =	sld [smem:$0x3FFE];
	_ =	sdelay $0x1  }
0x2: {  	s1 =	srdreg.scid  }
0x3: {  	s0 =	sand.u32 $0x1, s1  }
0x4: {  	s18 =	sshll.u32 s0, $0xA;
	s2 =	sadd.s32 s3, s2  }
0x5: {  	s2 =	sadd.s32 s2, s18  }
0x6: {  	[smem:$0x3FC5] =	sst s2  }
0x7: {  	_ = 	snop  }
0x8: {  	s2 =	sld [smem:$0x3FD0];
	(tm) =	ssettm $0x1  }
0x9: {  	s19 =	sld [smem:$0x3FFB];
	_ =	sdelay $0x3  }
0xa: {  	_ =	strace s19  }
0xb: {  	s3 =	sld [smem:$0x3FFC];
	_ =	sdelay $0x3  }
0xc: {  	_ =	strace s3  }
0xd: {  	s3 =	sld [smem:$0x3FFD];
	_ =	sdelay $0x3  }
0xe: {  	_ =	strace s3  }
0xf: {  	_ =	strace $0x8FFFFFFF  }
0x10: {  	s20 =	sld [smem:$0x3FDB];
	_ =	sdelay $0x1  }
0x11: {  	s4 =	simm.s32 $_scs_section_size  }
0x12: {  	s5 =	simm.s32 $_size__tile_overlayer_lowered;
	s6 =	simm.s32 $_tile_overlayer_lowered  }
0x13: {  	s23 =	simm.s32 $0x1BFF;
	s22 =	sshll.u32 s6, $0x1;
	s3 =	sadd.s32 s4, s20  }
0x14: {  	s7 =	simm.s32 $0x0;
	s21 =	sshll.u32 s5, $0x1;
	s5 =	sadd.s32 s22, s3  }
0x15: {  	[timem:s7], [sflag:s23] =	dma.local [hbm:s5], s21  }
0x16: {  	_ =	swait.ge [sflag:s23], s21  }
0x17: {  	s4 =	ssub.s32 $0x0, s21;
	[sflag:s23] =	ssyncset.done $0x0  }
0x18: {  	[sflag:s23] =	ssyncadd.s32 s4;
	_ =	sdelay $0x1  }
0x19: {  	s24 =	simm.s32 $0x1B8B  }
0x1a: {  	_ =	swait.ge [sflag:s24], $0x1  }
0x1b: {  	[sflag:s24] =	ssyncset.done $0x0  }
0x1c: {  	s26 =	simm.s32 $0x1B8E;
	s25 =	sld [smem:$0x3FFE];
	[sflag:s24] =	ssyncadd.s32 $0xFFFFFFFF  }
0x1d: {  	s27 =	simm.s32 $execute0_lowered;
	[smem:$0x3FD2] =	sst s26  }
0x1e: {  	s5 =	sshll.u32 s27, $0x1;
	_ =	strace $0x80000049;
	[dreg:$0x1] =	wrdreg $0xFFFFFFFF  }
0x1f: {  	s28 =	simm.s32 $_size_execute0_lowered;
	s3 =	sadd.s32 s3, s5;
	[dreg:$0x0] =	wrdreg $0x0  }
0x20: {  	s5 =	sshll.u32 s28, $0x1;
	[dreg:$0x2] =	wrdreg s3  }
0x21: {  	[dreg:$0x3] =	wrdreg s5  }
0x22: {  	[dreg:$0x4] =	wrdreg $0xC0  }
0x23: {  	_ =	task [dreg:s7], $0x5FFFF  }
0x24: {  	[dreg:$0x1] =	wrdreg $0xFFFFFFFF  }
0x25: {  	[dreg:$0x0] =	wrdreg $0x60  }
0x26: {  	[dreg:$0x2] =	wrdreg s25  }
0x27: {  	[dreg:$0x3] =	wrdreg s2  }
0x28: {  	[dreg:$0x4] =	wrdreg $0x9  }
0x29: {  	_ =	task.clear_ibuf [dreg:s7], $0x5FFFF;
	_ =	strace $0x90000049  }
0x2a: {  	s29 =	simm.s32 $0x9;
	_ =	strace $0x8000004B  }
0x2b: {  	_ =	swait.ge [sflag:s29], $0x1  }
0x2c: {  	[sflag:s29] =	ssyncadd.s32 $0xFFFFFFFF  }
0x2d: {  	_ =	strace $0x9000004B  }
0x2e: {  	_ =	sfence  }
0x2f: {  	s30 =	sld [smem:$0x0];
	_ =	sdelay $0x2  }
0x30: {  	s31 =	sshll.u32 s1, $0xD;
	s1 =	sshrl.u32 s1, $0x2  }
0x31: {  	s3 =	sand.u32 $0x4000, s31;
	s1 =	sadd.s32 s1, s30  }
0x32: {  	s0 =	sor.u32 s3, s0;
	s1 =	sshll.u32 s1, $0x11  }
0x33: {  	s0 =	sor.u32 s1, s0  }
0x34: {  	s0 =	sadd.s32 $0x8F2B, s0  }
0x35: {  	[sflag:s0] =	ssyncadd.remote.s32 $0x1  }
0x36: {  	_ =	sfence.sel $0xFFFF  }
0x37: {  	[dreg:$0x0] =	wrdreg $0xFFFFFFFF;
	(pc) =	sbr.abs _section_cstart, $3  }
0x38: {  	[dreg:$0x1] =	wrdreg $0xFFFFFFFF  }
0x39: {  	_ =	task.clear_ibuf [dreg:s7], $0x2FFFF;
	_ =	strace $0x9FFFFFFF  }
0x3a: {  	(tm) =	ssettm $0x7FFFFFFF  }
0x3b: {  	_ =	shalt  }
tec
execute0_lowered:
.L_overlay_start_1:
0x0: {  	(tag) =	ssettag $0x1  }
0x1: {  	s0 =	stileid.u32;
	s6 =	rddreg [dreg:$0x0]  }
0x2: {  	s2 =	rddreg [dreg:$0x1];
	s5 =	srdreg.scid  }
0x3: {  	s31 =	simm.s32 $0x2;
	s13 =	simm.s32 $0x0;
	s1 =	sshll.u32 s0, $0x7  }
0x4: {  	s14 =	simm.s32 $0x0;
	s12 =	simm.s32 $0x0;
	s3 =	sand.u32 $0x380, s1  }
0x5: {  	s5 =	sshll.u32 s5, $0x4;
	s6 =	sadd.s32 $0xA00, s6;
	s4 =	ssub.s32 $0x400, s3  }
0x6: {  	s1 =	rddreg [dreg:$0x2];
	_ =	strace $0x8000004A;
	s7 =	sand.u32 $0x380, s4  }
0x7: {  	s5 =	sand.u32 $0x10, s5;
	p0 =	sne.s32 s7, $0x0;
	s7 =	simm.s32 $0x1  }
.Ltmp0:
0x8: {  	s8 =	sshrl.u32 s4, $0xA;
	s7 =	simm.s32 @!p0 $0x0;
	(pc) =	sbr.rel .LBB1_1-.Ltmp0, $4  }
0x9: {  	s9 =	sor.u32 s0, s5;
	s4 =	simm.s32 $0x1;
	s30 =	sadd.s32 s7, s8  }
0xa: {  	s11 =	smov.u32 s3;
	[sflag:s4] =	ssyncpa.u1 $0x0;
	s5 =	smul.u32 $0x32, s30  }
0xb: {  	[sflag:s31] =	ssyncpa.u1 $0x0;
	p0 =	por $0x0, $0x0;
	s7 =	sshrl.u32 s9, $0x3  }
0xc: {  	s9 =	simm.s32 $0x2000;
	s10 =	smov.u32 s7;
	s8 =	sor.u32 $0x1, s5  }
.LBB1_4:
0xd: {  	s17 =	sand.u32 $0x1F80, s14;
	s13 =	sshll.u32 s13, $0xD  }
0xe: {  	[tilespmem:s16+$0x810 ss:$0x81] =	vst.msk $0xffff, v2;
	s18 =	sshrl.u32 s14, $0x3;
	s31 =	sand.u32 $0x7, s14;
	s17 =	sadd.s32 s2, s17  }
0xf: {  	[tilespmem:s16+$0x1020 ss:$0x81] =	vst.msk $0xffff, v0;
	s18 =	sand.u32 $0xF, s18;
	s14 =	sshll.u32 s31, $0x12;
	s13 =	sadd.s32 s13, s17  }
0x10: {  	[tilespmem:s16+$0x0 ss:$0x81] =	vst.msk $0xffff, v1;
	s14 =	sor.u32 $0x400, s14;
	s13 =	sadd.s32 s18, s13  }
0x11: {  	[hbm4b:s13+s14] =	stream.strided.scatter [tilespmem:s15], [sflag:$0x2], $0x2000, s9, s14, $0x20;
	[tilespmem:$0x8080] =	vst v63  }
.LBB1_5:
0x12: {  	s15 =	sadd.s32 $0x4, s10  }
0x13: {  	s13 =	sadd.s32 $0x400, s11;
	s17 =	smov.u32 s11;
	p2 =	sgt.s32 s15, $0xC7  }
0x14: {  	s17 =	smov.u32 @p2 s13  }
0x15: {  	s15 =	smov.u32 @p2 s7;
	p2 =	sgt.s32 s17, $0x3FF  }
0x16: {  	s17 =	smov.u32 @p2 s3;
	p2 =	sne.s32 s12, s8  }
.Ltmp1:
0x17: {  	p1 =	slt.u32 s12, $0x2;
	(pc) =	sbr.rel @!p2 .LBB1_6-.Ltmp1, $4  }
0x18: {  	s16 =	simm.s32 @!p1 $0x2  }
0x19: {  	s14 =	smov.u32 s11;
	p0 =	por !p0, !p0;
	_ =	swait.ge @!p1 [sflag:s16], $0x2000  }
0x1a: {  	s13 =	smov.u32 s10;
	[sflag:s16] =	ssyncset.done @!p1 $0x0;
	s10 =	smov.u32 s15  }
0x1b: {  	s12 =	sadd.s32 $0x1, s12;
	[sflag:s16] =	ssyncadd.s32 @!p1 $0xFFFFE000;
	s11 =	smov.u32 s17  }
.LBB1_1:
0x1c: {  	p1 =	sge.u32 s12, s5  }
0x1d: {  	s15 =	sand.u32 @!p1 $0x1FFFFFF, s10  }
0x1e: {  	s16 =	smulhi.u32 @!p1 $0x147AE15, s15;
	_ =	sdelay $0x1  }
0x1f: {  	s16 =	smul.u32 @!p1 $0xC8, s16  }
0x20: {  	s17 =	sxor.u32 @!p1 $0xFFFFFFFF, s12;
	s18 =	smul.u32 @!p1 $0xC80, s11  }
0x21: {  	s31 =	sadd.s32 $0xFFFFFFFF, s12;
	s17 =	sshll.u32 @!p1 s17, $0xD;
	s15 =	ssub.s32 @!p1 s15, s16  }
0x22: {  	s16 =	sand.u32 @!p1 $0x2000, s17;
	s17 =	sadd.s32 @!p1 s6, s18;
	s15 =	sshll.u32 @!p1 s15, $0x4  }
0x23: {  	s18 =	simm.s32 @!p1 $0x6400;
	s15 =	sadd.s32 @!p1 s15, s17;
	s17 =	simm.s32 @!p1 $0x40  }
0x24: {  	[tilespmem:s16], [sflag:$0x1] =	stream.strided.gather @!p1 [hbm4b:s15+s17], $0x2000, s18, s17, $0x38;
	[tilespmem:$0x8080] =	vst v63  }
0x25: {  	p1 =	sge.u32 s31, s5  }
.Ltmp2:
0x26: {  	_ = 	snop;
	(pc) =	sbr.rel @p1 .LBB1_5-.Ltmp2, $1  }
0x27: {  	_ =	sdelay $0x3  }
0x28: {  	s15 =	simm.s32 $0x1  }
0x29: {  	_ =	swait.ge [sflag:s4], $0x2000;
	s15 =	simm.s32 @!p0 $0x0  }
0x2a: {  	[sflag:s4] =	ssyncset.done $0x0;
	s16 =	sshll.u32 s15, $0xD  }
0x2b: {  	[sflag:s4] =	ssyncadd.s32 $0xFFFFE000;
	s19 =	sor.u32 $0x20, s16  }
0x2c: {  	s15 =	smul.u32 $0x8100, s15;
	v3 =	vld [tilespmem:s19+$0x10]  }
0x2d: {  	s30 =	sand.u32 $0x1, s12;
	v2 =	vld [tilespmem:s19+$0xFFFFFFF0]  }
0x2e: {  	s16 =	smul.u32 $0x8100, s30;
	s15 =	sshrl.u32 s15, $0x2;
	v0 =	vld [tilespmem:s19+$0x0]  }
0x2f: {  	v1 =	vld [tilespmem:s19+$0xFFFFFFE0];
	s17 =	sor.u32 $0x4000, s15  }
0x30: {  	s31 =	sshrl.u32 s16, $0x2;
	s16 =	sadd.s32 $0x0, s17  }
0x31: {  	s18 =	simm.s32 $0x4;
	s19 =	sadd.s32 $0x40, s19;
	s15 =	sor.u32 $0x4000, s31;
	[tilespmem:s16+$0x1830 ss:$0x81] =	vst.msk $0xffff, v3  }
.LBB1_3:
0x32: {  	v3 =	vld [tilespmem:s19+$0x10];
	p1 =	sne.s32 s18, $0x1FC;
	[tilespmem:s16+$0x810 ss:$0x81] =	vst.msk $0xffff, v2;
	s20 =	smov.u32 s18;
	s18 =	sadd.s32 $0x4, s18  }
.Ltmp3:
0x33: {  	v2 =	vld [tilespmem:s19+$0xFFFFFFF0];
	[tilespmem:s16+$0x1020 ss:$0x81] =	vst.msk $0xffff, v0;
	(pc) =	sbr.rel @p1 .LBB1_3-.Ltmp3, $4  }
0x34: {  	v0 =	vld [tilespmem:s19+$0x0];
	[tilespmem:s16+$0x0 ss:$0x81] =	vst.msk $0xffff, v1  }
0x35: {  	s16 =	sshra.s32 s20, $0x2;
	v1 =	vld [tilespmem:s19+$0xFFFFFFE0]  }
0x36: {  	s16 =	sadd.s32 s16, s17  }
0x37: {  	s19 =	sadd.s32 $0x40, s19;
	[tilespmem:s16+$0x1830 ss:$0x81] =	vst.msk $0xffff, v3  }
.Ltmp4:
0x38: {  	_ = 	snop;
	(pc) =	sbr.rel .LBB1_4-.Ltmp4, $1  }
0x39: {  	_ =	sdelay $0x3  }
.LBB1_6:
0x3a: {  	_ =	sfence.sel $0x180000  }
0x3b: {  	s2 =	simm.s32 $0x1;
	[bflag:$0x0] =	sbarrier.arrive $0xFFFF  }
0x3c: {  	s31 =	simm.s32 $0x2;
	[sflag:s2] =	ssyncpa.u1 $0x1  }
0x3d: {  	[sflag:s31] =	ssyncpa.u1 $0x1  }
0x3e: {  	p0 =	sne.s32 s0, $0x0;
	_ =	strace $0x9000004A  }
0x3f: {  	s0 =	sadd.s32 @!p0 $0x100000, s1;
	[bflag:$0x2] =	sbarrier.arrive $0xFFFF  }
0x40: {  	[sflag:s0] =	ssyncadd.tile.s32 @!p0 $0x1;
	_ =	shalt  }
.Lfunc_end1:
_tile_overlayer_lowered:
.L_overlay_start_2:
0x41: {  	(tag) =	ssettag $0x2  }
0x42: {  	s0 =	rddreg [dreg:$0x0];
	s2 =	stileid.u32  }
0x43: {  	s1 =	rddreg [dreg:$0x1];
	p0 =	sne.s32 s2, $0x0  }
0x44: {  	s3 =	rddreg [dreg:$0x2];
	[bflag:$0x3] =	sbarrier.arrive $0xFFFF;
	s2 =	simm.s32 @!p0 $0x1C01  }
0x45: {  	[timem:s3], [sflag:s2] =	dma.local @!p0 [hbm:s0], s1  }
0x46: {  	s0 =	simm.s32 @!p0 $0x1  }
0x47: {  	_ =	swait.ge @!p0 [sflag:s0], s1  }
0x48: {  	s1 =	ssub.s32 @!p0 $0x0, s1;
	[sflag:s0] =	ssyncset.done @!p0 $0x0  }
0x49: {  	[sflag:s0] =	ssyncadd.s32 @!p0 s1  }
0x4a: {  	[bflag:$0x3] =	sbarrier.arrive $0xFFFF  }
0x4b: {  	_ =	shalt  }

</sc_bundles>
